<compile_context>
chip_gen: v7x
topology: tpu7x:2x2x1
jax: 0.10.2.dev20260603
libtpu: 0.0.44.dev20260713+nightly
codegen_flags: <defaults>
</compile_context>

<pallas_src>
import functools

import jax
import jax.numpy as jnp
from jax import lax
from jax.experimental import pallas as pl
from jax.experimental.pallas import tpu as pltpu
from jax.experimental.pallas import tpu_sc as plsc

N = 10000
N_PAD = 10240
E = 320000
NCORES = 2
NSUB = 16
NW = NCORES * NSUB
EPW = E // NW
CHUNK = 80
NCHUNK = EPW // CHUNK
ROWS_PER_TILE = N_PAD // NSUB
SOW = 160


def _seg_pipeline(vals, acc, src2d, dst2d, rowbase, bias,
                  idx_s, idx_d, rows, gsem, ssem, isem, nch):
    nbuf = len(rows)
    nfull = nch // nbuf
    rem = nch % nbuf

    def idx_start(j, b):
        return (pltpu.async_copy(src2d.at[rowbase + j], idx_s[b], isem[b]),
                pltpu.async_copy(dst2d.at[rowbase + j], idx_d[b], isem[b]))

    def gather_start(ids, b):
        for d in ids:
            d.wait()
        if bias is not None:
            for k in range(CHUNK // 16):
                sl = pl.ds(k * 16, 16)
                idx_s[b][sl] = idx_s[b][sl] + bias
        return pltpu.async_copy(vals.at[idx_s[b]], rows[b], gsem[b])

    def group(i, carry):
        ids = []
        for b in range(nbuf):
            @pl.when(i > 0)
            def _(b=b):
                pltpu.make_async_copy(rows[b], acc.at[idx_d[b]],
                                      ssem[b]).wait()
            ids.append(idx_start(i * nbuf + b, b))
        gds = [gather_start(ids[b], b) for b in range(nbuf)]
        for b in range(nbuf):
            gds[b].wait()
            pltpu.async_copy(rows[b], acc.at[idx_d[b]], ssem[b], add=True)
        return carry

    lax.fori_loop(0, nfull, group, 0)
    for b in range(rem):
        if nfull > 0:
            pltpu.make_async_copy(rows[b], acc.at[idx_d[b]], ssem[b]).wait()
        gather_start(idx_start(nfull * nbuf + b, b), b).wait()
        pltpu.async_copy(rows[b], acc.at[idx_d[b]], ssem[b], add=True)
    for b in range(nbuf):
        if nfull > 0 or b < rem:
            pltpu.make_async_copy(rows[b], acc.at[idx_d[b]], ssem[b]).wait()


def _make_segsum_impl(W, split, nbuf):
    NCH = NCHUNK if not split else (E // NSUB) // CHUNK
    mesh = plsc.VectorSubcoreMesh(core_axis_name="c", subcore_axis_name="s",
                                  num_cores=NCORES, num_subcores=NSUB)

    @functools.partial(
        pl.kernel,
        out_type=jax.ShapeDtypeStruct((NCORES, N_PAD, W), jnp.float32),
        mesh=mesh,
        compiler_params=pltpu.CompilerParams(use_tc_tiling_on_sc=False),
        scratch_types=[
            [pltpu.VMEM((CHUNK,), jnp.int32)] * nbuf,
            [pltpu.VMEM((CHUNK,), jnp.int32)] * nbuf,
            [pltpu.VMEM((CHUNK, W), jnp.float32)] * nbuf,
            pltpu.VMEM_SHARED((N_PAD, W), jnp.float32),
            [pltpu.SemaphoreType.DMA] * nbuf,
            [pltpu.SemaphoreType.DMA] * nbuf,
            [pltpu.SemaphoreType.DMA] * nbuf,
        ],
    )
    def seg(vals, src2d, dst2d, zeros, out,
            idx_s, idx_d, rows, acc, gsem, ssem, isem):
        cid = lax.axis_index("c")
        sid = lax.axis_index("s")
        r0 = sid * ROWS_PER_TILE
        pltpu.sync_copy(zeros.at[pl.ds(r0, ROWS_PER_TILE)],
                        acc.at[pl.ds(r0, ROWS_PER_TILE)])
        plsc.subcore_barrier()
        if split:
            rowbase = sid * NCH
            bias = cid * N
        else:
            rowbase = (cid * NSUB + sid) * NCH
            bias = None
        _seg_pipeline(vals, acc, src2d, dst2d, rowbase, bias,
                      idx_s, idx_d, rows, gsem, ssem, isem, NCH)
        plsc.subcore_barrier()
        pltpu.sync_copy(acc.at[pl.ds(r0, ROWS_PER_TILE)],
                        out.at[cid, pl.ds(r0, ROWS_PER_TILE)])

    return seg


_SEGSUM_CACHE = {}


def _segsum(vals, src2d, dst2d):
    W = vals.shape[1]
    if W not in _SEGSUM_CACHE:
        _SEGSUM_CACHE[W] = _make_segsum_impl(W, split=False, nbuf=4)
    zeros = jnp.zeros((N_PAD, W), jnp.float32)
    return _SEGSUM_CACHE[W](vals, src2d, dst2d, zeros)


def _segsum_oc(vals2n, src2d, dst2d):
    if 'oc' not in _SEGSUM_CACHE:
        _SEGSUM_CACHE['oc'] = _make_segsum_impl(SOW, split=True, nbuf=2)
    zeros = jnp.zeros((N_PAD, SOW), jnp.float32)
    return _SEGSUM_CACHE['oc'](vals2n, src2d, dst2d, zeros)


def _leaky(t):
    return jnp.where(t >= 0, t, 0.01 * t)


def _bn(t, g, b):
    mu = jnp.mean(t, axis=0, keepdims=True)
    var = jnp.mean((t - mu) ** 2, axis=0, keepdims=True)
    return (t - mu) / jnp.sqrt(var + 1e-5) * g + b


def _lin_body(aggp, x1, wrel, wroot, b, o):
    agg = aggp[0] + aggp[1]
    h = (jnp.dot(agg, wrel[...], preferred_element_type=jnp.float32)
         + jnp.dot(x1[...], wroot[...], preferred_element_type=jnp.float32)
         + b[...])
    o[...] = _leaky(h)


def _bn_body(t, g, be, o):
    o[...] = _bn(t[...], g[...], be[...])


def _som_body(x1, x2, x3, s1t, s1n, s2t, s2n, s3t, s3n, o_so):
    def dists(xi, wt, wn):
        d2 = (jnp.sum(xi * xi, axis=1, keepdims=True)
              - 2.0 * jnp.dot(xi, wt, preferred_element_type=jnp.float32)
              + wn)
        return jnp.sqrt(jnp.maximum(d2, 1e-12))

    so1 = dists(x1[...], s1t[...], s1n[...])[:, :100]
    so2 = dists(x2[...], s2t[...], s2n[...])[:, :100]
    so3 = dists(x3[...], s3t[...], s3n[...])[:, :100]
    zpad = jnp.zeros((so1.shape[0], 20), jnp.float32)
    o_so[0, :, :] = jnp.concatenate([so1, so2[:, :60]], axis=1)
    o_so[1, :, :] = jnp.concatenate([so2[:, 60:], so3, zpad], axis=1)


def _oc_body(aggso, sost, wr1, wo1, wr2, wo2, wr3, wo3, b, o):
    a0, a1 = aggso[0], aggso[1]
    s0, s1 = sost[0], sost[1]
    agg1, so1 = a0[:, :100], s0[:, :100]
    agg2 = jnp.concatenate([a0[:, 100:160], a1[:, :40]], axis=1)
    so2 = jnp.concatenate([s0[:, 100:160], s1[:, :40]], axis=1)
    agg3, so3 = a1[:, 40:140], s1[:, 40:140]

    def part(agg, so, wr, wo):
        return (jnp.dot(agg, wr[...], preferred_element_type=jnp.float32)
                + jnp.dot(so, wo[...], preferred_element_type=jnp.float32))

    t = jnp.concatenate([part(agg1, so1, wr1, wo1),
                         part(agg2, so2, wr2, wo2),
                         part(agg3, so3, wr3, wo3)], axis=1) + b[...]
    o[...] = _leaky(t)


PRB = 2000
PNSTEP = N // PRB


def _pool_body(hc_ref, som_ref, batch_ref, wgnn, bgnn, wout, bout,
               o_h, o_gnn, s_conv, s_som, mx_c, mx_s, cnt):
    i = pl.program_id(0)

    @pl.when(i == 0)
    def _init():
        s_conv[...] = jnp.zeros((64, 384), jnp.float32)
        s_som[...] = jnp.zeros((64, 192), jnp.float32)
        mx_c[...] = jnp.full((64, 384), -jnp.inf, jnp.float32)
        mx_s[...] = jnp.full((64, 192), -jnp.inf, jnp.float32)
        cnt[...] = jnp.zeros((64, 1), jnp.float32)

    bvec = batch_ref[...]
    hc = hc_ref[...]
    som = som_ref[...]
    oh = (bvec == lax.broadcasted_iota(jnp.int32, (PRB, 64), 1)
          ).astype(jnp.float32)

    def segsum(hm):
        return lax.dot_general(oh, hm, (((0,), (0,)), ((), ())),
                               preferred_element_type=jnp.float32,
                               precision=lax.Precision.HIGHEST)

    s_conv[...] += segsum(hc)
    s_som[...] += segsum(som)
    cnt[...] += lax.dot_general(oh, jnp.ones((PRB, 1), jnp.float32),
                                (((0,), (0,)), ((), ())),
                                preferred_element_type=jnp.float32,
                                precision=lax.Precision.HIGHEST)
    row_iota = lax.broadcasted_iota(jnp.int32, (64, 1), 0)

    def mxstep(gidx, carry):
        mc = jnp.max(jnp.where(bvec == gidx, hc, -jnp.inf),
                     axis=0, keepdims=True)
        ms = jnp.max(jnp.where(bvec == gidx, som, -jnp.inf),
                     axis=0, keepdims=True)
        sel = row_iota == gidx
        mx_c[...] = jnp.where(sel, jnp.maximum(mx_c[...], mc), mx_c[...])
        mx_s[...] = jnp.where(sel, jnp.maximum(mx_s[...], ms), mx_s[...])
        return carry

    lax.fori_loop(0, 64, mxstep, 0)

    @pl.when(i == PNSTEP - 1)
    def _heads():
        cn = jnp.maximum(cnt[...], 1.0)
        sc = s_conv[...]
        ss = s_som[...]
        h_gnn = jnp.concatenate([sc / cn, sc, mx_c[...]], axis=1)
        hp = jnp.concatenate([ss / cn, ss, mx_s[...]], axis=1)

        def logsoftmax(z):
            zm = jnp.max(z, axis=1, keepdims=True)
            return (z - zm) - jnp.log(jnp.sum(jnp.exp(z - zm), axis=1,
                                              keepdims=True))

        o_gnn[...] = logsoftmax(
            jnp.dot(h_gnn, wgnn[...], preferred_element_type=jnp.float32)
            + bgnn[...])
        o_h[...] = logsoftmax(
            jnp.dot(hp, wout[...], preferred_element_type=jnp.float32)
            + bout[...])


def _tc(body, out_shape, *args):
    return pl.pallas_call(body, out_shape=out_shape)(*args)


def kernel(x, edge_index, batch, params):
    p = params
    src = edge_index[0]
    dst = edge_index[1]
    src2d = src.reshape(E // CHUNK, CHUNK)
    dst2d = dst.reshape(E // CHUNK, CHUNK)

    w1rel, w1root = p['conv1_Wrel'].T, p['conv1_Wroot'].T
    b1 = p['conv1_b'].reshape(1, -1)
    g1, be1 = p['norm1_g'].reshape(1, -1), p['norm1_b'].reshape(1, -1)
    w2rel, w2root = p['conv2_Wrel'].T, p['conv2_Wroot'].T
    b2 = p['conv2_b'].reshape(1, -1)
    g2, be2 = p['norm2_g'].reshape(1, -1), p['norm2_b'].reshape(1, -1)
    w3rel, w3root = p['conv3_Wrel'].T, p['conv3_Wroot'].T
    b3 = p['conv3_b'].reshape(1, -1)
    g3, be3 = p['norm3_g'].reshape(1, -1), p['norm3_b'].reshape(1, -1)

    def som_prep(w):
        wt = jnp.pad(w, ((0, 28), (0, 0))).T
        wn = jnp.pad(jnp.sum(w * w, axis=1), (0, 28)).reshape(1, -1)
        return wt, wn

    s1t, s1n = som_prep(p['som1_W'])
    s2t, s2n = som_prep(p['som2_W'])
    s3t, s3n = som_prep(p['som3_W'])

    wr1, wo1 = p['oc1_Wrel'].T, p['oc1_Wroot'].T
    wr2, wo2 = p['oc2_Wrel'].T, p['oc2_Wroot'].T
    wr3, wo3 = p['oc3_Wrel'].T, p['oc3_Wroot'].T
    boc = jnp.concatenate([p['oc1_b'], p['oc2_b'], p['oc3_b']]).reshape(1, -1)
    goc = jnp.concatenate([p['on1_g'], p['on2_g'], p['on3_g']]).reshape(1, -1)
    beoc = jnp.concatenate([p['on1_b'], p['on2_b'], p['on3_b']]).reshape(1, -1)
    wgnn = p['lin_GNN_W'].T
    bgnn = p['lin_GNN_b'].reshape(1, -1)
    wout = p['lin_out_W'].T
    bout = p['lin_out_b'].reshape(1, -1)
    batch2d = batch.reshape(N, 1)

    f32 = jnp.float32
    RB = 2000
    full = lambda shp: pl.BlockSpec(shp, lambda i: (0,) * len(shp))

    def _lin(aggp, xin, wrel, wroot, bb):
        wa, wx, wo = aggp.shape[2], xin.shape[1], wrel.shape[1]
        return pl.pallas_call(
            _lin_body,
            grid=(N // RB,),
            in_specs=[
                pl.BlockSpec((2, RB, wa), lambda i: (0, i, 0)),
                pl.BlockSpec((RB, wx), lambda i: (i, 0)),
                full((wa, wo)), full((wx, wo)), full((1, wo)),
            ],
            out_specs=pl.BlockSpec((RB, wo), lambda i: (i, 0)),
            out_shape=jax.ShapeDtypeStruct((N, wo), f32),
        )(aggp, xin, wrel, wroot, bb)

    agg1 = _segsum(x, src2d, dst2d)
    t1 = _lin(agg1, x, w1rel, w1root, b1)
    x1 = _tc(_bn_body, jax.ShapeDtypeStruct((N, 64), f32), t1, g1, be1)

    agg2 = _segsum(x1, src2d, dst2d)
    t2 = _lin(agg2, x1, w2rel, w2root, b2)
    x2 = _tc(_bn_body, jax.ShapeDtypeStruct((N, 128), f32), t2, g2, be2)

    agg3 = _segsum(x2, src2d, dst2d)
    t3 = _lin(agg3, x2, w3rel, w3root, b3)
    x3 = _tc(_bn_body, jax.ShapeDtypeStruct((N, 192), f32), t3, g3, be3)

    so_stack = pl.pallas_call(
        _som_body,
        grid=(N // RB,),
        in_specs=[
            pl.BlockSpec((RB, 64), lambda i: (i, 0)),
            pl.BlockSpec((RB, 128), lambda i: (i, 0)),
            pl.BlockSpec((RB, 192), lambda i: (i, 0)),
            full((64, 128)), full((1, 128)),
            full((128, 128)), full((1, 128)),
            full((192, 128)), full((1, 128)),
        ],
        out_specs=pl.BlockSpec((2, RB, SOW), lambda i: (0, i, 0)),
        out_shape=jax.ShapeDtypeStruct((2, N, SOW), f32),
    )(x1, x2, x3, s1t, s1n, s2t, s2n, s3t, s3n)

    agg_so = _segsum_oc(so_stack.reshape(2 * N, SOW), src2d, dst2d)

    t_oc = pl.pallas_call(
        _oc_body,
        grid=(N // RB,),
        in_specs=[
            pl.BlockSpec((2, RB, SOW), lambda i: (0, i, 0)),
            pl.BlockSpec((2, RB, SOW), lambda i: (0, i, 0)),
            full((100, 64)), full((100, 64)),
            full((100, 64)), full((100, 64)),
            full((100, 64)), full((100, 64)),
            full((1, 192)),
        ],
        out_specs=pl.BlockSpec((RB, 192), lambda i: (i, 0)),
        out_shape=jax.ShapeDtypeStruct((N, 192), f32),
    )(agg_so, so_stack, wr1, wo1, wr2, wo2, wr3, wo3, boc)
    som_out = _tc(_bn_body, jax.ShapeDtypeStruct((N, 192), f32),
                  t_oc, goc, beoc)

    h_conv = jnp.concatenate([x1, x2, x3], axis=1)
    h, gnn_out = pl.pallas_call(
        _pool_body,
        grid=(PNSTEP,),
        in_specs=[
            pl.BlockSpec((PRB, 384), lambda i: (i, 0)),
            pl.BlockSpec((PRB, 192), lambda i: (i, 0)),
            pl.BlockSpec((PRB, 1), lambda i: (i, 0)),
            full((1152, 2)), full((1, 2)), full((576, 2)), full((1, 2)),
        ],
        out_specs=[full((64, 2)), full((64, 2))],
        out_shape=[jax.ShapeDtypeStruct((64, 2), f32),
                   jax.ShapeDtypeStruct((64, 2), f32)],
        scratch_shapes=[
            pltpu.VMEM((64, 384), f32),
            pltpu.VMEM((64, 192), f32),
            pltpu.VMEM((64, 384), f32),
            pltpu.VMEM((64, 192), f32),
            pltpu.VMEM((64, 1), f32),
        ],
    )(h_conv, som_out, batch2d, wgnn, bgnn, wout, bout)
    return (h, h_conv, gnn_out)

# --- scband reference (transcript-rebuilt; emitter-appended) ---
"""Pipeline reference for scband-gnn-conv-som-26036091748936 (READ-ONLY COPY).

The authoritative reference and input builder live on the scoring server;
editing this copy changes nothing except your own understanding.
"""

import jax, jax.numpy as jnp
import numpy as np

N_NODES = 10000
N_EDGES = 320000
D_IN = 128
D_OUT = 64
N_GRAPHS = 64
GRID = 100
N_CLASS = 2


def _p(k, shape, scale=0.05):
    return jax.random.normal(k, shape, dtype=jnp.float32) * scale


def graph_conv(x, edge_index, W_rel, b_rel, W_root):
    # PyG GraphConv (aggr='add'): out_i = W_rel @ sum_{j in N(i)} x_j + b + W_root @ x_i
    src = edge_index[0]
    dst = edge_index[1]
    agg = jax.ops.segment_sum(x[src], dst, num_segments=x.shape[0])
    return agg @ W_rel.T + b_rel + x @ W_root.T


def batch_norm(x, g, b, eps=1e-5):
    mu = jnp.mean(x, axis=0)
    var = jnp.var(x, axis=0)
    return (x - mu) / jnp.sqrt(var + eps) * g + b


def leaky(x):
    return jnp.where(x >= 0, x, 0.01 * x)


def som_dists(x, W):
    # SOM forward: pairwise Euclidean distances from each node embedding to each SOM unit -> [N, GRID]
    d2 = jnp.sum(x * x, axis=1, keepdims=True) - 2.0 * (x @ W.T) + jnp.sum(W * W, axis=1)
    return jnp.sqrt(jnp.maximum(d2, 1e-12))


def pools(h, batch):
    # gap (mean) / gadd (sum) / gmp (max) global pooling over graphs, concatenated
    s = jax.ops.segment_sum(h, batch, num_segments=N_GRAPHS)
    cnt = jax.ops.segment_sum(jnp.ones((h.shape[0], 1), dtype=h.dtype), batch, num_segments=N_GRAPHS)
    avg = s / jnp.maximum(cnt, 1.0)
    mx = jax.ops.segment_max(h, batch, num_segments=N_GRAPHS)
    return jnp.concatenate([avg, s, mx], axis=1)


def _forward(x, params, edge_index, batch):
    p = params
    x1 = batch_norm(leaky(graph_conv(x, edge_index, p['conv1_Wrel'], p['conv1_b'], p['conv1_Wroot'])), p['norm1_g'], p['norm1_b'])
    x2 = batch_norm(leaky(graph_conv(x1, edge_index, p['conv2_Wrel'], p['conv2_b'], p['conv2_Wroot'])), p['norm2_g'], p['norm2_b'])
    x3 = batch_norm(leaky(graph_conv(x2, edge_index, p['conv3_Wrel'], p['conv3_b'], p['conv3_Wroot'])), p['norm3_g'], p['norm3_b'])
    h_conv = jnp.concatenate([x1, x2, x3], axis=1)
    h_GNN = pools(h_conv, batch)
    gnn_out = jax.nn.log_softmax(h_GNN @ p['lin_GNN_W'].T + p['lin_GNN_b'], axis=1)
    so1 = som_dists(x1, p['som1_W'])
    so2 = som_dists(x2, p['som2_W'])
    so3 = som_dists(x3, p['som3_W'])
    h1 = batch_norm(leaky(graph_conv(so1, edge_index, p['oc1_Wrel'], p['oc1_b'], p['oc1_Wroot'])), p['on1_g'], p['on1_b'])
    h2 = batch_norm(leaky(graph_conv(so2, edge_index, p['oc2_Wrel'], p['oc2_b'], p['oc2_Wroot'])), p['on2_g'], p['on2_b'])
    h3 = batch_norm(leaky(graph_conv(so3, edge_index, p['oc3_Wrel'], p['oc3_b'], p['oc3_Wroot'])), p['on3_g'], p['on3_b'])
    som_out_conv = jnp.concatenate([h1, h2, h3], axis=1)
    hp = pools(som_out_conv, batch)
    h = jax.nn.log_softmax(hp @ p['lin_out_W'].T + p['lin_out_b'], axis=1)
    return (h, h_conv, gnn_out)


def setup_inputs(seed: int = 0):
    key = jax.random.key(seed)
    ks = jax.random.split(key, 24)
    x = jax.random.normal(ks[0], (N_NODES, D_IN), dtype=jnp.float32)
    edge_index = jax.random.randint(ks[1], (2, N_EDGES), 0, N_NODES, dtype=jnp.int32)
    batch = jnp.sort(jax.random.randint(ks[2], (N_NODES,), 0, N_GRAPHS, dtype=jnp.int32))
    params = {
        'conv1_Wrel': _p(ks[3], (D_OUT, D_IN)), 'conv1_b': jnp.zeros((D_OUT,), jnp.float32), 'conv1_Wroot': _p(ks[4], (D_OUT, D_IN)),
        'conv2_Wrel': _p(ks[5], (2 * D_OUT, D_OUT)), 'conv2_b': jnp.zeros((2 * D_OUT,), jnp.float32), 'conv2_Wroot': _p(ks[6], (2 * D_OUT, D_OUT)),
        'conv3_Wrel': _p(ks[7], (3 * D_OUT, 2 * D_OUT)), 'conv3_b': jnp.zeros((3 * D_OUT,), jnp.float32), 'conv3_Wroot': _p(ks[8], (3 * D_OUT, 2 * D_OUT)),
        'norm1_g': jnp.ones((D_OUT,), jnp.float32), 'norm1_b': jnp.zeros((D_OUT,), jnp.float32),
        'norm2_g': jnp.ones((2 * D_OUT,), jnp.float32), 'norm2_b': jnp.zeros((2 * D_OUT,), jnp.float32),
        'norm3_g': jnp.ones((3 * D_OUT,), jnp.float32), 'norm3_b': jnp.zeros((3 * D_OUT,), jnp.float32),
        'lin_GNN_W': _p(ks[9], (N_CLASS, 18 * D_OUT)), 'lin_GNN_b': jnp.zeros((N_CLASS,), jnp.float32),
        'som1_W': _p(ks[10], (GRID, D_OUT), 1.0), 'som2_W': _p(ks[11], (GRID, 2 * D_OUT), 1.0), 'som3_W': _p(ks[12], (GRID, 3 * D_OUT), 1.0),
        'oc1_Wrel': _p(ks[13], (D_OUT, GRID)), 'oc1_b': jnp.zeros((D_OUT,), jnp.float32), 'oc1_Wroot': _p(ks[14], (D_OUT, GRID)),
        'oc2_Wrel': _p(ks[15], (D_OUT, GRID)), 'oc2_b': jnp.zeros((D_OUT,), jnp.float32), 'oc2_Wroot': _p(ks[16], (D_OUT, GRID)),
        'oc3_Wrel': _p(ks[17], (D_OUT, GRID)), 'oc3_b': jnp.zeros((D_OUT,), jnp.float32), 'oc3_Wroot': _p(ks[18], (D_OUT, GRID)),
        'on1_g': jnp.ones((D_OUT,), jnp.float32), 'on1_b': jnp.zeros((D_OUT,), jnp.float32),
        'on2_g': jnp.ones((D_OUT,), jnp.float32), 'on2_b': jnp.zeros((D_OUT,), jnp.float32),
        'on3_g': jnp.ones((D_OUT,), jnp.float32), 'on3_b': jnp.zeros((D_OUT,), jnp.float32),
        'lin_out_W': _p(ks[19], (N_CLASS, 9 * D_OUT)), 'lin_out_b': jnp.zeros((N_CLASS,), jnp.float32),
    }
    return {'x': x, 'edge_index': edge_index, 'batch': batch, 'params': params}


def reference(x, edge_index, batch, params):
    return _forward(x, params, edge_index, batch)

if __name__ == "__main__":
    import jax
    _d = setup_inputs()
    print(jax.jit(kernel)(*tuple(_d.values())))

</pallas_src>

<mosaic_0001>
#map = affine_map<(d0, d1) -> (0, 0)>
#map1 = affine_map<(d0, d1) -> (0, 0, 0)>
module attributes {stable_mosaic.version = 14 : i64} {
  func.func @seg(%arg0: i32, %arg1: i32, %arg2: memref<10000x128xf32, #tpu.memory_space<hbm>>, %arg3: memref<4000x80xi32, #tpu.memory_space<hbm>>, %arg4: memref<4000x80xi32, #tpu.memory_space<hbm>>, %arg5: memref<10240x128xf32, #tpu.memory_space<hbm>>, %arg6: memref<2x10240x128xf32, #tpu.memory_space<hbm>>, %arg7: memref<80xi32, #tpu.memory_space<vmem>>, %arg8: memref<80xi32, #tpu.memory_space<vmem>>, %arg9: memref<80xi32, #tpu.memory_space<vmem>>, %arg10: memref<80xi32, #tpu.memory_space<vmem>>, %arg11: memref<80xi32, #tpu.memory_space<vmem>>, %arg12: memref<80xi32, #tpu.memory_space<vmem>>, %arg13: memref<80xi32, #tpu.memory_space<vmem>>, %arg14: memref<80xi32, #tpu.memory_space<vmem>>, %arg15: memref<80x128xf32, #tpu.memory_space<vmem>>, %arg16: memref<80x128xf32, #tpu.memory_space<vmem>>, %arg17: memref<80x128xf32, #tpu.memory_space<vmem>>, %arg18: memref<80x128xf32, #tpu.memory_space<vmem>>, %arg19: memref<10240x128xf32, #tpu.memory_space<vmem_shared>>, %arg20: memref<!tpu.dma_semaphore, #tpu.memory_space<semaphore_mem>>, %arg21: memref<!tpu.dma_semaphore, #tpu.memory_space<semaphore_mem>>, %arg22: memref<!tpu.dma_semaphore, #tpu.memory_space<semaphore_mem>>, %arg23: memref<!tpu.dma_semaphore, #tpu.memory_space<semaphore_mem>>, %arg24: memref<!tpu.dma_semaphore, #tpu.memory_space<semaphore_mem>>, %arg25: memref<!tpu.dma_semaphore, #tpu.memory_space<semaphore_mem>>, %arg26: memref<!tpu.dma_semaphore, #tpu.memory_space<semaphore_mem>>, %arg27: memref<!tpu.dma_semaphore, #tpu.memory_space<semaphore_mem>>, %arg28: memref<!tpu.dma_semaphore, #tpu.memory_space<semaphore_mem>>, %arg29: memref<!tpu.dma_semaphore, #tpu.memory_space<semaphore_mem>>, %arg30: memref<!tpu.dma_semaphore, #tpu.memory_space<semaphore_mem>>, %arg31: memref<!tpu.dma_semaphore, #tpu.memory_space<semaphore_mem>>) attributes {dimension_semantics = [#tpu.dimension_semantics<core_parallel>, #tpu.dimension_semantics<subcore_parallel>], iteration_bounds = array<i64: 2, 16>, scalar_prefetch = 0 : i64, scratch_operands = 25 : i64, tpu.core_type = #tpu.core_type<sc_vector_subcore>, window_params = [{transform_indices = #map}, {transform_indices = #map}, {transform_indices = #map}, {transform_indices = #map}, {transform_indices = #map1}]} {
    %mul3A = arith.constant 640 : i32
    %mul3A_0 = arith.muli %arg1, %mul3A : i32
    "tpu.region"() ({
      %run_scoped3A = tpu.sem_alloc : memref<!tpu.dma_semaphore, #tpu.memory_space<semaphore_mem>>
      %dma_start3A_61 = arith.constant 0 : i32
      %dma_start3A_62 = tpu.memref_slice %arg19[%mul3A_0, %dma_start3A_61] : memref<10240x128xf32, #tpu.memory_space<vmem_shared>> -> memref<640x128xf32, #tpu.memory_space<vmem_shared>>
      %dma_start3A_63 = arith.constant 0 : i32
      %dma_start3A_64 = tpu.memref_slice %arg5[%mul3A_0, %dma_start3A_63] : memref<10240x128xf32, #tpu.memory_space<hbm>> -> memref<640x128xf32, #tpu.memory_space<hbm>>
      tpu.enqueue_dma source(%dma_start3A_64 : memref<640x128xf32, #tpu.memory_space<hbm>>) target(%dma_start3A_62 : memref<640x128xf32, #tpu.memory_space<vmem_shared>>) target_semaphore(%run_scoped3A : memref<!tpu.dma_semaphore, #tpu.memory_space<semaphore_mem>>)
      %dma_wait3A_65 = arith.constant 0 : i32
      %dma_wait3A_66 = tpu.memref_slice %arg19[%mul3A_0, %dma_wait3A_65] : memref<10240x128xf32, #tpu.memory_space<vmem_shared>> -> memref<640x128xf32, #tpu.memory_space<vmem_shared>>
      %dma_wait3A_67 = arith.constant 0 : i32
      %dma_wait3A_68 = tpu.memref_slice %arg5[%mul3A_0, %dma_wait3A_67] : memref<10240x128xf32, #tpu.memory_space<hbm>> -> memref<640x128xf32, #tpu.memory_space<hbm>>
      tpu.wait_dma2 semaphore(%run_scoped3A : memref<!tpu.dma_semaphore, #tpu.memory_space<semaphore_mem>>) src(%dma_wait3A_68 : memref<640x128xf32, #tpu.memory_space<hbm>>) dst(%dma_wait3A_66 : memref<640x128xf32, #tpu.memory_space<vmem_shared>>)
      tpu.yield
    }) : () -> ()
    %barrier3A = arith.constant 0 : index
    tpu.barrier barrier_id(%barrier3A)
    %mul3A_1 = arith.constant 16 : i32
    %mul3A_2 = arith.muli %arg0, %mul3A_1 : i32
    %add3A = arith.addi %mul3A_2, %arg1 : i32
    %mul3A_3 = arith.constant 125 : i32
    %mul3A_4 = arith.muli %add3A, %mul3A_3 : i32
    %scan3A = arith.constant 0 : i32
    %scan3A_5 = arith.constant 0 : i32
    %scan3A_6 = arith.constant 31 : i32
    %scan3A_7 = arith.addi %scan3A_5, %scan3A_6 : i32
    %scan3A_8 = arith.constant 1 : i32
    scf.for %scan3A_61 = %scan3A_5 to %scan3A_7 step %scan3A_8  : i32 {
      %gt3A = arith.constant 0 : i32
      %gt3A_62 = arith.cmpi sgt, %scan3A_61, %gt3A : i32
      %convert_element_type3A = arith.extui %gt3A_62 : i1 to i32
      %cond3A = arith.constant 0 : i32
      %cond3A_63 = arith.cmpi ne, %convert_element_type3A, %cond3A : i32
      scf.if %cond3A_63 {
        %dma_wait3A_235 = arith.constant 0 : i32
        %dma_wait3A_236 = arith.constant 0 : i32
        %dma_wait3A_237 = tpu.memref_slice %arg19[%dma_wait3A_235, %dma_wait3A_236] : memref<10240x128xf32, #tpu.memory_space<vmem_shared>> -> memref<10240x128xf32, #tpu.memory_space<vmem_shared>>
        tpu.wait_indirect_dma semaphore(%arg24 : memref<!tpu.dma_semaphore, #tpu.memory_space<semaphore_mem>>) src(%arg15 : memref<80x128xf32, #tpu.memory_space<vmem>>) dst(%dma_wait3A_237 : memref<10240x128xf32, #tpu.memory_space<vmem_shared>>)
      } else {
      }
      %mul3A_64 = arith.constant 4 : i32
      %mul3A_65 = arith.muli %scan3A_61, %mul3A_64 : i32
      %add3A_66 = arith.constant 0 : i32
      %add3A_67 = arith.addi %mul3A_65, %add3A_66 : i32
      %add3A_68 = arith.addi %mul3A_4, %add3A_67 : i32
      %dma_start3A_69 = arith.constant 0 : i32
      %dma_start3A_70 = tpu.memref_slice %arg3[%add3A_68, %dma_start3A_69] : memref<4000x80xi32, #tpu.memory_space<hbm>> -> memref<1x80xi32, #tpu.memory_space<hbm>>
      %dma_start3A_71 = tpu.memref_squeeze %dma_start3A_70 : memref<1x80xi32, #tpu.memory_space<hbm>> -> memref<80xi32, #tpu.memory_space<hbm>>
      %dma_start3A_72 = arith.constant 0 : i32
      %dma_start3A_73 = tpu.memref_slice %arg3[%add3A_68, %dma_start3A_72] : memref<4000x80xi32, #tpu.memory_space<hbm>> -> memref<1x80xi32, #tpu.memory_space<hbm>>
      %dma_start3A_74 = tpu.memref_squeeze %dma_start3A_73 : memref<1x80xi32, #tpu.memory_space<hbm>> -> memref<80xi32, #tpu.memory_space<hbm>>
      tpu.enqueue_dma source(%dma_start3A_74 : memref<80xi32, #tpu.memory_space<hbm>>) target(%arg7 : memref<80xi32, #tpu.memory_space<vmem>>) target_semaphore(%arg28 : memref<!tpu.dma_semaphore, #tpu.memory_space<semaphore_mem>>)
      %add3A_75 = arith.addi %mul3A_4, %add3A_67 : i32
      %dma_start3A_76 = arith.constant 0 : i32
      %dma_start3A_77 = tpu.memref_slice %arg4[%add3A_75, %dma_start3A_76] : memref<4000x80xi32, #tpu.memory_space<hbm>> -> memref<1x80xi32, #tpu.memory_space<hbm>>
      %dma_start3A_78 = tpu.memref_squeeze %dma_start3A_77 : memref<1x80xi32, #tpu.memory_space<hbm>> -> memref<80xi32, #tpu.memory_space<hbm>>
      %dma_start3A_79 = arith.constant 0 : i32
      %dma_start3A_80 = tpu.memref_slice %arg4[%add3A_75, %dma_start3A_79] : memref<4000x80xi32, #tpu.memory_space<hbm>> -> memref<1x80xi32, #tpu.memory_space<hbm>>
      %dma_start3A_81 = tpu.memref_squeeze %dma_start3A_80 : memref<1x80xi32, #tpu.memory_space<hbm>> -> memref<80xi32, #tpu.memory_space<hbm>>
      tpu.enqueue_dma source(%dma_start3A_81 : memref<80xi32, #tpu.memory_space<hbm>>) target(%arg11 : memref<80xi32, #tpu.memory_space<vmem>>) target_semaphore(%arg28 : memref<!tpu.dma_semaphore, #tpu.memory_space<semaphore_mem>>)
      %gt3A_82 = arith.constant 0 : i32
      %gt3A_83 = arith.cmpi sgt, %scan3A_61, %gt3A_82 : i32
      %convert_element_type3A_84 = arith.extui %gt3A_83 : i1 to i32
      %cond3A_85 = arith.constant 0 : i32
      %cond3A_86 = arith.cmpi ne, %convert_element_type3A_84, %cond3A_85 : i32
      scf.if %cond3A_86 {
        %dma_wait3A_235 = arith.constant 0 : i32
        %dma_wait3A_236 = arith.constant 0 : i32
        %dma_wait3A_237 = tpu.memref_slice %arg19[%dma_wait3A_235, %dma_wait3A_236] : memref<10240x128xf32, #tpu.memory_space<vmem_shared>> -> memref<10240x128xf32, #tpu.memory_space<vmem_shared>>
        tpu.wait_indirect_dma semaphore(%arg25 : memref<!tpu.dma_semaphore, #tpu.memory_space<semaphore_mem>>) src(%arg16 : memref<80x128xf32, #tpu.memory_space<vmem>>) dst(%dma_wait3A_237 : memref<10240x128xf32, #tpu.memory_space<vmem_shared>>)
      } else {
      }
      %mul3A_87 = arith.constant 4 : i32
      %mul3A_88 = arith.muli %scan3A_61, %mul3A_87 : i32
      %add3A_89 = arith.constant 1 : i32
      %add3A_90 = arith.addi %mul3A_88, %add3A_89 : i32
      %add3A_91 = arith.addi %mul3A_4, %add3A_90 : i32
      %dma_start3A_92 = arith.constant 0 : i32
      %dma_start3A_93 = tpu.memref_slice %arg3[%add3A_91, %dma_start3A_92] : memref<4000x80xi32, #tpu.memory_space<hbm>> -> memref<1x80xi32, #tpu.memory_space<hbm>>
      %dma_start3A_94 = tpu.memref_squeeze %dma_start3A_93 : memref<1x80xi32, #tpu.memory_space<hbm>> -> memref<80xi32, #tpu.memory_space<hbm>>
      %dma_start3A_95 = arith.constant 0 : i32
      %dma_start3A_96 = tpu.memref_slice %arg3[%add3A_91, %dma_start3A_95] : memref<4000x80xi32, #tpu.memory_space<hbm>> -> memref<1x80xi32, #tpu.memory_space<hbm>>
      %dma_start3A_97 = tpu.memref_squeeze %dma_start3A_96 : memref<1x80xi32, #tpu.memory_space<hbm>> -> memref<80xi32, #tpu.memory_space<hbm>>
      tpu.enqueue_dma source(%dma_start3A_97 : memref<80xi32, #tpu.memory_space<hbm>>) target(%arg8 : memref<80xi32, #tpu.memory_space<vmem>>) target_semaphore(%arg29 : memref<!tpu.dma_semaphore, #tpu.memory_space<semaphore_mem>>)
      %add3A_98 = arith.addi %mul3A_4, %add3A_90 : i32
      %dma_start3A_99 = arith.constant 0 : i32
      %dma_start3A_100 = tpu.memref_slice %arg4[%add3A_98, %dma_start3A_99] : memref<4000x80xi32, #tpu.memory_space<hbm>> -> memref<1x80xi32, #tpu.memory_space<hbm>>
      %dma_start3A_101 = tpu.memref_squeeze %dma_start3A_100 : memref<1x80xi32, #tpu.memory_space<hbm>> -> memref<80xi32, #tpu.memory_space<hbm>>
      %dma_start3A_102 = arith.constant 0 : i32
      %dma_start3A_103 = tpu.memref_slice %arg4[%add3A_98, %dma_start3A_102] : memref<4000x80xi32, #tpu.memory_space<hbm>> -> memref<1x80xi32, #tpu.memory_space<hbm>>
      %dma_start3A_104 = tpu.memref_squeeze %dma_start3A_103 : memref<1x80xi32, #tpu.memory_space<hbm>> -> memref<80xi32, #tpu.memory_space<hbm>>
      tpu.enqueue_dma source(%dma_start3A_104 : memref<80xi32, #tpu.memory_space<hbm>>) target(%arg12 : memref<80xi32, #tpu.memory_space<vmem>>) target_semaphore(%arg29 : memref<!tpu.dma_semaphore, #tpu.memory_space<semaphore_mem>>)
      %gt3A_105 = arith.constant 0 : i32
      %gt3A_106 = arith.cmpi sgt, %scan3A_61, %gt3A_105 : i32
      %convert_element_type3A_107 = arith.extui %gt3A_106 : i1 to i32
      %cond3A_108 = arith.constant 0 : i32
      %cond3A_109 = arith.cmpi ne, %convert_element_type3A_107, %cond3A_108 : i32
      scf.if %cond3A_109 {
        %dma_wait3A_235 = arith.constant 0 : i32
        %dma_wait3A_236 = arith.constant 0 : i32
        %dma_wait3A_237 = tpu.memref_slice %arg19[%dma_wait3A_235, %dma_wait3A_236] : memref<10240x128xf32, #tpu.memory_space<vmem_shared>> -> memref<10240x128xf32, #tpu.memory_space<vmem_shared>>
        tpu.wait_indirect_dma semaphore(%arg26 : memref<!tpu.dma_semaphore, #tpu.memory_space<semaphore_mem>>) src(%arg17 : memref<80x128xf32, #tpu.memory_space<vmem>>) dst(%dma_wait3A_237 : memref<10240x128xf32, #tpu.memory_space<vmem_shared>>)
      } else {
      }
      %mul3A_110 = arith.constant 4 : i32
      %mul3A_111 = arith.muli %scan3A_61, %mul3A_110 : i32
      %add3A_112 = arith.constant 2 : i32
      %add3A_113 = arith.addi %mul3A_111, %add3A_112 : i32
      %add3A_114 = arith.addi %mul3A_4, %add3A_113 : i32
      %dma_start3A_115 = arith.constant 0 : i32
      %dma_start3A_116 = tpu.memref_slice %arg3[%add3A_114, %dma_start3A_115] : memref<4000x80xi32, #tpu.memory_space<hbm>> -> memref<1x80xi32, #tpu.memory_space<hbm>>
      %dma_start3A_117 = tpu.memref_squeeze %dma_start3A_116 : memref<1x80xi32, #tpu.memory_space<hbm>> -> memref<80xi32, #tpu.memory_space<hbm>>
      %dma_start3A_118 = arith.constant 0 : i32
      %dma_start3A_119 = tpu.memref_slice %arg3[%add3A_114, %dma_start3A_118] : memref<4000x80xi32, #tpu.memory_space<hbm>> -> memref<1x80xi32, #tpu.memory_space<hbm>>
      %dma_start3A_120 = tpu.memref_squeeze %dma_start3A_119 : memref<1x80xi32, #tpu.memory_space<hbm>> -> memref<80xi32, #tpu.memory_space<hbm>>
      tpu.enqueue_dma source(%dma_start3A_120 : memref<80xi32, #tpu.memory_space<hbm>>) target(%arg9 : memref<80xi32, #tpu.memory_space<vmem>>) target_semaphore(%arg30 : memref<!tpu.dma_semaphore, #tpu.memory_space<semaphore_mem>>)
      %add3A_121 = arith.addi %mul3A_4, %add3A_113 : i32
      %dma_start3A_122 = arith.constant 0 : i32
      %dma_start3A_123 = tpu.memref_slice %arg4[%add3A_121, %dma_start3A_122] : memref<4000x80xi32, #tpu.memory_space<hbm>> -> memref<1x80xi32, #tpu.memory_space<hbm>>
      %dma_start3A_124 = tpu.memref_squeeze %dma_start3A_123 : memref<1x80xi32, #tpu.memory_space<hbm>> -> memref<80xi32, #tpu.memory_space<hbm>>
      %dma_start3A_125 = arith.constant 0 : i32
      %dma_start3A_126 = tpu.memref_slice %arg4[%add3A_121, %dma_start3A_125] : memref<4000x80xi32, #tpu.memory_space<hbm>> -> memref<1x80xi32, #tpu.memory_space<hbm>>
      %dma_start3A_127 = tpu.memref_squeeze %dma_start3A_126 : memref<1x80xi32, #tpu.memory_space<hbm>> -> memref<80xi32, #tpu.memory_space<hbm>>
      tpu.enqueue_dma source(%dma_start3A_127 : memref<80xi32, #tpu.memory_space<hbm>>) target(%arg13 : memref<80xi32, #tpu.memory_space<vmem>>) target_semaphore(%arg30 : memref<!tpu.dma_semaphore, #tpu.memory_space<semaphore_mem>>)
      %gt3A_128 = arith.constant 0 : i32
      %gt3A_129 = arith.cmpi sgt, %scan3A_61, %gt3A_128 : i32
      %convert_element_type3A_130 = arith.extui %gt3A_129 : i1 to i32
      %cond3A_131 = arith.constant 0 : i32
      %cond3A_132 = arith.cmpi ne, %convert_element_type3A_130, %cond3A_131 : i32
      scf.if %cond3A_132 {
        %dma_wait3A_235 = arith.constant 0 : i32
        %dma_wait3A_236 = arith.constant 0 : i32
        %dma_wait3A_237 = tpu.memref_slice %arg19[%dma_wait3A_235, %dma_wait3A_236] : memref<10240x128xf32, #tpu.memory_space<vmem_shared>> -> memref<10240x128xf32, #tpu.memory_space<vmem_shared>>
        tpu.wait_indirect_dma semaphore(%arg27 : memref<!tpu.dma_semaphore, #tpu.memory_space<semaphore_mem>>) src(%arg18 : memref<80x128xf32, #tpu.memory_space<vmem>>) dst(%dma_wait3A_237 : memref<10240x128xf32, #tpu.memory_space<vmem_shared>>)
      } else {
      }
      %mul3A_133 = arith.constant 4 : i32
      %mul3A_134 = arith.muli %scan3A_61, %mul3A_133 : i32
      %add3A_135 = arith.constant 3 : i32
      %add3A_136 = arith.addi %mul3A_134, %add3A_135 : i32
      %add3A_137 = arith.addi %mul3A_4, %add3A_136 : i32
      %dma_start3A_138 = arith.constant 0 : i32
      %dma_start3A_139 = tpu.memref_slice %arg3[%add3A_137, %dma_start3A_138] : memref<4000x80xi32, #tpu.memory_space<hbm>> -> memref<1x80xi32, #tpu.memory_space<hbm>>
      %dma_start3A_140 = tpu.memref_squeeze %dma_start3A_139 : memref<1x80xi32, #tpu.memory_space<hbm>> -> memref<80xi32, #tpu.memory_space<hbm>>
      %dma_start3A_141 = arith.constant 0 : i32
      %dma_start3A_142 = tpu.memref_slice %arg3[%add3A_137, %dma_start3A_141] : memref<4000x80xi32, #tpu.memory_space<hbm>> -> memref<1x80xi32, #tpu.memory_space<hbm>>
      %dma_start3A_143 = tpu.memref_squeeze %dma_start3A_142 : memref<1x80xi32, #tpu.memory_space<hbm>> -> memref<80xi32, #tpu.memory_space<hbm>>
      tpu.enqueue_dma source(%dma_start3A_143 : memref<80xi32, #tpu.memory_space<hbm>>) target(%arg10 : memref<80xi32, #tpu.memory_space<vmem>>) target_semaphore(%arg31 : memref<!tpu.dma_semaphore, #tpu.memory_space<semaphore_mem>>)
      %add3A_144 = arith.addi %mul3A_4, %add3A_136 : i32
      %dma_start3A_145 = arith.constant 0 : i32
      %dma_start3A_146 = tpu.memref_slice %arg4[%add3A_144, %dma_start3A_145] : memref<4000x80xi32, #tpu.memory_space<hbm>> -> memref<1x80xi32, #tpu.memory_space<hbm>>
      %dma_start3A_147 = tpu.memref_squeeze %dma_start3A_146 : memref<1x80xi32, #tpu.memory_space<hbm>> -> memref<80xi32, #tpu.memory_space<hbm>>
      %dma_start3A_148 = arith.constant 0 : i32
      %dma_start3A_149 = tpu.memref_slice %arg4[%add3A_144, %dma_start3A_148] : memref<4000x80xi32, #tpu.memory_space<hbm>> -> memref<1x80xi32, #tpu.memory_space<hbm>>
      %dma_start3A_150 = tpu.memref_squeeze %dma_start3A_149 : memref<1x80xi32, #tpu.memory_space<hbm>> -> memref<80xi32, #tpu.memory_space<hbm>>
      tpu.enqueue_dma source(%dma_start3A_150 : memref<80xi32, #tpu.memory_space<hbm>>) target(%arg14 : memref<80xi32, #tpu.memory_space<vmem>>) target_semaphore(%arg31 : memref<!tpu.dma_semaphore, #tpu.memory_space<semaphore_mem>>)
      %dma_wait3A_151 = arith.constant 0 : i32
      %dma_wait3A_152 = tpu.memref_slice %arg3[%add3A_68, %dma_wait3A_151] : memref<4000x80xi32, #tpu.memory_space<hbm>> -> memref<1x80xi32, #tpu.memory_space<hbm>>
      %dma_wait3A_153 = tpu.memref_squeeze %dma_wait3A_152 : memref<1x80xi32, #tpu.memory_space<hbm>> -> memref<80xi32, #tpu.memory_space<hbm>>
      %dma_wait3A_154 = arith.constant 0 : i32
      %dma_wait3A_155 = tpu.memref_slice %arg3[%add3A_68, %dma_wait3A_154] : memref<4000x80xi32, #tpu.memory_space<hbm>> -> memref<1x80xi32, #tpu.memory_space<hbm>>
      %dma_wait3A_156 = tpu.memref_squeeze %dma_wait3A_155 : memref<1x80xi32, #tpu.memory_space<hbm>> -> memref<80xi32, #tpu.memory_space<hbm>>
      tpu.wait_dma2 semaphore(%arg28 : memref<!tpu.dma_semaphore, #tpu.memory_space<semaphore_mem>>) src(%dma_wait3A_156 : memref<80xi32, #tpu.memory_space<hbm>>) dst(%arg7 : memref<80xi32, #tpu.memory_space<vmem>>)
      %dma_wait3A_157 = arith.constant 0 : i32
      %dma_wait3A_158 = tpu.memref_slice %arg4[%add3A_75, %dma_wait3A_157] : memref<4000x80xi32, #tpu.memory_space<hbm>> -> memref<1x80xi32, #tpu.memory_space<hbm>>
      %dma_wait3A_159 = tpu.memref_squeeze %dma_wait3A_158 : memref<1x80xi32, #tpu.memory_space<hbm>> -> memref<80xi32, #tpu.memory_space<hbm>>
      %dma_wait3A_160 = arith.constant 0 : i32
      %dma_wait3A_161 = tpu.memref_slice %arg4[%add3A_75, %dma_wait3A_160] : memref<4000x80xi32, #tpu.memory_space<hbm>> -> memref<1x80xi32, #tpu.memory_space<hbm>>
      %dma_wait3A_162 = tpu.memref_squeeze %dma_wait3A_161 : memref<1x80xi32, #tpu.memory_space<hbm>> -> memref<80xi32, #tpu.memory_space<hbm>>
      tpu.wait_dma2 semaphore(%arg28 : memref<!tpu.dma_semaphore, #tpu.memory_space<semaphore_mem>>) src(%dma_wait3A_162 : memref<80xi32, #tpu.memory_space<hbm>>) dst(%arg11 : memref<80xi32, #tpu.memory_space<vmem>>)
      %dma_start3A_163 = arith.constant 0 : i32
      %dma_start3A_164 = arith.constant 0 : i32
      %dma_start3A_165 = tpu.memref_slice %arg2[%dma_start3A_163, %dma_start3A_164] : memref<10000x128xf32, #tpu.memory_space<hbm>> -> memref<10000x128xf32, #tpu.memory_space<hbm>>
      tpu.enqueue_indirect_dma source(%dma_start3A_165 : memref<10000x128xf32, #tpu.memory_space<hbm>>) target(%arg15 : memref<80x128xf32, #tpu.memory_space<vmem>>) offsets(%arg7 : memref<80xi32, #tpu.memory_space<vmem>>) semaphore(%arg20 : memref<!tpu.dma_semaphore, #tpu.memory_space<semaphore_mem>>)
      %dma_wait3A_166 = arith.constant 0 : i32
      %dma_wait3A_167 = tpu.memref_slice %arg3[%add3A_91, %dma_wait3A_166] : memref<4000x80xi32, #tpu.memory_space<hbm>> -> memref<1x80xi32, #tpu.memory_space<hbm>>
      %dma_wait3A_168 = tpu.memref_squeeze %dma_wait3A_167 : memref<1x80xi32, #tpu.memory_space<hbm>> -> memref<80xi32, #tpu.memory_space<hbm>>
      %dma_wait3A_169 = arith.constant 0 : i32
      %dma_wait3A_170 = tpu.memref_slice %arg3[%add3A_91, %dma_wait3A_169] : memref<4000x80xi32, #tpu.memory_space<hbm>> -> memref<1x80xi32, #tpu.memory_space<hbm>>
      %dma_wait3A_171 = tpu.memref_squeeze %dma_wait3A_170 : memref<1x80xi32, #tpu.memory_space<hbm>> -> memref<80xi32, #tpu.memory_space<hbm>>
      tpu.wait_dma2 semaphore(%arg29 : memref<!tpu.dma_semaphore, #tpu.memory_space<semaphore_mem>>) src(%dma_wait3A_171 : memref<80xi32, #tpu.memory_space<hbm>>) dst(%arg8 : memref<80xi32, #tpu.memory_space<vmem>>)
      %dma_wait3A_172 = arith.constant 0 : i32
      %dma_wait3A_173 = tpu.memref_slice %arg4[%add3A_98, %dma_wait3A_172] : memref<4000x80xi32, #tpu.memory_space<hbm>> -> memref<1x80xi32, #tpu.memory_space<hbm>>
      %dma_wait3A_174 = tpu.memref_squeeze %dma_wait3A_173 : memref<1x80xi32, #tpu.memory_space<hbm>> -> memref<80xi32, #tpu.memory_space<hbm>>
      %dma_wait3A_175 = arith.constant 0 : i32
      %dma_wait3A_176 = tpu.memref_slice %arg4[%add3A_98, %dma_wait3A_175] : memref<4000x80xi32, #tpu.memory_space<hbm>> -> memref<1x80xi32, #tpu.memory_space<hbm>>
      %dma_wait3A_177 = tpu.memref_squeeze %dma_wait3A_176 : memref<1x80xi32, #tpu.memory_space<hbm>> -> memref<80xi32, #tpu.memory_space<hbm>>
      tpu.wait_dma2 semaphore(%arg29 : memref<!tpu.dma_semaphore, #tpu.memory_space<semaphore_mem>>) src(%dma_wait3A_177 : memref<80xi32, #tpu.memory_space<hbm>>) dst(%arg12 : memref<80xi32, #tpu.memory_space<vmem>>)
      %dma_start3A_178 = arith.constant 0 : i32
      %dma_start3A_179 = arith.constant 0 : i32
      %dma_start3A_180 = tpu.memref_slice %arg2[%dma_start3A_178, %dma_start3A_179] : memref<10000x128xf32, #tpu.memory_space<hbm>> -> memref<10000x128xf32, #tpu.memory_space<hbm>>
      tpu.enqueue_indirect_dma source(%dma_start3A_180 : memref<10000x128xf32, #tpu.memory_space<hbm>>) target(%arg16 : memref<80x128xf32, #tpu.memory_space<vmem>>) offsets(%arg8 : memref<80xi32, #tpu.memory_space<vmem>>) semaphore(%arg21 : memref<!tpu.dma_semaphore, #tpu.memory_space<semaphore_mem>>)
      %dma_wait3A_181 = arith.constant 0 : i32
      %dma_wait3A_182 = tpu.memref_slice %arg3[%add3A_114, %dma_wait3A_181] : memref<4000x80xi32, #tpu.memory_space<hbm>> -> memref<1x80xi32, #tpu.memory_space<hbm>>
      %dma_wait3A_183 = tpu.memref_squeeze %dma_wait3A_182 : memref<1x80xi32, #tpu.memory_space<hbm>> -> memref<80xi32, #tpu.memory_space<hbm>>
      %dma_wait3A_184 = arith.constant 0 : i32
      %dma_wait3A_185 = tpu.memref_slice %arg3[%add3A_114, %dma_wait3A_184] : memref<4000x80xi32, #tpu.memory_space<hbm>> -> memref<1x80xi32, #tpu.memory_space<hbm>>
      %dma_wait3A_186 = tpu.memref_squeeze %dma_wait3A_185 : memref<1x80xi32, #tpu.memory_space<hbm>> -> memref<80xi32, #tpu.memory_space<hbm>>
      tpu.wait_dma2 semaphore(%arg30 : memref<!tpu.dma_semaphore, #tpu.memory_space<semaphore_mem>>) src(%dma_wait3A_186 : memref<80xi32, #tpu.memory_space<hbm>>) dst(%arg9 : memref<80xi32, #tpu.memory_space<vmem>>)
      %dma_wait3A_187 = arith.constant 0 : i32
      %dma_wait3A_188 = tpu.memref_slice %arg4[%add3A_121, %dma_wait3A_187] : memref<4000x80xi32, #tpu.memory_space<hbm>> -> memref<1x80xi32, #tpu.memory_space<hbm>>
      %dma_wait3A_189 = tpu.memref_squeeze %dma_wait3A_188 : memref<1x80xi32, #tpu.memory_space<hbm>> -> memref<80xi32, #tpu.memory_space<hbm>>
      %dma_wait3A_190 = arith.constant 0 : i32
      %dma_wait3A_191 = tpu.memref_slice %arg4[%add3A_121, %dma_wait3A_190] : memref<4000x80xi32, #tpu.memory_space<hbm>> -> memref<1x80xi32, #tpu.memory_space<hbm>>
      %dma_wait3A_192 = tpu.memref_squeeze %dma_wait3A_191 : memref<1x80xi32, #tpu.memory_space<hbm>> -> memref<80xi32, #tpu.memory_space<hbm>>
      tpu.wait_dma2 semaphore(%arg30 : memref<!tpu.dma_semaphore, #tpu.memory_space<semaphore_mem>>) src(%dma_wait3A_192 : memref<80xi32, #tpu.memory_space<hbm>>) dst(%arg13 : memref<80xi32, #tpu.memory_space<vmem>>)
      %dma_start3A_193 = arith.constant 0 : i32
      %dma_start3A_194 = arith.constant 0 : i32
      %dma_start3A_195 = tpu.memref_slice %arg2[%dma_start3A_193, %dma_start3A_194] : memref<10000x128xf32, #tpu.memory_space<hbm>> -> memref<10000x128xf32, #tpu.memory_space<hbm>>
      tpu.enqueue_indirect_dma source(%dma_start3A_195 : memref<10000x128xf32, #tpu.memory_space<hbm>>) target(%arg17 : memref<80x128xf32, #tpu.memory_space<vmem>>) offsets(%arg9 : memref<80xi32, #tpu.memory_space<vmem>>) semaphore(%arg22 : memref<!tpu.dma_semaphore, #tpu.memory_space<semaphore_mem>>)
      %dma_wait3A_196 = arith.constant 0 : i32
      %dma_wait3A_197 = tpu.memref_slice %arg3[%add3A_137, %dma_wait3A_196] : memref<4000x80xi32, #tpu.memory_space<hbm>> -> memref<1x80xi32, #tpu.memory_space<hbm>>
      %dma_wait3A_198 = tpu.memref_squeeze %dma_wait3A_197 : memref<1x80xi32, #tpu.memory_space<hbm>> -> memref<80xi32, #tpu.memory_space<hbm>>
      %dma_wait3A_199 = arith.constant 0 : i32
      %dma_wait3A_200 = tpu.memref_slice %arg3[%add3A_137, %dma_wait3A_199] : memref<4000x80xi32, #tpu.memory_space<hbm>> -> memref<1x80xi32, #tpu.memory_space<hbm>>
      %dma_wait3A_201 = tpu.memref_squeeze %dma_wait3A_200 : memref<1x80xi32, #tpu.memory_space<hbm>> -> memref<80xi32, #tpu.memory_space<hbm>>
      tpu.wait_dma2 semaphore(%arg31 : memref<!tpu.dma_semaphore, #tpu.memory_space<semaphore_mem>>) src(%dma_wait3A_201 : memref<80xi32, #tpu.memory_space<hbm>>) dst(%arg10 : memref<80xi32, #tpu.memory_space<vmem>>)
      %dma_wait3A_202 = arith.constant 0 : i32
      %dma_wait3A_203 = tpu.memref_slice %arg4[%add3A_144, %dma_wait3A_202] : memref<4000x80xi32, #tpu.memory_space<hbm>> -> memref<1x80xi32, #tpu.memory_space<hbm>>
      %dma_wait3A_204 = tpu.memref_squeeze %dma_wait3A_203 : memref<1x80xi32, #tpu.memory_space<hbm>> -> memref<80xi32, #tpu.memory_space<hbm>>
      %dma_wait3A_205 = arith.constant 0 : i32
      %dma_wait3A_206 = tpu.memref_slice %arg4[%add3A_144, %dma_wait3A_205] : memref<4000x80xi32, #tpu.memory_space<hbm>> -> memref<1x80xi32, #tpu.memory_space<hbm>>
      %dma_wait3A_207 = tpu.memref_squeeze %dma_wait3A_206 : memref<1x80xi32, #tpu.memory_space<hbm>> -> memref<80xi32, #tpu.memory_space<hbm>>
      tpu.wait_dma2 semaphore(%arg31 : memref<!tpu.dma_semaphore, #tpu.memory_space<semaphore_mem>>) src(%dma_wait3A_207 : memref<80xi32, #tpu.memory_space<hbm>>) dst(%arg14 : memref<80xi32, #tpu.memory_space<vmem>>)
      %dma_start3A_208 = arith.constant 0 : i32
      %dma_start3A_209 = arith.constant 0 : i32
      %dma_start3A_210 = tpu.memref_slice %arg2[%dma_start3A_208, %dma_start3A_209] : memref<10000x128xf32, #tpu.memory_space<hbm>> -> memref<10000x128xf32, #tpu.memory_space<hbm>>
      tpu.enqueue_indirect_dma source(%dma_start3A_210 : memref<10000x128xf32, #tpu.memory_space<hbm>>) target(%arg18 : memref<80x128xf32, #tpu.memory_space<vmem>>) offsets(%arg10 : memref<80xi32, #tpu.memory_space<vmem>>) semaphore(%arg23 : memref<!tpu.dma_semaphore, #tpu.memory_space<semaphore_mem>>)
      %dma_wait3A_211 = arith.constant 0 : i32
      %dma_wait3A_212 = arith.constant 0 : i32
      %dma_wait3A_213 = tpu.memref_slice %arg2[%dma_wait3A_211, %dma_wait3A_212] : memref<10000x128xf32, #tpu.memory_space<hbm>> -> memref<10000x128xf32, #tpu.memory_space<hbm>>
      tpu.wait_indirect_dma semaphore(%arg20 : memref<!tpu.dma_semaphore, #tpu.memory_space<semaphore_mem>>) src(%dma_wait3A_213 : memref<10000x128xf32, #tpu.memory_space<hbm>>) dst(%arg15 : memref<80x128xf32, #tpu.memory_space<vmem>>)
      %dma_start3A_214 = arith.constant 0 : i32
      %dma_start3A_215 = arith.constant 0 : i32
      %dma_start3A_216 = tpu.memref_slice %arg19[%dma_start3A_214, %dma_start3A_215] : memref<10240x128xf32, #tpu.memory_space<vmem_shared>> -> memref<10240x128xf32, #tpu.memory_space<vmem_shared>>
      tpu.enqueue_indirect_dma source(%arg15 : memref<80x128xf32, #tpu.memory_space<vmem>>) target(%dma_start3A_216 : memref<10240x128xf32, #tpu.memory_space<vmem_shared>>) offsets(%arg11 : memref<80xi32, #tpu.memory_space<vmem>>) semaphore(%arg24 : memref<!tpu.dma_semaphore, #tpu.memory_space<semaphore_mem>>) {add = true}
      %dma_wait3A_217 = arith.constant 0 : i32
      %dma_wait3A_218 = arith.constant 0 : i32
      %dma_wait3A_219 = tpu.memref_slice %arg2[%dma_wait3A_217, %dma_wait3A_218] : memref<10000x128xf32, #tpu.memory_space<hbm>> -> memref<10000x128xf32, #tpu.memory_space<hbm>>
      tpu.wait_indirect_dma semaphore(%arg21 : memref<!tpu.dma_semaphore, #tpu.memory_space<semaphore_mem>>) src(%dma_wait3A_219 : memref<10000x128xf32, #tpu.memory_space<hbm>>) dst(%arg16 : memref<80x128xf32, #tpu.memory_space<vmem>>)
      %dma_start3A_220 = arith.constant 0 : i32
      %dma_start3A_221 = arith.constant 0 : i32
      %dma_start3A_222 = tpu.memref_slice %arg19[%dma_start3A_220, %dma_start3A_221] : memref<10240x128xf32, #tpu.memory_space<vmem_shared>> -> memref<10240x128xf32, #tpu.memory_space<vmem_shared>>
      tpu.enqueue_indirect_dma source(%arg16 : memref<80x128xf32, #tpu.memory_space<vmem>>) target(%dma_start3A_222 : memref<10240x128xf32, #tpu.memory_space<vmem_shared>>) offsets(%arg12 : memref<80xi32, #tpu.memory_space<vmem>>) semaphore(%arg25 : memref<!tpu.dma_semaphore, #tpu.memory_space<semaphore_mem>>) {add = true}
      %dma_wait3A_223 = arith.constant 0 : i32
      %dma_wait3A_224 = arith.constant 0 : i32
      %dma_wait3A_225 = tpu.memref_slice %arg2[%dma_wait3A_223, %dma_wait3A_224] : memref<10000x128xf32, #tpu.memory_space<hbm>> -> memref<10000x128xf32, #tpu.memory_space<hbm>>
      tpu.wait_indirect_dma semaphore(%arg22 : memref<!tpu.dma_semaphore, #tpu.memory_space<semaphore_mem>>) src(%dma_wait3A_225 : memref<10000x128xf32, #tpu.memory_space<hbm>>) dst(%arg17 : memref<80x128xf32, #tpu.memory_space<vmem>>)
      %dma_start3A_226 = arith.constant 0 : i32
      %dma_start3A_227 = arith.constant 0 : i32
      %dma_start3A_228 = tpu.memref_slice %arg19[%dma_start3A_226, %dma_start3A_227] : memref<10240x128xf32, #tpu.memory_space<vmem_shared>> -> memref<10240x128xf32, #tpu.memory_space<vmem_shared>>
      tpu.enqueue_indirect_dma source(%arg17 : memref<80x128xf32, #tpu.memory_space<vmem>>) target(%dma_start3A_228 : memref<10240x128xf32, #tpu.memory_space<vmem_shared>>) offsets(%arg13 : memref<80xi32, #tpu.memory_space<vmem>>) semaphore(%arg26 : memref<!tpu.dma_semaphore, #tpu.memory_space<semaphore_mem>>) {add = true}
      %dma_wait3A_229 = arith.constant 0 : i32
      %dma_wait3A_230 = arith.constant 0 : i32
      %dma_wait3A_231 = tpu.memref_slice %arg2[%dma_wait3A_229, %dma_wait3A_230] : memref<10000x128xf32, #tpu.memory_space<hbm>> -> memref<10000x128xf32, #tpu.memory_space<hbm>>
      tpu.wait_indirect_dma semaphore(%arg23 : memref<!tpu.dma_semaphore, #tpu.memory_space<semaphore_mem>>) src(%dma_wait3A_231 : memref<10000x128xf32, #tpu.memory_space<hbm>>) dst(%arg18 : memref<80x128xf32, #tpu.memory_space<vmem>>)
      %dma_start3A_232 = arith.constant 0 : i32
      %dma_start3A_233 = arith.constant 0 : i32
      %dma_start3A_234 = tpu.memref_slice %arg19[%dma_start3A_232, %dma_start3A_233] : memref<10240x128xf32, #tpu.memory_space<vmem_shared>> -> memref<10240x128xf32, #tpu.memory_space<vmem_shared>>
      tpu.enqueue_indirect_dma source(%arg18 : memref<80x128xf32, #tpu.memory_space<vmem>>) target(%dma_start3A_234 : memref<10240x128xf32, #tpu.memory_space<vmem_shared>>) offsets(%arg14 : memref<80xi32, #tpu.memory_space<vmem>>) semaphore(%arg27 : memref<!tpu.dma_semaphore, #tpu.memory_space<semaphore_mem>>) {add = true}
    }
    %scan3A_9 = arith.constant 31 : i32
    %dma_wait3A = arith.constant 0 : i32
    %dma_wait3A_10 = arith.constant 0 : i32
    %dma_wait3A_11 = tpu.memref_slice %arg19[%dma_wait3A, %dma_wait3A_10] : memref<10240x128xf32, #tpu.memory_space<vmem_shared>> -> memref<10240x128xf32, #tpu.memory_space<vmem_shared>>
    tpu.wait_indirect_dma semaphore(%arg24 : memref<!tpu.dma_semaphore, #tpu.memory_space<semaphore_mem>>) src(%arg15 : memref<80x128xf32, #tpu.memory_space<vmem>>) dst(%dma_wait3A_11 : memref<10240x128xf32, #tpu.memory_space<vmem_shared>>)
    %add3A_12 = arith.constant 124 : i32
    %add3A_13 = arith.addi %mul3A_4, %add3A_12 : i32
    %dma_start3A = arith.constant 0 : i32
    %dma_start3A_14 = tpu.memref_slice %arg3[%add3A_13, %dma_start3A] : memref<4000x80xi32, #tpu.memory_space<hbm>> -> memref<1x80xi32, #tpu.memory_space<hbm>>
    %dma_start3A_15 = tpu.memref_squeeze %dma_start3A_14 : memref<1x80xi32, #tpu.memory_space<hbm>> -> memref<80xi32, #tpu.memory_space<hbm>>
    %dma_start3A_16 = arith.constant 0 : i32
    %dma_start3A_17 = tpu.memref_slice %arg3[%add3A_13, %dma_start3A_16] : memref<4000x80xi32, #tpu.memory_space<hbm>> -> memref<1x80xi32, #tpu.memory_space<hbm>>
    %dma_start3A_18 = tpu.memref_squeeze %dma_start3A_17 : memref<1x80xi32, #tpu.memory_space<hbm>> -> memref<80xi32, #tpu.memory_space<hbm>>
    tpu.enqueue_dma source(%dma_start3A_18 : memref<80xi32, #tpu.memory_space<hbm>>) target(%arg7 : memref<80xi32, #tpu.memory_space<vmem>>) target_semaphore(%arg28 : memref<!tpu.dma_semaphore, #tpu.memory_space<semaphore_mem>>)
    %add3A_19 = arith.constant 124 : i32
    %add3A_20 = arith.addi %mul3A_4, %add3A_19 : i32
    %dma_start3A_21 = arith.constant 0 : i32
    %dma_start3A_22 = tpu.memref_slice %arg4[%add3A_20, %dma_start3A_21] : memref<4000x80xi32, #tpu.memory_space<hbm>> -> memref<1x80xi32, #tpu.memory_space<hbm>>
    %dma_start3A_23 = tpu.memref_squeeze %dma_start3A_22 : memref<1x80xi32, #tpu.memory_space<hbm>> -> memref<80xi32, #tpu.memory_space<hbm>>
    %dma_start3A_24 = arith.constant 0 : i32
    %dma_start3A_25 = tpu.memref_slice %arg4[%add3A_20, %dma_start3A_24] : memref<4000x80xi32, #tpu.memory_space<hbm>> -> memref<1x80xi32, #tpu.memory_space<hbm>>
    %dma_start3A_26 = tpu.memref_squeeze %dma_start3A_25 : memref<1x80xi32, #tpu.memory_space<hbm>> -> memref<80xi32, #tpu.memory_space<hbm>>
    tpu.enqueue_dma source(%dma_start3A_26 : memref<80xi32, #tpu.memory_space<hbm>>) target(%arg11 : memref<80xi32, #tpu.memory_space<vmem>>) target_semaphore(%arg28 : memref<!tpu.dma_semaphore, #tpu.memory_space<semaphore_mem>>)
    %dma_wait3A_27 = arith.constant 0 : i32
    %dma_wait3A_28 = tpu.memref_slice %arg3[%add3A_13, %dma_wait3A_27] : memref<4000x80xi32, #tpu.memory_space<hbm>> -> memref<1x80xi32, #tpu.memory_space<hbm>>
    %dma_wait3A_29 = tpu.memref_squeeze %dma_wait3A_28 : memref<1x80xi32, #tpu.memory_space<hbm>> -> memref<80xi32, #tpu.memory_space<hbm>>
    %dma_wait3A_30 = arith.constant 0 : i32
    %dma_wait3A_31 = tpu.memref_slice %arg3[%add3A_13, %dma_wait3A_30] : memref<4000x80xi32, #tpu.memory_space<hbm>> -> memref<1x80xi32, #tpu.memory_space<hbm>>
    %dma_wait3A_32 = tpu.memref_squeeze %dma_wait3A_31 : memref<1x80xi32, #tpu.memory_space<hbm>> -> memref<80xi32, #tpu.memory_space<hbm>>
    tpu.wait_dma2 semaphore(%arg28 : memref<!tpu.dma_semaphore, #tpu.memory_space<semaphore_mem>>) src(%dma_wait3A_32 : memref<80xi32, #tpu.memory_space<hbm>>) dst(%arg7 : memref<80xi32, #tpu.memory_space<vmem>>)
    %dma_wait3A_33 = arith.constant 0 : i32
    %dma_wait3A_34 = tpu.memref_slice %arg4[%add3A_20, %dma_wait3A_33] : memref<4000x80xi32, #tpu.memory_space<hbm>> -> memref<1x80xi32, #tpu.memory_space<hbm>>
    %dma_wait3A_35 = tpu.memref_squeeze %dma_wait3A_34 : memref<1x80xi32, #tpu.memory_space<hbm>> -> memref<80xi32, #tpu.memory_space<hbm>>
    %dma_wait3A_36 = arith.constant 0 : i32
    %dma_wait3A_37 = tpu.memref_slice %arg4[%add3A_20, %dma_wait3A_36] : memref<4000x80xi32, #tpu.memory_space<hbm>> -> memref<1x80xi32, #tpu.memory_space<hbm>>
    %dma_wait3A_38 = tpu.memref_squeeze %dma_wait3A_37 : memref<1x80xi32, #tpu.memory_space<hbm>> -> memref<80xi32, #tpu.memory_space<hbm>>
    tpu.wait_dma2 semaphore(%arg28 : memref<!tpu.dma_semaphore, #tpu.memory_space<semaphore_mem>>) src(%dma_wait3A_38 : memref<80xi32, #tpu.memory_space<hbm>>) dst(%arg11 : memref<80xi32, #tpu.memory_space<vmem>>)
    %dma_start3A_39 = arith.constant 0 : i32
    %dma_start3A_40 = arith.constant 0 : i32
    %dma_start3A_41 = tpu.memref_slice %arg2[%dma_start3A_39, %dma_start3A_40] : memref<10000x128xf32, #tpu.memory_space<hbm>> -> memref<10000x128xf32, #tpu.memory_space<hbm>>
    tpu.enqueue_indirect_dma source(%dma_start3A_41 : memref<10000x128xf32, #tpu.memory_space<hbm>>) target(%arg15 : memref<80x128xf32, #tpu.memory_space<vmem>>) offsets(%arg7 : memref<80xi32, #tpu.memory_space<vmem>>) semaphore(%arg20 : memref<!tpu.dma_semaphore, #tpu.memory_space<semaphore_mem>>)
    %dma_wait3A_42 = arith.constant 0 : i32
    %dma_wait3A_43 = arith.constant 0 : i32
    %dma_wait3A_44 = tpu.memref_slice %arg2[%dma_wait3A_42, %dma_wait3A_43] : memref<10000x128xf32, #tpu.memory_space<hbm>> -> memref<10000x128xf32, #tpu.memory_space<hbm>>
    tpu.wait_indirect_dma semaphore(%arg20 : memref<!tpu.dma_semaphore, #tpu.memory_space<semaphore_mem>>) src(%dma_wait3A_44 : memref<10000x128xf32, #tpu.memory_space<hbm>>) dst(%arg15 : memref<80x128xf32, #tpu.memory_space<vmem>>)
    %dma_start3A_45 = arith.constant 0 : i32
    %dma_start3A_46 = arith.constant 0 : i32
    %dma_start3A_47 = tpu.memref_slice %arg19[%dma_start3A_45, %dma_start3A_46] : memref<10240x128xf32, #tpu.memory_space<vmem_shared>> -> memref<10240x128xf32, #tpu.memory_space<vmem_shared>>
    tpu.enqueue_indirect_dma source(%arg15 : memref<80x128xf32, #tpu.memory_space<vmem>>) target(%dma_start3A_47 : memref<10240x128xf32, #tpu.memory_space<vmem_shared>>) offsets(%arg11 : memref<80xi32, #tpu.memory_space<vmem>>) semaphore(%arg24 : memref<!tpu.dma_semaphore, #tpu.memory_space<semaphore_mem>>) {add = true}
    %dma_wait3A_48 = arith.constant 0 : i32
    %dma_wait3A_49 = arith.constant 0 : i32
    %dma_wait3A_50 = tpu.memref_slice %arg19[%dma_wait3A_48, %dma_wait3A_49] : memref<10240x128xf32, #tpu.memory_space<vmem_shared>> -> memref<10240x128xf32, #tpu.memory_space<vmem_shared>>
    tpu.wait_indirect_dma semaphore(%arg24 : memref<!tpu.dma_semaphore, #tpu.memory_space<semaphore_mem>>) src(%arg15 : memref<80x128xf32, #tpu.memory_space<vmem>>) dst(%dma_wait3A_50 : memref<10240x128xf32, #tpu.memory_space<vmem_shared>>)
    %dma_wait3A_51 = arith.constant 0 : i32
    %dma_wait3A_52 = arith.constant 0 : i32
    %dma_wait3A_53 = tpu.memref_slice %arg19[%dma_wait3A_51, %dma_wait3A_52] : memref<10240x128xf32, #tpu.memory_space<vmem_shared>> -> memref<10240x128xf32, #tpu.memory_space<vmem_shared>>
    tpu.wait_indirect_dma semaphore(%arg25 : memref<!tpu.dma_semaphore, #tpu.memory_space<semaphore_mem>>) src(%arg16 : memref<80x128xf32, #tpu.memory_space<vmem>>) dst(%dma_wait3A_53 : memref<10240x128xf32, #tpu.memory_space<vmem_shared>>)
    %dma_wait3A_54 = arith.constant 0 : i32
    %dma_wait3A_55 = arith.constant 0 : i32
    %dma_wait3A_56 = tpu.memref_slice %arg19[%dma_wait3A_54, %dma_wait3A_55] : memref<10240x128xf32, #tpu.memory_space<vmem_shared>> -> memref<10240x128xf32, #tpu.memory_space<vmem_shared>>
    tpu.wait_indirect_dma semaphore(%arg26 : memref<!tpu.dma_semaphore, #tpu.memory_space<semaphore_mem>>) src(%arg17 : memref<80x128xf32, #tpu.memory_space<vmem>>) dst(%dma_wait3A_56 : memref<10240x128xf32, #tpu.memory_space<vmem_shared>>)
    %dma_wait3A_57 = arith.constant 0 : i32
    %dma_wait3A_58 = arith.constant 0 : i32
    %dma_wait3A_59 = tpu.memref_slice %arg19[%dma_wait3A_57, %dma_wait3A_58] : memref<10240x128xf32, #tpu.memory_space<vmem_shared>> -> memref<10240x128xf32, #tpu.memory_space<vmem_shared>>
    tpu.wait_indirect_dma semaphore(%arg27 : memref<!tpu.dma_semaphore, #tpu.memory_space<semaphore_mem>>) src(%arg18 : memref<80x128xf32, #tpu.memory_space<vmem>>) dst(%dma_wait3A_59 : memref<10240x128xf32, #tpu.memory_space<vmem_shared>>)
    %barrier3A_60 = arith.constant 0 : index
    tpu.barrier barrier_id(%barrier3A_60)
    "tpu.region"() ({
      %run_scoped3A = tpu.sem_alloc : memref<!tpu.dma_semaphore, #tpu.memory_space<semaphore_mem>>
      %dma_start3A_61 = arith.constant 0 : i32
      %dma_start3A_62 = tpu.memref_slice %arg6[%arg0, %mul3A_0, %dma_start3A_61] : memref<2x10240x128xf32, #tpu.memory_space<hbm>> -> memref<1x640x128xf32, #tpu.memory_space<hbm>>
      %dma_start3A_63 = tpu.memref_squeeze %dma_start3A_62 : memref<1x640x128xf32, #tpu.memory_space<hbm>> -> memref<640x128xf32, #tpu.memory_space<hbm>>
      %dma_start3A_64 = arith.constant 0 : i32
      %dma_start3A_65 = tpu.memref_slice %arg19[%mul3A_0, %dma_start3A_64] : memref<10240x128xf32, #tpu.memory_space<vmem_shared>> -> memref<640x128xf32, #tpu.memory_space<vmem_shared>>
      tpu.enqueue_dma source(%dma_start3A_65 : memref<640x128xf32, #tpu.memory_space<vmem_shared>>) target(%dma_start3A_63 : memref<640x128xf32, #tpu.memory_space<hbm>>) target_semaphore(%run_scoped3A : memref<!tpu.dma_semaphore, #tpu.memory_space<semaphore_mem>>)
      %dma_wait3A_66 = arith.constant 0 : i32
      %dma_wait3A_67 = tpu.memref_slice %arg6[%arg0, %mul3A_0, %dma_wait3A_66] : memref<2x10240x128xf32, #tpu.memory_space<hbm>> -> memref<1x640x128xf32, #tpu.memory_space<hbm>>
      %dma_wait3A_68 = tpu.memref_squeeze %dma_wait3A_67 : memref<1x640x128xf32, #tpu.memory_space<hbm>> -> memref<640x128xf32, #tpu.memory_space<hbm>>
      %dma_wait3A_69 = arith.constant 0 : i32
      %dma_wait3A_70 = tpu.memref_slice %arg19[%mul3A_0, %dma_wait3A_69] : memref<10240x128xf32, #tpu.memory_space<vmem_shared>> -> memref<640x128xf32, #tpu.memory_space<vmem_shared>>
      tpu.wait_dma2 semaphore(%run_scoped3A : memref<!tpu.dma_semaphore, #tpu.memory_space<semaphore_mem>>) src(%dma_wait3A_70 : memref<640x128xf32, #tpu.memory_space<vmem_shared>>) dst(%dma_wait3A_68 : memref<640x128xf32, #tpu.memory_space<hbm>>)
      tpu.yield
    }) : () -> ()
    return
  }
}

#map = affine_map<(d0, d1) -> (0, 0)>
#map1 = affine_map<(d0, d1) -> (0, 0, 0)>
module attributes {stable_mosaic.version = 14 : i64} {
  func.func @seg(%arg0: i32, %arg1: i32, %arg2: memref<10000x128xf32, #tpu.memory_space<hbm>>, %arg3: memref<4000x80xi32, #tpu.memory_space<hbm>>, %arg4: memref<4000x80xi32, #tpu.memory_space<hbm>>, %arg5: memref<10240x128xf32, #tpu.memory_space<hbm>>, %arg6: memref<2x10240x128xf32, #tpu.memory_space<hbm>>, %arg7: memref<80xi32, #tpu.memory_space<vmem>>, %arg8: memref<80xi32, #tpu.memory_space<vmem>>, %arg9: memref<80xi32, #tpu.memory_space<vmem>>, %arg10: memref<80xi32, #tpu.memory_space<vmem>>, %arg11: memref<80xi32, #tpu.memory_space<vmem>>, %arg12: memref<80xi32, #tpu.memory_space<vmem>>, %arg13: memref<80xi32, #tpu.memory_space<vmem>>, %arg14: memref<80xi32, #tpu.memory_space<vmem>>, %arg15: memref<80x128xf32, #tpu.memory_space<vmem>>, %arg16: memref<80x128xf32, #tpu.memory_space<vmem>>, %arg17: memref<80x128xf32, #tpu.memory_space<vmem>>, %arg18: memref<80x128xf32, #tpu.memory_space<vmem>>, %arg19: memref<10240x128xf32, #tpu.memory_space<vmem_shared>>, %arg20: memref<!tpu.dma_semaphore, #tpu.memory_space<semaphore_mem>>, %arg21: memref<!tpu.dma_semaphore, #tpu.memory_space<semaphore_mem>>, %arg22: memref<!tpu.dma_semaphore, #tpu.memory_space<semaphore_mem>>, %arg23: memref<!tpu.dma_semaphore, #tpu.memory_space<semaphore_mem>>, %arg24: memref<!tpu.dma_semaphore, #tpu.memory_space<semaphore_mem>>, %arg25: memref<!tpu.dma_semaphore, #tpu.memory_space<semaphore_mem>>, %arg26: memref<!tpu.dma_semaphore, #tpu.memory_space<semaphore_mem>>, %arg27: memref<!tpu.dma_semaphore, #tpu.memory_space<semaphore_mem>>, %arg28: memref<!tpu.dma_semaphore, #tpu.memory_space<semaphore_mem>>, %arg29: memref<!tpu.dma_semaphore, #tpu.memory_space<semaphore_mem>>, %arg30: memref<!tpu.dma_semaphore, #tpu.memory_space<semaphore_mem>>, %arg31: memref<!tpu.dma_semaphore, #tpu.memory_space<semaphore_mem>>) attributes {dimension_semantics = [#tpu.dimension_semantics<core_parallel>, #tpu.dimension_semantics<subcore_parallel>], iteration_bounds = array<i64: 2, 16>, scalar_prefetch = 0 : i64, scratch_operands = 25 : i64, tpu.core_type = #tpu.core_type<sc_vector_subcore>, window_params = [{transform_indices = #map}, {transform_indices = #map}, {transform_indices = #map}, {transform_indices = #map}, {transform_indices = #map1}]} {
    %mul3A = arith.constant 640 : i32
    %mul3A_0 = arith.muli %arg1, %mul3A : i32
    "tpu.region"() ({
      %run_scoped3A = tpu.sem_alloc : memref<!tpu.dma_semaphore, #tpu.memory_space<semaphore_mem>>
      %dma_start3A_61 = arith.constant 0 : i32
      %dma_start3A_62 = tpu.memref_slice %arg19[%mul3A_0, %dma_start3A_61] : memref<10240x128xf32, #tpu.memory_space<vmem_shared>> -> memref<640x128xf32, #tpu.memory_space<vmem_shared>>
      %dma_start3A_63 = arith.constant 0 : i32
      %dma_start3A_64 = tpu.memref_slice %arg5[%mul3A_0, %dma_start3A_63] : memref<10240x128xf32, #tpu.memory_space<hbm>> -> memref<640x128xf32, #tpu.memory_space<hbm>>
      tpu.enqueue_dma source(%dma_start3A_64 : memref<640x128xf32, #tpu.memory_space<hbm>>) target(%dma_start3A_62 : memref<640x128xf32, #tpu.memory_space<vmem_shared>>) target_semaphore(%run_scoped3A : memref<!tpu.dma_semaphore, #tpu.memory_space<semaphore_mem>>)
      %dma_wait3A_65 = arith.constant 0 : i32
      %dma_wait3A_66 = tpu.memref_slice %arg19[%mul3A_0, %dma_wait3A_65] : memref<10240x128xf32, #tpu.memory_space<vmem_shared>> -> memref<640x128xf32, #tpu.memory_space<vmem_shared>>
      %dma_wait3A_67 = arith.constant 0 : i32
      %dma_wait3A_68 = tpu.memref_slice %arg5[%mul3A_0, %dma_wait3A_67] : memref<10240x128xf32, #tpu.memory_space<hbm>> -> memref<640x128xf32, #tpu.memory_space<hbm>>
      tpu.wait_dma2 semaphore(%run_scoped3A : memref<!tpu.dma_semaphore, #tpu.memory_space<semaphore_mem>>) src(%dma_wait3A_68 : memref<640x128xf32, #tpu.memory_space<hbm>>) dst(%dma_wait3A_66 : memref<640x128xf32, #tpu.memory_space<vmem_shared>>)
      tpu.yield
    }) : () -> ()
    %barrier3A = arith.constant 0 : index
    tpu.barrier barrier_id(%barrier3A)
    %mul3A_1 = arith.constant 16 : i32
    %mul3A_2 = arith.muli %arg0, %mul3A_1 : i32
    %add3A = arith.addi %mul3A_2, %arg1 : i32
    %mul3A_3 = arith.constant 125 : i32
    %mul3A_4 = arith.muli %add3A, %mul3A_3 : i32
    %scan3A = arith.constant 0 : i32
    %scan3A_5 = arith.constant 0 : i32
    %scan3A_6 = arith.constant 31 : i32
    %scan3A_7 = arith.addi %scan3A_5, %scan3A_6 : i32
    %scan3A_8 = arith.constant 1 : i32
    scf.for %scan3A_61 = %scan3A_5 to %scan3A_7 step %scan3A_8  : i32 {
      %gt3A = arith.constant 0 : i32
      %gt3A_62 = arith.cmpi sgt, %scan3A_61, %gt3A : i32
      %convert_element_type3A = arith.extui %gt3A_62 : i1 to i32
      %cond3A = arith.constant 0 : i32
      %cond3A_63 = arith.cmpi ne, %convert_element_type3A, %cond3A : i32
      scf.if %cond3A_63 {
        %dma_wait3A_235 = arith.constant 0 : i32
        %dma_wait3A_236 = arith.constant 0 : i32
        %dma_wait3A_237 = tpu.memref_slice %arg19[%dma_wait3A_235, %dma_wait3A_236] : memref<10240x128xf32, #tpu.memory_space<vmem_shared>> -> memref<10240x128xf32, #tpu.memory_space<vmem_shared>>
        tpu.wait_indirect_dma semaphore(%arg24 : memref<!tpu.dma_semaphore, #tpu.memory_space<semaphore_mem>>) src(%arg15 : memref<80x128xf32, #tpu.memory_space<vmem>>) dst(%dma_wait3A_237 : memref<10240x128xf32, #tpu.memory_space<vmem_shared>>)
      } else {
      }
      %mul3A_64 = arith.constant 4 : i32
      %mul3A_65 = arith.muli %scan3A_61, %mul3A_64 : i32
      %add3A_66 = arith.constant 0 : i32
      %add3A_67 = arith.addi %mul3A_65, %add3A_66 : i32
      %add3A_68 = arith.addi %mul3A_4, %add3A_67 : i32
      %dma_start3A_69 = arith.constant 0 : i32
      %dma_start3A_70 = tpu.memref_slice %arg3[%add3A_68, %dma_start3A_69] : memref<4000x80xi32, #tpu.memory_space<hbm>> -> memref<1x80xi32, #tpu.memory_space<hbm>>
      %dma_start3A_71 = tpu.memref_squeeze %dma_start3A_70 : memref<1x80xi32, #tpu.memory_space<hbm>> -> memref<80xi32, #tpu.memory_space<hbm>>
      %dma_start3A_72 = arith.constant 0 : i32
      %dma_start3A_73 = tpu.memref_slice %arg3[%add3A_68, %dma_start3A_72] : memref<4000x80xi32, #tpu.memory_space<hbm>> -> memref<1x80xi32, #tpu.memory_space<hbm>>
      %dma_start3A_74 = tpu.memref_squeeze %dma_start3A_73 : memref<1x80xi32, #tpu.memory_space<hbm>> -> memref<80xi32, #tpu.memory_space<hbm>>
      tpu.enqueue_dma source(%dma_start3A_74 : memref<80xi32, #tpu.memory_space<hbm>>) target(%arg7 : memref<80xi32, #tpu.memory_space<vmem>>) target_semaphore(%arg28 : memref<!tpu.dma_semaphore, #tpu.memory_space<semaphore_mem>>)
      %add3A_75 = arith.addi %mul3A_4, %add3A_67 : i32
      %dma_start3A_76 = arith.constant 0 : i32
      %dma_start3A_77 = tpu.memref_slice %arg4[%add3A_75, %dma_start3A_76] : memref<4000x80xi32, #tpu.memory_space<hbm>> -> memref<1x80xi32, #tpu.memory_space<hbm>>
      %dma_start3A_78 = tpu.memref_squeeze %dma_start3A_77 : memref<1x80xi32, #tpu.memory_space<hbm>> -> memref<80xi32, #tpu.memory_space<hbm>>
      %dma_start3A_79 = arith.constant 0 : i32
      %dma_start3A_80 = tpu.memref_slice %arg4[%add3A_75, %dma_start3A_79] : memref<4000x80xi32, #tpu.memory_space<hbm>> -> memref<1x80xi32, #tpu.memory_space<hbm>>
      %dma_start3A_81 = tpu.memref_squeeze %dma_start3A_80 : memref<1x80xi32, #tpu.memory_space<hbm>> -> memref<80xi32, #tpu.memory_space<hbm>>
      tpu.enqueue_dma source(%dma_start3A_81 : memref<80xi32, #tpu.memory_space<hbm>>) target(%arg11 : memref<80xi32, #tpu.memory_space<vmem>>) target_semaphore(%arg28 : memref<!tpu.dma_semaphore, #tpu.memory_space<semaphore_mem>>)
      %gt3A_82 = arith.constant 0 : i32
      %gt3A_83 = arith.cmpi sgt, %scan3A_61, %gt3A_82 : i32
      %convert_element_type3A_84 = arith.extui %gt3A_83 : i1 to i32
      %cond3A_85 = arith.constant 0 : i32
      %cond3A_86 = arith.cmpi ne, %convert_element_type3A_84, %cond3A_85 : i32
      scf.if %cond3A_86 {
        %dma_wait3A_235 = arith.constant 0 : i32
        %dma_wait3A_236 = arith.constant 0 : i32
        %dma_wait3A_237 = tpu.memref_slice %arg19[%dma_wait3A_235, %dma_wait3A_236] : memref<10240x128xf32, #tpu.memory_space<vmem_shared>> -> memref<10240x128xf32, #tpu.memory_space<vmem_shared>>
        tpu.wait_indirect_dma semaphore(%arg25 : memref<!tpu.dma_semaphore, #tpu.memory_space<semaphore_mem>>) src(%arg16 : memref<80x128xf32, #tpu.memory_space<vmem>>) dst(%dma_wait3A_237 : memref<10240x128xf32, #tpu.memory_space<vmem_shared>>)
      } else {
      }
      %mul3A_87 = arith.constant 4 : i32
      %mul3A_88 = arith.muli %scan3A_61, %mul3A_87 : i32
      %add3A_89 = arith.constant 1 : i32
      %add3A_90 = arith.addi %mul3A_88, %add3A_89 : i32
      %add3A_91 = arith.addi %mul3A_4, %add3A_90 : i32
      %dma_start3A_92 = arith.constant 0 : i32
      %dma_start3A_93 = tpu.memref_slice %arg3[%add3A_91, %dma_start3A_92] : memref<4000x80xi32, #tpu.memory_space<hbm>> -> memref<1x80xi32, #tpu.memory_space<hbm>>
      %dma_start3A_94 = tpu.memref_squeeze %dma_start3A_93 : memref<1x80xi32, #tpu.memory_space<hbm>> -> memref<80xi32, #tpu.memory_space<hbm>>
      %dma_start3A_95 = arith.constant 0 : i32
      %dma_start3A_96 = tpu.memref_slice %arg3[%add3A_91, %dma_start3A_95] : memref<4000x80xi32, #tpu.memory_space<hbm>> -> memref<1x80xi32, #tpu.memory_space<hbm>>
      %dma_start3A_97 = tpu.memref_squeeze %dma_start3A_96 : memref<1x80xi32, #tpu.memory_space<hbm>> -> memref<80xi32, #tpu.memory_space<hbm>>
      tpu.enqueue_dma source(%dma_start3A_97 : memref<80xi32, #tpu.memory_space<hbm>>) target(%arg8 : memref<80xi32, #tpu.memory_space<vmem>>) target_semaphore(%arg29 : memref<!tpu.dma_semaphore, #tpu.memory_space<semaphore_mem>>)
      %add3A_98 = arith.addi %mul3A_4, %add3A_90 : i32
      %dma_start3A_99 = arith.constant 0 : i32
      %dma_start3A_100 = tpu.memref_slice %arg4[%add3A_98, %dma_start3A_99] : memref<4000x80xi32, #tpu.memory_space<hbm>> -> memref<1x80xi32, #tpu.memory_space<hbm>>
      %dma_start3A_101 = tpu.memref_squeeze %dma_start3A_100 : memref<1x80xi32, #tpu.memory_space<hbm>> -> memref<80xi32, #tpu.memory_space<hbm>>
      %dma_start3A_102 = arith.constant 0 : i32
      %dma_start3A_103 = tpu.memref_slice %arg4[%add3A_98, %dma_start3A_102] : memref<4000x80xi32, #tpu.memory_space<hbm>> -> memref<1x80xi32, #tpu.memory_space<hbm>>
      %dma_start3A_104 = tpu.memref_squeeze %dma_start3A_103 : memref<1x80xi32, #tpu.memory_space<hbm>> -> memref<80xi32, #tpu.memory_space<hbm>>
      tpu.enqueue_dma source(%dma_start3A_104 : memref<80xi32, #tpu.memory_space<hbm>>) target(%arg12 : memref<80xi32, #tpu.memory_space<vmem>>) target_semaphore(%arg29 : memref<!tpu.dma_semaphore, #tpu.memory_space<semaphore_mem>>)
      %gt3A_105 = arith.constant 0 : i32
      %gt3A_106 = arith.cmpi sgt, %scan3A_61, %gt3A_105 : i32
      %convert_element_type3A_107 = arith.extui %gt3A_106 : i1 to i32
      %cond3A_108 = arith.constant 0 : i32
      %cond3A_109 = arith.cmpi ne, %convert_element_type3A_107, %cond3A_108 : i32
      scf.if %cond3A_109 {
        %dma_wait3A_235 = arith.constant 0 : i32
        %dma_wait3A_236 = arith.constant 0 : i32
        %dma_wait3A_237 = tpu.memref_slice %arg19[%dma_wait3A_235, %dma_wait3A_236] : memref<10240x128xf32, #tpu.memory_space<vmem_shared>> -> memref<10240x128xf32, #tpu.memory_space<vmem_shared>>
        tpu.wait_indirect_dma semaphore(%arg26 : memref<!tpu.dma_semaphore, #tpu.memory_space<semaphore_mem>>) src(%arg17 : memref<80x128xf32, #tpu.memory_space<vmem>>) dst(%dma_wait3A_237 : memref<10240x128xf32, #tpu.memory_space<vmem_shared>>)
      } else {
      }
      %mul3A_110 = arith.constant 4 : i32
      %mul3A_111 = arith.muli %scan3A_61, %mul3A_110 : i32
      %add3A_112 = arith.constant 2 : i32
      %add3A_113 = arith.addi %mul3A_111, %add3A_112 : i32
      %add3A_114 = arith.addi %mul3A_4, %add3A_113 : i32
      %dma_start3A_115 = arith.constant 0 : i32
      %dma_start3A_116 = tpu.memref_slice %arg3[%add3A_114, %dma_start3A_115] : memref<4000x80xi32, #tpu.memory_space<hbm>> -> memref<1x80xi32, #tpu.memory_space<hbm>>
      %dma_start3A_117 = tpu.memref_squeeze %dma_start3A_116 : memref<1x80xi32, #tpu.memory_space<hbm>> -> memref<80xi32, #tpu.memory_space<hbm>>
      %dma_start3A_118 = arith.constant 0 : i32
      %dma_start3A_119 = tpu.memref_slice %arg3[%add3A_114, %dma_start3A_118] : memref<4000x80xi32, #tpu.memory_space<hbm>> -> memref<1x80xi32, #tpu.memory_space<hbm>>
      %dma_start3A_120 = tpu.memref_squeeze %dma_start3A_119 : memref<1x80xi32, #tpu.memory_space<hbm>> -> memref<80xi32, #tpu.memory_space<hbm>>
      tpu.enqueue_dma source(%dma_start3A_120 : memref<80xi32, #tpu.memory_space<hbm>>) target(%arg9 : memref<80xi32, #tpu.memory_space<vmem>>) target_semaphore(%arg30 : memref<!tpu.dma_semaphore, #tpu.memory_space<semaphore_mem>>)
      %add3A_121 = arith.addi %mul3A_4, %add3A_113 : i32
      %dma_start3A_122 = arith.constant 0 : i32
      %dma_start3A_123 = tpu.memref_slice %arg4[%add3A_121, %dma_start3A_122] : memref<4000x80xi32, #tpu.memory_space<hbm>> -> memref<1x80xi32, #tpu.memory_space<hbm>>
      %dma_start3A_124 = tpu.memref_squeeze %dma_start3A_123 : memref<1x80xi32, #tpu.memory_space<hbm>> -> memref<80xi32, #tpu.memory_space<hbm>>
      %dma_start3A_125 = arith.constant 0 : i32
      %dma_start3A_126 = tpu.memref_slice %arg4[%add3A_121, %dma_start3A_125] : memref<4000x80xi32, #tpu.memory_space<hbm>> -> memref<1x80xi32, #tpu.memory_space<hbm>>
      %dma_start3A_127 = tpu.memref_squeeze %dma_start3A_126 : memref<1x80xi32, #tpu.memory_space<hbm>> -> memref<80xi32, #tpu.memory_space<hbm>>
      tpu.enqueue_dma source(%dma_start3A_127 : memref<80xi32, #tpu.memory_space<hbm>>) target(%arg13 : memref<80xi32, #tpu.memory_space<vmem>>) target_semaphore(%arg30 : memref<!tpu.dma_semaphore, #tpu.memory_space<semaphore_mem>>)
      %gt3A_128 = arith.constant 0 : i32
      %gt3A_129 = arith.cmpi sgt, %scan3A_61, %gt3A_128 : i32
      %convert_element_type3A_130 = arith.extui %gt3A_129 : i1 to i32
      %cond3A_131 = arith.constant 0 : i32
      %cond3A_132 = arith.cmpi ne, %convert_element_type3A_130, %cond3A_131 : i32
      scf.if %cond3A_132 {
        %dma_wait3A_235 = arith.constant 0 : i32
        %dma_wait3A_236 = arith.constant 0 : i32
        %dma_wait3A_237 = tpu.memref_slice %arg19[%dma_wait3A_235, %dma_wait3A_236] : memref<10240x128xf32, #tpu.memory_space<vmem_shared>> -> memref<10240x128xf32, #tpu.memory_space<vmem_shared>>
        tpu.wait_indirect_dma semaphore(%arg27 : memref<!tpu.dma_semaphore, #tpu.memory_space<semaphore_mem>>) src(%arg18 : memref<80x128xf32, #tpu.memory_space<vmem>>) dst(%dma_wait3A_237 : memref<10240x128xf32, #tpu.memory_space<vmem_shared>>)
      } else {
      }
      %mul3A_133 = arith.constant 4 : i32
      %mul3A_134 = arith.muli %scan3A_61, %mul3A_133 : i32
      %add3A_135 = arith.constant 3 : i32
      %add3A_136 = arith.addi %mul3A_134, %add3A_135 : i32
      %add3A_137 = arith.addi %mul3A_4, %add3A_136 : i32
      %dma_start3A_138 = arith.constant 0 : i32
      %dma_start3A_139 = tpu.memref_slice %arg3[%add3A_137, %dma_start3A_138] : memref<4000x80xi32, #tpu.memory_space<hbm>> -> memref<1x80xi32, #tpu.memory_space<hbm>>
      %dma_start3A_140 = tpu.memref_squeeze %dma_start3A_139 : memref<1x80xi32, #tpu.memory_space<hbm>> -> memref<80xi32, #tpu.memory_space<hbm>>
      %dma_start3A_141 = arith.constant 0 : i32
      %dma_start3A_142 = tpu.memref_slice %arg3[%add3A_137, %dma_start3A_141] : memref<4000x80xi32, #tpu.memory_space<hbm>> -> memref<1x80xi32, #tpu.memory_space<hbm>>
      %dma_start3A_143 = tpu.memref_squeeze %dma_start3A_142 : memref<1x80xi32, #tpu.memory_space<hbm>> -> memref<80xi32, #tpu.memory_space<hbm>>
      tpu.enqueue_dma source(%dma_start3A_143 : memref<80xi32, #tpu.memory_space<hbm>>) target(%arg10 : memref<80xi32, #tpu.memory_space<vmem>>) target_semaphore(%arg31 : memref<!tpu.dma_semaphore, #tpu.memory_space<semaphore_mem>>)
      %add3A_144 = arith.addi %mul3A_4, %add3A_136 : i32
      %dma_start3A_145 = arith.constant 0 : i32
      %dma_start3A_146 = tpu.memref_slice %arg4[%add3A_144, %dma_start3A_145] : memref<4000x80xi32, #tpu.memory_space<hbm>> -> memref<1x80xi32, #tpu.memory_space<hbm>>
      %dma_start3A_147 = tpu.memref_squeeze %dma_start3A_146 : memref<1x80xi32, #tpu.memory_space<hbm>> -> memref<80xi32, #tpu.memory_space<hbm>>
      %dma_start3A_148 = arith.constant 0 : i32
      %dma_start3A_149 = tpu.memref_slice %arg4[%add3A_144, %dma_start3A_148] : memref<4000x80xi32, #tpu.memory_space<hbm>> -> memref<1x80xi32, #tpu.memory_space<hbm>>
      %dma_start3A_150 = tpu.memref_squeeze %dma_start3A_149 : memref<1x80xi32, #tpu.memory_space<hbm>> -> memref<80xi32, #tpu.memory_space<hbm>>
      tpu.enqueue_dma source(%dma_start3A_150 : memref<80xi32, #tpu.memory_space<hbm>>) target(%arg14 : memref<80xi32, #tpu.memory_space<vmem>>) target_semaphore(%arg31 : memref<!tpu.dma_semaphore, #tpu.memory_space<semaphore_mem>>)
      %dma_wait3A_151 = arith.constant 0 : i32
      %dma_wait3A_152 = tpu.memref_slice %arg3[%add3A_68, %dma_wait3A_151] : memref<4000x80xi32, #tpu.memory_space<hbm>> -> memref<1x80xi32, #tpu.memory_space<hbm>>
      %dma_wait3A_153 = tpu.memref_squeeze %dma_wait3A_152 : memref<1x80xi32, #tpu.memory_space<hbm>> -> memref<80xi32, #tpu.memory_space<hbm>>
      %dma_wait3A_154 = arith.constant 0 : i32
      %dma_wait3A_155 = tpu.memref_slice %arg3[%add3A_68, %dma_wait3A_154] : memref<4000x80xi32, #tpu.memory_space<hbm>> -> memref<1x80xi32, #tpu.memory_space<hbm>>
      %dma_wait3A_156 = tpu.memref_squeeze %dma_wait3A_155 : memref<1x80xi32, #tpu.memory_space<hbm>> -> memref<80xi32, #tpu.memory_space<hbm>>
      tpu.wait_dma2 semaphore(%arg28 : memref<!tpu.dma_semaphore, #tpu.memory_space<semaphore_mem>>) src(%dma_wait3A_156 : memref<80xi32, #tpu.memory_space<hbm>>) dst(%arg7 : memref<80xi32, #tpu.memory_space<vmem>>)
      %dma_wait3A_157 = arith.constant 0 : i32
      %dma_wait3A_158 = tpu.memref_slice %arg4[%add3A_75, %dma_wait3A_157] : memref<4000x80xi32, #tpu.memory_space<hbm>> -> memref<1x80xi32, #tpu.memory_space<hbm>>
      %dma_wait3A_159 = tpu.memref_squeeze %dma_wait3A_158 : memref<1x80xi32, #tpu.memory_space<hbm>> -> memref<80xi32, #tpu.memory_space<hbm>>
      %dma_wait3A_160 = arith.constant 0 : i32
      %dma_wait3A_161 = tpu.memref_slice %arg4[%add3A_75, %dma_wait3A_160] : memref<4000x80xi32, #tpu.memory_space<hbm>> -> memref<1x80xi32, #tpu.memory_space<hbm>>
      %dma_wait3A_162 = tpu.memref_squeeze %dma_wait3A_161 : memref<1x80xi32, #tpu.memory_space<hbm>> -> memref<80xi32, #tpu.memory_space<hbm>>
      tpu.wait_dma2 semaphore(%arg28 : memref<!tpu.dma_semaphore, #tpu.memory_space<semaphore_mem>>) src(%dma_wait3A_162 : memref<80xi32, #tpu.memory_space<hbm>>) dst(%arg11 : memref<80xi32, #tpu.memory_space<vmem>>)
      %dma_start3A_163 = arith.constant 0 : i32
      %dma_start3A_164 = arith.constant 0 : i32
      %dma_start3A_165 = tpu.memref_slice %arg2[%dma_start3A_163, %dma_start3A_164] : memref<10000x128xf32, #tpu.memory_space<hbm>> -> memref<10000x128xf32, #tpu.memory_space<hbm>>
      tpu.enqueue_indirect_dma source(%dma_start3A_165 : memref<10000x128xf32, #tpu.memory_space<hbm>>) target(%arg15 : memref<80x128xf32, #tpu.memory_space<vmem>>) offsets(%arg7 : memref<80xi32, #tpu.memory_space<vmem>>) semaphore(%arg20 : memref<!tpu.dma_semaphore, #tpu.memory_space<semaphore_mem>>)
      %dma_wait3A_166 = arith.constant 0 : i32
      %dma_wait3A_167 = tpu.memref_slice %arg3[%add3A_91, %dma_wait3A_166] : memref<4000x80xi32, #tpu.memory_space<hbm>> -> memref<1x80xi32, #tpu.memory_space<hbm>>
      %dma_wait3A_168 = tpu.memref_squeeze %dma_wait3A_167 : memref<1x80xi32, #tpu.memory_space<hbm>> -> memref<80xi32, #tpu.memory_space<hbm>>
      %dma_wait3A_169 = arith.constant 0 : i32
      %dma_wait3A_170 = tpu.memref_slice %arg3[%add3A_91, %dma_wait3A_169] : memref<4000x80xi32, #tpu.memory_space<hbm>> -> memref<1x80xi32, #tpu.memory_space<hbm>>
      %dma_wait3A_171 = tpu.memref_squeeze %dma_wait3A_170 : memref<1x80xi32, #tpu.memory_space<hbm>> -> memref<80xi32, #tpu.memory_space<hbm>>
      tpu.wait_dma2 semaphore(%arg29 : memref<!tpu.dma_semaphore, #tpu.memory_space<semaphore_mem>>) src(%dma_wait3A_171 : memref<80xi32, #tpu.memory_space<hbm>>) dst(%arg8 : memref<80xi32, #tpu.memory_space<vmem>>)
      %dma_wait3A_172 = arith.constant 0 : i32
      %dma_wait3A_173 = tpu.memref_slice %arg4[%add3A_98, %dma_wait3A_172] : memref<4000x80xi32, #tpu.memory_space<hbm>> -> memref<1x80xi32, #tpu.memory_space<hbm>>
      %dma_wait3A_174 = tpu.memref_squeeze %dma_wait3A_173 : memref<1x80xi32, #tpu.memory_space<hbm>> -> memref<80xi32, #tpu.memory_space<hbm>>
      %dma_wait3A_175 = arith.constant 0 : i32
      %dma_wait3A_176 = tpu.memref_slice %arg4[%add3A_98, %dma_wait3A_175] : memref<4000x80xi32, #tpu.memory_space<hbm>> -> memref<1x80xi32, #tpu.memory_space<hbm>>
      %dma_wait3A_177 = tpu.memref_squeeze %dma_wait3A_176 : memref<1x80xi32, #tpu.memory_space<hbm>> -> memref<80xi32, #tpu.memory_space<hbm>>
      tpu.wait_dma2 semaphore(%arg29 : memref<!tpu.dma_semaphore, #tpu.memory_space<semaphore_mem>>) src(%dma_wait3A_177 : memref<80xi32, #tpu.memory_space<hbm>>) dst(%arg12 : memref<80xi32, #tpu.memory_space<vmem>>)
      %dma_start3A_178 = arith.constant 0 : i32
      %dma_start3A_179 = arith.constant 0 : i32
      %dma_start3A_180 = tpu.memref_slice %arg2[%dma_start3A_178, %dma_start3A_179] : memref<10000x128xf32, #tpu.memory_space<hbm>> -> memref<10000x128xf32, #tpu.memory_space<hbm>>
      tpu.enqueue_indirect_dma source(%dma_start3A_180 : memref<10000x128xf32, #tpu.memory_space<hbm>>) target(%arg16 : memref<80x128xf32, #tpu.memory_space<vmem>>) offsets(%arg8 : memref<80xi32, #tpu.memory_space<vmem>>) semaphore(%arg21 : memref<!tpu.dma_semaphore, #tpu.memory_space<semaphore_mem>>)
      %dma_wait3A_181 = arith.constant 0 : i32
      %dma_wait3A_182 = tpu.memref_slice %arg3[%add3A_114, %dma_wait3A_181] : memref<4000x80xi32, #tpu.memory_space<hbm>> -> memref<1x80xi32, #tpu.memory_space<hbm>>
      %dma_wait3A_183 = tpu.memref_squeeze %dma_wait3A_182 : memref<1x80xi32, #tpu.memory_space<hbm>> -> memref<80xi32, #tpu.memory_space<hbm>>
      %dma_wait3A_184 = arith.constant 0 : i32
      %dma_wait3A_185 = tpu.memref_slice %arg3[%add3A_114, %dma_wait3A_184] : memref<4000x80xi32, #tpu.memory_space<hbm>> -> memref<1x80xi32, #tpu.memory_space<hbm>>
      %dma_wait3A_186 = tpu.memref_squeeze %dma_wait3A_185 : memref<1x80xi32, #tpu.memory_space<hbm>> -> memref<80xi32, #tpu.memory_space<hbm>>
      tpu.wait_dma2 semaphore(%arg30 : memref<!tpu.dma_semaphore, #tpu.memory_space<semaphore_mem>>) src(%dma_wait3A_186 : memref<80xi32, #tpu.memory_space<hbm>>) dst(%arg9 : memref<80xi32, #tpu.memory_space<vmem>>)
      %dma_wait3A_187 = arith.constant 0 : i32
      %dma_wait3A_188 = tpu.memref_slice %arg4[%add3A_121, %dma_wait3A_187] : memref<4000x80xi32, #tpu.memory_space<hbm>> -> memref<1x80xi32, #tpu.memory_space<hbm>>
      %dma_wait3A_189 = tpu.memref_squeeze %dma_wait3A_188 : memref<1x80xi32, #tpu.memory_space<hbm>> -> memref<80xi32, #tpu.memory_space<hbm>>
      %dma_wait3A_190 = arith.constant 0 : i32
      %dma_wait3A_191 = tpu.memref_slice %arg4[%add3A_121, %dma_wait3A_190] : memref<4000x80xi32, #tpu.memory_space<hbm>> -> memref<1x80xi32, #tpu.memory_space<hbm>>
      %dma_wait3A_192 = tpu.memref_squeeze %dma_wait3A_191 : memref<1x80xi32, #tpu.memory_space<hbm>> -> memref<80xi32, #tpu.memory_space<hbm>>
      tpu.wait_dma2 semaphore(%arg30 : memref<!tpu.dma_semaphore, #tpu.memory_space<semaphore_mem>>) src(%dma_wait3A_192 : memref<80xi32, #tpu.memory_space<hbm>>) dst(%arg13 : memref<80xi32, #tpu.memory_space<vmem>>)
      %dma_start3A_193 = arith.constant 0 : i32
      %dma_start3A_194 = arith.constant 0 : i32
      %dma_start3A_195 = tpu.memref_slice %arg2[%dma_start3A_193, %dma_start3A_194] : memref<10000x128xf32, #tpu.memory_space<hbm>> -> memref<10000x128xf32, #tpu.memory_space<hbm>>
      tpu.enqueue_indirect_dma source(%dma_start3A_195 : memref<10000x128xf32, #tpu.memory_space<hbm>>) target(%arg17 : memref<80x128xf32, #tpu.memory_space<vmem>>) offsets(%arg9 : memref<80xi32, #tpu.memory_space<vmem>>) semaphore(%arg22 : memref<!tpu.dma_semaphore, #tpu.memory_space<semaphore_mem>>)
      %dma_wait3A_196 = arith.constant 0 : i32
      %dma_wait3A_197 = tpu.memref_slice %arg3[%add3A_137, %dma_wait3A_196] : memref<4000x80xi32, #tpu.memory_space<hbm>> -> memref<1x80xi32, #tpu.memory_space<hbm>>
      %dma_wait3A_198 = tpu.memref_squeeze %dma_wait3A_197 : memref<1x80xi32, #tpu.memory_space<hbm>> -> memref<80xi32, #tpu.memory_space<hbm>>
      %dma_wait3A_199 = arith.constant 0 : i32
      %dma_wait3A_200 = tpu.memref_slice %arg3[%add3A_137, %dma_wait3A_199] : memref<4000x80xi32, #tpu.memory_space<hbm>> -> memref<1x80xi32, #tpu.memory_space<hbm>>
      %dma_wait3A_201 = tpu.memref_squeeze %dma_wait3A_200 : memref<1x80xi32, #tpu.memory_space<hbm>> -> memref<80xi32, #tpu.memory_space<hbm>>
      tpu.wait_dma2 semaphore(%arg31 : memref<!tpu.dma_semaphore, #tpu.memory_space<semaphore_mem>>) src(%dma_wait3A_201 : memref<80xi32, #tpu.memory_space<hbm>>) dst(%arg10 : memref<80xi32, #tpu.memory_space<vmem>>)
      %dma_wait3A_202 = arith.constant 0 : i32
      %dma_wait3A_203 = tpu.memref_slice %arg4[%add3A_144, %dma_wait3A_202] : memref<4000x80xi32, #tpu.memory_space<hbm>> -> memref<1x80xi32, #tpu.memory_space<hbm>>
      %dma_wait3A_204 = tpu.memref_squeeze %dma_wait3A_203 : memref<1x80xi32, #tpu.memory_space<hbm>> -> memref<80xi32, #tpu.memory_space<hbm>>
      %dma_wait3A_205 = arith.constant 0 : i32
      %dma_wait3A_206 = tpu.memref_slice %arg4[%add3A_144, %dma_wait3A_205] : memref<4000x80xi32, #tpu.memory_space<hbm>> -> memref<1x80xi32, #tpu.memory_space<hbm>>
      %dma_wait3A_207 = tpu.memref_squeeze %dma_wait3A_206 : memref<1x80xi32, #tpu.memory_space<hbm>> -> memref<80xi32, #tpu.memory_space<hbm>>
      tpu.wait_dma2 semaphore(%arg31 : memref<!tpu.dma_semaphore, #tpu.memory_space<semaphore_mem>>) src(%dma_wait3A_207 : memref<80xi32, #tpu.memory_space<hbm>>) dst(%arg14 : memref<80xi32, #tpu.memory_space<vmem>>)
      %dma_start3A_208 = arith.constant 0 : i32
      %dma_start3A_209 = arith.constant 0 : i32
      %dma_start3A_210 = tpu.memref_slice %arg2[%dma_start3A_208, %dma_start3A_209] : memref<10000x128xf32, #tpu.memory_space<hbm>> -> memref<10000x128xf32, #tpu.memory_space<hbm>>
      tpu.enqueue_indirect_dma source(%dma_start3A_210 : memref<10000x128xf32, #tpu.memory_space<hbm>>) target(%arg18 : memref<80x128xf32, #tpu.memory_space<vmem>>) offsets(%arg10 : memref<80xi32, #tpu.memory_space<vmem>>) semaphore(%arg23 : memref<!tpu.dma_semaphore, #tpu.memory_space<semaphore_mem>>)
      %dma_wait3A_211 = arith.constant 0 : i32
      %dma_wait3A_212 = arith.constant 0 : i32
      %dma_wait3A_213 = tpu.memref_slice %arg2[%dma_wait3A_211, %dma_wait3A_212] : memref<10000x128xf32, #tpu.memory_space<hbm>> -> memref<10000x128xf32, #tpu.memory_space<hbm>>
      tpu.wait_indirect_dma semaphore(%arg20 : memref<!tpu.dma_semaphore, #tpu.memory_space<semaphore_mem>>) src(%dma_wait3A_213 : memref<10000x128xf32, #tpu.memory_space<hbm>>) dst(%arg15 : memref<80x128xf32, #tpu.memory_space<vmem>>)
      %dma_start3A_214 = arith.constant 0 : i32
      %dma_start3A_215 = arith.constant 0 : i32
      %dma_start3A_216 = tpu.memref_slice %arg19[%dma_start3A_214, %dma_start3A_215] : memref<10240x128xf32, #tpu.memory_space<vmem_shared>> -> memref<10240x128xf32, #tpu.memory_space<vmem_shared>>
      tpu.enqueue_indirect_dma source(%arg15 : memref<80x128xf32, #tpu.memory_space<vmem>>) target(%dma_start3A_216 : memref<10240x128xf32, #tpu.memory_space<vmem_shared>>) offsets(%arg11 : memref<80xi32, #tpu.memory_space<vmem>>) semaphore(%arg24 : memref<!tpu.dma_semaphore, #tpu.memory_space<semaphore_mem>>) {add = true}
      %dma_wait3A_217 = arith.constant 0 : i32
      %dma_wait3A_218 = arith.constant 0 : i32
      %dma_wait3A_219 = tpu.memref_slice %arg2[%dma_wait3A_217, %dma_wait3A_218] : memref<10000x128xf32, #tpu.memory_space<hbm>> -> memref<10000x128xf32, #tpu.memory_space<hbm>>
      tpu.wait_indirect_dma semaphore(%arg21 : memref<!tpu.dma_semaphore, #tpu.memory_space<semaphore_mem>>) src(%dma_wait3A_219 : memref<10000x128xf32, #tpu.memory_space<hbm>>) dst(%arg16 : memref<80x128xf32, #tpu.memory_space<vmem>>)
      %dma_start3A_220 = arith.constant 0 : i32
      %dma_start3A_221 = arith.constant 0 : i32
      %dma_start3A_222 = tpu.memref_slice %arg19[%dma_start3A_220, %dma_start3A_221] : memref<10240x128xf32, #tpu.memory_space<vmem_shared>> -> memref<10240x128xf32, #tpu.memory_space<vmem_shared>>
      tpu.enqueue_indirect_dma source(%arg16 : memref<80x128xf32, #tpu.memory_space<vmem>>) target(%dma_start3A_222 : memref<10240x128xf32, #tpu.memory_space<vmem_shared>>) offsets(%arg12 : memref<80xi32, #tpu.memory_space<vmem>>) semaphore(%arg25 : memref<!tpu.dma_semaphore, #tpu.memory_space<semaphore_mem>>) {add = true}
      %dma_wait3A_223 = arith.constant 0 : i32
      %dma_wait3A_224 = arith.constant 0 : i32
      %dma_wait3A_225 = tpu.memref_slice %arg2[%dma_wait3A_223, %dma_wait3A_224] : memref<10000x128xf32, #tpu.memory_space<hbm>> -> memref<10000x128xf32, #tpu.memory_space<hbm>>
      tpu.wait_indirect_dma semaphore(%arg22 : memref<!tpu.dma_semaphore, #tpu.memory_space<semaphore_mem>>) src(%dma_wait3A_225 : memref<10000x128xf32, #tpu.memory_space<hbm>>) dst(%arg17 : memref<80x128xf32, #tpu.memory_space<vmem>>)
      %dma_start3A_226 = arith.constant 0 : i32
      %dma_start3A_227 = arith.constant 0 : i32
      %dma_start3A_228 = tpu.memref_slice %arg19[%dma_start3A_226, %dma_start3A_227] : memref<10240x128xf32, #tpu.memory_space<vmem_shared>> -> memref<10240x128xf32, #tpu.memory_space<vmem_shared>>
      tpu.enqueue_indirect_dma source(%arg17 : memref<80x128xf32, #tpu.memory_space<vmem>>) target(%dma_start3A_228 : memref<10240x128xf32, #tpu.memory_space<vmem_shared>>) offsets(%arg13 : memref<80xi32, #tpu.memory_space<vmem>>) semaphore(%arg26 : memref<!tpu.dma_semaphore, #tpu.memory_space<semaphore_mem>>) {add = true}
      %dma_wait3A_229 = arith.constant 0 : i32
      %dma_wait3A_230 = arith.constant 0 : i32
      %dma_wait3A_231 = tpu.memref_slice %arg2[%dma_wait3A_229, %dma_wait3A_230] : memref<10000x128xf32, #tpu.memory_space<hbm>> -> memref<10000x128xf32, #tpu.memory_space<hbm>>
      tpu.wait_indirect_dma semaphore(%arg23 : memref<!tpu.dma_semaphore, #tpu.memory_space<semaphore_mem>>) src(%dma_wait3A_231 : memref<10000x128xf32, #tpu.memory_space<hbm>>) dst(%arg18 : memref<80x128xf32, #tpu.memory_space<vmem>>)
      %dma_start3A_232 = arith.constant 0 : i32
      %dma_start3A_233 = arith.constant 0 : i32
      %dma_start3A_234 = tpu.memref_slice %arg19[%dma_start3A_232, %dma_start3A_233] : memref<10240x128xf32, #tpu.memory_space<vmem_shared>> -> memref<10240x128xf32, #tpu.memory_space<vmem_shared>>
      tpu.enqueue_indirect_dma source(%arg18 : memref<80x128xf32, #tpu.memory_space<vmem>>) target(%dma_start3A_234 : memref<10240x128xf32, #tpu.memory_space<vmem_shared>>) offsets(%arg14 : memref<80xi32, #tpu.memory_space<vmem>>) semaphore(%arg27 : memref<!tpu.dma_semaphore, #tpu.memory_space<semaphore_mem>>) {add = true}
    }
    %scan3A_9 = arith.constant 31 : i32
    %dma_wait3A = arith.constant 0 : i32
    %dma_wait3A_10 = arith.constant 0 : i32
    %dma_wait3A_11 = tpu.memref_slice %arg19[%dma_wait3A, %dma_wait3A_10] : memref<10240x128xf32, #tpu.memory_space<vmem_shared>> -> memref<10240x128xf32, #tpu.memory_space<vmem_shared>>
    tpu.wait_indirect_dma semaphore(%arg24 : memref<!tpu.dma_semaphore, #tpu.memory_space<semaphore_mem>>) src(%arg15 : memref<80x128xf32, #tpu.memory_space<vmem>>) dst(%dma_wait3A_11 : memref<10240x128xf32, #tpu.memory_space<vmem_shared>>)
    %add3A_12 = arith.constant 124 : i32
    %add3A_13 = arith.addi %mul3A_4, %add3A_12 : i32
    %dma_start3A = arith.constant 0 : i32
    %dma_start3A_14 = tpu.memref_slice %arg3[%add3A_13, %dma_start3A] : memref<4000x80xi32, #tpu.memory_space<hbm>> -> memref<1x80xi32, #tpu.memory_space<hbm>>
    %dma_start3A_15 = tpu.memref_squeeze %dma_start3A_14 : memref<1x80xi32, #tpu.memory_space<hbm>> -> memref<80xi32, #tpu.memory_space<hbm>>
    %dma_start3A_16 = arith.constant 0 : i32
    %dma_start3A_17 = tpu.memref_slice %arg3[%add3A_13, %dma_start3A_16] : memref<4000x80xi32, #tpu.memory_space<hbm>> -> memref<1x80xi32, #tpu.memory_space<hbm>>
    %dma_start3A_18 = tpu.memref_squeeze %dma_start3A_17 : memref<1x80xi32, #tpu.memory_space<hbm>> -> memref<80xi32, #tpu.memory_space<hbm>>
    tpu.enqueue_dma source(%dma_start3A_18 : memref<80xi32, #tpu.memory_space<hbm>>) target(%arg7 : memref<80xi32, #tpu.memory_space<vmem>>) target_semaphore(%arg28 : memref<!tpu.dma_semaphore, #tpu.memory_space<semaphore_mem>>)
    %add3A_19 = arith.constant 124 : i32
    %add3A_20 = arith.addi %mul3A_4, %add3A_19 : i32
    %dma_start3A_21 = arith.constant 0 : i32
    %dma_start3A_22 = tpu.memref_slice %arg4[%add3A_20, %dma_start3A_21] : memref<4000x80xi32, #tpu.memory_space<hbm>> -> memref<1x80xi32, #tpu.memory_space<hbm>>
    %dma_start3A_23 = tpu.memref_squeeze %dma_start3A_22 : memref<1x80xi32, #tpu.memory_space<hbm>> -> memref<80xi32, #tpu.memory_space<hbm>>
    %dma_start3A_24 = arith.constant 0 : i32
    %dma_start3A_25 = tpu.memref_slice %arg4[%add3A_20, %dma_start3A_24] : memref<4000x80xi32, #tpu.memory_space<hbm>> -> memref<1x80xi32, #tpu.memory_space<hbm>>
    %dma_start3A_26 = tpu.memref_squeeze %dma_start3A_25 : memref<1x80xi32, #tpu.memory_space<hbm>> -> memref<80xi32, #tpu.memory_space<hbm>>
    tpu.enqueue_dma source(%dma_start3A_26 : memref<80xi32, #tpu.memory_space<hbm>>) target(%arg11 : memref<80xi32, #tpu.memory_space<vmem>>) target_semaphore(%arg28 : memref<!tpu.dma_semaphore, #tpu.memory_space<semaphore_mem>>)
    %dma_wait3A_27 = arith.constant 0 : i32
    %dma_wait3A_28 = tpu.memref_slice %arg3[%add3A_13, %dma_wait3A_27] : memref<4000x80xi32, #tpu.memory_space<hbm>> -> memref<1x80xi32, #tpu.memory_space<hbm>>
    %dma_wait3A_29 = tpu.memref_squeeze %dma_wait3A_28 : memref<1x80xi32, #tpu.memory_space<hbm>> -> memref<80xi32, #tpu.memory_space<hbm>>
    %dma_wait3A_30 = arith.constant 0 : i32
    %dma_wait3A_31 = tpu.memref_slice %arg3[%add3A_13, %dma_wait3A_30] : memref<4000x80xi32, #tpu.memory_space<hbm>> -> memref<1x80xi32, #tpu.memory_space<hbm>>
    %dma_wait3A_32 = tpu.memref_squeeze %dma_wait3A_31 : memref<1x80xi32, #tpu.memory_space<hbm>> -> memref<80xi32, #tpu.memory_space<hbm>>
    tpu.wait_dma2 semaphore(%arg28 : memref<!tpu.dma_semaphore, #tpu.memory_space<semaphore_mem>>) src(%dma_wait3A_32 : memref<80xi32, #tpu.memory_space<hbm>>) dst(%arg7 : memref<80xi32, #tpu.memory_space<vmem>>)
    %dma_wait3A_33 = arith.constant 0 : i32
    %dma_wait3A_34 = tpu.memref_slice %arg4[%add3A_20, %dma_wait3A_33] : memref<4000x80xi32, #tpu.memory_space<hbm>> -> memref<1x80xi32, #tpu.memory_space<hbm>>
    %dma_wait3A_35 = tpu.memref_squeeze %dma_wait3A_34 : memref<1x80xi32, #tpu.memory_space<hbm>> -> memref<80xi32, #tpu.memory_space<hbm>>
    %dma_wait3A_36 = arith.constant 0 : i32
    %dma_wait3A_37 = tpu.memref_slice %arg4[%add3A_20, %dma_wait3A_36] : memref<4000x80xi32, #tpu.memory_space<hbm>> -> memref<1x80xi32, #tpu.memory_space<hbm>>
    %dma_wait3A_38 = tpu.memref_squeeze %dma_wait3A_37 : memref<1x80xi32, #tpu.memory_space<hbm>> -> memref<80xi32, #tpu.memory_space<hbm>>
    tpu.wait_dma2 semaphore(%arg28 : memref<!tpu.dma_semaphore, #tpu.memory_space<semaphore_mem>>) src(%dma_wait3A_38 : memref<80xi32, #tpu.memory_space<hbm>>) dst(%arg11 : memref<80xi32, #tpu.memory_space<vmem>>)
    %dma_start3A_39 = arith.constant 0 : i32
    %dma_start3A_40 = arith.constant 0 : i32
    %dma_start3A_41 = tpu.memref_slice %arg2[%dma_start3A_39, %dma_start3A_40] : memref<10000x128xf32, #tpu.memory_space<hbm>> -> memref<10000x128xf32, #tpu.memory_space<hbm>>
    tpu.enqueue_indirect_dma source(%dma_start3A_41 : memref<10000x128xf32, #tpu.memory_space<hbm>>) target(%arg15 : memref<80x128xf32, #tpu.memory_space<vmem>>) offsets(%arg7 : memref<80xi32, #tpu.memory_space<vmem>>) semaphore(%arg20 : memref<!tpu.dma_semaphore, #tpu.memory_space<semaphore_mem>>)
    %dma_wait3A_42 = arith.constant 0 : i32
    %dma_wait3A_43 = arith.constant 0 : i32
    %dma_wait3A_44 = tpu.memref_slice %arg2[%dma_wait3A_42, %dma_wait3A_43] : memref<10000x128xf32, #tpu.memory_space<hbm>> -> memref<10000x128xf32, #tpu.memory_space<hbm>>
    tpu.wait_indirect_dma semaphore(%arg20 : memref<!tpu.dma_semaphore, #tpu.memory_space<semaphore_mem>>) src(%dma_wait3A_44 : memref<10000x128xf32, #tpu.memory_space<hbm>>) dst(%arg15 : memref<80x128xf32, #tpu.memory_space<vmem>>)
    %dma_start3A_45 = arith.constant 0 : i32
    %dma_start3A_46 = arith.constant 0 : i32
    %dma_start3A_47 = tpu.memref_slice %arg19[%dma_start3A_45, %dma_start3A_46] : memref<10240x128xf32, #tpu.memory_space<vmem_shared>> -> memref<10240x128xf32, #tpu.memory_space<vmem_shared>>
    tpu.enqueue_indirect_dma source(%arg15 : memref<80x128xf32, #tpu.memory_space<vmem>>) target(%dma_start3A_47 : memref<10240x128xf32, #tpu.memory_space<vmem_shared>>) offsets(%arg11 : memref<80xi32, #tpu.memory_space<vmem>>) semaphore(%arg24 : memref<!tpu.dma_semaphore, #tpu.memory_space<semaphore_mem>>) {add = true}
    %dma_wait3A_48 = arith.constant 0 : i32
    %dma_wait3A_49 = arith.constant 0 : i32
    %dma_wait3A_50 = tpu.memref_slice %arg19[%dma_wait3A_48, %dma_wait3A_49] : memref<10240x128xf32, #tpu.memory_space<vmem_shared>> -> memref<10240x128xf32, #tpu.memory_space<vmem_shared>>
    tpu.wait_indirect_dma semaphore(%arg24 : memref<!tpu.dma_semaphore, #tpu.memory_space<semaphore_mem>>) src(%arg15 : memref<80x128xf32, #tpu.memory_space<vmem>>) dst(%dma_wait3A_50 : memref<10240x128xf32, #tpu.memory_space<vmem_shared>>)
    %dma_wait3A_51 = arith.constant 0 : i32
    %dma_wait3A_52 = arith.constant 0 : i32
    %dma_wait3A_53 = tpu.memref_slice %arg19[%dma_wait3A_51, %dma_wait3A_52] : memref<10240x128xf32, #tpu.memory_space<vmem_shared>> -> memref<10240x128xf32, #tpu.memory_space<vmem_shared>>
    tpu.wait_indirect_dma semaphore(%arg25 : memref<!tpu.dma_semaphore, #tpu.memory_space<semaphore_mem>>) src(%arg16 : memref<80x128xf32, #tpu.memory_space<vmem>>) dst(%dma_wait3A_53 : memref<10240x128xf32, #tpu.memory_space<vmem_shared>>)
    %dma_wait3A_54 = arith.constant 0 : i32
    %dma_wait3A_55 = arith.constant 0 : i32
    %dma_wait3A_56 = tpu.memref_slice %arg19[%dma_wait3A_54, %dma_wait3A_55] : memref<10240x128xf32, #tpu.memory_space<vmem_shared>> -> memref<10240x128xf32, #tpu.memory_space<vmem_shared>>
    tpu.wait_indirect_dma semaphore(%arg26 : memref<!tpu.dma_semaphore, #tpu.memory_space<semaphore_mem>>) src(%arg17 : memref<80x128xf32, #tpu.memory_space<vmem>>) dst(%dma_wait3A_56 : memref<10240x128xf32, #tpu.memory_space<vmem_shared>>)
    %dma_wait3A_57 = arith.constant 0 : i32
    %dma_wait3A_58 = arith.constant 0 : i32
    %dma_wait3A_59 = tpu.memref_slice %arg19[%dma_wait3A_57, %dma_wait3A_58] : memref<10240x128xf32, #tpu.memory_space<vmem_shared>> -> memref<10240x128xf32, #tpu.memory_space<vmem_shared>>
    tpu.wait_indirect_dma semaphore(%arg27 : memref<!tpu.dma_semaphore, #tpu.memory_space<semaphore_mem>>) src(%arg18 : memref<80x128xf32, #tpu.memory_space<vmem>>) dst(%dma_wait3A_59 : memref<10240x128xf32, #tpu.memory_space<vmem_shared>>)
    %barrier3A_60 = arith.constant 0 : index
    tpu.barrier barrier_id(%barrier3A_60)
    "tpu.region"() ({
      %run_scoped3A = tpu.sem_alloc : memref<!tpu.dma_semaphore, #tpu.memory_space<semaphore_mem>>
      %dma_start3A_61 = arith.constant 0 : i32
      %dma_start3A_62 = tpu.memref_slice %arg6[%arg0, %mul3A_0, %dma_start3A_61] : memref<2x10240x128xf32, #tpu.memory_space<hbm>> -> memref<1x640x128xf32, #tpu.memory_space<hbm>>
      %dma_start3A_63 = tpu.memref_squeeze %dma_start3A_62 : memref<1x640x128xf32, #tpu.memory_space<hbm>> -> memref<640x128xf32, #tpu.memory_space<hbm>>
      %dma_start3A_64 = arith.constant 0 : i32
      %dma_start3A_65 = tpu.memref_slice %arg19[%mul3A_0, %dma_start3A_64] : memref<10240x128xf32, #tpu.memory_space<vmem_shared>> -> memref<640x128xf32, #tpu.memory_space<vmem_shared>>
      tpu.enqueue_dma source(%dma_start3A_65 : memref<640x128xf32, #tpu.memory_space<vmem_shared>>) target(%dma_start3A_63 : memref<640x128xf32, #tpu.memory_space<hbm>>) target_semaphore(%run_scoped3A : memref<!tpu.dma_semaphore, #tpu.memory_space<semaphore_mem>>)
      %dma_wait3A_66 = arith.constant 0 : i32
      %dma_wait3A_67 = tpu.memref_slice %arg6[%arg0, %mul3A_0, %dma_wait3A_66] : memref<2x10240x128xf32, #tpu.memory_space<hbm>> -> memref<1x640x128xf32, #tpu.memory_space<hbm>>
      %dma_wait3A_68 = tpu.memref_squeeze %dma_wait3A_67 : memref<1x640x128xf32, #tpu.memory_space<hbm>> -> memref<640x128xf32, #tpu.memory_space<hbm>>
      %dma_wait3A_69 = arith.constant 0 : i32
      %dma_wait3A_70 = tpu.memref_slice %arg19[%mul3A_0, %dma_wait3A_69] : memref<10240x128xf32, #tpu.memory_space<vmem_shared>> -> memref<640x128xf32, #tpu.memory_space<vmem_shared>>
      tpu.wait_dma2 semaphore(%run_scoped3A : memref<!tpu.dma_semaphore, #tpu.memory_space<semaphore_mem>>) src(%dma_wait3A_70 : memref<640x128xf32, #tpu.memory_space<vmem_shared>>) dst(%dma_wait3A_68 : memref<640x128xf32, #tpu.memory_space<hbm>>)
      tpu.yield
    }) : () -> ()
    return
  }
}

#map = affine_map<(d0, d1) -> (0, 0)>
#map1 = affine_map<(d0, d1) -> (0, 0, 0)>
module attributes {stable_mosaic.version = 14 : i64} {
  func.func @seg(%arg0: i32, %arg1: i32, %arg2: memref<20000x160xf32, #tpu.memory_space<hbm>>, %arg3: memref<4000x80xi32, #tpu.memory_space<hbm>>, %arg4: memref<4000x80xi32, #tpu.memory_space<hbm>>, %arg5: memref<10240x160xf32, #tpu.memory_space<hbm>>, %arg6: memref<2x10240x160xf32, #tpu.memory_space<hbm>>, %arg7: memref<80xi32, #tpu.memory_space<vmem>>, %arg8: memref<80xi32, #tpu.memory_space<vmem>>, %arg9: memref<80xi32, #tpu.memory_space<vmem>>, %arg10: memref<80xi32, #tpu.memory_space<vmem>>, %arg11: memref<80x160xf32, #tpu.memory_space<vmem>>, %arg12: memref<80x160xf32, #tpu.memory_space<vmem>>, %arg13: memref<10240x160xf32, #tpu.memory_space<vmem_shared>>, %arg14: memref<!tpu.dma_semaphore, #tpu.memory_space<semaphore_mem>>, %arg15: memref<!tpu.dma_semaphore, #tpu.memory_space<semaphore_mem>>, %arg16: memref<!tpu.dma_semaphore, #tpu.memory_space<semaphore_mem>>, %arg17: memref<!tpu.dma_semaphore, #tpu.memory_space<semaphore_mem>>, %arg18: memref<!tpu.dma_semaphore, #tpu.memory_space<semaphore_mem>>, %arg19: memref<!tpu.dma_semaphore, #tpu.memory_space<semaphore_mem>>) attributes {dimension_semantics = [#tpu.dimension_semantics<core_parallel>, #tpu.dimension_semantics<subcore_parallel>], iteration_bounds = array<i64: 2, 16>, scalar_prefetch = 0 : i64, scratch_operands = 13 : i64, tpu.core_type = #tpu.core_type<sc_vector_subcore>, window_params = [{transform_indices = #map}, {transform_indices = #map}, {transform_indices = #map}, {transform_indices = #map}, {transform_indices = #map1}]} {
    %mul3A = arith.constant 640 : i32
    %mul3A_0 = arith.muli %arg1, %mul3A : i32
    "tpu.region"() ({
      %run_scoped3A = tpu.sem_alloc : memref<!tpu.dma_semaphore, #tpu.memory_space<semaphore_mem>>
      %dma_start3A = arith.constant 0 : i32
      %dma_start3A_16 = tpu.memref_slice %arg13[%mul3A_0, %dma_start3A] : memref<10240x160xf32, #tpu.memory_space<vmem_shared>> -> memref<640x160xf32, #tpu.memory_space<vmem_shared>>
      %dma_start3A_17 = arith.constant 0 : i32
      %dma_start3A_18 = tpu.memref_slice %arg5[%mul3A_0, %dma_start3A_17] : memref<10240x160xf32, #tpu.memory_space<hbm>> -> memref<640x160xf32, #tpu.memory_space<hbm>>
      tpu.enqueue_dma source(%dma_start3A_18 : memref<640x160xf32, #tpu.memory_space<hbm>>) target(%dma_start3A_16 : memref<640x160xf32, #tpu.memory_space<vmem_shared>>) target_semaphore(%run_scoped3A : memref<!tpu.dma_semaphore, #tpu.memory_space<semaphore_mem>>)
      %dma_wait3A_19 = arith.constant 0 : i32
      %dma_wait3A_20 = tpu.memref_slice %arg13[%mul3A_0, %dma_wait3A_19] : memref<10240x160xf32, #tpu.memory_space<vmem_shared>> -> memref<640x160xf32, #tpu.memory_space<vmem_shared>>
      %dma_wait3A_21 = arith.constant 0 : i32
      %dma_wait3A_22 = tpu.memref_slice %arg5[%mul3A_0, %dma_wait3A_21] : memref<10240x160xf32, #tpu.memory_space<hbm>> -> memref<640x160xf32, #tpu.memory_space<hbm>>
      tpu.wait_dma2 semaphore(%run_scoped3A : memref<!tpu.dma_semaphore, #tpu.memory_space<semaphore_mem>>) src(%dma_wait3A_22 : memref<640x160xf32, #tpu.memory_space<hbm>>) dst(%dma_wait3A_20 : memref<640x160xf32, #tpu.memory_space<vmem_shared>>)
      tpu.yield
    }) : () -> ()
    %barrier3A = arith.constant 0 : index
    tpu.barrier barrier_id(%barrier3A)
    %mul3A_1 = arith.constant 250 : i32
    %mul3A_2 = arith.muli %arg1, %mul3A_1 : i32
    %mul3A_3 = arith.constant 10000 : i32
    %mul3A_4 = arith.muli %arg0, %mul3A_3 : i32
    %scan3A = arith.constant 0 : i32
    %scan3A_5 = arith.constant 0 : i32
    %scan3A_6 = arith.constant 125 : i32
    %scan3A_7 = arith.addi %scan3A_5, %scan3A_6 : i32
    %scan3A_8 = arith.constant 1 : i32
    scf.for %scan3A_16 = %scan3A_5 to %scan3A_7 step %scan3A_8  : i32 {
      %gt3A = arith.constant 0 : i32
      %gt3A_17 = arith.cmpi sgt, %scan3A_16, %gt3A : i32
      %convert_element_type3A = arith.extui %gt3A_17 : i1 to i32
      %cond3A = arith.constant 0 : i32
      %cond3A_18 = arith.cmpi ne, %convert_element_type3A, %cond3A : i32
      scf.if %cond3A_18 {
        %dma_wait3A_188 = arith.constant 0 : i32
        %dma_wait3A_189 = arith.constant 0 : i32
        %dma_wait3A_190 = tpu.memref_slice %arg13[%dma_wait3A_188, %dma_wait3A_189] : memref<10240x160xf32, #tpu.memory_space<vmem_shared>> -> memref<10240x160xf32, #tpu.memory_space<vmem_shared>>
        tpu.wait_indirect_dma semaphore(%arg16 : memref<!tpu.dma_semaphore, #tpu.memory_space<semaphore_mem>>) src(%arg11 : memref<80x160xf32, #tpu.memory_space<vmem>>) dst(%dma_wait3A_190 : memref<10240x160xf32, #tpu.memory_space<vmem_shared>>)
      } else {
      }
      %mul3A_19 = arith.constant 2 : i32
      %mul3A_20 = arith.muli %scan3A_16, %mul3A_19 : i32
      %add3A = arith.constant 0 : i32
      %add3A_21 = arith.addi %mul3A_20, %add3A : i32
      %add3A_22 = arith.addi %mul3A_2, %add3A_21 : i32
      %dma_start3A = arith.constant 0 : i32
      %dma_start3A_23 = tpu.memref_slice %arg3[%add3A_22, %dma_start3A] : memref<4000x80xi32, #tpu.memory_space<hbm>> -> memref<1x80xi32, #tpu.memory_space<hbm>>
      %dma_start3A_24 = tpu.memref_squeeze %dma_start3A_23 : memref<1x80xi32, #tpu.memory_space<hbm>> -> memref<80xi32, #tpu.memory_space<hbm>>
      %dma_start3A_25 = arith.constant 0 : i32
      %dma_start3A_26 = tpu.memref_slice %arg3[%add3A_22, %dma_start3A_25] : memref<4000x80xi32, #tpu.memory_space<hbm>> -> memref<1x80xi32, #tpu.memory_space<hbm>>
      %dma_start3A_27 = tpu.memref_squeeze %dma_start3A_26 : memref<1x80xi32, #tpu.memory_space<hbm>> -> memref<80xi32, #tpu.memory_space<hbm>>
      tpu.enqueue_dma source(%dma_start3A_27 : memref<80xi32, #tpu.memory_space<hbm>>) target(%arg7 : memref<80xi32, #tpu.memory_space<vmem>>) target_semaphore(%arg18 : memref<!tpu.dma_semaphore, #tpu.memory_space<semaphore_mem>>)
      %add3A_28 = arith.addi %mul3A_2, %add3A_21 : i32
      %dma_start3A_29 = arith.constant 0 : i32
      %dma_start3A_30 = tpu.memref_slice %arg4[%add3A_28, %dma_start3A_29] : memref<4000x80xi32, #tpu.memory_space<hbm>> -> memref<1x80xi32, #tpu.memory_space<hbm>>
      %dma_start3A_31 = tpu.memref_squeeze %dma_start3A_30 : memref<1x80xi32, #tpu.memory_space<hbm>> -> memref<80xi32, #tpu.memory_space<hbm>>
      %dma_start3A_32 = arith.constant 0 : i32
      %dma_start3A_33 = tpu.memref_slice %arg4[%add3A_28, %dma_start3A_32] : memref<4000x80xi32, #tpu.memory_space<hbm>> -> memref<1x80xi32, #tpu.memory_space<hbm>>
      %dma_start3A_34 = tpu.memref_squeeze %dma_start3A_33 : memref<1x80xi32, #tpu.memory_space<hbm>> -> memref<80xi32, #tpu.memory_space<hbm>>
      tpu.enqueue_dma source(%dma_start3A_34 : memref<80xi32, #tpu.memory_space<hbm>>) target(%arg9 : memref<80xi32, #tpu.memory_space<vmem>>) target_semaphore(%arg18 : memref<!tpu.dma_semaphore, #tpu.memory_space<semaphore_mem>>)
      %gt3A_35 = arith.constant 0 : i32
      %gt3A_36 = arith.cmpi sgt, %scan3A_16, %gt3A_35 : i32
      %convert_element_type3A_37 = arith.extui %gt3A_36 : i1 to i32
      %cond3A_38 = arith.constant 0 : i32
      %cond3A_39 = arith.cmpi ne, %convert_element_type3A_37, %cond3A_38 : i32
      scf.if %cond3A_39 {
        %dma_wait3A_188 = arith.constant 0 : i32
        %dma_wait3A_189 = arith.constant 0 : i32
        %dma_wait3A_190 = tpu.memref_slice %arg13[%dma_wait3A_188, %dma_wait3A_189] : memref<10240x160xf32, #tpu.memory_space<vmem_shared>> -> memref<10240x160xf32, #tpu.memory_space<vmem_shared>>
        tpu.wait_indirect_dma semaphore(%arg17 : memref<!tpu.dma_semaphore, #tpu.memory_space<semaphore_mem>>) src(%arg12 : memref<80x160xf32, #tpu.memory_space<vmem>>) dst(%dma_wait3A_190 : memref<10240x160xf32, #tpu.memory_space<vmem_shared>>)
      } else {
      }
      %mul3A_40 = arith.constant 2 : i32
      %mul3A_41 = arith.muli %scan3A_16, %mul3A_40 : i32
      %add3A_42 = arith.constant 1 : i32
      %add3A_43 = arith.addi %mul3A_41, %add3A_42 : i32
      %add3A_44 = arith.addi %mul3A_2, %add3A_43 : i32
      %dma_start3A_45 = arith.constant 0 : i32
      %dma_start3A_46 = tpu.memref_slice %arg3[%add3A_44, %dma_start3A_45] : memref<4000x80xi32, #tpu.memory_space<hbm>> -> memref<1x80xi32, #tpu.memory_space<hbm>>
      %dma_start3A_47 = tpu.memref_squeeze %dma_start3A_46 : memref<1x80xi32, #tpu.memory_space<hbm>> -> memref<80xi32, #tpu.memory_space<hbm>>
      %dma_start3A_48 = arith.constant 0 : i32
      %dma_start3A_49 = tpu.memref_slice %arg3[%add3A_44, %dma_start3A_48] : memref<4000x80xi32, #tpu.memory_space<hbm>> -> memref<1x80xi32, #tpu.memory_space<hbm>>
      %dma_start3A_50 = tpu.memref_squeeze %dma_start3A_49 : memref<1x80xi32, #tpu.memory_space<hbm>> -> memref<80xi32, #tpu.memory_space<hbm>>
      tpu.enqueue_dma source(%dma_start3A_50 : memref<80xi32, #tpu.memory_space<hbm>>) target(%arg8 : memref<80xi32, #tpu.memory_space<vmem>>) target_semaphore(%arg19 : memref<!tpu.dma_semaphore, #tpu.memory_space<semaphore_mem>>)
      %add3A_51 = arith.addi %mul3A_2, %add3A_43 : i32
      %dma_start3A_52 = arith.constant 0 : i32
      %dma_start3A_53 = tpu.memref_slice %arg4[%add3A_51, %dma_start3A_52] : memref<4000x80xi32, #tpu.memory_space<hbm>> -> memref<1x80xi32, #tpu.memory_space<hbm>>
      %dma_start3A_54 = tpu.memref_squeeze %dma_start3A_53 : memref<1x80xi32, #tpu.memory_space<hbm>> -> memref<80xi32, #tpu.memory_space<hbm>>
      %dma_start3A_55 = arith.constant 0 : i32
      %dma_start3A_56 = tpu.memref_slice %arg4[%add3A_51, %dma_start3A_55] : memref<4000x80xi32, #tpu.memory_space<hbm>> -> memref<1x80xi32, #tpu.memory_space<hbm>>
      %dma_start3A_57 = tpu.memref_squeeze %dma_start3A_56 : memref<1x80xi32, #tpu.memory_space<hbm>> -> memref<80xi32, #tpu.memory_space<hbm>>
      tpu.enqueue_dma source(%dma_start3A_57 : memref<80xi32, #tpu.memory_space<hbm>>) target(%arg10 : memref<80xi32, #tpu.memory_space<vmem>>) target_semaphore(%arg19 : memref<!tpu.dma_semaphore, #tpu.memory_space<semaphore_mem>>)
      %dma_wait3A_58 = arith.constant 0 : i32
      %dma_wait3A_59 = tpu.memref_slice %arg3[%add3A_22, %dma_wait3A_58] : memref<4000x80xi32, #tpu.memory_space<hbm>> -> memref<1x80xi32, #tpu.memory_space<hbm>>
      %dma_wait3A_60 = tpu.memref_squeeze %dma_wait3A_59 : memref<1x80xi32, #tpu.memory_space<hbm>> -> memref<80xi32, #tpu.memory_space<hbm>>
      %dma_wait3A_61 = arith.constant 0 : i32
      %dma_wait3A_62 = tpu.memref_slice %arg3[%add3A_22, %dma_wait3A_61] : memref<4000x80xi32, #tpu.memory_space<hbm>> -> memref<1x80xi32, #tpu.memory_space<hbm>>
      %dma_wait3A_63 = tpu.memref_squeeze %dma_wait3A_62 : memref<1x80xi32, #tpu.memory_space<hbm>> -> memref<80xi32, #tpu.memory_space<hbm>>
      tpu.wait_dma2 semaphore(%arg18 : memref<!tpu.dma_semaphore, #tpu.memory_space<semaphore_mem>>) src(%dma_wait3A_63 : memref<80xi32, #tpu.memory_space<hbm>>) dst(%arg7 : memref<80xi32, #tpu.memory_space<vmem>>)
      %dma_wait3A_64 = arith.constant 0 : i32
      %dma_wait3A_65 = tpu.memref_slice %arg4[%add3A_28, %dma_wait3A_64] : memref<4000x80xi32, #tpu.memory_space<hbm>> -> memref<1x80xi32, #tpu.memory_space<hbm>>
      %dma_wait3A_66 = tpu.memref_squeeze %dma_wait3A_65 : memref<1x80xi32, #tpu.memory_space<hbm>> -> memref<80xi32, #tpu.memory_space<hbm>>
      %dma_wait3A_67 = arith.constant 0 : i32
      %dma_wait3A_68 = tpu.memref_slice %arg4[%add3A_28, %dma_wait3A_67] : memref<4000x80xi32, #tpu.memory_space<hbm>> -> memref<1x80xi32, #tpu.memory_space<hbm>>
      %dma_wait3A_69 = tpu.memref_squeeze %dma_wait3A_68 : memref<1x80xi32, #tpu.memory_space<hbm>> -> memref<80xi32, #tpu.memory_space<hbm>>
      tpu.wait_dma2 semaphore(%arg18 : memref<!tpu.dma_semaphore, #tpu.memory_space<semaphore_mem>>) src(%dma_wait3A_69 : memref<80xi32, #tpu.memory_space<hbm>>) dst(%arg9 : memref<80xi32, #tpu.memory_space<vmem>>)
      %get3A = arith.constant 0 : index
      %get3A_70 = tpu.vector_load %arg7[%get3A] {strides = array<i32>} : memref<80xi32, #tpu.memory_space<vmem>>, vector<16xi32>,
      %get3A_71 = vector.shape_cast %get3A_70 : vector<16xi32> to vector<16xi32>
      %add3A_72 = vector.broadcast %mul3A_4 : i32 to vector<16xi32>
      %add3A_73 = arith.addi %get3A_71, %add3A_72 : vector<16xi32>
      %swap3A = arith.constant 0 : index
      %swap3A_74 = tpu.vector_load %arg7[%swap3A] {strides = array<i32>} : memref<80xi32, #tpu.memory_space<vmem>>, vector<16xi32>,
      %swap3A_75 = vector.shape_cast %swap3A_74 : vector<16xi32> to vector<16xi32>
      %swap3A_76 = vector.shape_cast %add3A_73 : vector<16xi32> to vector<16xi32>
      tpu.vector_store %arg7[%swap3A], %swap3A_76 {strides = array<i32>} : memref<80xi32, #tpu.memory_space<vmem>>, vector<16xi32>,
      %get3A_77 = arith.constant 16 : index
      %get3A_78 = tpu.vector_load %arg7[%get3A_77] {strides = array<i32>} : memref<80xi32, #tpu.memory_space<vmem>>, vector<16xi32>,
      %get3A_79 = vector.shape_cast %get3A_78 : vector<16xi32> to vector<16xi32>
      %add3A_80 = vector.broadcast %mul3A_4 : i32 to vector<16xi32>
      %add3A_81 = arith.addi %get3A_79, %add3A_80 : vector<16xi32>
      %swap3A_82 = arith.constant 16 : index
      %swap3A_83 = tpu.vector_load %arg7[%swap3A_82] {strides = array<i32>} : memref<80xi32, #tpu.memory_space<vmem>>, vector<16xi32>,
      %swap3A_84 = vector.shape_cast %swap3A_83 : vector<16xi32> to vector<16xi32>
      %swap3A_85 = vector.shape_cast %add3A_81 : vector<16xi32> to vector<16xi32>
      tpu.vector_store %arg7[%swap3A_82], %swap3A_85 {strides = array<i32>} : memref<80xi32, #tpu.memory_space<vmem>>, vector<16xi32>,
      %get3A_86 = arith.constant 32 : index
      %get3A_87 = tpu.vector_load %arg7[%get3A_86] {strides = array<i32>} : memref<80xi32, #tpu.memory_space<vmem>>, vector<16xi32>,
      %get3A_88 = vector.shape_cast %get3A_87 : vector<16xi32> to vector<16xi32>
      %add3A_89 = vector.broadcast %mul3A_4 : i32 to vector<16xi32>
      %add3A_90 = arith.addi %get3A_88, %add3A_89 : vector<16xi32>
      %swap3A_91 = arith.constant 32 : index
      %swap3A_92 = tpu.vector_load %arg7[%swap3A_91] {strides = array<i32>} : memref<80xi32, #tpu.memory_space<vmem>>, vector<16xi32>,
      %swap3A_93 = vector.shape_cast %swap3A_92 : vector<16xi32> to vector<16xi32>
      %swap3A_94 = vector.shape_cast %add3A_90 : vector<16xi32> to vector<16xi32>
      tpu.vector_store %arg7[%swap3A_91], %swap3A_94 {strides = array<i32>} : memref<80xi32, #tpu.memory_space<vmem>>, vector<16xi32>,
      %get3A_95 = arith.constant 48 : index
      %get3A_96 = tpu.vector_load %arg7[%get3A_95] {strides = array<i32>} : memref<80xi32, #tpu.memory_space<vmem>>, vector<16xi32>,
      %get3A_97 = vector.shape_cast %get3A_96 : vector<16xi32> to vector<16xi32>
      %add3A_98 = vector.broadcast %mul3A_4 : i32 to vector<16xi32>
      %add3A_99 = arith.addi %get3A_97, %add3A_98 : vector<16xi32>
      %swap3A_100 = arith.constant 48 : index
      %swap3A_101 = tpu.vector_load %arg7[%swap3A_100] {strides = array<i32>} : memref<80xi32, #tpu.memory_space<vmem>>, vector<16xi32>,
      %swap3A_102 = vector.shape_cast %swap3A_101 : vector<16xi32> to vector<16xi32>
      %swap3A_103 = vector.shape_cast %add3A_99 : vector<16xi32> to vector<16xi32>
      tpu.vector_store %arg7[%swap3A_100], %swap3A_103 {strides = array<i32>} : memref<80xi32, #tpu.memory_space<vmem>>, vector<16xi32>,
      %get3A_104 = arith.constant 64 : index
      %get3A_105 = tpu.vector_load %arg7[%get3A_104] {strides = array<i32>} : memref<80xi32, #tpu.memory_space<vmem>>, vector<16xi32>,
      %get3A_106 = vector.shape_cast %get3A_105 : vector<16xi32> to vector<16xi32>
      %add3A_107 = vector.broadcast %mul3A_4 : i32 to vector<16xi32>
      %add3A_108 = arith.addi %get3A_106, %add3A_107 : vector<16xi32>
      %swap3A_109 = arith.constant 64 : index
      %swap3A_110 = tpu.vector_load %arg7[%swap3A_109] {strides = array<i32>} : memref<80xi32, #tpu.memory_space<vmem>>, vector<16xi32>,
      %swap3A_111 = vector.shape_cast %swap3A_110 : vector<16xi32> to vector<16xi32>
      %swap3A_112 = vector.shape_cast %add3A_108 : vector<16xi32> to vector<16xi32>
      tpu.vector_store %arg7[%swap3A_109], %swap3A_112 {strides = array<i32>} : memref<80xi32, #tpu.memory_space<vmem>>, vector<16xi32>,
      %dma_start3A_113 = arith.constant 0 : i32
      %dma_start3A_114 = arith.constant 0 : i32
      %dma_start3A_115 = tpu.memref_slice %arg2[%dma_start3A_113, %dma_start3A_114] : memref<20000x160xf32, #tpu.memory_space<hbm>> -> memref<20000x160xf32, #tpu.memory_space<hbm>>
      tpu.enqueue_indirect_dma source(%dma_start3A_115 : memref<20000x160xf32, #tpu.memory_space<hbm>>) target(%arg11 : memref<80x160xf32, #tpu.memory_space<vmem>>) offsets(%arg7 : memref<80xi32, #tpu.memory_space<vmem>>) semaphore(%arg14 : memref<!tpu.dma_semaphore, #tpu.memory_space<semaphore_mem>>)
      %dma_wait3A_116 = arith.constant 0 : i32
      %dma_wait3A_117 = tpu.memref_slice %arg3[%add3A_44, %dma_wait3A_116] : memref<4000x80xi32, #tpu.memory_space<hbm>> -> memref<1x80xi32, #tpu.memory_space<hbm>>
      %dma_wait3A_118 = tpu.memref_squeeze %dma_wait3A_117 : memref<1x80xi32, #tpu.memory_space<hbm>> -> memref<80xi32, #tpu.memory_space<hbm>>
      %dma_wait3A_119 = arith.constant 0 : i32
      %dma_wait3A_120 = tpu.memref_slice %arg3[%add3A_44, %dma_wait3A_119] : memref<4000x80xi32, #tpu.memory_space<hbm>> -> memref<1x80xi32, #tpu.memory_space<hbm>>
      %dma_wait3A_121 = tpu.memref_squeeze %dma_wait3A_120 : memref<1x80xi32, #tpu.memory_space<hbm>> -> memref<80xi32, #tpu.memory_space<hbm>>
      tpu.wait_dma2 semaphore(%arg19 : memref<!tpu.dma_semaphore, #tpu.memory_space<semaphore_mem>>) src(%dma_wait3A_121 : memref<80xi32, #tpu.memory_space<hbm>>) dst(%arg8 : memref<80xi32, #tpu.memory_space<vmem>>)
      %dma_wait3A_122 = arith.constant 0 : i32
      %dma_wait3A_123 = tpu.memref_slice %arg4[%add3A_51, %dma_wait3A_122] : memref<4000x80xi32, #tpu.memory_space<hbm>> -> memref<1x80xi32, #tpu.memory_space<hbm>>
      %dma_wait3A_124 = tpu.memref_squeeze %dma_wait3A_123 : memref<1x80xi32, #tpu.memory_space<hbm>> -> memref<80xi32, #tpu.memory_space<hbm>>
      %dma_wait3A_125 = arith.constant 0 : i32
      %dma_wait3A_126 = tpu.memref_slice %arg4[%add3A_51, %dma_wait3A_125] : memref<4000x80xi32, #tpu.memory_space<hbm>> -> memref<1x80xi32, #tpu.memory_space<hbm>>
      %dma_wait3A_127 = tpu.memref_squeeze %dma_wait3A_126 : memref<1x80xi32, #tpu.memory_space<hbm>> -> memref<80xi32, #tpu.memory_space<hbm>>
      tpu.wait_dma2 semaphore(%arg19 : memref<!tpu.dma_semaphore, #tpu.memory_space<semaphore_mem>>) src(%dma_wait3A_127 : memref<80xi32, #tpu.memory_space<hbm>>) dst(%arg10 : memref<80xi32, #tpu.memory_space<vmem>>)
      %get3A_128 = arith.constant 0 : index
      %get3A_129 = tpu.vector_load %arg8[%get3A_128] {strides = array<i32>} : memref<80xi32, #tpu.memory_space<vmem>>, vector<16xi32>,
      %get3A_130 = vector.shape_cast %get3A_129 : vector<16xi32> to vector<16xi32>
      %add3A_131 = vector.broadcast %mul3A_4 : i32 to vector<16xi32>
      %add3A_132 = arith.addi %get3A_130, %add3A_131 : vector<16xi32>
      %swap3A_133 = arith.constant 0 : index
      %swap3A_134 = tpu.vector_load %arg8[%swap3A_133] {strides = array<i32>} : memref<80xi32, #tpu.memory_space<vmem>>, vector<16xi32>,
      %swap3A_135 = vector.shape_cast %swap3A_134 : vector<16xi32> to vector<16xi32>
      %swap3A_136 = vector.shape_cast %add3A_132 : vector<16xi32> to vector<16xi32>
      tpu.vector_store %arg8[%swap3A_133], %swap3A_136 {strides = array<i32>} : memref<80xi32, #tpu.memory_space<vmem>>, vector<16xi32>,
      %get3A_137 = arith.constant 16 : index
      %get3A_138 = tpu.vector_load %arg8[%get3A_137] {strides = array<i32>} : memref<80xi32, #tpu.memory_space<vmem>>, vector<16xi32>,
      %get3A_139 = vector.shape_cast %get3A_138 : vector<16xi32> to vector<16xi32>
      %add3A_140 = vector.broadcast %mul3A_4 : i32 to vector<16xi32>
      %add3A_141 = arith.addi %get3A_139, %add3A_140 : vector<16xi32>
      %swap3A_142 = arith.constant 16 : index
      %swap3A_143 = tpu.vector_load %arg8[%swap3A_142] {strides = array<i32>} : memref<80xi32, #tpu.memory_space<vmem>>, vector<16xi32>,
      %swap3A_144 = vector.shape_cast %swap3A_143 : vector<16xi32> to vector<16xi32>
      %swap3A_145 = vector.shape_cast %add3A_141 : vector<16xi32> to vector<16xi32>
      tpu.vector_store %arg8[%swap3A_142], %swap3A_145 {strides = array<i32>} : memref<80xi32, #tpu.memory_space<vmem>>, vector<16xi32>,
      %get3A_146 = arith.constant 32 : index
      %get3A_147 = tpu.vector_load %arg8[%get3A_146] {strides = array<i32>} : memref<80xi32, #tpu.memory_space<vmem>>, vector<16xi32>,
      %get3A_148 = vector.shape_cast %get3A_147 : vector<16xi32> to vector<16xi32>
      %add3A_149 = vector.broadcast %mul3A_4 : i32 to vector<16xi32>
      %add3A_150 = arith.addi %get3A_148, %add3A_149 : vector<16xi32>
      %swap3A_151 = arith.constant 32 : index
      %swap3A_152 = tpu.vector_load %arg8[%swap3A_151] {strides = array<i32>} : memref<80xi32, #tpu.memory_space<vmem>>, vector<16xi32>,
      %swap3A_153 = vector.shape_cast %swap3A_152 : vector<16xi32> to vector<16xi32>
      %swap3A_154 = vector.shape_cast %add3A_150 : vector<16xi32> to vector<16xi32>
      tpu.vector_store %arg8[%swap3A_151], %swap3A_154 {strides = array<i32>} : memref<80xi32, #tpu.memory_space<vmem>>, vector<16xi32>,
      %get3A_155 = arith.constant 48 : index
      %get3A_156 = tpu.vector_load %arg8[%get3A_155] {strides = array<i32>} : memref<80xi32, #tpu.memory_space<vmem>>, vector<16xi32>,
      %get3A_157 = vector.shape_cast %get3A_156 : vector<16xi32> to vector<16xi32>
      %add3A_158 = vector.broadcast %mul3A_4 : i32 to vector<16xi32>
      %add3A_159 = arith.addi %get3A_157, %add3A_158 : vector<16xi32>
      %swap3A_160 = arith.constant 48 : index
      %swap3A_161 = tpu.vector_load %arg8[%swap3A_160] {strides = array<i32>} : memref<80xi32, #tpu.memory_space<vmem>>, vector<16xi32>,
      %swap3A_162 = vector.shape_cast %swap3A_161 : vector<16xi32> to vector<16xi32>
      %swap3A_163 = vector.shape_cast %add3A_159 : vector<16xi32> to vector<16xi32>
      tpu.vector_store %arg8[%swap3A_160], %swap3A_163 {strides = array<i32>} : memref<80xi32, #tpu.memory_space<vmem>>, vector<16xi32>,
      %get3A_164 = arith.constant 64 : index
      %get3A_165 = tpu.vector_load %arg8[%get3A_164] {strides = array<i32>} : memref<80xi32, #tpu.memory_space<vmem>>, vector<16xi32>,
      %get3A_166 = vector.shape_cast %get3A_165 : vector<16xi32> to vector<16xi32>
      %add3A_167 = vector.broadcast %mul3A_4 : i32 to vector<16xi32>
      %add3A_168 = arith.addi %get3A_166, %add3A_167 : vector<16xi32>
      %swap3A_169 = arith.constant 64 : index
      %swap3A_170 = tpu.vector_load %arg8[%swap3A_169] {strides = array<i32>} : memref<80xi32, #tpu.memory_space<vmem>>, vector<16xi32>,
      %swap3A_171 = vector.shape_cast %swap3A_170 : vector<16xi32> to vector<16xi32>
      %swap3A_172 = vector.shape_cast %add3A_168 : vector<16xi32> to vector<16xi32>
      tpu.vector_store %arg8[%swap3A_169], %swap3A_172 {strides = array<i32>} : memref<80xi32, #tpu.memory_space<vmem>>, vector<16xi32>,
      %dma_start3A_173 = arith.constant 0 : i32
      %dma_start3A_174 = arith.constant 0 : i32
      %dma_start3A_175 = tpu.memref_slice %arg2[%dma_start3A_173, %dma_start3A_174] : memref<20000x160xf32, #tpu.memory_space<hbm>> -> memref<20000x160xf32, #tpu.memory_space<hbm>>
      tpu.enqueue_indirect_dma source(%dma_start3A_175 : memref<20000x160xf32, #tpu.memory_space<hbm>>) target(%arg12 : memref<80x160xf32, #tpu.memory_space<vmem>>) offsets(%arg8 : memref<80xi32, #tpu.memory_space<vmem>>) semaphore(%arg15 : memref<!tpu.dma_semaphore, #tpu.memory_space<semaphore_mem>>)
      %dma_wait3A_176 = arith.constant 0 : i32
      %dma_wait3A_177 = arith.constant 0 : i32
      %dma_wait3A_178 = tpu.memref_slice %arg2[%dma_wait3A_176, %dma_wait3A_177] : memref<20000x160xf32, #tpu.memory_space<hbm>> -> memref<20000x160xf32, #tpu.memory_space<hbm>>
      tpu.wait_indirect_dma semaphore(%arg14 : memref<!tpu.dma_semaphore, #tpu.memory_space<semaphore_mem>>) src(%dma_wait3A_178 : memref<20000x160xf32, #tpu.memory_space<hbm>>) dst(%arg11 : memref<80x160xf32, #tpu.memory_space<vmem>>)
      %dma_start3A_179 = arith.constant 0 : i32
      %dma_start3A_180 = arith.constant 0 : i32
      %dma_start3A_181 = tpu.memref_slice %arg13[%dma_start3A_179, %dma_start3A_180] : memref<10240x160xf32, #tpu.memory_space<vmem_shared>> -> memref<10240x160xf32, #tpu.memory_space<vmem_shared>>
      tpu.enqueue_indirect_dma source(%arg11 : memref<80x160xf32, #tpu.memory_space<vmem>>) target(%dma_start3A_181 : memref<10240x160xf32, #tpu.memory_space<vmem_shared>>) offsets(%arg9 : memref<80xi32, #tpu.memory_space<vmem>>) semaphore(%arg16 : memref<!tpu.dma_semaphore, #tpu.memory_space<semaphore_mem>>) {add = true}
      %dma_wait3A_182 = arith.constant 0 : i32
      %dma_wait3A_183 = arith.constant 0 : i32
      %dma_wait3A_184 = tpu.memref_slice %arg2[%dma_wait3A_182, %dma_wait3A_183] : memref<20000x160xf32, #tpu.memory_space<hbm>> -> memref<20000x160xf32, #tpu.memory_space<hbm>>
      tpu.wait_indirect_dma semaphore(%arg15 : memref<!tpu.dma_semaphore, #tpu.memory_space<semaphore_mem>>) src(%dma_wait3A_184 : memref<20000x160xf32, #tpu.memory_space<hbm>>) dst(%arg12 : memref<80x160xf32, #tpu.memory_space<vmem>>)
      %dma_start3A_185 = arith.constant 0 : i32
      %dma_start3A_186 = arith.constant 0 : i32
      %dma_start3A_187 = tpu.memref_slice %arg13[%dma_start3A_185, %dma_start3A_186] : memref<10240x160xf32, #tpu.memory_space<vmem_shared>> -> memref<10240x160xf32, #tpu.memory_space<vmem_shared>>
      tpu.enqueue_indirect_dma source(%arg12 : memref<80x160xf32, #tpu.memory_space<vmem>>) target(%dma_start3A_187 : memref<10240x160xf32, #tpu.memory_space<vmem_shared>>) offsets(%arg10 : memref<80xi32, #tpu.memory_space<vmem>>) semaphore(%arg17 : memref<!tpu.dma_semaphore, #tpu.memory_space<semaphore_mem>>) {add = true}
    }
    %scan3A_9 = arith.constant 125 : i32
    %dma_wait3A = arith.constant 0 : i32
    %dma_wait3A_10 = arith.constant 0 : i32
    %dma_wait3A_11 = tpu.memref_slice %arg13[%dma_wait3A, %dma_wait3A_10] : memref<10240x160xf32, #tpu.memory_space<vmem_shared>> -> memref<10240x160xf32, #tpu.memory_space<vmem_shared>>
    tpu.wait_indirect_dma semaphore(%arg16 : memref<!tpu.dma_semaphore, #tpu.memory_space<semaphore_mem>>) src(%arg11 : memref<80x160xf32, #tpu.memory_space<vmem>>) dst(%dma_wait3A_11 : memref<10240x160xf32, #tpu.memory_space<vmem_shared>>)
    %dma_wait3A_12 = arith.constant 0 : i32
    %dma_wait3A_13 = arith.constant 0 : i32
    %dma_wait3A_14 = tpu.memref_slice %arg13[%dma_wait3A_12, %dma_wait3A_13] : memref<10240x160xf32, #tpu.memory_space<vmem_shared>> -> memref<10240x160xf32, #tpu.memory_space<vmem_shared>>
    tpu.wait_indirect_dma semaphore(%arg17 : memref<!tpu.dma_semaphore, #tpu.memory_space<semaphore_mem>>) src(%arg12 : memref<80x160xf32, #tpu.memory_space<vmem>>) dst(%dma_wait3A_14 : memref<10240x160xf32, #tpu.memory_space<vmem_shared>>)
    %barrier3A_15 = arith.constant 0 : index
    tpu.barrier barrier_id(%barrier3A_15)
    "tpu.region"() ({
      %run_scoped3A = tpu.sem_alloc : memref<!tpu.dma_semaphore, #tpu.memory_space<semaphore_mem>>
      %dma_start3A = arith.constant 0 : i32
      %dma_start3A_16 = tpu.memref_slice %arg6[%arg0, %mul3A_0, %dma_start3A] : memref<2x10240x160xf32, #tpu.memory_space<hbm>> -> memref<1x640x160xf32, #tpu.memory_space<hbm>>
      %dma_start3A_17 = tpu.memref_squeeze %dma_start3A_16 : memref<1x640x160xf32, #tpu.memory_space<hbm>> -> memref<640x160xf32, #tpu.memory_space<hbm>>
      %dma_start3A_18 = arith.constant 0 : i32
      %dma_start3A_19 = tpu.memref_slice %arg13[%mul3A_0, %dma_start3A_18] : memref<10240x160xf32, #tpu.memory_space<vmem_shared>> -> memref<640x160xf32, #tpu.memory_space<vmem_shared>>
      tpu.enqueue_dma source(%dma_start3A_19 : memref<640x160xf32, #tpu.memory_space<vmem_shared>>) target(%dma_start3A_17 : memref<640x160xf32, #tpu.memory_space<hbm>>) target_semaphore(%run_scoped3A : memref<!tpu.dma_semaphore, #tpu.memory_space<semaphore_mem>>)
      %dma_wait3A_20 = arith.constant 0 : i32
      %dma_wait3A_21 = tpu.memref_slice %arg6[%arg0, %mul3A_0, %dma_wait3A_20] : memref<2x10240x160xf32, #tpu.memory_space<hbm>> -> memref<1x640x160xf32, #tpu.memory_space<hbm>>
      %dma_wait3A_22 = tpu.memref_squeeze %dma_wait3A_21 : memref<1x640x160xf32, #tpu.memory_space<hbm>> -> memref<640x160xf32, #tpu.memory_space<hbm>>
      %dma_wait3A_23 = arith.constant 0 : i32
      %dma_wait3A_24 = tpu.memref_slice %arg13[%mul3A_0, %dma_wait3A_23] : memref<10240x160xf32, #tpu.memory_space<vmem_shared>> -> memref<640x160xf32, #tpu.memory_space<vmem_shared>>
      tpu.wait_dma2 semaphore(%run_scoped3A : memref<!tpu.dma_semaphore, #tpu.memory_space<semaphore_mem>>) src(%dma_wait3A_24 : memref<640x160xf32, #tpu.memory_space<vmem_shared>>) dst(%dma_wait3A_22 : memref<640x160xf32, #tpu.memory_space<hbm>>)
      tpu.yield
    }) : () -> ()
    return
  }
}

#map = affine_map<(d0, d1) -> (0, 0)>
#map1 = affine_map<(d0, d1) -> (0, 0, 0)>
module attributes {stable_mosaic.version = 14 : i64} {
  func.func @seg(%arg0: i32, %arg1: i32, %arg2: memref<10000x64xf32, #tpu.memory_space<hbm>>, %arg3: memref<4000x80xi32, #tpu.memory_space<hbm>>, %arg4: memref<4000x80xi32, #tpu.memory_space<hbm>>, %arg5: memref<10240x64xf32, #tpu.memory_space<hbm>>, %arg6: memref<2x10240x64xf32, #tpu.memory_space<hbm>>, %arg7: memref<80xi32, #tpu.memory_space<vmem>>, %arg8: memref<80xi32, #tpu.memory_space<vmem>>, %arg9: memref<80xi32, #tpu.memory_space<vmem>>, %arg10: memref<80xi32, #tpu.memory_space<vmem>>, %arg11: memref<80xi32, #tpu.memory_space<vmem>>, %arg12: memref<80xi32, #tpu.memory_space<vmem>>, %arg13: memref<80xi32, #tpu.memory_space<vmem>>, %arg14: memref<80xi32, #tpu.memory_space<vmem>>, %arg15: memref<80x64xf32, #tpu.memory_space<vmem>>, %arg16: memref<80x64xf32, #tpu.memory_space<vmem>>, %arg17: memref<80x64xf32, #tpu.memory_space<vmem>>, %arg18: memref<80x64xf32, #tpu.memory_space<vmem>>, %arg19: memref<10240x64xf32, #tpu.memory_space<vmem_shared>>, %arg20: memref<!tpu.dma_semaphore, #tpu.memory_space<semaphore_mem>>, %arg21: memref<!tpu.dma_semaphore, #tpu.memory_space<semaphore_mem>>, %arg22: memref<!tpu.dma_semaphore, #tpu.memory_space<semaphore_mem>>, %arg23: memref<!tpu.dma_semaphore, #tpu.memory_space<semaphore_mem>>, %arg24: memref<!tpu.dma_semaphore, #tpu.memory_space<semaphore_mem>>, %arg25: memref<!tpu.dma_semaphore, #tpu.memory_space<semaphore_mem>>, %arg26: memref<!tpu.dma_semaphore, #tpu.memory_space<semaphore_mem>>, %arg27: memref<!tpu.dma_semaphore, #tpu.memory_space<semaphore_mem>>, %arg28: memref<!tpu.dma_semaphore, #tpu.memory_space<semaphore_mem>>, %arg29: memref<!tpu.dma_semaphore, #tpu.memory_space<semaphore_mem>>, %arg30: memref<!tpu.dma_semaphore, #tpu.memory_space<semaphore_mem>>, %arg31: memref<!tpu.dma_semaphore, #tpu.memory_space<semaphore_mem>>) attributes {dimension_semantics = [#tpu.dimension_semantics<core_parallel>, #tpu.dimension_semantics<subcore_parallel>], iteration_bounds = array<i64: 2, 16>, scalar_prefetch = 0 : i64, scratch_operands = 25 : i64, tpu.core_type = #tpu.core_type<sc_vector_subcore>, window_params = [{transform_indices = #map}, {transform_indices = #map}, {transform_indices = #map}, {transform_indices = #map}, {transform_indices = #map1}]} {
    %mul3A = arith.constant 640 : i32
    %mul3A_0 = arith.muli %arg1, %mul3A : i32
    "tpu.region"() ({
      %run_scoped3A = tpu.sem_alloc : memref<!tpu.dma_semaphore, #tpu.memory_space<semaphore_mem>>
      %dma_start3A_61 = arith.constant 0 : i32
      %dma_start3A_62 = tpu.memref_slice %arg19[%mul3A_0, %dma_start3A_61] : memref<10240x64xf32, #tpu.memory_space<vmem_shared>> -> memref<640x64xf32, #tpu.memory_space<vmem_shared>>
      %dma_start3A_63 = arith.constant 0 : i32
      %dma_start3A_64 = tpu.memref_slice %arg5[%mul3A_0, %dma_start3A_63] : memref<10240x64xf32, #tpu.memory_space<hbm>> -> memref<640x64xf32, #tpu.memory_space<hbm>>
      tpu.enqueue_dma source(%dma_start3A_64 : memref<640x64xf32, #tpu.memory_space<hbm>>) target(%dma_start3A_62 : memref<640x64xf32, #tpu.memory_space<vmem_shared>>) target_semaphore(%run_scoped3A : memref<!tpu.dma_semaphore, #tpu.memory_space<semaphore_mem>>)
      %dma_wait3A_65 = arith.constant 0 : i32
      %dma_wait3A_66 = tpu.memref_slice %arg19[%mul3A_0, %dma_wait3A_65] : memref<10240x64xf32, #tpu.memory_space<vmem_shared>> -> memref<640x64xf32, #tpu.memory_space<vmem_shared>>
      %dma_wait3A_67 = arith.constant 0 : i32
      %dma_wait3A_68 = tpu.memref_slice %arg5[%mul3A_0, %dma_wait3A_67] : memref<10240x64xf32, #tpu.memory_space<hbm>> -> memref<640x64xf32, #tpu.memory_space<hbm>>
      tpu.wait_dma2 semaphore(%run_scoped3A : memref<!tpu.dma_semaphore, #tpu.memory_space<semaphore_mem>>) src(%dma_wait3A_68 : memref<640x64xf32, #tpu.memory_space<hbm>>) dst(%dma_wait3A_66 : memref<640x64xf32, #tpu.memory_space<vmem_shared>>)
      tpu.yield
    }) : () -> ()
    %barrier3A = arith.constant 0 : index
    tpu.barrier barrier_id(%barrier3A)
    %mul3A_1 = arith.constant 16 : i32
    %mul3A_2 = arith.muli %arg0, %mul3A_1 : i32
    %add3A = arith.addi %mul3A_2, %arg1 : i32
    %mul3A_3 = arith.constant 125 : i32
    %mul3A_4 = arith.muli %add3A, %mul3A_3 : i32
    %scan3A = arith.constant 0 : i32
    %scan3A_5 = arith.constant 0 : i32
    %scan3A_6 = arith.constant 31 : i32
    %scan3A_7 = arith.addi %scan3A_5, %scan3A_6 : i32
    %scan3A_8 = arith.constant 1 : i32
    scf.for %scan3A_61 = %scan3A_5 to %scan3A_7 step %scan3A_8  : i32 {
      %gt3A = arith.constant 0 : i32
      %gt3A_62 = arith.cmpi sgt, %scan3A_61, %gt3A : i32
      %convert_element_type3A = arith.extui %gt3A_62 : i1 to i32
      %cond3A = arith.constant 0 : i32
      %cond3A_63 = arith.cmpi ne, %convert_element_type3A, %cond3A : i32
      scf.if %cond3A_63 {
        %dma_wait3A_235 = arith.constant 0 : i32
        %dma_wait3A_236 = arith.constant 0 : i32
        %dma_wait3A_237 = tpu.memref_slice %arg19[%dma_wait3A_235, %dma_wait3A_236] : memref<10240x64xf32, #tpu.memory_space<vmem_shared>> -> memref<10240x64xf32, #tpu.memory_space<vmem_shared>>
        tpu.wait_indirect_dma semaphore(%arg24 : memref<!tpu.dma_semaphore, #tpu.memory_space<semaphore_mem>>) src(%arg15 : memref<80x64xf32, #tpu.memory_space<vmem>>) dst(%dma_wait3A_237 : memref<10240x64xf32, #tpu.memory_space<vmem_shared>>)
      } else {
      }
      %mul3A_64 = arith.constant 4 : i32
      %mul3A_65 = arith.muli %scan3A_61, %mul3A_64 : i32
      %add3A_66 = arith.constant 0 : i32
      %add3A_67 = arith.addi %mul3A_65, %add3A_66 : i32
      %add3A_68 = arith.addi %mul3A_4, %add3A_67 : i32
      %dma_start3A_69 = arith.constant 0 : i32
      %dma_start3A_70 = tpu.memref_slice %arg3[%add3A_68, %dma_start3A_69] : memref<4000x80xi32, #tpu.memory_space<hbm>> -> memref<1x80xi32, #tpu.memory_space<hbm>>
      %dma_start3A_71 = tpu.memref_squeeze %dma_start3A_70 : memref<1x80xi32, #tpu.memory_space<hbm>> -> memref<80xi32, #tpu.memory_space<hbm>>
      %dma_start3A_72 = arith.constant 0 : i32
      %dma_start3A_73 = tpu.memref_slice %arg3[%add3A_68, %dma_start3A_72] : memref<4000x80xi32, #tpu.memory_space<hbm>> -> memref<1x80xi32, #tpu.memory_space<hbm>>
      %dma_start3A_74 = tpu.memref_squeeze %dma_start3A_73 : memref<1x80xi32, #tpu.memory_space<hbm>> -> memref<80xi32, #tpu.memory_space<hbm>>
      tpu.enqueue_dma source(%dma_start3A_74 : memref<80xi32, #tpu.memory_space<hbm>>) target(%arg7 : memref<80xi32, #tpu.memory_space<vmem>>) target_semaphore(%arg28 : memref<!tpu.dma_semaphore, #tpu.memory_space<semaphore_mem>>)
      %add3A_75 = arith.addi %mul3A_4, %add3A_67 : i32
      %dma_start3A_76 = arith.constant 0 : i32
      %dma_start3A_77 = tpu.memref_slice %arg4[%add3A_75, %dma_start3A_76] : memref<4000x80xi32, #tpu.memory_space<hbm>> -> memref<1x80xi32, #tpu.memory_space<hbm>>
      %dma_start3A_78 = tpu.memref_squeeze %dma_start3A_77 : memref<1x80xi32, #tpu.memory_space<hbm>> -> memref<80xi32, #tpu.memory_space<hbm>>
      %dma_start3A_79 = arith.constant 0 : i32
      %dma_start3A_80 = tpu.memref_slice %arg4[%add3A_75, %dma_start3A_79] : memref<4000x80xi32, #tpu.memory_space<hbm>> -> memref<1x80xi32, #tpu.memory_space<hbm>>
      %dma_start3A_81 = tpu.memref_squeeze %dma_start3A_80 : memref<1x80xi32, #tpu.memory_space<hbm>> -> memref<80xi32, #tpu.memory_space<hbm>>
      tpu.enqueue_dma source(%dma_start3A_81 : memref<80xi32, #tpu.memory_space<hbm>>) target(%arg11 : memref<80xi32, #tpu.memory_space<vmem>>) target_semaphore(%arg28 : memref<!tpu.dma_semaphore, #tpu.memory_space<semaphore_mem>>)
      %gt3A_82 = arith.constant 0 : i32
      %gt3A_83 = arith.cmpi sgt, %scan3A_61, %gt3A_82 : i32
      %convert_element_type3A_84 = arith.extui %gt3A_83 : i1 to i32
      %cond3A_85 = arith.constant 0 : i32
      %cond3A_86 = arith.cmpi ne, %convert_element_type3A_84, %cond3A_85 : i32
      scf.if %cond3A_86 {
        %dma_wait3A_235 = arith.constant 0 : i32
        %dma_wait3A_236 = arith.constant 0 : i32
        %dma_wait3A_237 = tpu.memref_slice %arg19[%dma_wait3A_235, %dma_wait3A_236] : memref<10240x64xf32, #tpu.memory_space<vmem_shared>> -> memref<10240x64xf32, #tpu.memory_space<vmem_shared>>
        tpu.wait_indirect_dma semaphore(%arg25 : memref<!tpu.dma_semaphore, #tpu.memory_space<semaphore_mem>>) src(%arg16 : memref<80x64xf32, #tpu.memory_space<vmem>>) dst(%dma_wait3A_237 : memref<10240x64xf32, #tpu.memory_space<vmem_shared>>)
      } else {
      }
      %mul3A_87 = arith.constant 4 : i32
      %mul3A_88 = arith.muli %scan3A_61, %mul3A_87 : i32
      %add3A_89 = arith.constant 1 : i32
      %add3A_90 = arith.addi %mul3A_88, %add3A_89 : i32
      %add3A_91 = arith.addi %mul3A_4, %add3A_90 : i32
      %dma_start3A_92 = arith.constant 0 : i32
      %dma_start3A_93 = tpu.memref_slice %arg3[%add3A_91, %dma_start3A_92] : memref<4000x80xi32, #tpu.memory_space<hbm>> -> memref<1x80xi32, #tpu.memory_space<hbm>>
      %dma_start3A_94 = tpu.memref_squeeze %dma_start3A_93 : memref<1x80xi32, #tpu.memory_space<hbm>> -> memref<80xi32, #tpu.memory_space<hbm>>
      %dma_start3A_95 = arith.constant 0 : i32
      %dma_start3A_96 = tpu.memref_slice %arg3[%add3A_91, %dma_start3A_95] : memref<4000x80xi32, #tpu.memory_space<hbm>> -> memref<1x80xi32, #tpu.memory_space<hbm>>
      %dma_start3A_97 = tpu.memref_squeeze %dma_start3A_96 : memref<1x80xi32, #tpu.memory_space<hbm>> -> memref<80xi32, #tpu.memory_space<hbm>>
      tpu.enqueue_dma source(%dma_start3A_97 : memref<80xi32, #tpu.memory_space<hbm>>) target(%arg8 : memref<80xi32, #tpu.memory_space<vmem>>) target_semaphore(%arg29 : memref<!tpu.dma_semaphore, #tpu.memory_space<semaphore_mem>>)
      %add3A_98 = arith.addi %mul3A_4, %add3A_90 : i32
      %dma_start3A_99 = arith.constant 0 : i32
      %dma_start3A_100 = tpu.memref_slice %arg4[%add3A_98, %dma_start3A_99] : memref<4000x80xi32, #tpu.memory_space<hbm>> -> memref<1x80xi32, #tpu.memory_space<hbm>>
      %dma_start3A_101 = tpu.memref_squeeze %dma_start3A_100 : memref<1x80xi32, #tpu.memory_space<hbm>> -> memref<80xi32, #tpu.memory_space<hbm>>
      %dma_start3A_102 = arith.constant 0 : i32
      %dma_start3A_103 = tpu.memref_slice %arg4[%add3A_98, %dma_start3A_102] : memref<4000x80xi32, #tpu.memory_space<hbm>> -> memref<1x80xi32, #tpu.memory_space<hbm>>
      %dma_start3A_104 = tpu.memref_squeeze %dma_start3A_103 : memref<1x80xi32, #tpu.memory_space<hbm>> -> memref<80xi32, #tpu.memory_space<hbm>>
      tpu.enqueue_dma source(%dma_start3A_104 : memref<80xi32, #tpu.memory_space<hbm>>) target(%arg12 : memref<80xi32, #tpu.memory_space<vmem>>) target_semaphore(%arg29 : memref<!tpu.dma_semaphore, #tpu.memory_space<semaphore_mem>>)
      %gt3A_105 = arith.constant 0 : i32
      %gt3A_106 = arith.cmpi sgt, %scan3A_61, %gt3A_105 : i32
      %convert_element_type3A_107 = arith.extui %gt3A_106 : i1 to i32
      %cond3A_108 = arith.constant 0 : i32
      %cond3A_109 = arith.cmpi ne, %convert_element_type3A_107, %cond3A_108 : i32
      scf.if %cond3A_109 {
        %dma_wait3A_235 = arith.constant 0 : i32
        %dma_wait3A_236 = arith.constant 0 : i32
        %dma_wait3A_237 = tpu.memref_slice %arg19[%dma_wait3A_235, %dma_wait3A_236] : memref<10240x64xf32, #tpu.memory_space<vmem_shared>> -> memref<10240x64xf32, #tpu.memory_space<vmem_shared>>
        tpu.wait_indirect_dma semaphore(%arg26 : memref<!tpu.dma_semaphore, #tpu.memory_space<semaphore_mem>>) src(%arg17 : memref<80x64xf32, #tpu.memory_space<vmem>>) dst(%dma_wait3A_237 : memref<10240x64xf32, #tpu.memory_space<vmem_shared>>)
      } else {
      }
      %mul3A_110 = arith.constant 4 : i32
      %mul3A_111 = arith.muli %scan3A_61, %mul3A_110 : i32
      %add3A_112 = arith.constant 2 : i32
      %add3A_113 = arith.addi %mul3A_111, %add3A_112 : i32
      %add3A_114 = arith.addi %mul3A_4, %add3A_113 : i32
      %dma_start3A_115 = arith.constant 0 : i32
      %dma_start3A_116 = tpu.memref_slice %arg3[%add3A_114, %dma_start3A_115] : memref<4000x80xi32, #tpu.memory_space<hbm>> -> memref<1x80xi32, #tpu.memory_space<hbm>>
      %dma_start3A_117 = tpu.memref_squeeze %dma_start3A_116 : memref<1x80xi32, #tpu.memory_space<hbm>> -> memref<80xi32, #tpu.memory_space<hbm>>
      %dma_start3A_118 = arith.constant 0 : i32
      %dma_start3A_119 = tpu.memref_slice %arg3[%add3A_114, %dma_start3A_118] : memref<4000x80xi32, #tpu.memory_space<hbm>> -> memref<1x80xi32, #tpu.memory_space<hbm>>
      %dma_start3A_120 = tpu.memref_squeeze %dma_start3A_119 : memref<1x80xi32, #tpu.memory_space<hbm>> -> memref<80xi32, #tpu.memory_space<hbm>>
      tpu.enqueue_dma source(%dma_start3A_120 : memref<80xi32, #tpu.memory_space<hbm>>) target(%arg9 : memref<80xi32, #tpu.memory_space<vmem>>) target_semaphore(%arg30 : memref<!tpu.dma_semaphore, #tpu.memory_space<semaphore_mem>>)
      %add3A_121 = arith.addi %mul3A_4, %add3A_113 : i32
      %dma_start3A_122 = arith.constant 0 : i32
      %dma_start3A_123 = tpu.memref_slice %arg4[%add3A_121, %dma_start3A_122] : memref<4000x80xi32, #tpu.memory_space<hbm>> -> memref<1x80xi32, #tpu.memory_space<hbm>>
      %dma_start3A_124 = tpu.memref_squeeze %dma_start3A_123 : memref<1x80xi32, #tpu.memory_space<hbm>> -> memref<80xi32, #tpu.memory_space<hbm>>
      %dma_start3A_125 = arith.constant 0 : i32
      %dma_start3A_126 = tpu.memref_slice %arg4[%add3A_121, %dma_start3A_125] : memref<4000x80xi32, #tpu.memory_space<hbm>> -> memref<1x80xi32, #tpu.memory_space<hbm>>
      %dma_start3A_127 = tpu.memref_squeeze %dma_start3A_126 : memref<1x80xi32, #tpu.memory_space<hbm>> -> memref<80xi32, #tpu.memory_space<hbm>>
      tpu.enqueue_dma source(%dma_start3A_127 : memref<80xi32, #tpu.memory_space<hbm>>) target(%arg13 : memref<80xi32, #tpu.memory_space<vmem>>) target_semaphore(%arg30 : memref<!tpu.dma_semaphore, #tpu.memory_space<semaphore_mem>>)
      %gt3A_128 = arith.constant 0 : i32
      %gt3A_129 = arith.cmpi sgt, %scan3A_61, %gt3A_128 : i32
      %convert_element_type3A_130 = arith.extui %gt3A_129 : i1 to i32
      %cond3A_131 = arith.constant 0 : i32
      %cond3A_132 = arith.cmpi ne, %convert_element_type3A_130, %cond3A_131 : i32
      scf.if %cond3A_132 {
        %dma_wait3A_235 = arith.constant 0 : i32
        %dma_wait3A_236 = arith.constant 0 : i32
        %dma_wait3A_237 = tpu.memref_slice %arg19[%dma_wait3A_235, %dma_wait3A_236] : memref<10240x64xf32, #tpu.memory_space<vmem_shared>> -> memref<10240x64xf32, #tpu.memory_space<vmem_shared>>
        tpu.wait_indirect_dma semaphore(%arg27 : memref<!tpu.dma_semaphore, #tpu.memory_space<semaphore_mem>>) src(%arg18 : memref<80x64xf32, #tpu.memory_space<vmem>>) dst(%dma_wait3A_237 : memref<10240x64xf32, #tpu.memory_space<vmem_shared>>)
      } else {
      }
      %mul3A_133 = arith.constant 4 : i32
      %mul3A_134 = arith.muli %scan3A_61, %mul3A_133 : i32
      %add3A_135 = arith.constant 3 : i32
      %add3A_136 = arith.addi %mul3A_134, %add3A_135 : i32
      %add3A_137 = arith.addi %mul3A_4, %add3A_136 : i32
      %dma_start3A_138 = arith.constant 0 : i32
      %dma_start3A_139 = tpu.memref_slice %arg3[%add3A_137, %dma_start3A_138] : memref<4000x80xi32, #tpu.memory_space<hbm>> -> memref<1x80xi32, #tpu.memory_space<hbm>>
      %dma_start3A_140 = tpu.memref_squeeze %dma_start3A_139 : memref<1x80xi32, #tpu.memory_space<hbm>> -> memref<80xi32, #tpu.memory_space<hbm>>
      %dma_start3A_141 = arith.constant 0 : i32
      %dma_start3A_142 = tpu.memref_slice %arg3[%add3A_137, %dma_start3A_141] : memref<4000x80xi32, #tpu.memory_space<hbm>> -> memref<1x80xi32, #tpu.memory_space<hbm>>
      %dma_start3A_143 = tpu.memref_squeeze %dma_start3A_142 : memref<1x80xi32, #tpu.memory_space<hbm>> -> memref<80xi32, #tpu.memory_space<hbm>>
      tpu.enqueue_dma source(%dma_start3A_143 : memref<80xi32, #tpu.memory_space<hbm>>) target(%arg10 : memref<80xi32, #tpu.memory_space<vmem>>) target_semaphore(%arg31 : memref<!tpu.dma_semaphore, #tpu.memory_space<semaphore_mem>>)
      %add3A_144 = arith.addi %mul3A_4, %add3A_136 : i32
      %dma_start3A_145 = arith.constant 0 : i32
      %dma_start3A_146 = tpu.memref_slice %arg4[%add3A_144, %dma_start3A_145] : memref<4000x80xi32, #tpu.memory_space<hbm>> -> memref<1x80xi32, #tpu.memory_space<hbm>>
      %dma_start3A_147 = tpu.memref_squeeze %dma_start3A_146 : memref<1x80xi32, #tpu.memory_space<hbm>> -> memref<80xi32, #tpu.memory_space<hbm>>
      %dma_start3A_148 = arith.constant 0 : i32
      %dma_start3A_149 = tpu.memref_slice %arg4[%add3A_144, %dma_start3A_148] : memref<4000x80xi32, #tpu.memory_space<hbm>> -> memref<1x80xi32, #tpu.memory_space<hbm>>
      %dma_start3A_150 = tpu.memref_squeeze %dma_start3A_149 : memref<1x80xi32, #tpu.memory_space<hbm>> -> memref<80xi32, #tpu.memory_space<hbm>>
      tpu.enqueue_dma source(%dma_start3A_150 : memref<80xi32, #tpu.memory_space<hbm>>) target(%arg14 : memref<80xi32, #tpu.memory_space<vmem>>) target_semaphore(%arg31 : memref<!tpu.dma_semaphore, #tpu.memory_space<semaphore_mem>>)
      %dma_wait3A_151 = arith.constant 0 : i32
      %dma_wait3A_152 = tpu.memref_slice %arg3[%add3A_68, %dma_wait3A_151] : memref<4000x80xi32, #tpu.memory_space<hbm>> -> memref<1x80xi32, #tpu.memory_space<hbm>>
      %dma_wait3A_153 = tpu.memref_squeeze %dma_wait3A_152 : memref<1x80xi32, #tpu.memory_space<hbm>> -> memref<80xi32, #tpu.memory_space<hbm>>
      %dma_wait3A_154 = arith.constant 0 : i32
      %dma_wait3A_155 = tpu.memref_slice %arg3[%add3A_68, %dma_wait3A_154] : memref<4000x80xi32, #tpu.memory_space<hbm>> -> memref<1x80xi32, #tpu.memory_space<hbm>>
      %dma_wait3A_156 = tpu.memref_squeeze %dma_wait3A_155 : memref<1x80xi32, #tpu.memory_space<hbm>> -> memref<80xi32, #tpu.memory_space<hbm>>
      tpu.wait_dma2 semaphore(%arg28 : memref<!tpu.dma_semaphore, #tpu.memory_space<semaphore_mem>>) src(%dma_wait3A_156 : memref<80xi32, #tpu.memory_space<hbm>>) dst(%arg7 : memref<80xi32, #tpu.memory_space<vmem>>)
      %dma_wait3A_157 = arith.constant 0 : i32
      %dma_wait3A_158 = tpu.memref_slice %arg4[%add3A_75, %dma_wait3A_157] : memref<4000x80xi32, #tpu.memory_space<hbm>> -> memref<1x80xi32, #tpu.memory_space<hbm>>
      %dma_wait3A_159 = tpu.memref_squeeze %dma_wait3A_158 : memref<1x80xi32, #tpu.memory_space<hbm>> -> memref<80xi32, #tpu.memory_space<hbm>>
      %dma_wait3A_160 = arith.constant 0 : i32
      %dma_wait3A_161 = tpu.memref_slice %arg4[%add3A_75, %dma_wait3A_160] : memref<4000x80xi32, #tpu.memory_space<hbm>> -> memref<1x80xi32, #tpu.memory_space<hbm>>
      %dma_wait3A_162 = tpu.memref_squeeze %dma_wait3A_161 : memref<1x80xi32, #tpu.memory_space<hbm>> -> memref<80xi32, #tpu.memory_space<hbm>>
      tpu.wait_dma2 semaphore(%arg28 : memref<!tpu.dma_semaphore, #tpu.memory_space<semaphore_mem>>) src(%dma_wait3A_162 : memref<80xi32, #tpu.memory_space<hbm>>) dst(%arg11 : memref<80xi32, #tpu.memory_space<vmem>>)
      %dma_start3A_163 = arith.constant 0 : i32
      %dma_start3A_164 = arith.constant 0 : i32
      %dma_start3A_165 = tpu.memref_slice %arg2[%dma_start3A_163, %dma_start3A_164] : memref<10000x64xf32, #tpu.memory_space<hbm>> -> memref<10000x64xf32, #tpu.memory_space<hbm>>
      tpu.enqueue_indirect_dma source(%dma_start3A_165 : memref<10000x64xf32, #tpu.memory_space<hbm>>) target(%arg15 : memref<80x64xf32, #tpu.memory_space<vmem>>) offsets(%arg7 : memref<80xi32, #tpu.memory_space<vmem>>) semaphore(%arg20 : memref<!tpu.dma_semaphore, #tpu.memory_space<semaphore_mem>>)
      %dma_wait3A_166 = arith.constant 0 : i32
      %dma_wait3A_167 = tpu.memref_slice %arg3[%add3A_91, %dma_wait3A_166] : memref<4000x80xi32, #tpu.memory_space<hbm>> -> memref<1x80xi32, #tpu.memory_space<hbm>>
      %dma_wait3A_168 = tpu.memref_squeeze %dma_wait3A_167 : memref<1x80xi32, #tpu.memory_space<hbm>> -> memref<80xi32, #tpu.memory_space<hbm>>
      %dma_wait3A_169 = arith.constant 0 : i32
      %dma_wait3A_170 = tpu.memref_slice %arg3[%add3A_91, %dma_wait3A_169] : memref<4000x80xi32, #tpu.memory_space<hbm>> -> memref<1x80xi32, #tpu.memory_space<hbm>>
      %dma_wait3A_171 = tpu.memref_squeeze %dma_wait3A_170 : memref<1x80xi32, #tpu.memory_space<hbm>> -> memref<80xi32, #tpu.memory_space<hbm>>
      tpu.wait_dma2 semaphore(%arg29 : memref<!tpu.dma_semaphore, #tpu.memory_space<semaphore_mem>>) src(%dma_wait3A_171 : memref<80xi32, #tpu.memory_space<hbm>>) dst(%arg8 : memref<80xi32, #tpu.memory_space<vmem>>)
      %dma_wait3A_172 = arith.constant 0 : i32
      %dma_wait3A_173 = tpu.memref_slice %arg4[%add3A_98, %dma_wait3A_172] : memref<4000x80xi32, #tpu.memory_space<hbm>> -> memref<1x80xi32, #tpu.memory_space<hbm>>
      %dma_wait3A_174 = tpu.memref_squeeze %dma_wait3A_173 : memref<1x80xi32, #tpu.memory_space<hbm>> -> memref<80xi32, #tpu.memory_space<hbm>>
      %dma_wait3A_175 = arith.constant 0 : i32
      %dma_wait3A_176 = tpu.memref_slice %arg4[%add3A_98, %dma_wait3A_175] : memref<4000x80xi32, #tpu.memory_space<hbm>> -> memref<1x80xi32, #tpu.memory_space<hbm>>
      %dma_wait3A_177 = tpu.memref_squeeze %dma_wait3A_176 : memref<1x80xi32, #tpu.memory_space<hbm>> -> memref<80xi32, #tpu.memory_space<hbm>>
      tpu.wait_dma2 semaphore(%arg29 : memref<!tpu.dma_semaphore, #tpu.memory_space<semaphore_mem>>) src(%dma_wait3A_177 : memref<80xi32, #tpu.memory_space<hbm>>) dst(%arg12 : memref<80xi32, #tpu.memory_space<vmem>>)
      %dma_start3A_178 = arith.constant 0 : i32
      %dma_start3A_179 = arith.constant 0 : i32
      %dma_start3A_180 = tpu.memref_slice %arg2[%dma_start3A_178, %dma_start3A_179] : memref<10000x64xf32, #tpu.memory_space<hbm>> -> memref<10000x64xf32, #tpu.memory_space<hbm>>
      tpu.enqueue_indirect_dma source(%dma_start3A_180 : memref<10000x64xf32, #tpu.memory_space<hbm>>) target(%arg16 : memref<80x64xf32, #tpu.memory_space<vmem>>) offsets(%arg8 : memref<80xi32, #tpu.memory_space<vmem>>) semaphore(%arg21 : memref<!tpu.dma_semaphore, #tpu.memory_space<semaphore_mem>>)
      %dma_wait3A_181 = arith.constant 0 : i32
      %dma_wait3A_182 = tpu.memref_slice %arg3[%add3A_114, %dma_wait3A_181] : memref<4000x80xi32, #tpu.memory_space<hbm>> -> memref<1x80xi32, #tpu.memory_space<hbm>>
      %dma_wait3A_183 = tpu.memref_squeeze %dma_wait3A_182 : memref<1x80xi32, #tpu.memory_space<hbm>> -> memref<80xi32, #tpu.memory_space<hbm>>
      %dma_wait3A_184 = arith.constant 0 : i32
      %dma_wait3A_185 = tpu.memref_slice %arg3[%add3A_114, %dma_wait3A_184] : memref<4000x80xi32, #tpu.memory_space<hbm>> -> memref<1x80xi32, #tpu.memory_space<hbm>>
      %dma_wait3A_186 = tpu.memref_squeeze %dma_wait3A_185 : memref<1x80xi32, #tpu.memory_space<hbm>> -> memref<80xi32, #tpu.memory_space<hbm>>
      tpu.wait_dma2 semaphore(%arg30 : memref<!tpu.dma_semaphore, #tpu.memory_space<semaphore_mem>>) src(%dma_wait3A_186 : memref<80xi32, #tpu.memory_space<hbm>>) dst(%arg9 : memref<80xi32, #tpu.memory_space<vmem>>)
      %dma_wait3A_187 = arith.constant 0 : i32
      %dma_wait3A_188 = tpu.memref_slice %arg4[%add3A_121, %dma_wait3A_187] : memref<4000x80xi32, #tpu.memory_space<hbm>> -> memref<1x80xi32, #tpu.memory_space<hbm>>
      %dma_wait3A_189 = tpu.memref_squeeze %dma_wait3A_188 : memref<1x80xi32, #tpu.memory_space<hbm>> -> memref<80xi32, #tpu.memory_space<hbm>>
      %dma_wait3A_190 = arith.constant 0 : i32
      %dma_wait3A_191 = tpu.memref_slice %arg4[%add3A_121, %dma_wait3A_190] : memref<4000x80xi32, #tpu.memory_space<hbm>> -> memref<1x80xi32, #tpu.memory_space<hbm>>
      %dma_wait3A_192 = tpu.memref_squeeze %dma_wait3A_191 : memref<1x80xi32, #tpu.memory_space<hbm>> -> memref<80xi32, #tpu.memory_space<hbm>>
      tpu.wait_dma2 semaphore(%arg30 : memref<!tpu.dma_semaphore, #tpu.memory_space<semaphore_mem>>) src(%dma_wait3A_192 : memref<80xi32, #tpu.memory_space<hbm>>) dst(%arg13 : memref<80xi32, #tpu.memory_space<vmem>>)
      %dma_start3A_193 = arith.constant 0 : i32
      %dma_start3A_194 = arith.constant 0 : i32
      %dma_start3A_195 = tpu.memref_slice %arg2[%dma_start3A_193, %dma_start3A_194] : memref<10000x64xf32, #tpu.memory_space<hbm>> -> memref<10000x64xf32, #tpu.memory_space<hbm>>
      tpu.enqueue_indirect_dma source(%dma_start3A_195 : memref<10000x64xf32, #tpu.memory_space<hbm>>) target(%arg17 : memref<80x64xf32, #tpu.memory_space<vmem>>) offsets(%arg9 : memref<80xi32, #tpu.memory_space<vmem>>) semaphore(%arg22 : memref<!tpu.dma_semaphore, #tpu.memory_space<semaphore_mem>>)
      %dma_wait3A_196 = arith.constant 0 : i32
      %dma_wait3A_197 = tpu.memref_slice %arg3[%add3A_137, %dma_wait3A_196] : memref<4000x80xi32, #tpu.memory_space<hbm>> -> memref<1x80xi32, #tpu.memory_space<hbm>>
      %dma_wait3A_198 = tpu.memref_squeeze %dma_wait3A_197 : memref<1x80xi32, #tpu.memory_space<hbm>> -> memref<80xi32, #tpu.memory_space<hbm>>
      %dma_wait3A_199 = arith.constant 0 : i32
      %dma_wait3A_200 = tpu.memref_slice %arg3[%add3A_137, %dma_wait3A_199] : memref<4000x80xi32, #tpu.memory_space<hbm>> -> memref<1x80xi32, #tpu.memory_space<hbm>>
      %dma_wait3A_201 = tpu.memref_squeeze %dma_wait3A_200 : memref<1x80xi32, #tpu.memory_space<hbm>> -> memref<80xi32, #tpu.memory_space<hbm>>
      tpu.wait_dma2 semaphore(%arg31 : memref<!tpu.dma_semaphore, #tpu.memory_space<semaphore_mem>>) src(%dma_wait3A_201 : memref<80xi32, #tpu.memory_space<hbm>>) dst(%arg10 : memref<80xi32, #tpu.memory_space<vmem>>)
      %dma_wait3A_202 = arith.constant 0 : i32
      %dma_wait3A_203 = tpu.memref_slice %arg4[%add3A_144, %dma_wait3A_202] : memref<4000x80xi32, #tpu.memory_space<hbm>> -> memref<1x80xi32, #tpu.memory_space<hbm>>
      %dma_wait3A_204 = tpu.memref_squeeze %dma_wait3A_203 : memref<1x80xi32, #tpu.memory_space<hbm>> -> memref<80xi32, #tpu.memory_space<hbm>>
      %dma_wait3A_205 = arith.constant 0 : i32
      %dma_wait3A_206 = tpu.memref_slice %arg4[%add3A_144, %dma_wait3A_205] : memref<4000x80xi32, #tpu.memory_space<hbm>> -> memref<1x80xi32, #tpu.memory_space<hbm>>
      %dma_wait3A_207 = tpu.memref_squeeze %dma_wait3A_206 : memref<1x80xi32, #tpu.memory_space<hbm>> -> memref<80xi32, #tpu.memory_space<hbm>>
      tpu.wait_dma2 semaphore(%arg31 : memref<!tpu.dma_semaphore, #tpu.memory_space<semaphore_mem>>) src(%dma_wait3A_207 : memref<80xi32, #tpu.memory_space<hbm>>) dst(%arg14 : memref<80xi32, #tpu.memory_space<vmem>>)
      %dma_start3A_208 = arith.constant 0 : i32
      %dma_start3A_209 = arith.constant 0 : i32
      %dma_start3A_210 = tpu.memref_slice %arg2[%dma_start3A_208, %dma_start3A_209] : memref<10000x64xf32, #tpu.memory_space<hbm>> -> memref<10000x64xf32, #tpu.memory_space<hbm>>
      tpu.enqueue_indirect_dma source(%dma_start3A_210 : memref<10000x64xf32, #tpu.memory_space<hbm>>) target(%arg18 : memref<80x64xf32, #tpu.memory_space<vmem>>) offsets(%arg10 : memref<80xi32, #tpu.memory_space<vmem>>) semaphore(%arg23 : memref<!tpu.dma_semaphore, #tpu.memory_space<semaphore_mem>>)
      %dma_wait3A_211 = arith.constant 0 : i32
      %dma_wait3A_212 = arith.constant 0 : i32
      %dma_wait3A_213 = tpu.memref_slice %arg2[%dma_wait3A_211, %dma_wait3A_212] : memref<10000x64xf32, #tpu.memory_space<hbm>> -> memref<10000x64xf32, #tpu.memory_space<hbm>>
      tpu.wait_indirect_dma semaphore(%arg20 : memref<!tpu.dma_semaphore, #tpu.memory_space<semaphore_mem>>) src(%dma_wait3A_213 : memref<10000x64xf32, #tpu.memory_space<hbm>>) dst(%arg15 : memref<80x64xf32, #tpu.memory_space<vmem>>)
      %dma_start3A_214 = arith.constant 0 : i32
      %dma_start3A_215 = arith.constant 0 : i32
      %dma_start3A_216 = tpu.memref_slice %arg19[%dma_start3A_214, %dma_start3A_215] : memref<10240x64xf32, #tpu.memory_space<vmem_shared>> -> memref<10240x64xf32, #tpu.memory_space<vmem_shared>>
      tpu.enqueue_indirect_dma source(%arg15 : memref<80x64xf32, #tpu.memory_space<vmem>>) target(%dma_start3A_216 : memref<10240x64xf32, #tpu.memory_space<vmem_shared>>) offsets(%arg11 : memref<80xi32, #tpu.memory_space<vmem>>) semaphore(%arg24 : memref<!tpu.dma_semaphore, #tpu.memory_space<semaphore_mem>>) {add = true}
      %dma_wait3A_217 = arith.constant 0 : i32
      %dma_wait3A_218 = arith.constant 0 : i32
      %dma_wait3A_219 = tpu.memref_slice %arg2[%dma_wait3A_217, %dma_wait3A_218] : memref<10000x64xf32, #tpu.memory_space<hbm>> -> memref<10000x64xf32, #tpu.memory_space<hbm>>
      tpu.wait_indirect_dma semaphore(%arg21 : memref<!tpu.dma_semaphore, #tpu.memory_space<semaphore_mem>>) src(%dma_wait3A_219 : memref<10000x64xf32, #tpu.memory_space<hbm>>) dst(%arg16 : memref<80x64xf32, #tpu.memory_space<vmem>>)
      %dma_start3A_220 = arith.constant 0 : i32
      %dma_start3A_221 = arith.constant 0 : i32
      %dma_start3A_222 = tpu.memref_slice %arg19[%dma_start3A_220, %dma_start3A_221] : memref<10240x64xf32, #tpu.memory_space<vmem_shared>> -> memref<10240x64xf32, #tpu.memory_space<vmem_shared>>
      tpu.enqueue_indirect_dma source(%arg16 : memref<80x64xf32, #tpu.memory_space<vmem>>) target(%dma_start3A_222 : memref<10240x64xf32, #tpu.memory_space<vmem_shared>>) offsets(%arg12 : memref<80xi32, #tpu.memory_space<vmem>>) semaphore(%arg25 : memref<!tpu.dma_semaphore, #tpu.memory_space<semaphore_mem>>) {add = true}
      %dma_wait3A_223 = arith.constant 0 : i32
      %dma_wait3A_224 = arith.constant 0 : i32
      %dma_wait3A_225 = tpu.memref_slice %arg2[%dma_wait3A_223, %dma_wait3A_224] : memref<10000x64xf32, #tpu.memory_space<hbm>> -> memref<10000x64xf32, #tpu.memory_space<hbm>>
      tpu.wait_indirect_dma semaphore(%arg22 : memref<!tpu.dma_semaphore, #tpu.memory_space<semaphore_mem>>) src(%dma_wait3A_225 : memref<10000x64xf32, #tpu.memory_space<hbm>>) dst(%arg17 : memref<80x64xf32, #tpu.memory_space<vmem>>)
      %dma_start3A_226 = arith.constant 0 : i32
      %dma_start3A_227 = arith.constant 0 : i32
      %dma_start3A_228 = tpu.memref_slice %arg19[%dma_start3A_226, %dma_start3A_227] : memref<10240x64xf32, #tpu.memory_space<vmem_shared>> -> memref<10240x64xf32, #tpu.memory_space<vmem_shared>>
      tpu.enqueue_indirect_dma source(%arg17 : memref<80x64xf32, #tpu.memory_space<vmem>>) target(%dma_start3A_228 : memref<10240x64xf32, #tpu.memory_space<vmem_shared>>) offsets(%arg13 : memref<80xi32, #tpu.memory_space<vmem>>) semaphore(%arg26 : memref<!tpu.dma_semaphore, #tpu.memory_space<semaphore_mem>>) {add = true}
      %dma_wait3A_229 = arith.constant 0 : i32
      %dma_wait3A_230 = arith.constant 0 : i32
      %dma_wait3A_231 = tpu.memref_slice %arg2[%dma_wait3A_229, %dma_wait3A_230] : memref<10000x64xf32, #tpu.memory_space<hbm>> -> memref<10000x64xf32, #tpu.memory_space<hbm>>
      tpu.wait_indirect_dma semaphore(%arg23 : memref<!tpu.dma_semaphore, #tpu.memory_space<semaphore_mem>>) src(%dma_wait3A_231 : memref<10000x64xf32, #tpu.memory_space<hbm>>) dst(%arg18 : memref<80x64xf32, #tpu.memory_space<vmem>>)
      %dma_start3A_232 = arith.constant 0 : i32
      %dma_start3A_233 = arith.constant 0 : i32
      %dma_start3A_234 = tpu.memref_slice %arg19[%dma_start3A_232, %dma_start3A_233] : memref<10240x64xf32, #tpu.memory_space<vmem_shared>> -> memref<10240x64xf32, #tpu.memory_space<vmem_shared>>
      tpu.enqueue_indirect_dma source(%arg18 : memref<80x64xf32, #tpu.memory_space<vmem>>) target(%dma_start3A_234 : memref<10240x64xf32, #tpu.memory_space<vmem_shared>>) offsets(%arg14 : memref<80xi32, #tpu.memory_space<vmem>>) semaphore(%arg27 : memref<!tpu.dma_semaphore, #tpu.memory_space<semaphore_mem>>) {add = true}
    }
    %scan3A_9 = arith.constant 31 : i32
    %dma_wait3A = arith.constant 0 : i32
    %dma_wait3A_10 = arith.constant 0 : i32
    %dma_wait3A_11 = tpu.memref_slice %arg19[%dma_wait3A, %dma_wait3A_10] : memref<10240x64xf32, #tpu.memory_space<vmem_shared>> -> memref<10240x64xf32, #tpu.memory_space<vmem_shared>>
    tpu.wait_indirect_dma semaphore(%arg24 : memref<!tpu.dma_semaphore, #tpu.memory_space<semaphore_mem>>) src(%arg15 : memref<80x64xf32, #tpu.memory_space<vmem>>) dst(%dma_wait3A_11 : memref<10240x64xf32, #tpu.memory_space<vmem_shared>>)
    %add3A_12 = arith.constant 124 : i32
    %add3A_13 = arith.addi %mul3A_4, %add3A_12 : i32
    %dma_start3A = arith.constant 0 : i32
    %dma_start3A_14 = tpu.memref_slice %arg3[%add3A_13, %dma_start3A] : memref<4000x80xi32, #tpu.memory_space<hbm>> -> memref<1x80xi32, #tpu.memory_space<hbm>>
    %dma_start3A_15 = tpu.memref_squeeze %dma_start3A_14 : memref<1x80xi32, #tpu.memory_space<hbm>> -> memref<80xi32, #tpu.memory_space<hbm>>
    %dma_start3A_16 = arith.constant 0 : i32
    %dma_start3A_17 = tpu.memref_slice %arg3[%add3A_13, %dma_start3A_16] : memref<4000x80xi32, #tpu.memory_space<hbm>> -> memref<1x80xi32, #tpu.memory_space<hbm>>
    %dma_start3A_18 = tpu.memref_squeeze %dma_start3A_17 : memref<1x80xi32, #tpu.memory_space<hbm>> -> memref<80xi32, #tpu.memory_space<hbm>>
    tpu.enqueue_dma source(%dma_start3A_18 : memref<80xi32, #tpu.memory_space<hbm>>) target(%arg7 : memref<80xi32, #tpu.memory_space<vmem>>) target_semaphore(%arg28 : memref<!tpu.dma_semaphore, #tpu.memory_space<semaphore_mem>>)
    %add3A_19 = arith.constant 124 : i32
    %add3A_20 = arith.addi %mul3A_4, %add3A_19 : i32
    %dma_start3A_21 = arith.constant 0 : i32
    %dma_start3A_22 = tpu.memref_slice %arg4[%add3A_20, %dma_start3A_21] : memref<4000x80xi32, #tpu.memory_space<hbm>> -> memref<1x80xi32, #tpu.memory_space<hbm>>
    %dma_start3A_23 = tpu.memref_squeeze %dma_start3A_22 : memref<1x80xi32, #tpu.memory_space<hbm>> -> memref<80xi32, #tpu.memory_space<hbm>>
    %dma_start3A_24 = arith.constant 0 : i32
    %dma_start3A_25 = tpu.memref_slice %arg4[%add3A_20, %dma_start3A_24] : memref<4000x80xi32, #tpu.memory_space<hbm>> -> memref<1x80xi32, #tpu.memory_space<hbm>>
    %dma_start3A_26 = tpu.memref_squeeze %dma_start3A_25 : memref<1x80xi32, #tpu.memory_space<hbm>> -> memref<80xi32, #tpu.memory_space<hbm>>
    tpu.enqueue_dma source(%dma_start3A_26 : memref<80xi32, #tpu.memory_space<hbm>>) target(%arg11 : memref<80xi32, #tpu.memory_space<vmem>>) target_semaphore(%arg28 : memref<!tpu.dma_semaphore, #tpu.memory_space<semaphore_mem>>)
    %dma_wait3A_27 = arith.constant 0 : i32
    %dma_wait3A_28 = tpu.memref_slice %arg3[%add3A_13, %dma_wait3A_27] : memref<4000x80xi32, #tpu.memory_space<hbm>> -> memref<1x80xi32, #tpu.memory_space<hbm>>
    %dma_wait3A_29 = tpu.memref_squeeze %dma_wait3A_28 : memref<1x80xi32, #tpu.memory_space<hbm>> -> memref<80xi32, #tpu.memory_space<hbm>>
    %dma_wait3A_30 = arith.constant 0 : i32
    %dma_wait3A_31 = tpu.memref_slice %arg3[%add3A_13, %dma_wait3A_30] : memref<4000x80xi32, #tpu.memory_space<hbm>> -> memref<1x80xi32, #tpu.memory_space<hbm>>
    %dma_wait3A_32 = tpu.memref_squeeze %dma_wait3A_31 : memref<1x80xi32, #tpu.memory_space<hbm>> -> memref<80xi32, #tpu.memory_space<hbm>>
    tpu.wait_dma2 semaphore(%arg28 : memref<!tpu.dma_semaphore, #tpu.memory_space<semaphore_mem>>) src(%dma_wait3A_32 : memref<80xi32, #tpu.memory_space<hbm>>) dst(%arg7 : memref<80xi32, #tpu.memory_space<vmem>>)
    %dma_wait3A_33 = arith.constant 0 : i32
    %dma_wait3A_34 = tpu.memref_slice %arg4[%add3A_20, %dma_wait3A_33] : memref<4000x80xi32, #tpu.memory_space<hbm>> -> memref<1x80xi32, #tpu.memory_space<hbm>>
    %dma_wait3A_35 = tpu.memref_squeeze %dma_wait3A_34 : memref<1x80xi32, #tpu.memory_space<hbm>> -> memref<80xi32, #tpu.memory_space<hbm>>
    %dma_wait3A_36 = arith.constant 0 : i32
    %dma_wait3A_37 = tpu.memref_slice %arg4[%add3A_20, %dma_wait3A_36] : memref<4000x80xi32, #tpu.memory_space<hbm>> -> memref<1x80xi32, #tpu.memory_space<hbm>>
    %dma_wait3A_38 = tpu.memref_squeeze %dma_wait3A_37 : memref<1x80xi32, #tpu.memory_space<hbm>> -> memref<80xi32, #tpu.memory_space<hbm>>
    tpu.wait_dma2 semaphore(%arg28 : memref<!tpu.dma_semaphore, #tpu.memory_space<semaphore_mem>>) src(%dma_wait3A_38 : memref<80xi32, #tpu.memory_space<hbm>>) dst(%arg11 : memref<80xi32, #tpu.memory_space<vmem>>)
    %dma_start3A_39 = arith.constant 0 : i32
    %dma_start3A_40 = arith.constant 0 : i32
    %dma_start3A_41 = tpu.memref_slice %arg2[%dma_start3A_39, %dma_start3A_40] : memref<10000x64xf32, #tpu.memory_space<hbm>> -> memref<10000x64xf32, #tpu.memory_space<hbm>>
    tpu.enqueue_indirect_dma source(%dma_start3A_41 : memref<10000x64xf32, #tpu.memory_space<hbm>>) target(%arg15 : memref<80x64xf32, #tpu.memory_space<vmem>>) offsets(%arg7 : memref<80xi32, #tpu.memory_space<vmem>>) semaphore(%arg20 : memref<!tpu.dma_semaphore, #tpu.memory_space<semaphore_mem>>)
    %dma_wait3A_42 = arith.constant 0 : i32
    %dma_wait3A_43 = arith.constant 0 : i32
    %dma_wait3A_44 = tpu.memref_slice %arg2[%dma_wait3A_42, %dma_wait3A_43] : memref<10000x64xf32, #tpu.memory_space<hbm>> -> memref<10000x64xf32, #tpu.memory_space<hbm>>
    tpu.wait_indirect_dma semaphore(%arg20 : memref<!tpu.dma_semaphore, #tpu.memory_space<semaphore_mem>>) src(%dma_wait3A_44 : memref<10000x64xf32, #tpu.memory_space<hbm>>) dst(%arg15 : memref<80x64xf32, #tpu.memory_space<vmem>>)
    %dma_start3A_45 = arith.constant 0 : i32
    %dma_start3A_46 = arith.constant 0 : i32
    %dma_start3A_47 = tpu.memref_slice %arg19[%dma_start3A_45, %dma_start3A_46] : memref<10240x64xf32, #tpu.memory_space<vmem_shared>> -> memref<10240x64xf32, #tpu.memory_space<vmem_shared>>
    tpu.enqueue_indirect_dma source(%arg15 : memref<80x64xf32, #tpu.memory_space<vmem>>) target(%dma_start3A_47 : memref<10240x64xf32, #tpu.memory_space<vmem_shared>>) offsets(%arg11 : memref<80xi32, #tpu.memory_space<vmem>>) semaphore(%arg24 : memref<!tpu.dma_semaphore, #tpu.memory_space<semaphore_mem>>) {add = true}
    %dma_wait3A_48 = arith.constant 0 : i32
    %dma_wait3A_49 = arith.constant 0 : i32
    %dma_wait3A_50 = tpu.memref_slice %arg19[%dma_wait3A_48, %dma_wait3A_49] : memref<10240x64xf32, #tpu.memory_space<vmem_shared>> -> memref<10240x64xf32, #tpu.memory_space<vmem_shared>>
    tpu.wait_indirect_dma semaphore(%arg24 : memref<!tpu.dma_semaphore, #tpu.memory_space<semaphore_mem>>) src(%arg15 : memref<80x64xf32, #tpu.memory_space<vmem>>) dst(%dma_wait3A_50 : memref<10240x64xf32, #tpu.memory_space<vmem_shared>>)
    %dma_wait3A_51 = arith.constant 0 : i32
    %dma_wait3A_52 = arith.constant 0 : i32
    %dma_wait3A_53 = tpu.memref_slice %arg19[%dma_wait3A_51, %dma_wait3A_52] : memref<10240x64xf32, #tpu.memory_space<vmem_shared>> -> memref<10240x64xf32, #tpu.memory_space<vmem_shared>>
    tpu.wait_indirect_dma semaphore(%arg25 : memref<!tpu.dma_semaphore, #tpu.memory_space<semaphore_mem>>) src(%arg16 : memref<80x64xf32, #tpu.memory_space<vmem>>) dst(%dma_wait3A_53 : memref<10240x64xf32, #tpu.memory_space<vmem_shared>>)
    %dma_wait3A_54 = arith.constant 0 : i32
    %dma_wait3A_55 = arith.constant 0 : i32
    %dma_wait3A_56 = tpu.memref_slice %arg19[%dma_wait3A_54, %dma_wait3A_55] : memref<10240x64xf32, #tpu.memory_space<vmem_shared>> -> memref<10240x64xf32, #tpu.memory_space<vmem_shared>>
    tpu.wait_indirect_dma semaphore(%arg26 : memref<!tpu.dma_semaphore, #tpu.memory_space<semaphore_mem>>) src(%arg17 : memref<80x64xf32, #tpu.memory_space<vmem>>) dst(%dma_wait3A_56 : memref<10240x64xf32, #tpu.memory_space<vmem_shared>>)
    %dma_wait3A_57 = arith.constant 0 : i32
    %dma_wait3A_58 = arith.constant 0 : i32
    %dma_wait3A_59 = tpu.memref_slice %arg19[%dma_wait3A_57, %dma_wait3A_58] : memref<10240x64xf32, #tpu.memory_space<vmem_shared>> -> memref<10240x64xf32, #tpu.memory_space<vmem_shared>>
    tpu.wait_indirect_dma semaphore(%arg27 : memref<!tpu.dma_semaphore, #tpu.memory_space<semaphore_mem>>) src(%arg18 : memref<80x64xf32, #tpu.memory_space<vmem>>) dst(%dma_wait3A_59 : memref<10240x64xf32, #tpu.memory_space<vmem_shared>>)
    %barrier3A_60 = arith.constant 0 : index
    tpu.barrier barrier_id(%barrier3A_60)
    "tpu.region"() ({
      %run_scoped3A = tpu.sem_alloc : memref<!tpu.dma_semaphore, #tpu.memory_space<semaphore_mem>>
      %dma_start3A_61 = arith.constant 0 : i32
      %dma_start3A_62 = tpu.memref_slice %arg6[%arg0, %mul3A_0, %dma_start3A_61] : memref<2x10240x64xf32, #tpu.memory_space<hbm>> -> memref<1x640x64xf32, #tpu.memory_space<hbm>>
      %dma_start3A_63 = tpu.memref_squeeze %dma_start3A_62 : memref<1x640x64xf32, #tpu.memory_space<hbm>> -> memref<640x64xf32, #tpu.memory_space<hbm>>
      %dma_start3A_64 = arith.constant 0 : i32
      %dma_start3A_65 = tpu.memref_slice %arg19[%mul3A_0, %dma_start3A_64] : memref<10240x64xf32, #tpu.memory_space<vmem_shared>> -> memref<640x64xf32, #tpu.memory_space<vmem_shared>>
      tpu.enqueue_dma source(%dma_start3A_65 : memref<640x64xf32, #tpu.memory_space<vmem_shared>>) target(%dma_start3A_63 : memref<640x64xf32, #tpu.memory_space<hbm>>) target_semaphore(%run_scoped3A : memref<!tpu.dma_semaphore, #tpu.memory_space<semaphore_mem>>)
      %dma_wait3A_66 = arith.constant 0 : i32
      %dma_wait3A_67 = tpu.memref_slice %arg6[%arg0, %mul3A_0, %dma_wait3A_66] : memref<2x10240x64xf32, #tpu.memory_space<hbm>> -> memref<1x640x64xf32, #tpu.memory_space<hbm>>
      %dma_wait3A_68 = tpu.memref_squeeze %dma_wait3A_67 : memref<1x640x64xf32, #tpu.memory_space<hbm>> -> memref<640x64xf32, #tpu.memory_space<hbm>>
      %dma_wait3A_69 = arith.constant 0 : i32
      %dma_wait3A_70 = tpu.memref_slice %arg19[%mul3A_0, %dma_wait3A_69] : memref<10240x64xf32, #tpu.memory_space<vmem_shared>> -> memref<640x64xf32, #tpu.memory_space<vmem_shared>>
      tpu.wait_dma2 semaphore(%run_scoped3A : memref<!tpu.dma_semaphore, #tpu.memory_space<semaphore_mem>>) src(%dma_wait3A_70 : memref<640x64xf32, #tpu.memory_space<vmem_shared>>) dst(%dma_wait3A_68 : memref<640x64xf32, #tpu.memory_space<hbm>>)
      tpu.yield
    }) : () -> ()
    return
  }
}

module attributes {stable_mosaic.version = 14 : i64} {
  func.func @_lin_body(%arg0: i32, %arg1: memref<2x2000x128xf32, #tpu.memory_space<vmem>>, %arg2: memref<2000x128xf32, #tpu.memory_space<vmem>>, %arg3: memref<128x64xf32, #tpu.memory_space<vmem>>, %arg4: memref<128x64xf32, #tpu.memory_space<vmem>>, %arg5: memref<1x64xf32, #tpu.memory_space<vmem>>, %arg6: memref<2000x64xf32, #tpu.memory_space<vmem>>) attributes {dimension_semantics = [#tpu.dimension_semantics<arbitrary>], iteration_bounds = array<i64: 5>, scalar_prefetch = 0 : i64, scratch_operands = 0 : i64, tpu.core_type = #tpu.core_type<tc>, window_params = [{transform_indices = @transform_0, window_bounds = array<i64: 2, 2000, 128>}, {transform_indices = @transform_1, window_bounds = array<i64: 2000, 128>}, {pipeline_mode = #tpu.pipeline_mode<synchronous>, transform_indices = @transform_2, window_bounds = array<i64: 128, 64>}, {pipeline_mode = #tpu.pipeline_mode<synchronous>, transform_indices = @transform_3, window_bounds = array<i64: 128, 64>}, {pipeline_mode = #tpu.pipeline_mode<synchronous>, transform_indices = @transform_4, window_bounds = array<i64: 1, 64>}, {transform_indices = @transform_5, window_bounds = array<i64: 2000, 64>}]} {
    %get3A = arith.constant 0 : index
    %get3A_0 = arith.constant 0 : index
    %get3A_1 = arith.constant 0 : index
    %get3A_2 = vector.load %arg1[%get3A, %get3A_0, %get3A_1] : memref<2x2000x128xf32, #tpu.memory_space<vmem>>, vector<1x2000x128xf32>
    %get3A_3 = vector.shape_cast %get3A_2 : vector<1x2000x128xf32> to vector<2000x128xf32>
    %get3A_4 = arith.constant 1 : index
    %get3A_5 = arith.constant 0 : index
    %get3A_6 = arith.constant 0 : index
    %get3A_7 = vector.load %arg1[%get3A_4, %get3A_5, %get3A_6] : memref<2x2000x128xf32, #tpu.memory_space<vmem>>, vector<1x2000x128xf32>
    %get3A_8 = vector.shape_cast %get3A_7 : vector<1x2000x128xf32> to vector<2000x128xf32>
    %add3A = arith.addf %get3A_3, %get3A_8 : vector<2000x128xf32>
    %get3A_9 = arith.constant 0 : index
    %get3A_10 = arith.constant 0 : index
    %get3A_11 = vector.load %arg3[%get3A_9, %get3A_10] : memref<128x64xf32, #tpu.memory_space<vmem>>, vector<128x64xf32>
    %dot_general3A = arith.constant dense<0.000000e+00> : vector<2000x64xf32>
    %dot_general3A_12 = tpu.matmul %add3A, %get3A_11, %dot_general3A {dimension_numbers = #tpu.dot_dimension_numbers<[1], [0], [0], [1], [0, 0, 1, 1], [], []>, transpose_lhs_hint = false} : vector<2000x128xf32>, vector<128x64xf32>, vector<2000x64xf32> -> vector<2000x64xf32>
    %get3A_13 = arith.constant 0 : index
    %get3A_14 = arith.constant 0 : index
    %get3A_15 = vector.load %arg2[%get3A_13, %get3A_14] : memref<2000x128xf32, #tpu.memory_space<vmem>>, vector<2000x128xf32>
    %get3A_16 = arith.constant 0 : index
    %get3A_17 = arith.constant 0 : index
    %get3A_18 = vector.load %arg4[%get3A_16, %get3A_17] : memref<128x64xf32, #tpu.memory_space<vmem>>, vector<128x64xf32>
    %dot_general3A_19 = arith.constant dense<0.000000e+00> : vector<2000x64xf32>
    %dot_general3A_20 = tpu.matmul %get3A_15, %get3A_18, %dot_general3A_19 {dimension_numbers = #tpu.dot_dimension_numbers<[1], [0], [0], [1], [0, 0, 1, 1], [], []>, transpose_lhs_hint = false} : vector<2000x128xf32>, vector<128x64xf32>, vector<2000x64xf32> -> vector<2000x64xf32>
    %add3A_21 = arith.addf %dot_general3A_12, %dot_general3A_20 : vector<2000x64xf32>
    %get3A_22 = arith.constant 0 : index
    %get3A_23 = arith.constant 0 : index
    %get3A_24 = vector.load %arg5[%get3A_22, %get3A_23] : memref<1x64xf32, #tpu.memory_space<vmem>>, vector<1x64xf32>
    %add3A_25 = vector.broadcast %get3A_24 : vector<1x64xf32> to vector<2000x64xf32>
    %add3A_26 = arith.addf %add3A_21, %add3A_25 : vector<2000x64xf32>
    %ge3A = arith.constant 0.000000e+00 : f32
    %ge3A_27 = vector.broadcast %ge3A : f32 to vector<2000x64xf32>
    %ge3A_28 = arith.cmpf oge, %add3A_26, %ge3A_27 : vector<2000x64xf32>
    %mul3A = arith.constant 0.00999999977 : f32
    %mul3A_29 = vector.broadcast %mul3A : f32 to vector<2000x64xf32>
    %mul3A_30 = arith.mulf %mul3A_29, %add3A_26 : vector<2000x64xf32>
    %select_n3A = arith.select %ge3A_28, %add3A_26, %mul3A_30 : vector<2000x64xi1>, vector<2000x64xf32>
    %swap3A = arith.constant 0 : index
    %swap3A_31 = arith.constant 0 : index
    %swap3A_32 = vector.load %arg6[%swap3A, %swap3A_31] : memref<2000x64xf32, #tpu.memory_space<vmem>>, vector<2000x64xf32>
    tpu.vector_store %arg6[%swap3A, %swap3A_31], %select_n3A {strides = array<i32>} : memref<2000x64xf32, #tpu.memory_space<vmem>>, vector<2000x64xf32>,
    return
  }
  func.func @transform_0(%arg0: i32) -> (i32, i32, i32) {
    %c0_i32 = arith.constant 0 : i32
    %c0_i32_0 = arith.constant 0 : i32
    %c0_i32_1 = arith.constant 0 : i32
    return %c0_i32, %arg0, %c0_i32_0 : i32, i32, i32
  }
  func.func @transform_1(%arg0: i32) -> (i32, i32) {
    %c0_i32 = arith.constant 0 : i32
    %c0_i32_0 = arith.constant 0 : i32
    return %arg0, %c0_i32 : i32, i32
  }
  func.func @transform_2(%arg0: i32) -> (i32, i32) {
    %c0_i32 = arith.constant 0 : i32
    %c0_i32_0 = arith.constant 0 : i32
    %c0_i32_1 = arith.constant 0 : i32
    return %c0_i32, %c0_i32_0 : i32, i32
  }
  func.func @transform_3(%arg0: i32) -> (i32, i32) {
    %c0_i32 = arith.constant 0 : i32
    %c0_i32_0 = arith.constant 0 : i32
    %c0_i32_1 = arith.constant 0 : i32
    return %c0_i32, %c0_i32_0 : i32, i32
  }
  func.func @transform_4(%arg0: i32) -> (i32, i32) {
    %c0_i32 = arith.constant 0 : i32
    %c0_i32_0 = arith.constant 0 : i32
    %c0_i32_1 = arith.constant 0 : i32
    return %c0_i32, %c0_i32_0 : i32, i32
  }
  func.func @transform_5(%arg0: i32) -> (i32, i32) {
    %c0_i32 = arith.constant 0 : i32
    %c0_i32_0 = arith.constant 0 : i32
    return %arg0, %c0_i32 : i32, i32
  }
}

module attributes {stable_mosaic.version = 14 : i64} {
  func.func @_bn_body(%arg0: memref<10000x64xf32, #tpu.memory_space<vmem>>, %arg1: memref<1x64xf32, #tpu.memory_space<vmem>>, %arg2: memref<1x64xf32, #tpu.memory_space<vmem>>, %arg3: memref<10000x64xf32, #tpu.memory_space<vmem>>) attributes {dimension_semantics = [], scalar_prefetch = 0 : i64, scratch_operands = 0 : i64, tpu.core_type = #tpu.core_type<tc>} {
    %get3A = arith.constant 0 : index
    %get3A_0 = arith.constant 0 : index
    %get3A_1 = vector.load %arg0[%get3A, %get3A_0] : memref<10000x64xf32, #tpu.memory_space<vmem>>, vector<10000x64xf32>
    %get3A_2 = arith.constant 0 : index
    %get3A_3 = arith.constant 0 : index
    %get3A_4 = vector.load %arg1[%get3A_2, %get3A_3] : memref<1x64xf32, #tpu.memory_space<vmem>>, vector<1x64xf32>
    %get3A_5 = arith.constant 0 : index
    %get3A_6 = arith.constant 0 : index
    %get3A_7 = vector.load %arg2[%get3A_5, %get3A_6] : memref<1x64xf32, #tpu.memory_space<vmem>>, vector<1x64xf32>
    %reduce_sum3A = arith.constant dense<0.000000e+00> : vector<64xf32>
    %reduce_sum3A_8 = vector.multi_reduction <add>, %get3A_1, %reduce_sum3A [0] : vector<10000x64xf32> to vector<64xf32>
    %broadcast_in_dim3A = vector.shape_cast %reduce_sum3A_8 : vector<64xf32> to vector<1x64xf32>
    %div3A = arith.constant 1.000000e+04 : f32
    %div3A_9 = vector.broadcast %div3A : f32 to vector<1x64xf32>
    %div3A_10 = arith.divf %broadcast_in_dim3A, %div3A_9 : vector<1x64xf32>
    %sub3A = vector.broadcast %div3A_10 : vector<1x64xf32> to vector<10000x64xf32>
    %sub3A_11 = arith.subf %get3A_1, %sub3A : vector<10000x64xf32>
    %integer_pow3A = arith.mulf %sub3A_11, %sub3A_11 : vector<10000x64xf32>
    %reduce_sum3A_12 = arith.constant dense<0.000000e+00> : vector<64xf32>
    %reduce_sum3A_13 = vector.multi_reduction <add>, %integer_pow3A, %reduce_sum3A_12 [0] : vector<10000x64xf32> to vector<64xf32>
    %broadcast_in_dim3A_14 = vector.shape_cast %reduce_sum3A_13 : vector<64xf32> to vector<1x64xf32>
    %div3A_15 = arith.constant 1.000000e+04 : f32
    %div3A_16 = vector.broadcast %div3A_15 : f32 to vector<1x64xf32>
    %div3A_17 = arith.divf %broadcast_in_dim3A_14, %div3A_16 : vector<1x64xf32>
    %sub3A_18 = vector.broadcast %div3A_10 : vector<1x64xf32> to vector<10000x64xf32>
    %sub3A_19 = arith.subf %get3A_1, %sub3A_18 : vector<10000x64xf32>
    %add3A = arith.constant 9.99999974E-6 : f32
    %add3A_20 = vector.broadcast %add3A : f32 to vector<1x64xf32>
    %add3A_21 = arith.addf %div3A_17, %add3A_20 : vector<1x64xf32>
    %sqrt3A = math.sqrt %add3A_21 : vector<1x64xf32>
    %div3A_22 = vector.broadcast %sqrt3A : vector<1x64xf32> to vector<10000x64xf32>
    %div3A_23 = arith.divf %sub3A_19, %div3A_22 : vector<10000x64xf32>
    %mul3A = vector.broadcast %get3A_4 : vector<1x64xf32> to vector<10000x64xf32>
    %mul3A_24 = arith.mulf %div3A_23, %mul3A : vector<10000x64xf32>
    %add3A_25 = vector.broadcast %get3A_7 : vector<1x64xf32> to vector<10000x64xf32>
    %add3A_26 = arith.addf %mul3A_24, %add3A_25 : vector<10000x64xf32>
    %swap3A = arith.constant 0 : index
    %swap3A_27 = arith.constant 0 : index
    %swap3A_28 = vector.load %arg3[%swap3A, %swap3A_27] : memref<10000x64xf32, #tpu.memory_space<vmem>>, vector<10000x64xf32>
    tpu.vector_store %arg3[%swap3A, %swap3A_27], %add3A_26 {strides = array<i32>} : memref<10000x64xf32, #tpu.memory_space<vmem>>, vector<10000x64xf32>,
    return
  }
}

module attributes {stable_mosaic.version = 14 : i64} {
  func.func @_lin_body(%arg0: i32, %arg1: memref<2x2000x64xf32, #tpu.memory_space<vmem>>, %arg2: memref<2000x64xf32, #tpu.memory_space<vmem>>, %arg3: memref<64x128xf32, #tpu.memory_space<vmem>>, %arg4: memref<64x128xf32, #tpu.memory_space<vmem>>, %arg5: memref<1x128xf32, #tpu.memory_space<vmem>>, %arg6: memref<2000x128xf32, #tpu.memory_space<vmem>>) attributes {dimension_semantics = [#tpu.dimension_semantics<arbitrary>], iteration_bounds = array<i64: 5>, scalar_prefetch = 0 : i64, scratch_operands = 0 : i64, tpu.core_type = #tpu.core_type<tc>, window_params = [{transform_indices = @transform_0, window_bounds = array<i64: 2, 2000, 64>}, {transform_indices = @transform_1, window_bounds = array<i64: 2000, 64>}, {pipeline_mode = #tpu.pipeline_mode<synchronous>, transform_indices = @transform_2, window_bounds = array<i64: 64, 128>}, {pipeline_mode = #tpu.pipeline_mode<synchronous>, transform_indices = @transform_3, window_bounds = array<i64: 64, 128>}, {pipeline_mode = #tpu.pipeline_mode<synchronous>, transform_indices = @transform_4, window_bounds = array<i64: 1, 128>}, {transform_indices = @transform_5, window_bounds = array<i64: 2000, 128>}]} {
    %get3A = arith.constant 0 : index
    %get3A_0 = arith.constant 0 : index
    %get3A_1 = arith.constant 0 : index
    %get3A_2 = vector.load %arg1[%get3A, %get3A_0, %get3A_1] : memref<2x2000x64xf32, #tpu.memory_space<vmem>>, vector<1x2000x64xf32>
    %get3A_3 = vector.shape_cast %get3A_2 : vector<1x2000x64xf32> to vector<2000x64xf32>
    %get3A_4 = arith.constant 1 : index
    %get3A_5 = arith.constant 0 : index
    %get3A_6 = arith.constant 0 : index
    %get3A_7 = vector.load %arg1[%get3A_4, %get3A_5, %get3A_6] : memref<2x2000x64xf32, #tpu.memory_space<vmem>>, vector<1x2000x64xf32>
    %get3A_8 = vector.shape_cast %get3A_7 : vector<1x2000x64xf32> to vector<2000x64xf32>
    %add3A = arith.addf %get3A_3, %get3A_8 : vector<2000x64xf32>
    %get3A_9 = arith.constant 0 : index
    %get3A_10 = arith.constant 0 : index
    %get3A_11 = vector.load %arg3[%get3A_9, %get3A_10] : memref<64x128xf32, #tpu.memory_space<vmem>>, vector<64x128xf32>
    %dot_general3A = arith.constant dense<0.000000e+00> : vector<2000x128xf32>
    %dot_general3A_12 = tpu.matmul %add3A, %get3A_11, %dot_general3A {dimension_numbers = #tpu.dot_dimension_numbers<[1], [0], [0], [1], [0, 0, 1, 1], [], []>, transpose_lhs_hint = false} : vector<2000x64xf32>, vector<64x128xf32>, vector<2000x128xf32> -> vector<2000x128xf32>
    %get3A_13 = arith.constant 0 : index
    %get3A_14 = arith.constant 0 : index
    %get3A_15 = vector.load %arg2[%get3A_13, %get3A_14] : memref<2000x64xf32, #tpu.memory_space<vmem>>, vector<2000x64xf32>
    %get3A_16 = arith.constant 0 : index
    %get3A_17 = arith.constant 0 : index
    %get3A_18 = vector.load %arg4[%get3A_16, %get3A_17] : memref<64x128xf32, #tpu.memory_space<vmem>>, vector<64x128xf32>
    %dot_general3A_19 = arith.constant dense<0.000000e+00> : vector<2000x128xf32>
    %dot_general3A_20 = tpu.matmul %get3A_15, %get3A_18, %dot_general3A_19 {dimension_numbers = #tpu.dot_dimension_numbers<[1], [0], [0], [1], [0, 0, 1, 1], [], []>, transpose_lhs_hint = false} : vector<2000x64xf32>, vector<64x128xf32>, vector<2000x128xf32> -> vector<2000x128xf32>
    %add3A_21 = arith.addf %dot_general3A_12, %dot_general3A_20 : vector<2000x128xf32>
    %get3A_22 = arith.constant 0 : index
    %get3A_23 = arith.constant 0 : index
    %get3A_24 = vector.load %arg5[%get3A_22, %get3A_23] : memref<1x128xf32, #tpu.memory_space<vmem>>, vector<1x128xf32>
    %add3A_25 = vector.broadcast %get3A_24 : vector<1x128xf32> to vector<2000x128xf32>
    %add3A_26 = arith.addf %add3A_21, %add3A_25 : vector<2000x128xf32>
    %ge3A = arith.constant 0.000000e+00 : f32
    %ge3A_27 = vector.broadcast %ge3A : f32 to vector<2000x128xf32>
    %ge3A_28 = arith.cmpf oge, %add3A_26, %ge3A_27 : vector<2000x128xf32>
    %mul3A = arith.constant 0.00999999977 : f32
    %mul3A_29 = vector.broadcast %mul3A : f32 to vector<2000x128xf32>
    %mul3A_30 = arith.mulf %mul3A_29, %add3A_26 : vector<2000x128xf32>
    %select_n3A = arith.select %ge3A_28, %add3A_26, %mul3A_30 : vector<2000x128xi1>, vector<2000x128xf32>
    %swap3A = arith.constant 0 : index
    %swap3A_31 = arith.constant 0 : index
    %swap3A_32 = vector.load %arg6[%swap3A, %swap3A_31] : memref<2000x128xf32, #tpu.memory_space<vmem>>, vector<2000x128xf32>
    tpu.vector_store %arg6[%swap3A, %swap3A_31], %select_n3A {strides = array<i32>} : memref<2000x128xf32, #tpu.memory_space<vmem>>, vector<2000x128xf32>,
    return
  }
  func.func @transform_0(%arg0: i32) -> (i32, i32, i32) {
    %c0_i32 = arith.constant 0 : i32
    %c0_i32_0 = arith.constant 0 : i32
    %c0_i32_1 = arith.constant 0 : i32
    return %c0_i32, %arg0, %c0_i32_0 : i32, i32, i32
  }
  func.func @transform_1(%arg0: i32) -> (i32, i32) {
    %c0_i32 = arith.constant 0 : i32
    %c0_i32_0 = arith.constant 0 : i32
    return %arg0, %c0_i32 : i32, i32
  }
  func.func @transform_2(%arg0: i32) -> (i32, i32) {
    %c0_i32 = arith.constant 0 : i32
    %c0_i32_0 = arith.constant 0 : i32
    %c0_i32_1 = arith.constant 0 : i32
    return %c0_i32, %c0_i32_0 : i32, i32
  }
  func.func @transform_3(%arg0: i32) -> (i32, i32) {
    %c0_i32 = arith.constant 0 : i32
    %c0_i32_0 = arith.constant 0 : i32
    %c0_i32_1 = arith.constant 0 : i32
    return %c0_i32, %c0_i32_0 : i32, i32
  }
  func.func @transform_4(%arg0: i32) -> (i32, i32) {
    %c0_i32 = arith.constant 0 : i32
    %c0_i32_0 = arith.constant 0 : i32
    %c0_i32_1 = arith.constant 0 : i32
    return %c0_i32, %c0_i32_0 : i32, i32
  }
  func.func @transform_5(%arg0: i32) -> (i32, i32) {
    %c0_i32 = arith.constant 0 : i32
    %c0_i32_0 = arith.constant 0 : i32
    return %arg0, %c0_i32 : i32, i32
  }
}

module attributes {stable_mosaic.version = 14 : i64} {
  func.func @_bn_body(%arg0: memref<10000x128xf32, #tpu.memory_space<vmem>>, %arg1: memref<1x128xf32, #tpu.memory_space<vmem>>, %arg2: memref<1x128xf32, #tpu.memory_space<vmem>>, %arg3: memref<10000x128xf32, #tpu.memory_space<vmem>>) attributes {dimension_semantics = [], scalar_prefetch = 0 : i64, scratch_operands = 0 : i64, tpu.core_type = #tpu.core_type<tc>} {
    %get3A = arith.constant 0 : index
    %get3A_0 = arith.constant 0 : index
    %get3A_1 = vector.load %arg0[%get3A, %get3A_0] : memref<10000x128xf32, #tpu.memory_space<vmem>>, vector<10000x128xf32>
    %get3A_2 = arith.constant 0 : index
    %get3A_3 = arith.constant 0 : index
    %get3A_4 = vector.load %arg1[%get3A_2, %get3A_3] : memref<1x128xf32, #tpu.memory_space<vmem>>, vector<1x128xf32>
    %get3A_5 = arith.constant 0 : index
    %get3A_6 = arith.constant 0 : index
    %get3A_7 = vector.load %arg2[%get3A_5, %get3A_6] : memref<1x128xf32, #tpu.memory_space<vmem>>, vector<1x128xf32>
    %reduce_sum3A = arith.constant dense<0.000000e+00> : vector<128xf32>
    %reduce_sum3A_8 = vector.multi_reduction <add>, %get3A_1, %reduce_sum3A [0] : vector<10000x128xf32> to vector<128xf32>
    %broadcast_in_dim3A = vector.shape_cast %reduce_sum3A_8 : vector<128xf32> to vector<1x128xf32>
    %div3A = arith.constant 1.000000e+04 : f32
    %div3A_9 = vector.broadcast %div3A : f32 to vector<1x128xf32>
    %div3A_10 = arith.divf %broadcast_in_dim3A, %div3A_9 : vector<1x128xf32>
    %sub3A = vector.broadcast %div3A_10 : vector<1x128xf32> to vector<10000x128xf32>
    %sub3A_11 = arith.subf %get3A_1, %sub3A : vector<10000x128xf32>
    %integer_pow3A = arith.mulf %sub3A_11, %sub3A_11 : vector<10000x128xf32>
    %reduce_sum3A_12 = arith.constant dense<0.000000e+00> : vector<128xf32>
    %reduce_sum3A_13 = vector.multi_reduction <add>, %integer_pow3A, %reduce_sum3A_12 [0] : vector<10000x128xf32> to vector<128xf32>
    %broadcast_in_dim3A_14 = vector.shape_cast %reduce_sum3A_13 : vector<128xf32> to vector<1x128xf32>
    %div3A_15 = arith.constant 1.000000e+04 : f32
    %div3A_16 = vector.broadcast %div3A_15 : f32 to vector<1x128xf32>
    %div3A_17 = arith.divf %broadcast_in_dim3A_14, %div3A_16 : vector<1x128xf32>
    %sub3A_18 = vector.broadcast %div3A_10 : vector<1x128xf32> to vector<10000x128xf32>
    %sub3A_19 = arith.subf %get3A_1, %sub3A_18 : vector<10000x128xf32>
    %add3A = arith.constant 9.99999974E-6 : f32
    %add3A_20 = vector.broadcast %add3A : f32 to vector<1x128xf32>
    %add3A_21 = arith.addf %div3A_17, %add3A_20 : vector<1x128xf32>
    %sqrt3A = math.sqrt %add3A_21 : vector<1x128xf32>
    %div3A_22 = vector.broadcast %sqrt3A : vector<1x128xf32> to vector<10000x128xf32>
    %div3A_23 = arith.divf %sub3A_19, %div3A_22 : vector<10000x128xf32>
    %mul3A = vector.broadcast %get3A_4 : vector<1x128xf32> to vector<10000x128xf32>
    %mul3A_24 = arith.mulf %div3A_23, %mul3A : vector<10000x128xf32>
    %add3A_25 = vector.broadcast %get3A_7 : vector<1x128xf32> to vector<10000x128xf32>
    %add3A_26 = arith.addf %mul3A_24, %add3A_25 : vector<10000x128xf32>
    %swap3A = arith.constant 0 : index
    %swap3A_27 = arith.constant 0 : index
    %swap3A_28 = vector.load %arg3[%swap3A, %swap3A_27] : memref<10000x128xf32, #tpu.memory_space<vmem>>, vector<10000x128xf32>
    tpu.vector_store %arg3[%swap3A, %swap3A_27], %add3A_26 {strides = array<i32>} : memref<10000x128xf32, #tpu.memory_space<vmem>>, vector<10000x128xf32>,
    return
  }
}

module attributes {stable_mosaic.version = 14 : i64} {
  func.func @_lin_body(%arg0: i32, %arg1: memref<2x2000x128xf32, #tpu.memory_space<vmem>>, %arg2: memref<2000x128xf32, #tpu.memory_space<vmem>>, %arg3: memref<128x192xf32, #tpu.memory_space<vmem>>, %arg4: memref<128x192xf32, #tpu.memory_space<vmem>>, %arg5: memref<1x192xf32, #tpu.memory_space<vmem>>, %arg6: memref<2000x192xf32, #tpu.memory_space<vmem>>) attributes {dimension_semantics = [#tpu.dimension_semantics<arbitrary>], iteration_bounds = array<i64: 5>, scalar_prefetch = 0 : i64, scratch_operands = 0 : i64, tpu.core_type = #tpu.core_type<tc>, window_params = [{transform_indices = @transform_0, window_bounds = array<i64: 2, 2000, 128>}, {transform_indices = @transform_1, window_bounds = array<i64: 2000, 128>}, {pipeline_mode = #tpu.pipeline_mode<synchronous>, transform_indices = @transform_2, window_bounds = array<i64: 128, 192>}, {pipeline_mode = #tpu.pipeline_mode<synchronous>, transform_indices = @transform_3, window_bounds = array<i64: 128, 192>}, {pipeline_mode = #tpu.pipeline_mode<synchronous>, transform_indices = @transform_4, window_bounds = array<i64: 1, 192>}, {transform_indices = @transform_5, window_bounds = array<i64: 2000, 192>}]} {
    %get3A = arith.constant 0 : index
    %get3A_0 = arith.constant 0 : index
    %get3A_1 = arith.constant 0 : index
    %get3A_2 = vector.load %arg1[%get3A, %get3A_0, %get3A_1] : memref<2x2000x128xf32, #tpu.memory_space<vmem>>, vector<1x2000x128xf32>
    %get3A_3 = vector.shape_cast %get3A_2 : vector<1x2000x128xf32> to vector<2000x128xf32>
    %get3A_4 = arith.constant 1 : index
    %get3A_5 = arith.constant 0 : index
    %get3A_6 = arith.constant 0 : index
    %get3A_7 = vector.load %arg1[%get3A_4, %get3A_5, %get3A_6] : memref<2x2000x128xf32, #tpu.memory_space<vmem>>, vector<1x2000x128xf32>
    %get3A_8 = vector.shape_cast %get3A_7 : vector<1x2000x128xf32> to vector<2000x128xf32>
    %add3A = arith.addf %get3A_3, %get3A_8 : vector<2000x128xf32>
    %get3A_9 = arith.constant 0 : index
    %get3A_10 = arith.constant 0 : index
    %get3A_11 = vector.load %arg3[%get3A_9, %get3A_10] : memref<128x192xf32, #tpu.memory_space<vmem>>, vector<128x192xf32>
    %dot_general3A = arith.constant dense<0.000000e+00> : vector<2000x192xf32>
    %dot_general3A_12 = tpu.matmul %add3A, %get3A_11, %dot_general3A {dimension_numbers = #tpu.dot_dimension_numbers<[1], [0], [0], [1], [0, 0, 1, 1], [], []>, transpose_lhs_hint = false} : vector<2000x128xf32>, vector<128x192xf32>, vector<2000x192xf32> -> vector<2000x192xf32>
    %get3A_13 = arith.constant 0 : index
    %get3A_14 = arith.constant 0 : index
    %get3A_15 = vector.load %arg2[%get3A_13, %get3A_14] : memref<2000x128xf32, #tpu.memory_space<vmem>>, vector<2000x128xf32>
    %get3A_16 = arith.constant 0 : index
    %get3A_17 = arith.constant 0 : index
    %get3A_18 = vector.load %arg4[%get3A_16, %get3A_17] : memref<128x192xf32, #tpu.memory_space<vmem>>, vector<128x192xf32>
    %dot_general3A_19 = arith.constant dense<0.000000e+00> : vector<2000x192xf32>
    %dot_general3A_20 = tpu.matmul %get3A_15, %get3A_18, %dot_general3A_19 {dimension_numbers = #tpu.dot_dimension_numbers<[1], [0], [0], [1], [0, 0, 1, 1], [], []>, transpose_lhs_hint = false} : vector<2000x128xf32>, vector<128x192xf32>, vector<2000x192xf32> -> vector<2000x192xf32>
    %add3A_21 = arith.addf %dot_general3A_12, %dot_general3A_20 : vector<2000x192xf32>
    %get3A_22 = arith.constant 0 : index
    %get3A_23 = arith.constant 0 : index
    %get3A_24 = vector.load %arg5[%get3A_22, %get3A_23] : memref<1x192xf32, #tpu.memory_space<vmem>>, vector<1x192xf32>
    %add3A_25 = vector.broadcast %get3A_24 : vector<1x192xf32> to vector<2000x192xf32>
    %add3A_26 = arith.addf %add3A_21, %add3A_25 : vector<2000x192xf32>
    %ge3A = arith.constant 0.000000e+00 : f32
    %ge3A_27 = vector.broadcast %ge3A : f32 to vector<2000x192xf32>
    %ge3A_28 = arith.cmpf oge, %add3A_26, %ge3A_27 : vector<2000x192xf32>
    %mul3A = arith.constant 0.00999999977 : f32
    %mul3A_29 = vector.broadcast %mul3A : f32 to vector<2000x192xf32>
    %mul3A_30 = arith.mulf %mul3A_29, %add3A_26 : vector<2000x192xf32>
    %select_n3A = arith.select %ge3A_28, %add3A_26, %mul3A_30 : vector<2000x192xi1>, vector<2000x192xf32>
    %swap3A = arith.constant 0 : index
    %swap3A_31 = arith.constant 0 : index
    %swap3A_32 = vector.load %arg6[%swap3A, %swap3A_31] : memref<2000x192xf32, #tpu.memory_space<vmem>>, vector<2000x192xf32>
    tpu.vector_store %arg6[%swap3A, %swap3A_31], %select_n3A {strides = array<i32>} : memref<2000x192xf32, #tpu.memory_space<vmem>>, vector<2000x192xf32>,
    return
  }
  func.func @transform_0(%arg0: i32) -> (i32, i32, i32) {
    %c0_i32 = arith.constant 0 : i32
    %c0_i32_0 = arith.constant 0 : i32
    %c0_i32_1 = arith.constant 0 : i32
    return %c0_i32, %arg0, %c0_i32_0 : i32, i32, i32
  }
  func.func @transform_1(%arg0: i32) -> (i32, i32) {
    %c0_i32 = arith.constant 0 : i32
    %c0_i32_0 = arith.constant 0 : i32
    return %arg0, %c0_i32 : i32, i32
  }
  func.func @transform_2(%arg0: i32) -> (i32, i32) {
    %c0_i32 = arith.constant 0 : i32
    %c0_i32_0 = arith.constant 0 : i32
    %c0_i32_1 = arith.constant 0 : i32
    return %c0_i32, %c0_i32_0 : i32, i32
  }
  func.func @transform_3(%arg0: i32) -> (i32, i32) {
    %c0_i32 = arith.constant 0 : i32
    %c0_i32_0 = arith.constant 0 : i32
    %c0_i32_1 = arith.constant 0 : i32
    return %c0_i32, %c0_i32_0 : i32, i32
  }
  func.func @transform_4(%arg0: i32) -> (i32, i32) {
    %c0_i32 = arith.constant 0 : i32
    %c0_i32_0 = arith.constant 0 : i32
    %c0_i32_1 = arith.constant 0 : i32
    return %c0_i32, %c0_i32_0 : i32, i32
  }
  func.func @transform_5(%arg0: i32) -> (i32, i32) {
    %c0_i32 = arith.constant 0 : i32
    %c0_i32_0 = arith.constant 0 : i32
    return %arg0, %c0_i32 : i32, i32
  }
}

module attributes {stable_mosaic.version = 14 : i64} {
  func.func @_bn_body(%arg0: memref<10000x192xf32, #tpu.memory_space<vmem>>, %arg1: memref<1x192xf32, #tpu.memory_space<vmem>>, %arg2: memref<1x192xf32, #tpu.memory_space<vmem>>, %arg3: memref<10000x192xf32, #tpu.memory_space<vmem>>) attributes {dimension_semantics = [], scalar_prefetch = 0 : i64, scratch_operands = 0 : i64, tpu.core_type = #tpu.core_type<tc>} {
    %get3A = arith.constant 0 : index
    %get3A_0 = arith.constant 0 : index
    %get3A_1 = vector.load %arg0[%get3A, %get3A_0] : memref<10000x192xf32, #tpu.memory_space<vmem>>, vector<10000x192xf32>
    %get3A_2 = arith.constant 0 : index
    %get3A_3 = arith.constant 0 : index
    %get3A_4 = vector.load %arg1[%get3A_2, %get3A_3] : memref<1x192xf32, #tpu.memory_space<vmem>>, vector<1x192xf32>
    %get3A_5 = arith.constant 0 : index
    %get3A_6 = arith.constant 0 : index
    %get3A_7 = vector.load %arg2[%get3A_5, %get3A_6] : memref<1x192xf32, #tpu.memory_space<vmem>>, vector<1x192xf32>
    %reduce_sum3A = arith.constant dense<0.000000e+00> : vector<192xf32>
    %reduce_sum3A_8 = vector.multi_reduction <add>, %get3A_1, %reduce_sum3A [0] : vector<10000x192xf32> to vector<192xf32>
    %broadcast_in_dim3A = vector.shape_cast %reduce_sum3A_8 : vector<192xf32> to vector<1x192xf32>
    %div3A = arith.constant 1.000000e+04 : f32
    %div3A_9 = vector.broadcast %div3A : f32 to vector<1x192xf32>
    %div3A_10 = arith.divf %broadcast_in_dim3A, %div3A_9 : vector<1x192xf32>
    %sub3A = vector.broadcast %div3A_10 : vector<1x192xf32> to vector<10000x192xf32>
    %sub3A_11 = arith.subf %get3A_1, %sub3A : vector<10000x192xf32>
    %integer_pow3A = arith.mulf %sub3A_11, %sub3A_11 : vector<10000x192xf32>
    %reduce_sum3A_12 = arith.constant dense<0.000000e+00> : vector<192xf32>
    %reduce_sum3A_13 = vector.multi_reduction <add>, %integer_pow3A, %reduce_sum3A_12 [0] : vector<10000x192xf32> to vector<192xf32>
    %broadcast_in_dim3A_14 = vector.shape_cast %reduce_sum3A_13 : vector<192xf32> to vector<1x192xf32>
    %div3A_15 = arith.constant 1.000000e+04 : f32
    %div3A_16 = vector.broadcast %div3A_15 : f32 to vector<1x192xf32>
    %div3A_17 = arith.divf %broadcast_in_dim3A_14, %div3A_16 : vector<1x192xf32>
    %sub3A_18 = vector.broadcast %div3A_10 : vector<1x192xf32> to vector<10000x192xf32>
    %sub3A_19 = arith.subf %get3A_1, %sub3A_18 : vector<10000x192xf32>
    %add3A = arith.constant 9.99999974E-6 : f32
    %add3A_20 = vector.broadcast %add3A : f32 to vector<1x192xf32>
    %add3A_21 = arith.addf %div3A_17, %add3A_20 : vector<1x192xf32>
    %sqrt3A = math.sqrt %add3A_21 : vector<1x192xf32>
    %div3A_22 = vector.broadcast %sqrt3A : vector<1x192xf32> to vector<10000x192xf32>
    %div3A_23 = arith.divf %sub3A_19, %div3A_22 : vector<10000x192xf32>
    %mul3A = vector.broadcast %get3A_4 : vector<1x192xf32> to vector<10000x192xf32>
    %mul3A_24 = arith.mulf %div3A_23, %mul3A : vector<10000x192xf32>
    %add3A_25 = vector.broadcast %get3A_7 : vector<1x192xf32> to vector<10000x192xf32>
    %add3A_26 = arith.addf %mul3A_24, %add3A_25 : vector<10000x192xf32>
    %swap3A = arith.constant 0 : index
    %swap3A_27 = arith.constant 0 : index
    %swap3A_28 = vector.load %arg3[%swap3A, %swap3A_27] : memref<10000x192xf32, #tpu.memory_space<vmem>>, vector<10000x192xf32>
    tpu.vector_store %arg3[%swap3A, %swap3A_27], %add3A_26 {strides = array<i32>} : memref<10000x192xf32, #tpu.memory_space<vmem>>, vector<10000x192xf32>,
    return
  }
}

module attributes {stable_mosaic.version = 14 : i64} {
  func.func @_som_body(%arg0: i32, %arg1: memref<2000x64xf32, #tpu.memory_space<vmem>>, %arg2: memref<2000x128xf32, #tpu.memory_space<vmem>>, %arg3: memref<2000x192xf32, #tpu.memory_space<vmem>>, %arg4: memref<64x128xf32, #tpu.memory_space<vmem>>, %arg5: memref<1x128xf32, #tpu.memory_space<vmem>>, %arg6: memref<128x128xf32, #tpu.memory_space<vmem>>, %arg7: memref<1x128xf32, #tpu.memory_space<vmem>>, %arg8: memref<192x128xf32, #tpu.memory_space<vmem>>, %arg9: memref<1x128xf32, #tpu.memory_space<vmem>>, %arg10: memref<2x2000x160xf32, #tpu.memory_space<vmem>>) attributes {dimension_semantics = [#tpu.dimension_semantics<arbitrary>], iteration_bounds = array<i64: 5>, scalar_prefetch = 0 : i64, scratch_operands = 0 : i64, tpu.core_type = #tpu.core_type<tc>, window_params = [{transform_indices = @transform_0, window_bounds = array<i64: 2000, 64>}, {transform_indices = @transform_1, window_bounds = array<i64: 2000, 128>}, {transform_indices = @transform_2, window_bounds = array<i64: 2000, 192>}, {pipeline_mode = #tpu.pipeline_mode<synchronous>, transform_indices = @transform_3, window_bounds = array<i64: 64, 128>}, {pipeline_mode = #tpu.pipeline_mode<synchronous>, transform_indices = @transform_4, window_bounds = array<i64: 1, 128>}, {pipeline_mode = #tpu.pipeline_mode<synchronous>, transform_indices = @transform_5, window_bounds = array<i64: 128, 128>}, {pipeline_mode = #tpu.pipeline_mode<synchronous>, transform_indices = @transform_6, window_bounds = array<i64: 1, 128>}, {pipeline_mode = #tpu.pipeline_mode<synchronous>, transform_indices = @transform_7, window_bounds = array<i64: 192, 128>}, {pipeline_mode = #tpu.pipeline_mode<synchronous>, transform_indices = @transform_8, window_bounds = array<i64: 1, 128>}, {transform_indices = @transform_9, window_bounds = array<i64: 2, 2000, 160>}]} {
    %get3A = arith.constant 0 : index
    %get3A_0 = arith.constant 0 : index
    %get3A_1 = vector.load %arg1[%get3A, %get3A_0] : memref<2000x64xf32, #tpu.memory_space<vmem>>, vector<2000x64xf32>
    %get3A_2 = arith.constant 0 : index
    %get3A_3 = arith.constant 0 : index
    %get3A_4 = vector.load %arg4[%get3A_2, %get3A_3] : memref<64x128xf32, #tpu.memory_space<vmem>>, vector<64x128xf32>
    %get3A_5 = arith.constant 0 : index
    %get3A_6 = arith.constant 0 : index
    %get3A_7 = vector.load %arg5[%get3A_5, %get3A_6] : memref<1x128xf32, #tpu.memory_space<vmem>>, vector<1x128xf32>
    %mul3A = arith.mulf %get3A_1, %get3A_1 : vector<2000x64xf32>
    %reduce_sum3A = arith.constant dense<0.000000e+00> : vector<2000xf32>
    %reduce_sum3A_8 = vector.multi_reduction <add>, %mul3A, %reduce_sum3A [1] : vector<2000x64xf32> to vector<2000xf32>
    %broadcast_in_dim3A = vector.shape_cast %reduce_sum3A_8 : vector<2000xf32> to vector<2000x1xf32>
    %dot_general3A = arith.constant dense<0.000000e+00> : vector<2000x128xf32>
    %dot_general3A_9 = tpu.matmul %get3A_1, %get3A_4, %dot_general3A {dimension_numbers = #tpu.dot_dimension_numbers<[1], [0], [0], [1], [0, 0, 1, 1], [], []>, transpose_lhs_hint = false} : vector<2000x64xf32>, vector<64x128xf32>, vector<2000x128xf32> -> vector<2000x128xf32>
    %mul3A_10 = arith.constant 2.000000e+00 : f32
    %mul3A_11 = vector.broadcast %mul3A_10 : f32 to vector<2000x128xf32>
    %mul3A_12 = arith.mulf %mul3A_11, %dot_general3A_9 : vector<2000x128xf32>
    %sub3A = vector.broadcast %broadcast_in_dim3A : vector<2000x1xf32> to vector<2000x128xf32>
    %sub3A_13 = arith.subf %sub3A, %mul3A_12 : vector<2000x128xf32>
    %add3A = vector.broadcast %get3A_7 : vector<1x128xf32> to vector<2000x128xf32>
    %add3A_14 = arith.addf %sub3A_13, %add3A : vector<2000x128xf32>
    %max3A = arith.constant 9.99999996E-13 : f32
    %max3A_15 = vector.broadcast %max3A : f32 to vector<2000x128xf32>
    %max3A_16 = arith.maximumf %add3A_14, %max3A_15 : vector<2000x128xf32>
    %sqrt3A = math.sqrt %max3A_16 : vector<2000x128xf32>
    %slice3A = vector.extract_strided_slice %sqrt3A {offsets = [0, 0], sizes = [2000, 100], strides = [1, 1]} : vector<2000x128xf32> to vector<2000x100xf32>
    %get3A_17 = arith.constant 0 : index
    %get3A_18 = arith.constant 0 : index
    %get3A_19 = vector.load %arg2[%get3A_17, %get3A_18] : memref<2000x128xf32, #tpu.memory_space<vmem>>, vector<2000x128xf32>
    %get3A_20 = arith.constant 0 : index
    %get3A_21 = arith.constant 0 : index
    %get3A_22 = vector.load %arg6[%get3A_20, %get3A_21] : memref<128x128xf32, #tpu.memory_space<vmem>>, vector<128x128xf32>
    %get3A_23 = arith.constant 0 : index
    %get3A_24 = arith.constant 0 : index
    %get3A_25 = vector.load %arg7[%get3A_23, %get3A_24] : memref<1x128xf32, #tpu.memory_space<vmem>>, vector<1x128xf32>
    %mul3A_26 = arith.mulf %get3A_19, %get3A_19 : vector<2000x128xf32>
    %reduce_sum3A_27 = arith.constant dense<0.000000e+00> : vector<2000xf32>
    %reduce_sum3A_28 = vector.multi_reduction <add>, %mul3A_26, %reduce_sum3A_27 [1] : vector<2000x128xf32> to vector<2000xf32>
    %broadcast_in_dim3A_29 = vector.shape_cast %reduce_sum3A_28 : vector<2000xf32> to vector<2000x1xf32>
    %dot_general3A_30 = arith.constant dense<0.000000e+00> : vector<2000x128xf32>
    %dot_general3A_31 = tpu.matmul %get3A_19, %get3A_22, %dot_general3A_30 {dimension_numbers = #tpu.dot_dimension_numbers<[1], [0], [0], [1], [0, 0, 1, 1], [], []>, transpose_lhs_hint = false} : vector<2000x128xf32>, vector<128x128xf32>, vector<2000x128xf32> -> vector<2000x128xf32>
    %mul3A_32 = arith.constant 2.000000e+00 : f32
    %mul3A_33 = vector.broadcast %mul3A_32 : f32 to vector<2000x128xf32>
    %mul3A_34 = arith.mulf %mul3A_33, %dot_general3A_31 : vector<2000x128xf32>
    %sub3A_35 = vector.broadcast %broadcast_in_dim3A_29 : vector<2000x1xf32> to vector<2000x128xf32>
    %sub3A_36 = arith.subf %sub3A_35, %mul3A_34 : vector<2000x128xf32>
    %add3A_37 = vector.broadcast %get3A_25 : vector<1x128xf32> to vector<2000x128xf32>
    %add3A_38 = arith.addf %sub3A_36, %add3A_37 : vector<2000x128xf32>
    %max3A_39 = arith.constant 9.99999996E-13 : f32
    %max3A_40 = vector.broadcast %max3A_39 : f32 to vector<2000x128xf32>
    %max3A_41 = arith.maximumf %add3A_38, %max3A_40 : vector<2000x128xf32>
    %sqrt3A_42 = math.sqrt %max3A_41 : vector<2000x128xf32>
    %slice3A_43 = vector.extract_strided_slice %sqrt3A_42 {offsets = [0, 0], sizes = [2000, 100], strides = [1, 1]} : vector<2000x128xf32> to vector<2000x100xf32>
    %get3A_44 = arith.constant 0 : index
    %get3A_45 = arith.constant 0 : index
    %get3A_46 = vector.load %arg3[%get3A_44, %get3A_45] : memref<2000x192xf32, #tpu.memory_space<vmem>>, vector<2000x192xf32>
    %get3A_47 = arith.constant 0 : index
    %get3A_48 = arith.constant 0 : index
    %get3A_49 = vector.load %arg8[%get3A_47, %get3A_48] : memref<192x128xf32, #tpu.memory_space<vmem>>, vector<192x128xf32>
    %get3A_50 = arith.constant 0 : index
    %get3A_51 = arith.constant 0 : index
    %get3A_52 = vector.load %arg9[%get3A_50, %get3A_51] : memref<1x128xf32, #tpu.memory_space<vmem>>, vector<1x128xf32>
    %mul3A_53 = arith.mulf %get3A_46, %get3A_46 : vector<2000x192xf32>
    %reduce_sum3A_54 = arith.constant dense<0.000000e+00> : vector<2000xf32>
    %reduce_sum3A_55 = vector.multi_reduction <add>, %mul3A_53, %reduce_sum3A_54 [1] : vector<2000x192xf32> to vector<2000xf32>
    %broadcast_in_dim3A_56 = vector.shape_cast %reduce_sum3A_55 : vector<2000xf32> to vector<2000x1xf32>
    %dot_general3A_57 = arith.constant dense<0.000000e+00> : vector<2000x128xf32>
    %dot_general3A_58 = tpu.matmul %get3A_46, %get3A_49, %dot_general3A_57 {dimension_numbers = #tpu.dot_dimension_numbers<[1], [0], [0], [1], [0, 0, 1, 1], [], []>, transpose_lhs_hint = false} : vector<2000x192xf32>, vector<192x128xf32>, vector<2000x128xf32> -> vector<2000x128xf32>
    %mul3A_59 = arith.constant 2.000000e+00 : f32
    %mul3A_60 = vector.broadcast %mul3A_59 : f32 to vector<2000x128xf32>
    %mul3A_61 = arith.mulf %mul3A_60, %dot_general3A_58 : vector<2000x128xf32>
    %sub3A_62 = vector.broadcast %broadcast_in_dim3A_56 : vector<2000x1xf32> to vector<2000x128xf32>
    %sub3A_63 = arith.subf %sub3A_62, %mul3A_61 : vector<2000x128xf32>
    %add3A_64 = vector.broadcast %get3A_52 : vector<1x128xf32> to vector<2000x128xf32>
    %add3A_65 = arith.addf %sub3A_63, %add3A_64 : vector<2000x128xf32>
    %max3A_66 = arith.constant 9.99999996E-13 : f32
    %max3A_67 = vector.broadcast %max3A_66 : f32 to vector<2000x128xf32>
    %max3A_68 = arith.maximumf %add3A_65, %max3A_67 : vector<2000x128xf32>
    %sqrt3A_69 = math.sqrt %max3A_68 : vector<2000x128xf32>
    %slice3A_70 = vector.extract_strided_slice %sqrt3A_69 {offsets = [0, 0], sizes = [2000, 100], strides = [1, 1]} : vector<2000x128xf32> to vector<2000x100xf32>
    %broadcast_in_dim3A_71 = arith.constant 0.000000e+00 : f32
    %broadcast_in_dim3A_72 = vector.broadcast %broadcast_in_dim3A_71 : f32 to vector<2000x20xf32>
    %slice3A_73 = vector.extract_strided_slice %slice3A_43 {offsets = [0, 0], sizes = [2000, 60], strides = [1, 1]} : vector<2000x100xf32> to vector<2000x60xf32>
    %concatenate3A = tpu.concatenate %slice3A, %slice3A_73 in 1 : vector<2000x100xf32>, vector<2000x60xf32> -> vector<2000x160xf32>
    %swap3A = arith.constant 0 : index
    %swap3A_74 = arith.constant 0 : index
    %swap3A_75 = arith.constant 0 : index
    %swap3A_76 = vector.load %arg10[%swap3A, %swap3A_74, %swap3A_75] : memref<2x2000x160xf32, #tpu.memory_space<vmem>>, vector<1x2000x160xf32>
    %swap3A_77 = vector.shape_cast %swap3A_76 : vector<1x2000x160xf32> to vector<2000x160xf32>
    %swap3A_78 = vector.shape_cast %concatenate3A : vector<2000x160xf32> to vector<1x2000x160xf32>
    tpu.vector_store %arg10[%swap3A, %swap3A_74, %swap3A_75], %swap3A_78 {strides = array<i32>} : memref<2x2000x160xf32, #tpu.memory_space<vmem>>, vector<1x2000x160xf32>,
    %slice3A_79 = vector.extract_strided_slice %slice3A_43 {offsets = [0, 60], sizes = [2000, 40], strides = [1, 1]} : vector<2000x100xf32> to vector<2000x40xf32>
    %concatenate3A_80 = tpu.concatenate %slice3A_79, %slice3A_70, %broadcast_in_dim3A_72 in 1 : vector<2000x40xf32>, vector<2000x100xf32>, vector<2000x20xf32> -> vector<2000x160xf32>
    %swap3A_81 = arith.constant 1 : index
    %swap3A_82 = arith.constant 0 : index
    %swap3A_83 = arith.constant 0 : index
    %swap3A_84 = vector.load %arg10[%swap3A_81, %swap3A_82, %swap3A_83] : memref<2x2000x160xf32, #tpu.memory_space<vmem>>, vector<1x2000x160xf32>
    %swap3A_85 = vector.shape_cast %swap3A_84 : vector<1x2000x160xf32> to vector<2000x160xf32>
    %swap3A_86 = vector.shape_cast %concatenate3A_80 : vector<2000x160xf32> to vector<1x2000x160xf32>
    tpu.vector_store %arg10[%swap3A_81, %swap3A_82, %swap3A_83], %swap3A_86 {strides = array<i32>} : memref<2x2000x160xf32, #tpu.memory_space<vmem>>, vector<1x2000x160xf32>,
    return
  }
  func.func @transform_0(%arg0: i32) -> (i32, i32) {
    %c0_i32 = arith.constant 0 : i32
    %c0_i32_0 = arith.constant 0 : i32
    return %arg0, %c0_i32 : i32, i32
  }
  func.func @transform_1(%arg0: i32) -> (i32, i32) {
    %c0_i32 = arith.constant 0 : i32
    %c0_i32_0 = arith.constant 0 : i32
    return %arg0, %c0_i32 : i32, i32
  }
  func.func @transform_2(%arg0: i32) -> (i32, i32) {
    %c0_i32 = arith.constant 0 : i32
    %c0_i32_0 = arith.constant 0 : i32
    return %arg0, %c0_i32 : i32, i32
  }
  func.func @transform_3(%arg0: i32) -> (i32, i32) {
    %c0_i32 = arith.constant 0 : i32
    %c0_i32_0 = arith.constant 0 : i32
    %c0_i32_1 = arith.constant 0 : i32
    return %c0_i32, %c0_i32_0 : i32, i32
  }
  func.func @transform_4(%arg0: i32) -> (i32, i32) {
    %c0_i32 = arith.constant 0 : i32
    %c0_i32_0 = arith.constant 0 : i32
    %c0_i32_1 = arith.constant 0 : i32
    return %c0_i32, %c0_i32_0 : i32, i32
  }
  func.func @transform_5(%arg0: i32) -> (i32, i32) {
    %c0_i32 = arith.constant 0 : i32
    %c0_i32_0 = arith.constant 0 : i32
    %c0_i32_1 = arith.constant 0 : i32
    return %c0_i32, %c0_i32_0 : i32, i32
  }
  func.func @transform_6(%arg0: i32) -> (i32, i32) {
    %c0_i32 = arith.constant 0 : i32
    %c0_i32_0 = arith.constant 0 : i32
    %c0_i32_1 = arith.constant 0 : i32
    return %c0_i32, %c0_i32_0 : i32, i32
  }
  func.func @transform_7(%arg0: i32) -> (i32, i32) {
    %c0_i32 = arith.constant 0 : i32
    %c0_i32_0 = arith.constant 0 : i32
    %c0_i32_1 = arith.constant 0 : i32
    return %c0_i32, %c0_i32_0 : i32, i32
  }
  func.func @transform_8(%arg0: i32) -> (i32, i32) {
    %c0_i32 = arith.constant 0 : i32
    %c0_i32_0 = arith.constant 0 : i32
    %c0_i32_1 = arith.constant 0 : i32
    return %c0_i32, %c0_i32_0 : i32, i32
  }
  func.func @transform_9(%arg0: i32) -> (i32, i32, i32) {
    %c0_i32 = arith.constant 0 : i32
    %c0_i32_0 = arith.constant 0 : i32
    %c0_i32_1 = arith.constant 0 : i32
    return %c0_i32, %arg0, %c0_i32_0 : i32, i32, i32
  }
}

module attributes {stable_mosaic.version = 14 : i64} {
  func.func @_oc_body(%arg0: i32, %arg1: memref<2x2000x160xf32, #tpu.memory_space<vmem>>, %arg2: memref<2x2000x160xf32, #tpu.memory_space<vmem>>, %arg3: memref<100x64xf32, #tpu.memory_space<vmem>>, %arg4: memref<100x64xf32, #tpu.memory_space<vmem>>, %arg5: memref<100x64xf32, #tpu.memory_space<vmem>>, %arg6: memref<100x64xf32, #tpu.memory_space<vmem>>, %arg7: memref<100x64xf32, #tpu.memory_space<vmem>>, %arg8: memref<100x64xf32, #tpu.memory_space<vmem>>, %arg9: memref<1x192xf32, #tpu.memory_space<vmem>>, %arg10: memref<2000x192xf32, #tpu.memory_space<vmem>>) attributes {dimension_semantics = [#tpu.dimension_semantics<arbitrary>], iteration_bounds = array<i64: 5>, scalar_prefetch = 0 : i64, scratch_operands = 0 : i64, tpu.core_type = #tpu.core_type<tc>, window_params = [{transform_indices = @transform_0, window_bounds = array<i64: 2, 2000, 160>}, {transform_indices = @transform_1, window_bounds = array<i64: 2, 2000, 160>}, {pipeline_mode = #tpu.pipeline_mode<synchronous>, transform_indices = @transform_2, window_bounds = array<i64: 100, 64>}, {pipeline_mode = #tpu.pipeline_mode<synchronous>, transform_indices = @transform_3, window_bounds = array<i64: 100, 64>}, {pipeline_mode = #tpu.pipeline_mode<synchronous>, transform_indices = @transform_4, window_bounds = array<i64: 100, 64>}, {pipeline_mode = #tpu.pipeline_mode<synchronous>, transform_indices = @transform_5, window_bounds = array<i64: 100, 64>}, {pipeline_mode = #tpu.pipeline_mode<synchronous>, transform_indices = @transform_6, window_bounds = array<i64: 100, 64>}, {pipeline_mode = #tpu.pipeline_mode<synchronous>, transform_indices = @transform_7, window_bounds = array<i64: 100, 64>}, {pipeline_mode = #tpu.pipeline_mode<synchronous>, transform_indices = @transform_8, window_bounds = array<i64: 1, 192>}, {transform_indices = @transform_9, window_bounds = array<i64: 2000, 192>}]} {
    %get3A = arith.constant 0 : index
    %get3A_0 = arith.constant 0 : index
    %get3A_1 = arith.constant 0 : index
    %get3A_2 = vector.load %arg1[%get3A, %get3A_0, %get3A_1] : memref<2x2000x160xf32, #tpu.memory_space<vmem>>, vector<1x2000x160xf32>
    %get3A_3 = vector.shape_cast %get3A_2 : vector<1x2000x160xf32> to vector<2000x160xf32>
    %get3A_4 = arith.constant 1 : index
    %get3A_5 = arith.constant 0 : index
    %get3A_6 = arith.constant 0 : index
    %get3A_7 = vector.load %arg1[%get3A_4, %get3A_5, %get3A_6] : memref<2x2000x160xf32, #tpu.memory_space<vmem>>, vector<1x2000x160xf32>
    %get3A_8 = vector.shape_cast %get3A_7 : vector<1x2000x160xf32> to vector<2000x160xf32>
    %get3A_9 = arith.constant 0 : index
    %get3A_10 = arith.constant 0 : index
    %get3A_11 = arith.constant 0 : index
    %get3A_12 = vector.load %arg2[%get3A_9, %get3A_10, %get3A_11] : memref<2x2000x160xf32, #tpu.memory_space<vmem>>, vector<1x2000x160xf32>
    %get3A_13 = vector.shape_cast %get3A_12 : vector<1x2000x160xf32> to vector<2000x160xf32>
    %get3A_14 = arith.constant 1 : index
    %get3A_15 = arith.constant 0 : index
    %get3A_16 = arith.constant 0 : index
    %get3A_17 = vector.load %arg2[%get3A_14, %get3A_15, %get3A_16] : memref<2x2000x160xf32, #tpu.memory_space<vmem>>, vector<1x2000x160xf32>
    %get3A_18 = vector.shape_cast %get3A_17 : vector<1x2000x160xf32> to vector<2000x160xf32>
    %slice3A = vector.extract_strided_slice %get3A_3 {offsets = [0, 0], sizes = [2000, 100], strides = [1, 1]} : vector<2000x160xf32> to vector<2000x100xf32>
    %slice3A_19 = vector.extract_strided_slice %get3A_13 {offsets = [0, 0], sizes = [2000, 100], strides = [1, 1]} : vector<2000x160xf32> to vector<2000x100xf32>
    %slice3A_20 = vector.extract_strided_slice %get3A_3 {offsets = [0, 100], sizes = [2000, 60], strides = [1, 1]} : vector<2000x160xf32> to vector<2000x60xf32>
    %slice3A_21 = vector.extract_strided_slice %get3A_8 {offsets = [0, 0], sizes = [2000, 40], strides = [1, 1]} : vector<2000x160xf32> to vector<2000x40xf32>
    %concatenate3A = tpu.concatenate %slice3A_20, %slice3A_21 in 1 : vector<2000x60xf32>, vector<2000x40xf32> -> vector<2000x100xf32>
    %slice3A_22 = vector.extract_strided_slice %get3A_13 {offsets = [0, 100], sizes = [2000, 60], strides = [1, 1]} : vector<2000x160xf32> to vector<2000x60xf32>
    %slice3A_23 = vector.extract_strided_slice %get3A_18 {offsets = [0, 0], sizes = [2000, 40], strides = [1, 1]} : vector<2000x160xf32> to vector<2000x40xf32>
    %concatenate3A_24 = tpu.concatenate %slice3A_22, %slice3A_23 in 1 : vector<2000x60xf32>, vector<2000x40xf32> -> vector<2000x100xf32>
    %slice3A_25 = vector.extract_strided_slice %get3A_8 {offsets = [0, 40], sizes = [2000, 100], strides = [1, 1]} : vector<2000x160xf32> to vector<2000x100xf32>
    %slice3A_26 = vector.extract_strided_slice %get3A_18 {offsets = [0, 40], sizes = [2000, 100], strides = [1, 1]} : vector<2000x160xf32> to vector<2000x100xf32>
    %get3A_27 = arith.constant 0 : index
    %get3A_28 = arith.constant 0 : index
    %get3A_29 = vector.load %arg3[%get3A_27, %get3A_28] : memref<100x64xf32, #tpu.memory_space<vmem>>, vector<100x64xf32>
    %dot_general3A = arith.constant dense<0.000000e+00> : vector<2000x64xf32>
    %dot_general3A_30 = tpu.matmul %slice3A, %get3A_29, %dot_general3A {dimension_numbers = #tpu.dot_dimension_numbers<[1], [0], [0], [1], [0, 0, 1, 1], [], []>, transpose_lhs_hint = false} : vector<2000x100xf32>, vector<100x64xf32>, vector<2000x64xf32> -> vector<2000x64xf32>
    %get3A_31 = arith.constant 0 : index
    %get3A_32 = arith.constant 0 : index
    %get3A_33 = vector.load %arg4[%get3A_31, %get3A_32] : memref<100x64xf32, #tpu.memory_space<vmem>>, vector<100x64xf32>
    %dot_general3A_34 = arith.constant dense<0.000000e+00> : vector<2000x64xf32>
    %dot_general3A_35 = tpu.matmul %slice3A_19, %get3A_33, %dot_general3A_34 {dimension_numbers = #tpu.dot_dimension_numbers<[1], [0], [0], [1], [0, 0, 1, 1], [], []>, transpose_lhs_hint = false} : vector<2000x100xf32>, vector<100x64xf32>, vector<2000x64xf32> -> vector<2000x64xf32>
    %add3A = arith.addf %dot_general3A_30, %dot_general3A_35 : vector<2000x64xf32>
    %get3A_36 = arith.constant 0 : index
    %get3A_37 = arith.constant 0 : index
    %get3A_38 = vector.load %arg5[%get3A_36, %get3A_37] : memref<100x64xf32, #tpu.memory_space<vmem>>, vector<100x64xf32>
    %dot_general3A_39 = arith.constant dense<0.000000e+00> : vector<2000x64xf32>
    %dot_general3A_40 = tpu.matmul %concatenate3A, %get3A_38, %dot_general3A_39 {dimension_numbers = #tpu.dot_dimension_numbers<[1], [0], [0], [1], [0, 0, 1, 1], [], []>, transpose_lhs_hint = false} : vector<2000x100xf32>, vector<100x64xf32>, vector<2000x64xf32> -> vector<2000x64xf32>
    %get3A_41 = arith.constant 0 : index
    %get3A_42 = arith.constant 0 : index
    %get3A_43 = vector.load %arg6[%get3A_41, %get3A_42] : memref<100x64xf32, #tpu.memory_space<vmem>>, vector<100x64xf32>
    %dot_general3A_44 = arith.constant dense<0.000000e+00> : vector<2000x64xf32>
    %dot_general3A_45 = tpu.matmul %concatenate3A_24, %get3A_43, %dot_general3A_44 {dimension_numbers = #tpu.dot_dimension_numbers<[1], [0], [0], [1], [0, 0, 1, 1], [], []>, transpose_lhs_hint = false} : vector<2000x100xf32>, vector<100x64xf32>, vector<2000x64xf32> -> vector<2000x64xf32>
    %add3A_46 = arith.addf %dot_general3A_40, %dot_general3A_45 : vector<2000x64xf32>
    %get3A_47 = arith.constant 0 : index
    %get3A_48 = arith.constant 0 : index
    %get3A_49 = vector.load %arg7[%get3A_47, %get3A_48] : memref<100x64xf32, #tpu.memory_space<vmem>>, vector<100x64xf32>
    %dot_general3A_50 = arith.constant dense<0.000000e+00> : vector<2000x64xf32>
    %dot_general3A_51 = tpu.matmul %slice3A_25, %get3A_49, %dot_general3A_50 {dimension_numbers = #tpu.dot_dimension_numbers<[1], [0], [0], [1], [0, 0, 1, 1], [], []>, transpose_lhs_hint = false} : vector<2000x100xf32>, vector<100x64xf32>, vector<2000x64xf32> -> vector<2000x64xf32>
    %get3A_52 = arith.constant 0 : index
    %get3A_53 = arith.constant 0 : index
    %get3A_54 = vector.load %arg8[%get3A_52, %get3A_53] : memref<100x64xf32, #tpu.memory_space<vmem>>, vector<100x64xf32>
    %dot_general3A_55 = arith.constant dense<0.000000e+00> : vector<2000x64xf32>
    %dot_general3A_56 = tpu.matmul %slice3A_26, %get3A_54, %dot_general3A_55 {dimension_numbers = #tpu.dot_dimension_numbers<[1], [0], [0], [1], [0, 0, 1, 1], [], []>, transpose_lhs_hint = false} : vector<2000x100xf32>, vector<100x64xf32>, vector<2000x64xf32> -> vector<2000x64xf32>
    %add3A_57 = arith.addf %dot_general3A_51, %dot_general3A_56 : vector<2000x64xf32>
    %concatenate3A_58 = tpu.concatenate %add3A, %add3A_46, %add3A_57 in 1 : vector<2000x64xf32>, vector<2000x64xf32>, vector<2000x64xf32> -> vector<2000x192xf32>
    %get3A_59 = arith.constant 0 : index
    %get3A_60 = arith.constant 0 : index
    %get3A_61 = vector.load %arg9[%get3A_59, %get3A_60] : memref<1x192xf32, #tpu.memory_space<vmem>>, vector<1x192xf32>
    %add3A_62 = vector.broadcast %get3A_61 : vector<1x192xf32> to vector<2000x192xf32>
    %add3A_63 = arith.addf %concatenate3A_58, %add3A_62 : vector<2000x192xf32>
    %ge3A = arith.constant 0.000000e+00 : f32
    %ge3A_64 = vector.broadcast %ge3A : f32 to vector<2000x192xf32>
    %ge3A_65 = arith.cmpf oge, %add3A_63, %ge3A_64 : vector<2000x192xf32>
    %mul3A = arith.constant 0.00999999977 : f32
    %mul3A_66 = vector.broadcast %mul3A : f32 to vector<2000x192xf32>
    %mul3A_67 = arith.mulf %mul3A_66, %add3A_63 : vector<2000x192xf32>
    %select_n3A = arith.select %ge3A_65, %add3A_63, %mul3A_67 : vector<2000x192xi1>, vector<2000x192xf32>
    %swap3A = arith.constant 0 : index
    %swap3A_68 = arith.constant 0 : index
    %swap3A_69 = vector.load %arg10[%swap3A, %swap3A_68] : memref<2000x192xf32, #tpu.memory_space<vmem>>, vector<2000x192xf32>
    tpu.vector_store %arg10[%swap3A, %swap3A_68], %select_n3A {strides = array<i32>} : memref<2000x192xf32, #tpu.memory_space<vmem>>, vector<2000x192xf32>,
    return
  }
  func.func @transform_0(%arg0: i32) -> (i32, i32, i32) {
    %c0_i32 = arith.constant 0 : i32
    %c0_i32_0 = arith.constant 0 : i32
    %c0_i32_1 = arith.constant 0 : i32
    return %c0_i32, %arg0, %c0_i32_0 : i32, i32, i32
  }
  func.func @transform_1(%arg0: i32) -> (i32, i32, i32) {
    %c0_i32 = arith.constant 0 : i32
    %c0_i32_0 = arith.constant 0 : i32
    %c0_i32_1 = arith.constant 0 : i32
    return %c0_i32, %arg0, %c0_i32_0 : i32, i32, i32
  }
  func.func @transform_2(%arg0: i32) -> (i32, i32) {
    %c0_i32 = arith.constant 0 : i32
    %c0_i32_0 = arith.constant 0 : i32
    %c0_i32_1 = arith.constant 0 : i32
    return %c0_i32, %c0_i32_0 : i32, i32
  }
  func.func @transform_3(%arg0: i32) -> (i32, i32) {
    %c0_i32 = arith.constant 0 : i32
    %c0_i32_0 = arith.constant 0 : i32
    %c0_i32_1 = arith.constant 0 : i32
    return %c0_i32, %c0_i32_0 : i32, i32
  }
  func.func @transform_4(%arg0: i32) -> (i32, i32) {
    %c0_i32 = arith.constant 0 : i32
    %c0_i32_0 = arith.constant 0 : i32
    %c0_i32_1 = arith.constant 0 : i32
    return %c0_i32, %c0_i32_0 : i32, i32
  }
  func.func @transform_5(%arg0: i32) -> (i32, i32) {
    %c0_i32 = arith.constant 0 : i32
    %c0_i32_0 = arith.constant 0 : i32
    %c0_i32_1 = arith.constant 0 : i32
    return %c0_i32, %c0_i32_0 : i32, i32
  }
  func.func @transform_6(%arg0: i32) -> (i32, i32) {
    %c0_i32 = arith.constant 0 : i32
    %c0_i32_0 = arith.constant 0 : i32
    %c0_i32_1 = arith.constant 0 : i32
    return %c0_i32, %c0_i32_0 : i32, i32
  }
  func.func @transform_7(%arg0: i32) -> (i32, i32) {
    %c0_i32 = arith.constant 0 : i32
    %c0_i32_0 = arith.constant 0 : i32
    %c0_i32_1 = arith.constant 0 : i32
    return %c0_i32, %c0_i32_0 : i32, i32
  }
  func.func @transform_8(%arg0: i32) -> (i32, i32) {
    %c0_i32 = arith.constant 0 : i32
    %c0_i32_0 = arith.constant 0 : i32
    %c0_i32_1 = arith.constant 0 : i32
    return %c0_i32, %c0_i32_0 : i32, i32
  }
  func.func @transform_9(%arg0: i32) -> (i32, i32) {
    %c0_i32 = arith.constant 0 : i32
    %c0_i32_0 = arith.constant 0 : i32
    return %arg0, %c0_i32 : i32, i32
  }
}

module attributes {stable_mosaic.version = 14 : i64} {
  func.func @_pool_body(%arg0: i32, %arg1: memref<2000x384xf32, #tpu.memory_space<vmem>>, %arg2: memref<2000x192xf32, #tpu.memory_space<vmem>>, %arg3: memref<2000x1xi32, #tpu.memory_space<vmem>>, %arg4: memref<1152x2xf32, #tpu.memory_space<vmem>>, %arg5: memref<1x2xf32, #tpu.memory_space<vmem>>, %arg6: memref<576x2xf32, #tpu.memory_space<vmem>>, %arg7: memref<1x2xf32, #tpu.memory_space<vmem>>, %arg8: memref<64x2xf32, #tpu.memory_space<vmem>>, %arg9: memref<64x2xf32, #tpu.memory_space<vmem>>, %arg10: memref<64x384xf32, #tpu.memory_space<vmem>>, %arg11: memref<64x192xf32, #tpu.memory_space<vmem>>, %arg12: memref<64x384xf32, #tpu.memory_space<vmem>>, %arg13: memref<64x192xf32, #tpu.memory_space<vmem>>, %arg14: memref<64x1xf32, #tpu.memory_space<vmem>>) attributes {dimension_semantics = [#tpu.dimension_semantics<arbitrary>], iteration_bounds = array<i64: 5>, scalar_prefetch = 0 : i64, scratch_operands = 5 : i64, tpu.core_type = #tpu.core_type<tc>, window_params = [{transform_indices = @transform_0, window_bounds = array<i64: 2000, 384>}, {transform_indices = @transform_1, window_bounds = array<i64: 2000, 192>}, {transform_indices = @transform_2, window_bounds = array<i64: 2000, 1>}, {pipeline_mode = #tpu.pipeline_mode<synchronous>, transform_indices = @transform_3, window_bounds = array<i64: 1152, 2>}, {pipeline_mode = #tpu.pipeline_mode<synchronous>, transform_indices = @transform_4, window_bounds = array<i64: 1, 2>}, {pipeline_mode = #tpu.pipeline_mode<synchronous>, transform_indices = @transform_5, window_bounds = array<i64: 576, 2>}, {pipeline_mode = #tpu.pipeline_mode<synchronous>, transform_indices = @transform_6, window_bounds = array<i64: 1, 2>}, {pipeline_mode = #tpu.pipeline_mode<synchronous>, transform_indices = @transform_7, window_bounds = array<i64: 64, 2>}, {pipeline_mode = #tpu.pipeline_mode<synchronous>, transform_indices = @transform_8, window_bounds = array<i64: 64, 2>}]} {
    %eq3A = arith.constant 0 : i32
    %eq3A_0 = arith.cmpi eq, %arg0, %eq3A : i32
    %convert_element_type3A = arith.extui %eq3A_0 : i1 to i32
    %cond3A = arith.constant 0 : i32
    %cond3A_1 = arith.cmpi ne, %convert_element_type3A, %cond3A : i32
    scf.if %cond3A_1 {
      %broadcast_in_dim3A_49 = arith.constant 0.000000e+00 : f32
      %broadcast_in_dim3A_50 = vector.broadcast %broadcast_in_dim3A_49 : f32 to vector<64x384xf32>
      %swap3A_51 = arith.constant 0 : index
      %swap3A_52 = arith.constant 0 : index
      %swap3A_53 = vector.load %arg10[%swap3A_51, %swap3A_52] : memref<64x384xf32, #tpu.memory_space<vmem>>, vector<64x384xf32>
      tpu.vector_store %arg10[%swap3A_51, %swap3A_52], %broadcast_in_dim3A_50 {strides = array<i32>} : memref<64x384xf32, #tpu.memory_space<vmem>>, vector<64x384xf32>,
      %broadcast_in_dim3A_54 = arith.constant 0.000000e+00 : f32
      %broadcast_in_dim3A_55 = vector.broadcast %broadcast_in_dim3A_54 : f32 to vector<64x192xf32>
      %swap3A_56 = arith.constant 0 : index
      %swap3A_57 = arith.constant 0 : index
      %swap3A_58 = vector.load %arg11[%swap3A_56, %swap3A_57] : memref<64x192xf32, #tpu.memory_space<vmem>>, vector<64x192xf32>
      tpu.vector_store %arg11[%swap3A_56, %swap3A_57], %broadcast_in_dim3A_55 {strides = array<i32>} : memref<64x192xf32, #tpu.memory_space<vmem>>, vector<64x192xf32>,
      %broadcast_in_dim3A_59 = arith.constant 0xFF800000 : f32
      %broadcast_in_dim3A_60 = vector.broadcast %broadcast_in_dim3A_59 : f32 to vector<64x384xf32>
      %swap3A_61 = arith.constant 0 : index
      %swap3A_62 = arith.constant 0 : index
      %swap3A_63 = vector.load %arg12[%swap3A_61, %swap3A_62] : memref<64x384xf32, #tpu.memory_space<vmem>>, vector<64x384xf32>
      tpu.vector_store %arg12[%swap3A_61, %swap3A_62], %broadcast_in_dim3A_60 {strides = array<i32>} : memref<64x384xf32, #tpu.memory_space<vmem>>, vector<64x384xf32>,
      %broadcast_in_dim3A_64 = arith.constant 0xFF800000 : f32
      %broadcast_in_dim3A_65 = vector.broadcast %broadcast_in_dim3A_64 : f32 to vector<64x192xf32>
      %swap3A_66 = arith.constant 0 : index
      %swap3A_67 = arith.constant 0 : index
      %swap3A_68 = vector.load %arg13[%swap3A_66, %swap3A_67] : memref<64x192xf32, #tpu.memory_space<vmem>>, vector<64x192xf32>
      tpu.vector_store %arg13[%swap3A_66, %swap3A_67], %broadcast_in_dim3A_65 {strides = array<i32>} : memref<64x192xf32, #tpu.memory_space<vmem>>, vector<64x192xf32>,
      %broadcast_in_dim3A_69 = arith.constant 0.000000e+00 : f32
      %broadcast_in_dim3A_70 = vector.broadcast %broadcast_in_dim3A_69 : f32 to vector<64x1xf32>
      %swap3A_71 = arith.constant 0 : index
      %swap3A_72 = arith.constant 0 : index
      %swap3A_73 = vector.load %arg14[%swap3A_71, %swap3A_72] : memref<64x1xf32, #tpu.memory_space<vmem>>, vector<64x1xf32>
      tpu.vector_store %arg14[%swap3A_71, %swap3A_72], %broadcast_in_dim3A_70 {strides = array<i32>} : memref<64x1xf32, #tpu.memory_space<vmem>>, vector<64x1xf32>,
    } else {
    }
    %get3A = arith.constant 0 : index
    %get3A_2 = arith.constant 0 : index
    %get3A_3 = vector.load %arg3[%get3A, %get3A_2] : memref<2000x1xi32, #tpu.memory_space<vmem>>, vector<2000x1xi32>
    %get3A_4 = arith.constant 0 : index
    %get3A_5 = arith.constant 0 : index
    %get3A_6 = vector.load %arg1[%get3A_4, %get3A_5] : memref<2000x384xf32, #tpu.memory_space<vmem>>, vector<2000x384xf32>
    %get3A_7 = arith.constant 0 : index
    %get3A_8 = arith.constant 0 : index
    %get3A_9 = vector.load %arg2[%get3A_7, %get3A_8] : memref<2000x192xf32, #tpu.memory_space<vmem>>, vector<2000x192xf32>
    %iota3A = tpu.iota {dimensions = array<i32: 1>} : vector<2000x64xi32>
    %eq3A_10 = vector.broadcast %get3A_3 : vector<2000x1xi32> to vector<2000x64xi32>
    %eq3A_11 = arith.cmpi eq, %eq3A_10, %iota3A : vector<2000x64xi32>
    %convert_element_type3A_12 = arith.extui %eq3A_11 : vector<2000x64xi1> to vector<2000x64xi32>
    %convert_element_type3A_13 = arith.sitofp %convert_element_type3A_12 : vector<2000x64xi32> to vector<2000x64xf32>
    %get3A_14 = arith.constant 0 : index
    %get3A_15 = arith.constant 0 : index
    %get3A_16 = vector.load %arg10[%get3A_14, %get3A_15] : memref<64x384xf32, #tpu.memory_space<vmem>>, vector<64x384xf32>
    %dot_general3A = arith.constant dense<0.000000e+00> : vector<64x384xf32>
    %dot_general3A_17 = tpu.matmul %convert_element_type3A_13, %get3A_6, %dot_general3A {dimension_numbers = #tpu.dot_dimension_numbers<[0], [0], [1], [1], [0, 1, 1, 1], [], []>, precision = #tpu.contract_precision<fp32>, transpose_lhs_hint = false} : vector<2000x64xf32>, vector<2000x384xf32>, vector<64x384xf32> -> vector<64x384xf32>
    %add3A = arith.addf %get3A_16, %dot_general3A_17 : vector<64x384xf32>
    %swap3A = arith.constant 0 : index
    %swap3A_18 = arith.constant 0 : index
    %swap3A_19 = vector.load %arg10[%swap3A, %swap3A_18] : memref<64x384xf32, #tpu.memory_space<vmem>>, vector<64x384xf32>
    tpu.vector_store %arg10[%swap3A, %swap3A_18], %add3A {strides = array<i32>} : memref<64x384xf32, #tpu.memory_space<vmem>>, vector<64x384xf32>,
    %get3A_20 = arith.constant 0 : index
    %get3A_21 = arith.constant 0 : index
    %get3A_22 = vector.load %arg11[%get3A_20, %get3A_21] : memref<64x192xf32, #tpu.memory_space<vmem>>, vector<64x192xf32>
    %dot_general3A_23 = arith.constant dense<0.000000e+00> : vector<64x192xf32>
    %dot_general3A_24 = tpu.matmul %convert_element_type3A_13, %get3A_9, %dot_general3A_23 {dimension_numbers = #tpu.dot_dimension_numbers<[0], [0], [1], [1], [0, 1, 1, 1], [], []>, precision = #tpu.contract_precision<fp32>, transpose_lhs_hint = false} : vector<2000x64xf32>, vector<2000x192xf32>, vector<64x192xf32> -> vector<64x192xf32>
    %add3A_25 = arith.addf %get3A_22, %dot_general3A_24 : vector<64x192xf32>
    %swap3A_26 = arith.constant 0 : index
    %swap3A_27 = arith.constant 0 : index
    %swap3A_28 = vector.load %arg11[%swap3A_26, %swap3A_27] : memref<64x192xf32, #tpu.memory_space<vmem>>, vector<64x192xf32>
    tpu.vector_store %arg11[%swap3A_26, %swap3A_27], %add3A_25 {strides = array<i32>} : memref<64x192xf32, #tpu.memory_space<vmem>>, vector<64x192xf32>,
    %get3A_29 = arith.constant 0 : index
    %get3A_30 = arith.constant 0 : index
    %get3A_31 = vector.load %arg14[%get3A_29, %get3A_30] : memref<64x1xf32, #tpu.memory_space<vmem>>, vector<64x1xf32>
    %broadcast_in_dim3A = arith.constant 1.000000e+00 : f32
    %broadcast_in_dim3A_32 = vector.broadcast %broadcast_in_dim3A : f32 to vector<2000x1xf32>
    %dot_general3A_33 = arith.constant dense<0.000000e+00> : vector<64x1xf32>
    %dot_general3A_34 = tpu.matmul %convert_element_type3A_13, %broadcast_in_dim3A_32, %dot_general3A_33 {dimension_numbers = #tpu.dot_dimension_numbers<[0], [0], [1], [1], [0, 1, 1, 1], [], []>, precision = #tpu.contract_precision<fp32>, transpose_lhs_hint = false} : vector<2000x64xf32>, vector<2000x1xf32>, vector<64x1xf32> -> vector<64x1xf32>
    %add3A_35 = arith.addf %get3A_31, %dot_general3A_34 : vector<64x1xf32>
    %swap3A_36 = arith.constant 0 : index
    %swap3A_37 = arith.constant 0 : index
    %swap3A_38 = vector.load %arg14[%swap3A_36, %swap3A_37] : memref<64x1xf32, #tpu.memory_space<vmem>>, vector<64x1xf32>
    tpu.vector_store %arg14[%swap3A_36, %swap3A_37], %add3A_35 {strides = array<i32>} : memref<64x1xf32, #tpu.memory_space<vmem>>, vector<64x1xf32>,
    %iota3A_39 = tpu.iota {dimensions = array<i32: 0>} : vector<64x1xi32>
    %scan3A = arith.constant 0 : i32
    %scan3A_40 = arith.constant 64 : i32
    %scan3A_41 = arith.addi %scan3A, %scan3A_40 : i32
    %scan3A_42 = arith.constant 1 : i32
    scf.for %scan3A_49 = %scan3A to %scan3A_41 step %scan3A_42  : i32 {
      %eq3A_50 = vector.broadcast %scan3A_49 : i32 to vector<2000x1xi32>
      %eq3A_51 = arith.cmpi eq, %get3A_3, %eq3A_50 : vector<2000x1xi32>
      %jit3A = arith.constant 0xFF800000 : f32
      %broadcast_in_dim3A_52 = vector.shape_cast %eq3A_51 : vector<2000x1xi1> to vector<2000x1xi1>
      %broadcast_in_dim3A_53 = vector.broadcast %broadcast_in_dim3A_52 : vector<2000x1xi1> to vector<2000x384xi1>
      %broadcast_in_dim3A_54 = vector.broadcast %jit3A : f32 to vector<2000x384xf32>
      %select_n3A = arith.select %broadcast_in_dim3A_53, %get3A_6, %broadcast_in_dim3A_54 : vector<2000x384xi1>, vector<2000x384xf32>
      %reduce_max3A = arith.constant dense<0xFF800000> : vector<384xf32>
      %reduce_max3A_55 = vector.multi_reduction <maximumf>, %select_n3A, %reduce_max3A [0] : vector<2000x384xf32> to vector<384xf32>
      %broadcast_in_dim3A_56 = vector.shape_cast %reduce_max3A_55 : vector<384xf32> to vector<1x384xf32>
      %eq3A_57 = vector.broadcast %scan3A_49 : i32 to vector<2000x1xi32>
      %eq3A_58 = arith.cmpi eq, %get3A_3, %eq3A_57 : vector<2000x1xi32>
      %jit3A_59 = arith.constant 0xFF800000 : f32
      %broadcast_in_dim3A_60 = vector.shape_cast %eq3A_58 : vector<2000x1xi1> to vector<2000x1xi1>
      %broadcast_in_dim3A_61 = vector.broadcast %broadcast_in_dim3A_60 : vector<2000x1xi1> to vector<2000x192xi1>
      %broadcast_in_dim3A_62 = vector.broadcast %jit3A_59 : f32 to vector<2000x192xf32>
      %select_n3A_63 = arith.select %broadcast_in_dim3A_61, %get3A_9, %broadcast_in_dim3A_62 : vector<2000x192xi1>, vector<2000x192xf32>
      %reduce_max3A_64 = arith.constant dense<0xFF800000> : vector<192xf32>
      %reduce_max3A_65 = vector.multi_reduction <maximumf>, %select_n3A_63, %reduce_max3A_64 [0] : vector<2000x192xf32> to vector<192xf32>
      %broadcast_in_dim3A_66 = vector.shape_cast %reduce_max3A_65 : vector<192xf32> to vector<1x192xf32>
      %eq3A_67 = vector.broadcast %scan3A_49 : i32 to vector<64x1xi32>
      %eq3A_68 = arith.cmpi eq, %iota3A_39, %eq3A_67 : vector<64x1xi32>
      %get3A_69 = arith.constant 0 : index
      %get3A_70 = arith.constant 0 : index
      %get3A_71 = vector.load %arg12[%get3A_69, %get3A_70] : memref<64x384xf32, #tpu.memory_space<vmem>>, vector<64x384xf32>
      %max3A = vector.broadcast %broadcast_in_dim3A_56 : vector<1x384xf32> to vector<64x384xf32>
      %max3A_72 = arith.maximumf %get3A_71, %max3A : vector<64x384xf32>
      %get3A_73 = arith.constant 0 : index
      %get3A_74 = arith.constant 0 : index
      %get3A_75 = vector.load %arg12[%get3A_73, %get3A_74] : memref<64x384xf32, #tpu.memory_space<vmem>>, vector<64x384xf32>
      %broadcast_in_dim3A_76 = vector.shape_cast %eq3A_68 : vector<64x1xi1> to vector<64x1xi1>
      %broadcast_in_dim3A_77 = vector.broadcast %broadcast_in_dim3A_76 : vector<64x1xi1> to vector<64x384xi1>
      %select_n3A_78 = arith.select %broadcast_in_dim3A_77, %max3A_72, %get3A_75 : vector<64x384xi1>, vector<64x384xf32>
      %swap3A_79 = arith.constant 0 : index
      %swap3A_80 = arith.constant 0 : index
      %swap3A_81 = vector.load %arg12[%swap3A_79, %swap3A_80] : memref<64x384xf32, #tpu.memory_space<vmem>>, vector<64x384xf32>
      tpu.vector_store %arg12[%swap3A_79, %swap3A_80], %select_n3A_78 {strides = array<i32>} : memref<64x384xf32, #tpu.memory_space<vmem>>, vector<64x384xf32>,
      %get3A_82 = arith.constant 0 : index
      %get3A_83 = arith.constant 0 : index
      %get3A_84 = vector.load %arg13[%get3A_82, %get3A_83] : memref<64x192xf32, #tpu.memory_space<vmem>>, vector<64x192xf32>
      %max3A_85 = vector.broadcast %broadcast_in_dim3A_66 : vector<1x192xf32> to vector<64x192xf32>
      %max3A_86 = arith.maximumf %get3A_84, %max3A_85 : vector<64x192xf32>
      %get3A_87 = arith.constant 0 : index
      %get3A_88 = arith.constant 0 : index
      %get3A_89 = vector.load %arg13[%get3A_87, %get3A_88] : memref<64x192xf32, #tpu.memory_space<vmem>>, vector<64x192xf32>
      %broadcast_in_dim3A_90 = vector.shape_cast %eq3A_68 : vector<64x1xi1> to vector<64x1xi1>
      %broadcast_in_dim3A_91 = vector.broadcast %broadcast_in_dim3A_90 : vector<64x1xi1> to vector<64x192xi1>
      %select_n3A_92 = arith.select %broadcast_in_dim3A_91, %max3A_86, %get3A_89 : vector<64x192xi1>, vector<64x192xf32>
      %swap3A_93 = arith.constant 0 : index
      %swap3A_94 = arith.constant 0 : index
      %swap3A_95 = vector.load %arg13[%swap3A_93, %swap3A_94] : memref<64x192xf32, #tpu.memory_space<vmem>>, vector<64x192xf32>
      tpu.vector_store %arg13[%swap3A_93, %swap3A_94], %select_n3A_92 {strides = array<i32>} : memref<64x192xf32, #tpu.memory_space<vmem>>, vector<64x192xf32>,
    }
    %scan3A_43 = arith.constant 64 : i32
    %eq3A_44 = arith.constant 4 : i32
    %eq3A_45 = arith.cmpi eq, %arg0, %eq3A_44 : i32
    %convert_element_type3A_46 = arith.extui %eq3A_45 : i1 to i32
    %cond3A_47 = arith.constant 0 : i32
    %cond3A_48 = arith.cmpi ne, %convert_element_type3A_46, %cond3A_47 : i32
    scf.if %cond3A_48 {
      %get3A_49 = arith.constant 0 : index
      %get3A_50 = arith.constant 0 : index
      %get3A_51 = vector.load %arg14[%get3A_49, %get3A_50] : memref<64x1xf32, #tpu.memory_space<vmem>>, vector<64x1xf32>
      %max3A = arith.constant 1.000000e+00 : f32
      %max3A_52 = vector.broadcast %max3A : f32 to vector<64x1xf32>
      %max3A_53 = arith.maximumf %get3A_51, %max3A_52 : vector<64x1xf32>
      %get3A_54 = arith.constant 0 : index
      %get3A_55 = arith.constant 0 : index
      %get3A_56 = vector.load %arg10[%get3A_54, %get3A_55] : memref<64x384xf32, #tpu.memory_space<vmem>>, vector<64x384xf32>
      %get3A_57 = arith.constant 0 : index
      %get3A_58 = arith.constant 0 : index
      %get3A_59 = vector.load %arg11[%get3A_57, %get3A_58] : memref<64x192xf32, #tpu.memory_space<vmem>>, vector<64x192xf32>
      %div3A = vector.broadcast %max3A_53 : vector<64x1xf32> to vector<64x384xf32>
      %div3A_60 = arith.divf %get3A_56, %div3A : vector<64x384xf32>
      %get3A_61 = arith.constant 0 : index
      %get3A_62 = arith.constant 0 : index
      %get3A_63 = vector.load %arg12[%get3A_61, %get3A_62] : memref<64x384xf32, #tpu.memory_space<vmem>>, vector<64x384xf32>
      %concatenate3A = tpu.concatenate %div3A_60, %get3A_56, %get3A_63 in 1 : vector<64x384xf32>, vector<64x384xf32>, vector<64x384xf32> -> vector<64x1152xf32>
      %div3A_64 = vector.broadcast %max3A_53 : vector<64x1xf32> to vector<64x192xf32>
      %div3A_65 = arith.divf %get3A_59, %div3A_64 : vector<64x192xf32>
      %get3A_66 = arith.constant 0 : index
      %get3A_67 = arith.constant 0 : index
      %get3A_68 = vector.load %arg13[%get3A_66, %get3A_67] : memref<64x192xf32, #tpu.memory_space<vmem>>, vector<64x192xf32>
      %concatenate3A_69 = tpu.concatenate %div3A_65, %get3A_59, %get3A_68 in 1 : vector<64x192xf32>, vector<64x192xf32>, vector<64x192xf32> -> vector<64x576xf32>
      %get3A_70 = arith.constant 0 : index
      %get3A_71 = arith.constant 0 : index
      %get3A_72 = vector.load %arg4[%get3A_70, %get3A_71] : memref<1152x2xf32, #tpu.memory_space<vmem>>, vector<1152x2xf32>
      %dot_general3A_73 = arith.constant dense<0.000000e+00> : vector<64x2xf32>
      %dot_general3A_74 = tpu.matmul %concatenate3A, %get3A_72, %dot_general3A_73 {dimension_numbers = #tpu.dot_dimension_numbers<[1], [0], [0], [1], [0, 0, 1, 1], [], []>, transpose_lhs_hint = false} : vector<64x1152xf32>, vector<1152x2xf32>, vector<64x2xf32> -> vector<64x2xf32>
      %get3A_75 = arith.constant 0 : index
      %get3A_76 = arith.constant 0 : index
      %get3A_77 = vector.load %arg5[%get3A_75, %get3A_76] : memref<1x2xf32, #tpu.memory_space<vmem>>, vector<1x2xf32>
      %add3A_78 = vector.broadcast %get3A_77 : vector<1x2xf32> to vector<64x2xf32>
      %add3A_79 = arith.addf %dot_general3A_74, %add3A_78 : vector<64x2xf32>
      %reduce_max3A = arith.constant dense<0xFF800000> : vector<64xf32>
      %reduce_max3A_80 = vector.multi_reduction <maximumf>, %add3A_79, %reduce_max3A [1] : vector<64x2xf32> to vector<64xf32>
      %broadcast_in_dim3A_81 = vector.shape_cast %reduce_max3A_80 : vector<64xf32> to vector<64x1xf32>
      %sub3A = vector.broadcast %broadcast_in_dim3A_81 : vector<64x1xf32> to vector<64x2xf32>
      %sub3A_82 = arith.subf %add3A_79, %sub3A : vector<64x2xf32>
      %sub3A_83 = vector.broadcast %broadcast_in_dim3A_81 : vector<64x1xf32> to vector<64x2xf32>
      %sub3A_84 = arith.subf %add3A_79, %sub3A_83 : vector<64x2xf32>
      %exp3A = math.exp %sub3A_84 : vector<64x2xf32>
      %reduce_sum3A = arith.constant dense<0.000000e+00> : vector<64xf32>
      %reduce_sum3A_85 = vector.multi_reduction <add>, %exp3A, %reduce_sum3A [1] : vector<64x2xf32> to vector<64xf32>
      %broadcast_in_dim3A_86 = vector.shape_cast %reduce_sum3A_85 : vector<64xf32> to vector<64x1xf32>
      %log3A = math.log %broadcast_in_dim3A_86 : vector<64x1xf32>
      %sub3A_87 = vector.broadcast %log3A : vector<64x1xf32> to vector<64x2xf32>
      %sub3A_88 = arith.subf %sub3A_82, %sub3A_87 : vector<64x2xf32>
      %swap3A_89 = arith.constant 0 : index
      %swap3A_90 = arith.constant 0 : index
      %swap3A_91 = vector.load %arg9[%swap3A_89, %swap3A_90] : memref<64x2xf32, #tpu.memory_space<vmem>>, vector<64x2xf32>
      tpu.vector_store %arg9[%swap3A_89, %swap3A_90], %sub3A_88 {strides = array<i32>} : memref<64x2xf32, #tpu.memory_space<vmem>>, vector<64x2xf32>,
      %get3A_92 = arith.constant 0 : index
      %get3A_93 = arith.constant 0 : index
      %get3A_94 = vector.load %arg6[%get3A_92, %get3A_93] : memref<576x2xf32, #tpu.memory_space<vmem>>, vector<576x2xf32>
      %dot_general3A_95 = arith.constant dense<0.000000e+00> : vector<64x2xf32>
      %dot_general3A_96 = tpu.matmul %concatenate3A_69, %get3A_94, %dot_general3A_95 {dimension_numbers = #tpu.dot_dimension_numbers<[1], [0], [0], [1], [0, 0, 1, 1], [], []>, transpose_lhs_hint = false} : vector<64x576xf32>, vector<576x2xf32>, vector<64x2xf32> -> vector<64x2xf32>
      %get3A_97 = arith.constant 0 : index
      %get3A_98 = arith.constant 0 : index
      %get3A_99 = vector.load %arg7[%get3A_97, %get3A_98] : memref<1x2xf32, #tpu.memory_space<vmem>>, vector<1x2xf32>
      %add3A_100 = vector.broadcast %get3A_99 : vector<1x2xf32> to vector<64x2xf32>
      %add3A_101 = arith.addf %dot_general3A_96, %add3A_100 : vector<64x2xf32>
      %reduce_max3A_102 = arith.constant dense<0xFF800000> : vector<64xf32>
      %reduce_max3A_103 = vector.multi_reduction <maximumf>, %add3A_101, %reduce_max3A_102 [1] : vector<64x2xf32> to vector<64xf32>
      %broadcast_in_dim3A_104 = vector.shape_cast %reduce_max3A_103 : vector<64xf32> to vector<64x1xf32>
      %sub3A_105 = vector.broadcast %broadcast_in_dim3A_104 : vector<64x1xf32> to vector<64x2xf32>
      %sub3A_106 = arith.subf %add3A_101, %sub3A_105 : vector<64x2xf32>
      %sub3A_107 = vector.broadcast %broadcast_in_dim3A_104 : vector<64x1xf32> to vector<64x2xf32>
      %sub3A_108 = arith.subf %add3A_101, %sub3A_107 : vector<64x2xf32>
      %exp3A_109 = math.exp %sub3A_108 : vector<64x2xf32>
      %reduce_sum3A_110 = arith.constant dense<0.000000e+00> : vector<64xf32>
      %reduce_sum3A_111 = vector.multi_reduction <add>, %exp3A_109, %reduce_sum3A_110 [1] : vector<64x2xf32> to vector<64xf32>
      %broadcast_in_dim3A_112 = vector.shape_cast %reduce_sum3A_111 : vector<64xf32> to vector<64x1xf32>
      %log3A_113 = math.log %broadcast_in_dim3A_112 : vector<64x1xf32>
      %sub3A_114 = vector.broadcast %log3A_113 : vector<64x1xf32> to vector<64x2xf32>
      %sub3A_115 = arith.subf %sub3A_106, %sub3A_114 : vector<64x2xf32>
      %swap3A_116 = arith.constant 0 : index
      %swap3A_117 = arith.constant 0 : index
      %swap3A_118 = vector.load %arg8[%swap3A_116, %swap3A_117] : memref<64x2xf32, #tpu.memory_space<vmem>>, vector<64x2xf32>
      tpu.vector_store %arg8[%swap3A_116, %swap3A_117], %sub3A_115 {strides = array<i32>} : memref<64x2xf32, #tpu.memory_space<vmem>>, vector<64x2xf32>,
    } else {
    }
    return
  }
  func.func @transform_0(%arg0: i32) -> (i32, i32) {
    %c0_i32 = arith.constant 0 : i32
    %c0_i32_0 = arith.constant 0 : i32
    return %arg0, %c0_i32 : i32, i32
  }
  func.func @transform_1(%arg0: i32) -> (i32, i32) {
    %c0_i32 = arith.constant 0 : i32
    %c0_i32_0 = arith.constant 0 : i32
    return %arg0, %c0_i32 : i32, i32
  }
  func.func @transform_2(%arg0: i32) -> (i32, i32) {
    %c0_i32 = arith.constant 0 : i32
    %c0_i32_0 = arith.constant 0 : i32
    return %arg0, %c0_i32 : i32, i32
  }
  func.func @transform_3(%arg0: i32) -> (i32, i32) {
    %c0_i32 = arith.constant 0 : i32
    %c0_i32_0 = arith.constant 0 : i32
    %c0_i32_1 = arith.constant 0 : i32
    return %c0_i32, %c0_i32_0 : i32, i32
  }
  func.func @transform_4(%arg0: i32) -> (i32, i32) {
    %c0_i32 = arith.constant 0 : i32
    %c0_i32_0 = arith.constant 0 : i32
    %c0_i32_1 = arith.constant 0 : i32
    return %c0_i32, %c0_i32_0 : i32, i32
  }
  func.func @transform_5(%arg0: i32) -> (i32, i32) {
    %c0_i32 = arith.constant 0 : i32
    %c0_i32_0 = arith.constant 0 : i32
    %c0_i32_1 = arith.constant 0 : i32
    return %c0_i32, %c0_i32_0 : i32, i32
  }
  func.func @transform_6(%arg0: i32) -> (i32, i32) {
    %c0_i32 = arith.constant 0 : i32
    %c0_i32_0 = arith.constant 0 : i32
    %c0_i32_1 = arith.constant 0 : i32
    return %c0_i32, %c0_i32_0 : i32, i32
  }
  func.func @transform_7(%arg0: i32) -> (i32, i32) {
    %c0_i32 = arith.constant 0 : i32
    %c0_i32_0 = arith.constant 0 : i32
    %c0_i32_1 = arith.constant 0 : i32
    return %c0_i32, %c0_i32_0 : i32, i32
  }
  func.func @transform_8(%arg0: i32) -> (i32, i32) {
    %c0_i32 = arith.constant 0 : i32
    %c0_i32_0 = arith.constant 0 : i32
    %c0_i32_1 = arith.constant 0 : i32
    return %c0_i32, %c0_i32_0 : i32, i32
  }
}

</mosaic_0001>

<sc_bundles>
// kernel: kernel.16.cloned.1.call-start
scs
__scs_entry_jumppad:
0x0: {  	(pc) =	sbr.rel $0x88, $3  }
0x1: {  	(tag) =	ssettag $0x0;
	lr =	simm.s32 $0x1  }
0x2: {  	[smem:$0x3F79] =	sst lr;
	_ =	strace $0xD0000000  }
0x3: {  	_ = 	snop  }
0x4: {  	_ = 	snop  }
0x5: {  	_ = 	snop  }
0x6: {  	_ = 	snop  }
0x7: {  	_ = 	snop  }
__scs_overlays_trampoline_lowered:
0x8: {  	[smem:$0x3F88] =	sst s0  }
0x9: {  	[smem:$0x3F89] =	sst s1  }
0xa: {  	[smem:$0x3F8A] =	sst s2  }
0xb: {  	[smem:$0x3F8B] =	sst s3  }
0xc: {  	[smem:$0x3F8C] =	sst s4  }
0xd: {  	[smem:$0x3F8D] =	sst s5  }
0xe: {  	[smem:$0x3F8E] =	sst s6  }
0xf: {  	[smem:$0x3F8F] =	sst s7  }
0x10: {  	[smem:$0x3F90] =	sst s8  }
0x11: {  	[smem:$0x3F91] =	sst s9;
	s0 =	simm.s32 @!p0 $0x0  }
0x12: {  	s1 =	sld [smem:$0x3F77];
	s0 =	simm.s32 @p0 $0x1  }
0x13: {  	[smem:$0x3F92] =	sst s0;
	s0 =	simm.s32 @!p1 $0x0  }
0x14: {  	s2 =	sld [smem:$0x3F76];
	s0 =	simm.s32 @p1 $0x1  }
0x15: {  	[smem:$0x3F93] =	sst s0;
	s0 =	simm.s32 @!p2 $0x0  }
0x16: {  	s3 =	sld [smem:$0x3FDB];
	s0 =	simm.s32 @p2 $0x1  }
0x17: {  	s4 =	simm.s32 $0x1BF5;
	[smem:$0x3F95] =	sst s0  }
0x18: {  	s0 =	sld [smem:$0x3F78];
	_ =	swait.ge [sflag:s4], $0x0  }
0x19: {  	s7 =	sld [smem:$0x3F79]  }
0x1a: {  	s8 =	sadd.s32 $0xFFFFE003, lr  }
0x1b: {  	s9 =	sadd.s32 $0xFFFFFEF7, lr;
	s5 =	simm.s32 $0xFFFFFFFF;
	p2 =	slt.u32 s8, $0xFFFFF086  }
0x1c: {  	p1 =	slt.u32 s9, $0xF7A;
	s5 =	simm.s32 @!p2 $0x0  }
0x1d: {  	s5 =	simm.s32 @p1 $0x1;
	p0 =	seq.s32 s7, s2  }
0x1e: {  	s7 =	smul.u32 @!p0 $0xF7A, s2;
	p2 =	seq.s32 @!p0 s5, $0x0  }
0x1f: {  	s9 =	smul.u32 $0xF7A, s1;
	s8 =	simm.s32 @!p0 $0x1BF5;
	p2 =	por !p2, p0  }
0x20: {  	[sflag:s8] =	ssyncset.s32 @!p0 $0xFFFFF086;
	s6 =	sadd.s32 @!p0 s3, s7;
	s7 =	simm.s32 @!p0 $0x108  }
0x21: {  	s3 =	sadd.s32 s3, s9;
	s6 =	sadd.s32 @!p0 $0x88, s6;
	s7 =	simm.s32 @p2 $0x1082  }
0x22: {  	[simem:s7], [sflag:s8] =	dma.local @!p0 [hbm:s6], $0xF7A  }
0x23: {  	s9 =	sor.u32 $0xD0000000, s2;
	s6 =	simm.s32 $0x108;
	_ =	swait.ge @!p0 [sflag:s8], $0x0  }
0x24: {  	s3 =	sadd.s32 $0x88, s3;
	s6 =	simm.s32 @!p1 $0x1082;
	[sflag:s4] =	ssyncset.s32 $0xFFFFF086  }
0x25: {  	[simem:s6], [sflag:s4] =	dma.local [hbm:s3], $0xF7A  }
0x26: {  	[smem:$0x3F79] =	sst s1;
	(tag) =	ssettag s2;
	_ =	strace s9  }
0x27: {  	s1 =	sld [smem:$0x3F89]  }
0x28: {  	s2 =	sld [smem:$0x3F8A]  }
0x29: {  	s4 =	sld [smem:$0x3F8C]  }
0x2a: {  	p0 =	seq.s32 s5, $0x0;
	s5 =	sld [smem:$0x3F8D]  }
0x2b: {  	s6 =	sld [smem:$0x3F8E]  }
0x2c: {  	s7 =	sld [smem:$0x3F8F]  }
0x2d: {  	s3 =	simm.s32 $0x108;
	s8 =	sld [smem:$0x3F90]  }
0x2e: {  	s3 =	simm.s32 @!p0 $0x1082;
	s9 =	sld [smem:$0x3F91]  }
0x2f: {  	lr =	sadd.s32 s0, s3;
	s0 =	sld [smem:$0x3F88]  }
0x30: {  	s3 =	sld [smem:$0x3F8B]  }
0x31: {  	[smem:$0x3F94] =	sst s10  }
0x32: {  	s10 =	sld [smem:$0x3F92];
	_ =	sdelay $0x3  }
0x33: {  	p0 =	seq.s32 s10, $0x1;
	s10 =	sld [smem:$0x3F94];
	_ =	sdelay $0x3  }
0x34: {  	[smem:$0x3F94] =	sst s10  }
0x35: {  	s10 =	sld [smem:$0x3F93];
	_ =	sdelay $0x3  }
0x36: {  	p1 =	seq.s32 s10, $0x1;
	s10 =	sld [smem:$0x3F94];
	_ =	sdelay $0x3  }
0x37: {  	[smem:$0x3F94] =	sst s10  }
0x38: {  	s10 =	sld [smem:$0x3F95]  }
0x39: {  	_ = 	snop;
	(pc) =	sbr.ind lr, $3  }
0x3a: {  	_ = 	snop  }
0x3b: {  	_ = 	snop  }
0x3c: {  	p2 =	seq.s32 s10, $0x1;
	s10 =	sld [smem:$0x3F94]  }
0x3d: {  	_ =	shalt  }
0x3e: {  	_ =	shalt  }
0x3f: {  	_ =	shalt  }
0x40: {  	_ =	shalt  }
0x41: {  	_ =	shalt  }
0x42: {  	_ =	shalt  }
0x43: {  	_ =	shalt  }
0x44: {  	_ =	shalt  }
0x45: {  	_ =	shalt  }
0x46: {  	_ =	shalt  }
0x47: {  	_ =	shalt  }
0x48: {  	_ =	shalt  }
0x49: {  	_ =	shalt  }
0x4a: {  	_ =	shalt  }
0x4b: {  	_ =	shalt  }
0x4c: {  	_ =	shalt  }
0x4d: {  	_ =	shalt  }
0x4e: {  	_ =	shalt  }
0x4f: {  	_ =	shalt  }
0x50: {  	_ =	shalt  }
0x51: {  	_ =	shalt  }
0x52: {  	_ =	shalt  }
0x53: {  	_ =	shalt  }
0x54: {  	_ =	shalt  }
0x55: {  	_ =	shalt  }
0x56: {  	_ =	shalt  }
0x57: {  	_ =	shalt  }
0x58: {  	_ =	shalt  }
0x59: {  	_ =	shalt  }
0x5a: {  	_ =	shalt  }
0x5b: {  	_ =	shalt  }
0x5c: {  	_ =	shalt  }
0x5d: {  	_ =	shalt  }
0x5e: {  	_ =	shalt  }
0x5f: {  	_ =	shalt  }
0x60: {  	_ =	shalt  }
0x61: {  	_ =	shalt  }
0x62: {  	_ =	shalt  }
0x63: {  	_ =	shalt  }
0x64: {  	_ =	shalt  }
0x65: {  	_ =	shalt  }
0x66: {  	_ =	shalt  }
0x67: {  	_ =	shalt  }
0x68: {  	_ =	shalt  }
0x69: {  	_ =	shalt  }
0x6a: {  	_ =	shalt  }
0x6b: {  	_ =	shalt  }
0x6c: {  	_ =	shalt  }
0x6d: {  	_ =	shalt  }
0x6e: {  	_ =	shalt  }
0x6f: {  	_ =	shalt  }
0x70: {  	_ =	shalt  }
0x71: {  	_ =	shalt  }
0x72: {  	_ =	shalt  }
0x73: {  	_ =	shalt  }
0x74: {  	_ =	shalt  }
0x75: {  	_ =	shalt  }
0x76: {  	_ =	shalt  }
0x77: {  	_ =	shalt  }
0x78: {  	_ =	shalt  }
0x79: {  	_ =	shalt  }
0x7a: {  	_ =	shalt  }
0x7b: {  	_ =	shalt  }
0x7c: {  	_ =	shalt  }
0x7d: {  	_ =	shalt  }
0x7e: {  	_ =	shalt  }
0x7f: {  	_ =	shalt  }
0x80: {  	_ =	shalt  }
0x81: {  	_ =	shalt  }
0x82: {  	_ =	shalt  }
0x83: {  	_ =	shalt  }
0x84: {  	_ =	shalt  }
0x85: {  	_ =	shalt  }
0x86: {  	_ =	shalt  }
0x87: {  	_ =	shalt  }
.Lfunc_end0:
.L_simem_size_0:
called_computation_lowered:
.L_overlay_start_0:
0x88: {  	s2 =	sld [smem:$0x3FD9]  }
0x89: {  	s3 =	sld [smem:$0x3FFE];
	_ =	sdelay $0x1  }
0x8a: {  	s1 =	srdreg.scid  }
0x8b: {  	s0 =	sand.u32 $0x1, s1  }
0x8c: {  	s14 =	sshll.u32 s0, $0xA;
	s2 =	sadd.s32 s3, s2  }
0x8d: {  	s2 =	sadd.s32 s2, s14  }
0x8e: {  	[smem:$0x3FA0] =	sst s2  }
0x8f: {  	_ = 	snop  }
0x90: {  	s2 =	sld [smem:$0x3FD0];
	_ =	sdelay $0x2  }
0x91: {  	s4 =	simm.s32 $0xA;
	s5 =	simm.s32 $0x10;
	s15 =	sld [smem:$0x3FC9]  }
0x92: {  	[smem:s5], [sflag:s4] =	dma.local [hbm:s2], $0x1  }
0x93: {  	_ =	swait.eq [sflag:s4], $0x1  }
0x94: {  	[sflag:s4] =	ssyncset.done $0x0  }
0x95: {  	[sflag:s4] =	ssyncadd.s32 $0xFFFFFFFF  }
0x96: {  	s16 =	sld [smem:$0x11];
	(tm) =	ssettm $0x1  }
0x97: {  	s17 =	sld [smem:$0x3FFB];
	_ =	sdelay $0x3  }
0x98: {  	_ =	strace s17  }
0x99: {  	s4 =	sld [smem:$0x3FFC];
	_ =	sdelay $0x3  }
0x9a: {  	_ =	strace s4  }
0x9b: {  	s4 =	sld [smem:$0x3FFD];
	_ =	sdelay $0x3  }
0x9c: {  	_ =	strace s4  }
0x9d: {  	_ =	strace $0x8FFFFFFF  }
0x9e: {  	s18 =	sld [smem:$0x3FDB];
	_ =	sdelay $0x1  }
0x9f: {  	s19 =	simm.s32 $_scs_section_size  }
0xa0: {  	s6 =	simm.s32 $_size__tile_overlayer_lowered;
	s7 =	simm.s32 $_tile_overlayer_lowered  }
0xa1: {  	s22 =	simm.s32 $0x1BFF;
	s21 =	sshll.u32 s7, $0x1;
	s4 =	sadd.s32 s19, s18  }
0xa2: {  	s8 =	simm.s32 $0x0;
	s20 =	sshll.u32 s6, $0x1;
	s6 =	sadd.s32 s21, s4  }
0xa3: {  	[timem:s8], [sflag:s22] =	dma.local [hbm:s6], s20  }
0xa4: {  	_ =	swait.ge [sflag:s22], s20  }
0xa5: {  	s5 =	ssub.s32 $0x0, s20;
	[sflag:s22] =	ssyncset.done $0x0  }
0xa6: {  	[sflag:s22] =	ssyncadd.s32 s5;
	_ =	sdelay $0x1  }
0xa7: {  	s23 =	simm.s32 $0x1B8B  }
0xa8: {  	_ =	swait.ge [sflag:s23], $0x1  }
0xa9: {  	[sflag:s23] =	ssyncset.done $0x0  }
0xaa: {  	s25 =	simm.s32 $0x1B8E;
	s24 =	sld [smem:$0x3FFE];
	[sflag:s23] =	ssyncadd.s32 $0xFFFFFFFF  }
0xab: {  	s26 =	simm.s32 $execute0_lowered;
	[smem:$0x3FD2] =	sst s25  }
0xac: {  	s6 =	sshll.u32 s26, $0x1;
	_ =	strace $0x80000046;
	[dreg:$0x1] =	wrdreg $0xFFFFFFFF  }
0xad: {  	s28 =	simm.s32 $_size_execute0_lowered;
	s4 =	sadd.s32 s4, s6;
	[dreg:$0x0] =	wrdreg $0x0  }
0xae: {  	s6 =	sshll.u32 s28, $0x1;
	[dreg:$0x2] =	wrdreg s4  }
0xaf: {  	[dreg:$0x3] =	wrdreg s6  }
0xb0: {  	[dreg:$0x4] =	wrdreg $0xC0  }
0xb1: {  	_ =	task [dreg:s8], $0x5FFFF  }
0xb2: {  	[dreg:$0x1] =	wrdreg $0xFFFFFFFF  }
0xb3: {  	[dreg:$0x0] =	wrdreg $0x60  }
0xb4: {  	[dreg:$0x2] =	wrdreg s15  }
0xb5: {  	[dreg:$0x3] =	wrdreg s24  }
0xb6: {  	[dreg:$0x4] =	wrdreg s16  }
0xb7: {  	[dreg:$0x5] =	wrdreg $0xA2800  }
0xb8: {  	[dreg:$0x6] =	wrdreg $0x9  }
0xb9: {  	_ =	task.clear_ibuf [dreg:s8], $0x7FFFF;
	_ =	strace $0x90000046  }
0xba: {  	s29 =	simm.s32 $0x9;
	_ =	strace $0x80000048  }
0xbb: {  	_ =	swait.ge [sflag:s29], $0x1  }
0xbc: {  	[sflag:s29] =	ssyncadd.s32 $0xFFFFFFFF  }
0xbd: {  	_ =	strace $0x90000048  }
0xbe: {  	_ =	sfence  }
0xbf: {  	s30 =	sld [smem:$0x0];
	_ =	sdelay $0x2  }
0xc0: {  	s31 =	sshll.u32 s1, $0xD;
	s1 =	sshrl.u32 s1, $0x2  }
0xc1: {  	s3 =	sand.u32 $0x4000, s31;
	s1 =	sadd.s32 s1, s30  }
0xc2: {  	s0 =	sor.u32 s3, s0;
	s1 =	sshll.u32 s1, $0x11  }
0xc3: {  	s0 =	sor.u32 s1, s0  }
0xc4: {  	s0 =	sadd.s32 $0x8F2B, s0  }
0xc5: {  	[sflag:s0] =	ssyncadd.remote.s32 $0x1  }
0xc6: {  	_ =	sfence.sel $0xFFFF  }
0xc7: {  	[dreg:$0x0] =	wrdreg $0xFFFFFFFF;
	(pc) =	sbr.abs _section_cstart, $3  }
0xc8: {  	[dreg:$0x1] =	wrdreg $0xFFFFFFFF  }
0xc9: {  	_ =	task.clear_ibuf [dreg:s8], $0x2FFFF;
	_ =	strace $0x9FFFFFFF  }
0xca: {  	(tm) =	ssettm $0x7FFFFFFF  }
0xcb: {  	_ =	shalt  }
tec
execute0_lowered:
.L_overlay_start_1:
0x0: {  	(tag) =	ssettag $0x1  }
0x1: {  	s1 =	rddreg [dreg:$0x0]  }
0x2: {  	s0 =	rddreg [dreg:$0x1]  }
0x3: {  	s2 =	rddreg [dreg:$0x2]  }
0x4: {  	s3 =	rddreg [dreg:$0x3];
	s4 =	simm.s32 $0x0;
	s14 =	stileid.u32  }
0x5: {  	s5 =	srdreg.scid;
	s15 =	simm.s32 $0x190;
	s28 =	simm.s32 $0x7A80  }
0x6: {  	s29 =	simm.s32 $0x1;
	s30 =	simm.s32 $0x2;
	s31 =	simm.s32 $0x3  }
0x7: {  	[smem:$0x7FF] =	sst s4;
	s7 =	smul.u32 $0x14000, s14;
	s5 =	sand.u32 $0x1, s5  }
0x8: {  	s8 =	sadd.s32 $0x10600, s0;
	s9 =	sadd.s32 $0x6800, s0;
	s20 =	smul.u32 $0x4E2, s14  }
0x9: {  	s18 =	sshll.u32 s14, $0x6;
	_ =	strace $0x80000047;
	s13 =	smul.u32 $0x140000, s5  }
0xa: {  	s6 =	sshll.u32 s5, $0x4;
	s11 =	ssub.s32 $0x2, s5;
	s5 =	smul.u32 $0x4E20, s5  }
0xb: {  	s10 =	sshrl.u32 s7, $0x3;
	s6 =	sor.u32 s14, s6;
	s16 =	sshrl.u32 s11, $0x1  }
0xc: {  	s17 =	sadd.s32 s7, s3;
	s14 =	simm.s32 $0x50;
	s0 =	sadd.s32 s10, s0  }
0xd: {  	s6 =	smul.u32 $0x2710, s6;
	s10 =	ssub.s32 s11, s16;
	s7 =	sadd.s32 s7, s13  }
0xe: {  	s22 =	sadd.s32 s5, s8;
	s24 =	sadd.s32 s5, s9;
	s13 =	simm.s32 $0x140  }
0xf: {  	s16 =	simm.s32 $0xA0;
	s0 =	sadd.s32 $0x1A400, s0;
	s21 =	sshrl.u32 s7, $0x3  }
0x10: {  	s23 =	sadd.s32 s20, s22;
	s25 =	smax.u32 s10, $0x1;
	s26 =	sadd.s32 s20, s24  }
0x11: {  	s7 =	sshrl.u32 s17, $0x3;
	s17 =	simm.s32 $0x1E0;
	[dreg:$0x7] =	wrdreg s0  }
0x12: {  	s20 =	simm.s32 $0x9;
	s22 =	simm.s32 $0xA;
	[dreg:$0xc] =	wrdreg s25  }
0x13: {  	s24 =	simm.s32 $0xB;
	s12 =	sshrl.u32 s6, $0x3;
	[dreg:$0x5] =	wrdreg s23  }
0x14: {  	s6 =	sor.u32 $0x1C0D, s18;
	[dreg:$0x6] =	wrdreg s26;
	s18 =	simm.s32 $0xF0  }
0x15: {  	s23 =	simm.s32 $0x2A80;
	[dreg:$0xd] =	wrdreg s7;
	s19 =	sadd.s32 $0x4D8, s12  }
0x16: {  	s25 =	simm.s32 $0x5280;
	[dreg:$0x8] =	wrdreg s6;
	s12 =	sadd.s32 s8, s19  }
0x17: {  	s26 =	simm.s32 $0xC;
	s0 =	sadd.s32 s9, s19;
	[dreg:$0x9] =	wrdreg s12  }
0x18: {  	s19 =	simm.s32 $0x230;
	s9 =	simm.s32 $0x0;
	[dreg:$0xa] =	wrdreg s0  }
0x19: {  	s0 =	sadd.s32 s2, s21;
	s12 =	simm.s32 $0xD;
	s21 =	simm.s32 $0x280  }
0x1a: {  	s2 =	simm.s32 $0x5;
	[dreg:$0xb] =	wrdreg s0;
	s0 =	simm.s32 $0x4  }
.LBB2_1:
0x1b: {  	s5 =	rddreg [dreg:$0x7]  }
0x1c: {  	[spmem:s7], [sflag:s6] =	dma.local [hbm:s5], $0x2800  }
0x1d: {  	_ =	swait.ge [sflag:s12], $0x2800  }
0x1e: {  	[sflag:s12] =	ssyncset.done $0x0  }
0x1f: {  	p0 =	por $0x1, $0x1;
	[sflag:s12] =	ssyncadd.s32 $0xFFFFD800  }
0x20: {  	s5 =	simm.s32 @!p0 $0x5;
	[bflag:$0x0] =	sbarrier.arrive $0xFFFF  }
0x21: {  	_ =	swait.ge @!p0 [sflag:s5], $0x2800  }
0x22: {  	s10 =	rddreg [dreg:$0x5];
	[sflag:s5] =	ssyncset.done @!p0 $0x0  }
0x23: {  	s6 =	rddreg [dreg:$0x6];
	[sflag:s5] =	ssyncadd.s32 @!p0 $0xFFFFD800;
	s5 =	sadd.s32 $0x0, s10  }
0x24: {  	[tilespmem:s4], [sflag:$0x9] =	stream.linear.gather [hbm4b:s5+s4], $0x50, $0x38;
	[tilespmem:$0x1E280] =	vst v63  }
0x25: {  	s7 =	sadd.s32 $0x0, s6;
	s10 =	simm.s32 @!p0 $0x6  }
0x26: {  	[tilespmem:s13], [sflag:$0x9] =	stream.linear.gather [hbm4b:s7+s4], $0x50, $0x38;
	[tilespmem:$0x1E280] =	vst v63  }
0x27: {  	_ =	swait.ge @!p0 [sflag:s10], $0x2800  }
0x28: {  	[sflag:s10] =	ssyncset.done @!p0 $0x0  }
0x29: {  	s8 =	sadd.s32 $0xA, s5;
	[sflag:s10] =	ssyncadd.s32 @!p0 $0xFFFFD800  }
0x2a: {  	[tilespmem:s14], [sflag:$0xA] =	stream.linear.gather [hbm4b:s8+s4], $0x50, $0x38;
	[tilespmem:$0x1E280] =	vst v63  }
0x2b: {  	s11 =	sadd.s32 $0xA, s7;
	s10 =	simm.s32 @!p0 $0x7  }
0x2c: {  	[tilespmem:s15], [sflag:$0xA] =	stream.linear.gather [hbm4b:s11+s4], $0x50, $0x38;
	[tilespmem:$0x1E280] =	vst v63  }
0x2d: {  	_ =	swait.ge @!p0 [sflag:s10], $0x2800  }
0x2e: {  	[sflag:s10] =	ssyncset.done @!p0 $0x0  }
0x2f: {  	s6 =	sadd.s32 $0x14, s5;
	[sflag:s10] =	ssyncadd.s32 @!p0 $0xFFFFD800  }
0x30: {  	[tilespmem:s16], [sflag:$0xB] =	stream.linear.gather [hbm4b:s6+s4], $0x50, $0x38;
	[tilespmem:$0x1E280] =	vst v63  }
0x31: {  	s8 =	sadd.s32 $0x14, s7;
	s10 =	simm.s32 @!p0 $0x8  }
0x32: {  	[tilespmem:s17], [sflag:$0xB] =	stream.linear.gather [hbm4b:s8+s4], $0x50, $0x38;
	[tilespmem:$0x1E280] =	vst v63  }
0x33: {  	_ =	swait.ge @!p0 [sflag:s10], $0x2800  }
0x34: {  	[sflag:s10] =	ssyncset.done @!p0 $0x0  }
0x35: {  	s5 =	sadd.s32 $0x1E, s5;
	[sflag:s10] =	ssyncadd.s32 @!p0 $0xFFFFD800  }
0x36: {  	[tilespmem:s18], [sflag:$0xC] =	stream.linear.gather [hbm4b:s5+s4], $0x50, $0x38;
	[tilespmem:$0x1E280] =	vst v63  }
0x37: {  	s11 =	sadd.s32 $0x1E, s7  }
0x38: {  	[tilespmem:s19], [sflag:$0xC] =	stream.linear.gather [hbm4b:s11+s4], $0x50, $0x38;
	[tilespmem:$0x1E280] =	vst v63  }
0x39: {  	_ =	swait.ge [sflag:s20], $0x50  }
0x3a: {  	[sflag:s20] =	ssyncset.done $0x0  }
0x3b: {  	[sflag:s20] =	ssyncadd.s32 $0xFFFFFFB0  }
0x3c: {  	_ =	swait.ge [sflag:s20], $0x50  }
0x3d: {  	[sflag:s20] =	ssyncset.done $0x0  }
0x3e: {  	[sflag:s20] =	ssyncadd.s32 $0xFFFFFFB0  }
0x3f: {  	[tilespmem:s21], [sflag:$0x1] =	stream.indirect.gather [hbm4b:s1+s14], $0x80, s4, s14, $0xb8;
	[tilespmem:$0x1E280] =	vst v63  }
0x40: {  	_ =	swait.ge [sflag:s22], $0x50  }
0x41: {  	[sflag:s22] =	ssyncset.done $0x0  }
0x42: {  	[sflag:s22] =	ssyncadd.s32 $0xFFFFFFB0  }
0x43: {  	_ =	swait.ge [sflag:s22], $0x50  }
0x44: {  	[sflag:s22] =	ssyncset.done $0x0  }
0x45: {  	[sflag:s22] =	ssyncadd.s32 $0xFFFFFFB0  }
0x46: {  	[tilespmem:s23], [sflag:$0x2] =	stream.indirect.gather [hbm4b:s1+s14], $0x80, s14, s14, $0xb8;
	[tilespmem:$0x1E280] =	vst v63  }
0x47: {  	_ =	swait.ge [sflag:s24], $0x50  }
0x48: {  	[sflag:s24] =	ssyncset.done $0x0  }
0x49: {  	[sflag:s24] =	ssyncadd.s32 $0xFFFFFFB0  }
0x4a: {  	_ =	swait.ge [sflag:s24], $0x50  }
0x4b: {  	[sflag:s24] =	ssyncset.done $0x0  }
0x4c: {  	[sflag:s24] =	ssyncadd.s32 $0xFFFFFFB0  }
0x4d: {  	[tilespmem:s25], [sflag:$0x3] =	stream.indirect.gather [hbm4b:s1+s14], $0x80, s16, s14, $0xb8;
	[tilespmem:$0x1E280] =	vst v63  }
0x4e: {  	_ =	swait.ge [sflag:s26], $0x50  }
0x4f: {  	[sflag:s26] =	ssyncset.done $0x0  }
0x50: {  	[sflag:s26] =	ssyncadd.s32 $0xFFFFFFB0  }
0x51: {  	_ =	swait.ge [sflag:s26], $0x50  }
0x52: {  	[sflag:s26] =	ssyncset.done $0x0  }
0x53: {  	[sflag:s26] =	ssyncadd.s32 $0xFFFFFFB0  }
0x54: {  	[tilespmem:s28], [sflag:$0x4] =	stream.indirect.gather [hbm4b:s1+s14], $0x80, s18, s14, $0xb8;
	[tilespmem:$0x1E280] =	vst v63  }
0x55: {  	_ =	swait.ge [sflag:s29], $0x2800  }
0x56: {  	[sflag:s29] =	ssyncset.done $0x0  }
0x57: {  	[sflag:s29] =	ssyncadd.s32 $0xFFFFD800  }
0x58: {  	[spmem:s3] =	stream.indirect.scatter.add.f32 [tilespmem:s21], [sflag:$0x5], $0x80, s13, s14, $0xb8;
	[tilespmem:$0x1E280] =	vst v63  }
0x59: {  	_ =	swait.ge [sflag:s30], $0x2800  }
0x5a: {  	[sflag:s30] =	ssyncset.done $0x0  }
0x5b: {  	[sflag:s30] =	ssyncadd.s32 $0xFFFFD800  }
0x5c: {  	[spmem:s3] =	stream.indirect.scatter.add.f32 [tilespmem:s23], [sflag:$0x6], $0x80, s15, s14, $0xb8;
	[tilespmem:$0x1E280] =	vst v63  }
0x5d: {  	_ =	swait.ge [sflag:s31], $0x2800  }
0x5e: {  	[sflag:s31] =	ssyncset.done $0x0  }
0x5f: {  	[sflag:s31] =	ssyncadd.s32 $0xFFFFD800  }
0x60: {  	[spmem:s3] =	stream.indirect.scatter.add.f32 [tilespmem:s25], [sflag:$0x7], $0x80, s17, s14, $0xb8;
	[tilespmem:$0x1E280] =	vst v63  }
0x61: {  	p1 =	por $0x0, $0x0;
	_ =	swait.ge [sflag:s0], $0x2800  }
0x62: {  	s10 =	simm.s32 $0x28;
	s5 =	simm.s32 $0x50;
	[sflag:s0] =	ssyncset.done $0x0  }
.LBB2_2:
0x63: {  	s7 =	simm.s32 @!p1 $0x5;
	[sflag:s0] =	ssyncadd.s32 $0xFFFFD800  }
0x64: {  	[spmem:s3] =	stream.indirect.scatter.add.f32 [tilespmem:s28], [sflag:$0x8], $0x80, s19, s14, $0xb8;
	[tilespmem:$0x1E280] =	vst v63  }
0x65: {  	_ =	swait.ge @!p1 [sflag:s7], $0x2800  }
0x66: {  	[sflag:s7] =	ssyncset.done @!p1 $0x0;
	s6 =	rddreg [dreg:$0x5]  }
0x67: {  	s11 =	rddreg [dreg:$0x6];
	[sflag:s7] =	ssyncadd.s32 @!p1 $0xFFFFD800;
	s6 =	sadd.s32 s10, s6  }
0x68: {  	[tilespmem:s4], [sflag:$0x9] =	stream.linear.gather [hbm4b:s6+s4], $0x50, $0x38;
	[tilespmem:$0x1E280] =	vst v63  }
0x69: {  	s7 =	sadd.s32 s10, s11;
	s11 =	simm.s32 @!p1 $0x6  }
0x6a: {  	[tilespmem:s13], [sflag:$0x9] =	stream.linear.gather [hbm4b:s7+s4], $0x50, $0x38;
	[tilespmem:$0x1E280] =	vst v63  }
0x6b: {  	_ =	swait.ge @!p1 [sflag:s11], $0x2800  }
0x6c: {  	[sflag:s11] =	ssyncset.done @!p1 $0x0  }
0x6d: {  	s8 =	smov.u32 s5;
	[sflag:s11] =	ssyncadd.s32 @!p1 $0xFFFFD800;
	s11 =	sadd.s32 $0xA, s6  }
0x6e: {  	[tilespmem:s14], [sflag:$0xA] =	stream.linear.gather [hbm4b:s11+s4], $0x50, $0x38;
	[tilespmem:$0x1E280] =	vst v63  }
0x6f: {  	s10 =	smov.u32 s8;
	s8 =	sadd.s32 $0xA, s7;
	s11 =	simm.s32 @!p1 $0x7  }
0x70: {  	[tilespmem:s15], [sflag:$0xA] =	stream.linear.gather [hbm4b:s8+s4], $0x50, $0x38;
	[tilespmem:$0x1E280] =	vst v63  }
0x71: {  	_ =	swait.ge @!p1 [sflag:s11], $0x2800  }
0x72: {  	[sflag:s11] =	ssyncset.done @!p1 $0x0  }
0x73: {  	[sflag:s11] =	ssyncadd.s32 @!p1 $0xFFFFD800;
	s11 =	sadd.s32 $0x14, s6  }
0x74: {  	[tilespmem:s16], [sflag:$0xB] =	stream.linear.gather [hbm4b:s11+s4], $0x50, $0x38;
	[tilespmem:$0x1E280] =	vst v63  }
0x75: {  	s8 =	sadd.s32 $0x14, s7;
	s11 =	simm.s32 @!p1 $0x8  }
0x76: {  	[tilespmem:s17], [sflag:$0xB] =	stream.linear.gather [hbm4b:s8+s4], $0x50, $0x38;
	[tilespmem:$0x1E280] =	vst v63  }
0x77: {  	_ =	swait.ge @!p1 [sflag:s11], $0x2800  }
0x78: {  	[sflag:s11] =	ssyncset.done @!p1 $0x0  }
0x79: {  	s6 =	sadd.s32 $0x1E, s6;
	[sflag:s11] =	ssyncadd.s32 @!p1 $0xFFFFD800  }
0x7a: {  	[tilespmem:s18], [sflag:$0xC] =	stream.linear.gather [hbm4b:s6+s4], $0x50, $0x38;
	[tilespmem:$0x1E280] =	vst v63  }
0x7b: {  	s11 =	sadd.s32 $0x1E, s7  }
0x7c: {  	[tilespmem:s19], [sflag:$0xC] =	stream.linear.gather [hbm4b:s11+s4], $0x50, $0x38;
	[tilespmem:$0x1E280] =	vst v63  }
0x7d: {  	_ =	swait.ge [sflag:s20], $0x50  }
0x7e: {  	[sflag:s20] =	ssyncset.done $0x0  }
0x7f: {  	[sflag:s20] =	ssyncadd.s32 $0xFFFFFFB0  }
0x80: {  	_ =	swait.ge [sflag:s20], $0x50  }
0x81: {  	[sflag:s20] =	ssyncset.done $0x0  }
0x82: {  	[sflag:s20] =	ssyncadd.s32 $0xFFFFFFB0  }
0x83: {  	[tilespmem:s21], [sflag:$0x1] =	stream.indirect.gather [hbm4b:s1+s14], $0x80, s4, s14, $0xb8;
	[tilespmem:$0x1E280] =	vst v63  }
0x84: {  	_ =	swait.ge [sflag:s22], $0x50  }
0x85: {  	[sflag:s22] =	ssyncset.done $0x0  }
0x86: {  	[sflag:s22] =	ssyncadd.s32 $0xFFFFFFB0  }
0x87: {  	_ =	swait.ge [sflag:s22], $0x50  }
0x88: {  	[sflag:s22] =	ssyncset.done $0x0  }
0x89: {  	[sflag:s22] =	ssyncadd.s32 $0xFFFFFFB0  }
0x8a: {  	[tilespmem:s23], [sflag:$0x2] =	stream.indirect.gather [hbm4b:s1+s14], $0x80, s14, s14, $0xb8;
	[tilespmem:$0x1E280] =	vst v63  }
0x8b: {  	_ =	swait.ge [sflag:s24], $0x50  }
0x8c: {  	[sflag:s24] =	ssyncset.done $0x0  }
0x8d: {  	[sflag:s24] =	ssyncadd.s32 $0xFFFFFFB0  }
0x8e: {  	_ =	swait.ge [sflag:s24], $0x50  }
0x8f: {  	[sflag:s24] =	ssyncset.done $0x0  }
0x90: {  	[sflag:s24] =	ssyncadd.s32 $0xFFFFFFB0  }
0x91: {  	[tilespmem:s25], [sflag:$0x3] =	stream.indirect.gather [hbm4b:s1+s14], $0x80, s16, s14, $0xb8;
	[tilespmem:$0x1E280] =	vst v63  }
0x92: {  	_ =	swait.ge [sflag:s26], $0x50  }
0x93: {  	[sflag:s26] =	ssyncset.done $0x0  }
0x94: {  	[sflag:s26] =	ssyncadd.s32 $0xFFFFFFB0  }
0x95: {  	_ =	swait.ge [sflag:s26], $0x50  }
0x96: {  	[sflag:s26] =	ssyncset.done $0x0  }
0x97: {  	[sflag:s26] =	ssyncadd.s32 $0xFFFFFFB0  }
0x98: {  	[tilespmem:s28], [sflag:$0x4] =	stream.indirect.gather [hbm4b:s1+s14], $0x80, s18, s14, $0xb8;
	[tilespmem:$0x1E280] =	vst v63  }
0x99: {  	_ =	swait.ge [sflag:s29], $0x2800  }
0x9a: {  	[sflag:s29] =	ssyncset.done $0x0  }
0x9b: {  	[sflag:s29] =	ssyncadd.s32 $0xFFFFD800  }
0x9c: {  	[spmem:s3] =	stream.indirect.scatter.add.f32 [tilespmem:s21], [sflag:$0x5], $0x80, s13, s14, $0xb8;
	[tilespmem:$0x1E280] =	vst v63  }
0x9d: {  	_ =	swait.ge [sflag:s30], $0x2800  }
0x9e: {  	[sflag:s30] =	ssyncset.done $0x0  }
0x9f: {  	s5 =	sadd.s32 $0x28, s5;
	[sflag:s30] =	ssyncadd.s32 $0xFFFFD800  }
0xa0: {  	[spmem:s3] =	stream.indirect.scatter.add.f32 [tilespmem:s23], [sflag:$0x6], $0x80, s15, s14, $0xb8;
	[tilespmem:$0x1E280] =	vst v63  }
0xa1: {  	p0 =	sne.s32 s5, $0x4D8;
	_ =	swait.ge [sflag:s31], $0x2800  }
.Ltmp0:
0xa2: {  	[sflag:s31] =	ssyncset.done $0x0;
	(pc) =	sbr.rel @p0 .LBB2_2-.Ltmp0, $4  }
0xa3: {  	[sflag:s31] =	ssyncadd.s32 $0xFFFFD800  }
0xa4: {  	[spmem:s3] =	stream.indirect.scatter.add.f32 [tilespmem:s25], [sflag:$0x7], $0x80, s17, s14, $0xb8;
	[tilespmem:$0x1E280] =	vst v63  }
0xa5: {  	_ =	swait.ge [sflag:s0], $0x2800  }
0xa6: {  	p1 =	seq.s32 s10, $0x0;
	[sflag:s0] =	ssyncset.done $0x0  }
0xa7: {  	s5 =	simm.s32 @!p1 $0x5;
	[sflag:s0] =	ssyncadd.s32 $0xFFFFD800  }
0xa8: {  	[spmem:s3] =	stream.indirect.scatter.add.f32 [tilespmem:s28], [sflag:$0x8], $0x80, s19, s14, $0xb8;
	[tilespmem:$0x1E280] =	vst v63  }
0xa9: {  	_ =	swait.ge @!p1 [sflag:s5], $0x2800  }
0xaa: {  	s6 =	rddreg [dreg:$0x5];
	[sflag:s5] =	ssyncset.done @!p1 $0x0  }
0xab: {  	s7 =	rddreg [dreg:$0x6];
	[sflag:s5] =	ssyncadd.s32 @!p1 $0xFFFFD800;
	s5 =	sadd.s32 s10, s6  }
0xac: {  	[tilespmem:s4], [sflag:$0x9] =	stream.linear.gather [hbm4b:s5+s4], $0x50, $0x38;
	[tilespmem:$0x1E280] =	vst v63  }
0xad: {  	s6 =	sadd.s32 s10, s7;
	s7 =	simm.s32 @!p1 $0x6  }
0xae: {  	[tilespmem:s13], [sflag:$0x9] =	stream.linear.gather [hbm4b:s6+s4], $0x50, $0x38;
	[tilespmem:$0x1E280] =	vst v63  }
0xaf: {  	_ =	swait.ge @!p1 [sflag:s7], $0x2800  }
0xb0: {  	[sflag:s7] =	ssyncset.done @!p1 $0x0  }
0xb1: {  	s11 =	sadd.s32 $0xA, s5;
	[sflag:s7] =	ssyncadd.s32 @!p1 $0xFFFFD800  }
0xb2: {  	[tilespmem:s14], [sflag:$0xA] =	stream.linear.gather [hbm4b:s11+s4], $0x50, $0x38;
	[tilespmem:$0x1E280] =	vst v63  }
0xb3: {  	s8 =	sadd.s32 $0xA, s6;
	s7 =	simm.s32 @!p1 $0x7  }
0xb4: {  	[tilespmem:s15], [sflag:$0xA] =	stream.linear.gather [hbm4b:s8+s4], $0x50, $0x38;
	[tilespmem:$0x1E280] =	vst v63  }
0xb5: {  	_ =	swait.ge @!p1 [sflag:s7], $0x2800  }
0xb6: {  	[sflag:s7] =	ssyncset.done @!p1 $0x0  }
0xb7: {  	s10 =	sadd.s32 $0x14, s5;
	[sflag:s7] =	ssyncadd.s32 @!p1 $0xFFFFD800  }
0xb8: {  	[tilespmem:s16], [sflag:$0xB] =	stream.linear.gather [hbm4b:s10+s4], $0x50, $0x38;
	[tilespmem:$0x1E280] =	vst v63  }
0xb9: {  	s11 =	sadd.s32 $0x14, s6;
	s7 =	simm.s32 @!p1 $0x8  }
0xba: {  	[tilespmem:s17], [sflag:$0xB] =	stream.linear.gather [hbm4b:s11+s4], $0x50, $0x38;
	[tilespmem:$0x1E280] =	vst v63  }
0xbb: {  	_ =	swait.ge @!p1 [sflag:s7], $0x2800  }
0xbc: {  	[sflag:s7] =	ssyncset.done @!p1 $0x0  }
0xbd: {  	s5 =	sadd.s32 $0x1E, s5;
	[sflag:s7] =	ssyncadd.s32 @!p1 $0xFFFFD800  }
0xbe: {  	[tilespmem:s18], [sflag:$0xC] =	stream.linear.gather [hbm4b:s5+s4], $0x50, $0x38;
	[tilespmem:$0x1E280] =	vst v63  }
0xbf: {  	s8 =	sadd.s32 $0x1E, s6  }
0xc0: {  	[tilespmem:s19], [sflag:$0xC] =	stream.linear.gather [hbm4b:s8+s4], $0x50, $0x38;
	[tilespmem:$0x1E280] =	vst v63  }
0xc1: {  	_ =	swait.ge [sflag:s20], $0x50  }
0xc2: {  	[sflag:s20] =	ssyncset.done $0x0  }
0xc3: {  	[sflag:s20] =	ssyncadd.s32 $0xFFFFFFB0  }
0xc4: {  	_ =	swait.ge [sflag:s20], $0x50  }
0xc5: {  	[sflag:s20] =	ssyncset.done $0x0  }
0xc6: {  	[sflag:s20] =	ssyncadd.s32 $0xFFFFFFB0  }
0xc7: {  	[tilespmem:s21], [sflag:$0x1] =	stream.indirect.gather [hbm4b:s1+s14], $0x80, s4, s14, $0xb8;
	[tilespmem:$0x1E280] =	vst v63  }
0xc8: {  	_ =	swait.ge [sflag:s22], $0x50  }
0xc9: {  	[sflag:s22] =	ssyncset.done $0x0  }
0xca: {  	[sflag:s22] =	ssyncadd.s32 $0xFFFFFFB0  }
0xcb: {  	_ =	swait.ge [sflag:s22], $0x50  }
0xcc: {  	[sflag:s22] =	ssyncset.done $0x0  }
0xcd: {  	[sflag:s22] =	ssyncadd.s32 $0xFFFFFFB0  }
0xce: {  	[tilespmem:s23], [sflag:$0x2] =	stream.indirect.gather [hbm4b:s1+s14], $0x80, s14, s14, $0xb8;
	[tilespmem:$0x1E280] =	vst v63  }
0xcf: {  	_ =	swait.ge [sflag:s24], $0x50  }
0xd0: {  	[sflag:s24] =	ssyncset.done $0x0  }
0xd1: {  	[sflag:s24] =	ssyncadd.s32 $0xFFFFFFB0  }
0xd2: {  	_ =	swait.ge [sflag:s24], $0x50  }
0xd3: {  	[sflag:s24] =	ssyncset.done $0x0  }
0xd4: {  	[sflag:s24] =	ssyncadd.s32 $0xFFFFFFB0  }
0xd5: {  	[tilespmem:s25], [sflag:$0x3] =	stream.indirect.gather [hbm4b:s1+s14], $0x80, s16, s14, $0xb8;
	[tilespmem:$0x1E280] =	vst v63  }
0xd6: {  	_ =	swait.ge [sflag:s26], $0x50  }
0xd7: {  	[sflag:s26] =	ssyncset.done $0x0  }
0xd8: {  	[sflag:s26] =	ssyncadd.s32 $0xFFFFFFB0  }
0xd9: {  	_ =	swait.ge [sflag:s26], $0x50  }
0xda: {  	[sflag:s26] =	ssyncset.done $0x0  }
0xdb: {  	[sflag:s26] =	ssyncadd.s32 $0xFFFFFFB0  }
0xdc: {  	[tilespmem:s28], [sflag:$0x4] =	stream.indirect.gather [hbm4b:s1+s14], $0x80, s18, s14, $0xb8;
	[tilespmem:$0x1E280] =	vst v63  }
0xdd: {  	_ =	swait.ge [sflag:s29], $0x2800  }
0xde: {  	[sflag:s29] =	ssyncset.done $0x0  }
0xdf: {  	[sflag:s29] =	ssyncadd.s32 $0xFFFFD800  }
0xe0: {  	[spmem:s3] =	stream.indirect.scatter.add.f32 [tilespmem:s21], [sflag:$0x5], $0x80, s13, s14, $0xb8;
	[tilespmem:$0x1E280] =	vst v63  }
0xe1: {  	_ =	swait.ge [sflag:s30], $0x2800  }
0xe2: {  	[sflag:s30] =	ssyncset.done $0x0  }
0xe3: {  	[sflag:s30] =	ssyncadd.s32 $0xFFFFD800  }
0xe4: {  	[spmem:s3] =	stream.indirect.scatter.add.f32 [tilespmem:s23], [sflag:$0x6], $0x80, s15, s14, $0xb8;
	[tilespmem:$0x1E280] =	vst v63  }
0xe5: {  	_ =	swait.ge [sflag:s31], $0x2800  }
0xe6: {  	[sflag:s31] =	ssyncset.done $0x0  }
0xe7: {  	[sflag:s31] =	ssyncadd.s32 $0xFFFFD800  }
0xe8: {  	[spmem:s3] =	stream.indirect.scatter.add.f32 [tilespmem:s25], [sflag:$0x7], $0x80, s17, s14, $0xb8;
	[tilespmem:$0x1E280] =	vst v63  }
0xe9: {  	_ =	swait.ge [sflag:s0], $0x2800  }
0xea: {  	[sflag:s0] =	ssyncset.done $0x0  }
0xeb: {  	[sflag:s0] =	ssyncadd.s32 $0xFFFFD800  }
0xec: {  	[spmem:s3] =	stream.indirect.scatter.add.f32 [tilespmem:s28], [sflag:$0x8], $0x80, s19, s14, $0xb8;
	[tilespmem:$0x1E280] =	vst v63  }
0xed: {  	_ =	swait.ge [sflag:s2], $0x2800  }
0xee: {  	[sflag:s2] =	ssyncset.done $0x0  }
0xef: {  	s10 =	rddreg [dreg:$0x9];
	[sflag:s2] =	ssyncadd.s32 $0xFFFFD800  }
0xf0: {  	[tilespmem:s4], [sflag:$0x9] =	stream.linear.gather [hbm4b:s10+s4], $0x50, $0x38;
	[tilespmem:$0x1E280] =	vst v63  }
0xf1: {  	s11 =	rddreg [dreg:$0xa]  }
0xf2: {  	[tilespmem:s13], [sflag:$0x9] =	stream.linear.gather [hbm4b:s11+s4], $0x50, $0x38;
	[tilespmem:$0x1E280] =	vst v63  }
0xf3: {  	_ =	swait.ge [sflag:s20], $0x50  }
0xf4: {  	[sflag:s20] =	ssyncset.done $0x0  }
0xf5: {  	[sflag:s20] =	ssyncadd.s32 $0xFFFFFFB0  }
0xf6: {  	_ =	swait.ge [sflag:s20], $0x50  }
0xf7: {  	[sflag:s20] =	ssyncset.done $0x0  }
0xf8: {  	[sflag:s20] =	ssyncadd.s32 $0xFFFFFFB0  }
0xf9: {  	[tilespmem:s21], [sflag:$0x1] =	stream.indirect.gather [hbm4b:s1+s14], $0x80, s4, s14, $0xb8;
	[tilespmem:$0x1E280] =	vst v63  }
0xfa: {  	_ =	swait.ge [sflag:s29], $0x2800  }
0xfb: {  	[sflag:s29] =	ssyncset.done $0x0  }
0xfc: {  	[sflag:s29] =	ssyncadd.s32 $0xFFFFD800  }
0xfd: {  	[spmem:s3] =	stream.indirect.scatter.add.f32 [tilespmem:s21], [sflag:$0x5], $0x80, s13, s14, $0xb8;
	[tilespmem:$0x1E280] =	vst v63  }
0xfe: {  	_ =	swait.ge [sflag:s2], $0x2800  }
0xff: {  	[sflag:s2] =	ssyncset.done $0x0  }
0x100: {  	s6 =	simm.s32 $0x6;
	[sflag:s2] =	ssyncadd.s32 $0xFFFFD800  }
0x101: {  	_ =	swait.ge [sflag:s6], $0x2800  }
0x102: {  	[sflag:s6] =	ssyncset.done $0x0  }
0x103: {  	s7 =	simm.s32 $0x7;
	[sflag:s6] =	ssyncadd.s32 $0xFFFFD800  }
0x104: {  	_ =	swait.ge [sflag:s7], $0x2800  }
0x105: {  	[sflag:s7] =	ssyncset.done $0x0  }
0x106: {  	s8 =	simm.s32 $0x8;
	[sflag:s7] =	ssyncadd.s32 $0xFFFFD800  }
0x107: {  	_ =	swait.ge [sflag:s8], $0x2800  }
0x108: {  	[sflag:s8] =	ssyncset.done $0x0  }
0x109: {  	[sflag:s8] =	ssyncadd.s32 $0xFFFFD800  }
0x10a: {  	[bflag:$0x0] =	sbarrier.arrive $0xFFFF  }
0x10b: {  	s6 =	rddreg [dreg:$0x8]  }
0x10c: {  	s10 =	rddreg [dreg:$0xb]  }
0x10d: {  	s7 =	rddreg [dreg:$0xd]  }
0x10e: {  	[hbm:s10], [sflag:s6] =	dma.local [spmem:s7], $0x2800  }
0x10f: {  	_ =	swait.ge [sflag:s12], $0x2800  }
0x110: {  	s9 =	sadd.s32 $0x1, s9;
	s11 =	rddreg [dreg:$0xc]  }
0x111: {  	p0 =	sne.s32 s9, s11  }
.Ltmp1:
0x112: {  	_ = 	snop;
	(pc) =	sbr.rel @p0 .LBB2_1-.Ltmp1, $3  }
0x113: {  	_ =	sdelay $0x1  }
0x114: {  	[sflag:s12] =	ssyncset.done $0x0  }
0x115: {  	[sflag:s12] =	ssyncadd.s32 $0xFFFFD800  }
0x116: {  	_ =	sfence.sel $0x180000  }
0x117: {  	[bflag:$0x0] =	sbarrier.arrive $0xFFFF  }
0x118: {  	_ =	strace $0x90000047  }
0x119: {  	s0 =	stileid.u32;
	[bflag:$0x2] =	sbarrier.arrive $0xFFFF  }
0x11a: {  	p0 =	sne.s32 s0, $0x0;
	s0 =	rddreg [dreg:$0x4]  }
0x11b: {  	s0 =	sadd.s32 @!p0 $0x100000, s0  }
0x11c: {  	[sflag:s0] =	ssyncadd.tile.s32 @!p0 $0x1;
	_ =	shalt  }
.Lfunc_end2:
_tile_overlayer_lowered:
.L_overlay_start_2:
0x11d: {  	(tag) =	ssettag $0x2  }
0x11e: {  	s0 =	rddreg [dreg:$0x0];
	s2 =	stileid.u32  }
0x11f: {  	s1 =	rddreg [dreg:$0x1];
	p0 =	sne.s32 s2, $0x0  }
0x120: {  	s3 =	rddreg [dreg:$0x2];
	[bflag:$0x3] =	sbarrier.arrive $0xFFFF;
	s2 =	simm.s32 @!p0 $0x1C0D  }
0x121: {  	[timem:s3], [sflag:s2] =	dma.local @!p0 [hbm:s0], s1  }
0x122: {  	s0 =	simm.s32 @!p0 $0xD  }
0x123: {  	_ =	swait.ge @!p0 [sflag:s0], s1  }
0x124: {  	s1 =	ssub.s32 @!p0 $0x0, s1;
	[sflag:s0] =	ssyncset.done @!p0 $0x0  }
0x125: {  	[sflag:s0] =	ssyncadd.s32 @!p0 s1  }
0x126: {  	[bflag:$0x3] =	sbarrier.arrive $0xFFFF  }
0x127: {  	_ =	shalt  }

// kernel: kernel.19.cloned.1.call-start
scs
__scs_entry_jumppad:
0x0: {  	(pc) =	sbr.rel $0x88, $3  }
0x1: {  	(tag) =	ssettag $0x0;
	lr =	simm.s32 $0x1  }
0x2: {  	[smem:$0x3F79] =	sst lr;
	_ =	strace $0xD0000000  }
0x3: {  	_ = 	snop  }
0x4: {  	_ = 	snop  }
0x5: {  	_ = 	snop  }
0x6: {  	_ = 	snop  }
0x7: {  	_ = 	snop  }
__scs_overlays_trampoline_lowered:
0x8: {  	[smem:$0x3F88] =	sst s0  }
0x9: {  	[smem:$0x3F89] =	sst s1  }
0xa: {  	[smem:$0x3F8A] =	sst s2  }
0xb: {  	[smem:$0x3F8B] =	sst s3  }
0xc: {  	[smem:$0x3F8C] =	sst s4  }
0xd: {  	[smem:$0x3F8D] =	sst s5  }
0xe: {  	[smem:$0x3F8E] =	sst s6  }
0xf: {  	[smem:$0x3F8F] =	sst s7  }
0x10: {  	[smem:$0x3F90] =	sst s8  }
0x11: {  	[smem:$0x3F91] =	sst s9;
	s0 =	simm.s32 @!p0 $0x0  }
0x12: {  	s1 =	sld [smem:$0x3F77];
	s0 =	simm.s32 @p0 $0x1  }
0x13: {  	[smem:$0x3F92] =	sst s0;
	s0 =	simm.s32 @!p1 $0x0  }
0x14: {  	s2 =	sld [smem:$0x3F76];
	s0 =	simm.s32 @p1 $0x1  }
0x15: {  	[smem:$0x3F93] =	sst s0;
	s0 =	simm.s32 @!p2 $0x0  }
0x16: {  	s3 =	sld [smem:$0x3FDB];
	s0 =	simm.s32 @p2 $0x1  }
0x17: {  	s4 =	simm.s32 $0x1BF5;
	[smem:$0x3F95] =	sst s0  }
0x18: {  	s0 =	sld [smem:$0x3F78];
	_ =	swait.ge [sflag:s4], $0x0  }
0x19: {  	s7 =	sld [smem:$0x3F79]  }
0x1a: {  	s8 =	sadd.s32 $0xFFFFE003, lr  }
0x1b: {  	s9 =	sadd.s32 $0xFFFFFEF7, lr;
	s5 =	simm.s32 $0xFFFFFFFF;
	p2 =	slt.u32 s8, $0xFFFFF086  }
0x1c: {  	p1 =	slt.u32 s9, $0xF7A;
	s5 =	simm.s32 @!p2 $0x0  }
0x1d: {  	s5 =	simm.s32 @p1 $0x1;
	p0 =	seq.s32 s7, s2  }
0x1e: {  	s7 =	smul.u32 @!p0 $0xF7A, s2;
	p2 =	seq.s32 @!p0 s5, $0x0  }
0x1f: {  	s9 =	smul.u32 $0xF7A, s1;
	s8 =	simm.s32 @!p0 $0x1BF5;
	p2 =	por !p2, p0  }
0x20: {  	[sflag:s8] =	ssyncset.s32 @!p0 $0xFFFFF086;
	s6 =	sadd.s32 @!p0 s3, s7;
	s7 =	simm.s32 @!p0 $0x108  }
0x21: {  	s3 =	sadd.s32 s3, s9;
	s6 =	sadd.s32 @!p0 $0x88, s6;
	s7 =	simm.s32 @p2 $0x1082  }
0x22: {  	[simem:s7], [sflag:s8] =	dma.local @!p0 [hbm:s6], $0xF7A  }
0x23: {  	s9 =	sor.u32 $0xD0000000, s2;
	s6 =	simm.s32 $0x108;
	_ =	swait.ge @!p0 [sflag:s8], $0x0  }
0x24: {  	s3 =	sadd.s32 $0x88, s3;
	s6 =	simm.s32 @!p1 $0x1082;
	[sflag:s4] =	ssyncset.s32 $0xFFFFF086  }
0x25: {  	[simem:s6], [sflag:s4] =	dma.local [hbm:s3], $0xF7A  }
0x26: {  	[smem:$0x3F79] =	sst s1;
	(tag) =	ssettag s2;
	_ =	strace s9  }
0x27: {  	s1 =	sld [smem:$0x3F89]  }
0x28: {  	s2 =	sld [smem:$0x3F8A]  }
0x29: {  	s4 =	sld [smem:$0x3F8C]  }
0x2a: {  	p0 =	seq.s32 s5, $0x0;
	s5 =	sld [smem:$0x3F8D]  }
0x2b: {  	s6 =	sld [smem:$0x3F8E]  }
0x2c: {  	s7 =	sld [smem:$0x3F8F]  }
0x2d: {  	s3 =	simm.s32 $0x108;
	s8 =	sld [smem:$0x3F90]  }
0x2e: {  	s3 =	simm.s32 @!p0 $0x1082;
	s9 =	sld [smem:$0x3F91]  }
0x2f: {  	lr =	sadd.s32 s0, s3;
	s0 =	sld [smem:$0x3F88]  }
0x30: {  	s3 =	sld [smem:$0x3F8B]  }
0x31: {  	[smem:$0x3F94] =	sst s10  }
0x32: {  	s10 =	sld [smem:$0x3F92];
	_ =	sdelay $0x3  }
0x33: {  	p0 =	seq.s32 s10, $0x1;
	s10 =	sld [smem:$0x3F94];
	_ =	sdelay $0x3  }
0x34: {  	[smem:$0x3F94] =	sst s10  }
0x35: {  	s10 =	sld [smem:$0x3F93];
	_ =	sdelay $0x3  }
0x36: {  	p1 =	seq.s32 s10, $0x1;
	s10 =	sld [smem:$0x3F94];
	_ =	sdelay $0x3  }
0x37: {  	[smem:$0x3F94] =	sst s10  }
0x38: {  	s10 =	sld [smem:$0x3F95]  }
0x39: {  	_ = 	snop;
	(pc) =	sbr.ind lr, $3  }
0x3a: {  	_ = 	snop  }
0x3b: {  	_ = 	snop  }
0x3c: {  	p2 =	seq.s32 s10, $0x1;
	s10 =	sld [smem:$0x3F94]  }
0x3d: {  	_ =	shalt  }
0x3e: {  	_ =	shalt  }
0x3f: {  	_ =	shalt  }
0x40: {  	_ =	shalt  }
0x41: {  	_ =	shalt  }
0x42: {  	_ =	shalt  }
0x43: {  	_ =	shalt  }
0x44: {  	_ =	shalt  }
0x45: {  	_ =	shalt  }
0x46: {  	_ =	shalt  }
0x47: {  	_ =	shalt  }
0x48: {  	_ =	shalt  }
0x49: {  	_ =	shalt  }
0x4a: {  	_ =	shalt  }
0x4b: {  	_ =	shalt  }
0x4c: {  	_ =	shalt  }
0x4d: {  	_ =	shalt  }
0x4e: {  	_ =	shalt  }
0x4f: {  	_ =	shalt  }
0x50: {  	_ =	shalt  }
0x51: {  	_ =	shalt  }
0x52: {  	_ =	shalt  }
0x53: {  	_ =	shalt  }
0x54: {  	_ =	shalt  }
0x55: {  	_ =	shalt  }
0x56: {  	_ =	shalt  }
0x57: {  	_ =	shalt  }
0x58: {  	_ =	shalt  }
0x59: {  	_ =	shalt  }
0x5a: {  	_ =	shalt  }
0x5b: {  	_ =	shalt  }
0x5c: {  	_ =	shalt  }
0x5d: {  	_ =	shalt  }
0x5e: {  	_ =	shalt  }
0x5f: {  	_ =	shalt  }
0x60: {  	_ =	shalt  }
0x61: {  	_ =	shalt  }
0x62: {  	_ =	shalt  }
0x63: {  	_ =	shalt  }
0x64: {  	_ =	shalt  }
0x65: {  	_ =	shalt  }
0x66: {  	_ =	shalt  }
0x67: {  	_ =	shalt  }
0x68: {  	_ =	shalt  }
0x69: {  	_ =	shalt  }
0x6a: {  	_ =	shalt  }
0x6b: {  	_ =	shalt  }
0x6c: {  	_ =	shalt  }
0x6d: {  	_ =	shalt  }
0x6e: {  	_ =	shalt  }
0x6f: {  	_ =	shalt  }
0x70: {  	_ =	shalt  }
0x71: {  	_ =	shalt  }
0x72: {  	_ =	shalt  }
0x73: {  	_ =	shalt  }
0x74: {  	_ =	shalt  }
0x75: {  	_ =	shalt  }
0x76: {  	_ =	shalt  }
0x77: {  	_ =	shalt  }
0x78: {  	_ =	shalt  }
0x79: {  	_ =	shalt  }
0x7a: {  	_ =	shalt  }
0x7b: {  	_ =	shalt  }
0x7c: {  	_ =	shalt  }
0x7d: {  	_ =	shalt  }
0x7e: {  	_ =	shalt  }
0x7f: {  	_ =	shalt  }
0x80: {  	_ =	shalt  }
0x81: {  	_ =	shalt  }
0x82: {  	_ =	shalt  }
0x83: {  	_ =	shalt  }
0x84: {  	_ =	shalt  }
0x85: {  	_ =	shalt  }
0x86: {  	_ =	shalt  }
0x87: {  	_ =	shalt  }
.Lfunc_end0:
.L_simem_size_0:
called_computation.1_lowered:
.L_overlay_start_0:
0x88: {  	s2 =	sld [smem:$0x3FD9]  }
0x89: {  	s3 =	sld [smem:$0x3FFE];
	_ =	sdelay $0x1  }
0x8a: {  	s1 =	srdreg.scid  }
0x8b: {  	s0 =	sand.u32 $0x1, s1  }
0x8c: {  	s14 =	sshll.u32 s0, $0xA;
	s2 =	sadd.s32 s3, s2  }
0x8d: {  	s2 =	sadd.s32 s2, s14  }
0x8e: {  	[smem:$0x3FA0] =	sst s2  }
0x8f: {  	_ = 	snop  }
0x90: {  	s2 =	sld [smem:$0x3FD0];
	_ =	sdelay $0x2  }
0x91: {  	s15 =	simm.s32 $0xA;
	s4 =	simm.s32 $0x10  }
0x92: {  	[smem:s4], [sflag:s15] =	dma.local [hbm:s2], $0x1  }
0x93: {  	_ =	swait.eq [sflag:s15], $0x1  }
0x94: {  	[sflag:s15] =	ssyncset.done $0x0  }
0x95: {  	[sflag:s15] =	ssyncadd.s32 $0xFFFFFFFF  }
0x96: {  	s16 =	sld [smem:$0x11];
	(tm) =	ssettm $0x1  }
0x97: {  	s17 =	sld [smem:$0x3FFB];
	_ =	sdelay $0x3  }
0x98: {  	_ =	strace s17  }
0x99: {  	s3 =	sld [smem:$0x3FFC];
	_ =	sdelay $0x3  }
0x9a: {  	_ =	strace s3  }
0x9b: {  	s3 =	sld [smem:$0x3FFD];
	_ =	sdelay $0x3  }
0x9c: {  	_ =	strace s3  }
0x9d: {  	_ =	strace $0x8FFFFFFF  }
0x9e: {  	s18 =	sld [smem:$0x3FDB];
	_ =	sdelay $0x1  }
0x9f: {  	s19 =	simm.s32 $_scs_section_size  }
0xa0: {  	s5 =	simm.s32 $_size__tile_overlayer_lowered;
	s6 =	simm.s32 $_tile_overlayer_lowered  }
0xa1: {  	s22 =	simm.s32 $0x1BFF;
	s21 =	sshll.u32 s6, $0x1;
	s3 =	sadd.s32 s19, s18  }
0xa2: {  	s7 =	simm.s32 $0x0;
	s20 =	sshll.u32 s5, $0x1;
	s5 =	sadd.s32 s21, s3  }
0xa3: {  	[timem:s7], [sflag:s22] =	dma.local [hbm:s5], s20  }
0xa4: {  	_ =	swait.ge [sflag:s22], s20  }
0xa5: {  	s4 =	ssub.s32 $0x0, s20;
	[sflag:s22] =	ssyncset.done $0x0  }
0xa6: {  	[sflag:s22] =	ssyncadd.s32 s4;
	_ =	sdelay $0x1  }
0xa7: {  	s23 =	simm.s32 $0x1B8B  }
0xa8: {  	_ =	swait.ge [sflag:s23], $0x1  }
0xa9: {  	[sflag:s23] =	ssyncset.done $0x0  }
0xaa: {  	s25 =	simm.s32 $0x1B8E;
	s24 =	sld [smem:$0x3FFE];
	[sflag:s23] =	ssyncadd.s32 $0xFFFFFFFF  }
0xab: {  	s26 =	simm.s32 $execute0_lowered;
	[smem:$0x3FD2] =	sst s25  }
0xac: {  	s5 =	sshll.u32 s26, $0x1;
	_ =	strace $0x80000049;
	[dreg:$0x1] =	wrdreg $0xFFFFFFFF  }
0xad: {  	s28 =	simm.s32 $_size_execute0_lowered;
	s3 =	sadd.s32 s3, s5;
	[dreg:$0x0] =	wrdreg $0x0  }
0xae: {  	s5 =	sshll.u32 s28, $0x1;
	[dreg:$0x2] =	wrdreg s3  }
0xaf: {  	[dreg:$0x3] =	wrdreg s5  }
0xb0: {  	[dreg:$0x4] =	wrdreg $0xC0  }
0xb1: {  	_ =	task [dreg:s7], $0x5FFFF  }
0xb2: {  	[dreg:$0x1] =	wrdreg $0xFFFFFFFF  }
0xb3: {  	[dreg:$0x0] =	wrdreg $0x60  }
0xb4: {  	[dreg:$0x2] =	wrdreg s24  }
0xb5: {  	[dreg:$0x3] =	wrdreg s16  }
0xb6: {  	[dreg:$0x4] =	wrdreg $0x52800  }
0xb7: {  	[dreg:$0x5] =	wrdreg $0x9  }
0xb8: {  	_ =	task.clear_ibuf [dreg:s7], $0x6FFFF;
	_ =	strace $0x90000049  }
0xb9: {  	s29 =	simm.s32 $0x9;
	_ =	strace $0x8000004B  }
0xba: {  	_ =	swait.ge [sflag:s29], $0x1  }
0xbb: {  	[sflag:s29] =	ssyncadd.s32 $0xFFFFFFFF  }
0xbc: {  	_ =	strace $0x9000004B  }
0xbd: {  	_ =	sfence  }
0xbe: {  	s30 =	sld [smem:$0x0];
	_ =	sdelay $0x2  }
0xbf: {  	s31 =	sshll.u32 s1, $0xD;
	s1 =	sshrl.u32 s1, $0x2  }
0xc0: {  	s3 =	sand.u32 $0x4000, s31;
	s1 =	sadd.s32 s1, s30  }
0xc1: {  	s0 =	sor.u32 s3, s0;
	s1 =	sshll.u32 s1, $0x11  }
0xc2: {  	s0 =	sor.u32 s1, s0  }
0xc3: {  	s0 =	sadd.s32 $0x8F2B, s0  }
0xc4: {  	[sflag:s0] =	ssyncadd.remote.s32 $0x1  }
0xc5: {  	_ =	sfence.sel $0xFFFF  }
0xc6: {  	[dreg:$0x0] =	wrdreg $0xFFFFFFFF;
	(pc) =	sbr.abs _section_cstart, $3  }
0xc7: {  	[dreg:$0x1] =	wrdreg $0xFFFFFFFF  }
0xc8: {  	_ =	task.clear_ibuf [dreg:s7], $0x2FFFF;
	_ =	strace $0x9FFFFFFF  }
0xc9: {  	(tm) =	ssettm $0x7FFFFFFF  }
tec
execute0_lowered:
.L_overlay_start_1:
0x0: {  	(tag) =	ssettag $0x1  }
0x1: {  	s0 =	rddreg [dreg:$0x0]  }
0x2: {  	s2 =	rddreg [dreg:$0x1]  }
0x3: {  	s1 =	rddreg [dreg:$0x2]  }
0x4: {  	s3 =	simm.s32 $0x0;
	s14 =	stileid.u32;
	s5 =	srdreg.scid  }
0x5: {  	s15 =	simm.s32 $0x190;
	s28 =	simm.s32 $0x3E80;
	s29 =	simm.s32 $0x1  }
0x6: {  	s30 =	simm.s32 $0x2;
	s31 =	simm.s32 $0x3;
	[smem:$0x7FF] =	sst s3  }
0x7: {  	s4 =	sadd.s32 $0x42400, s0;
	s7 =	smul.u32 $0xA000, s14;
	s5 =	sand.u32 $0x1, s5  }
0x8: {  	s8 =	sadd.s32 $0x10600, s0;
	s9 =	sadd.s32 $0x6800, s0;
	s20 =	smul.u32 $0x4E2, s14  }
0x9: {  	s18 =	sshll.u32 s14, $0x6;
	_ =	strace $0x8000004A;
	s13 =	smul.u32 $0xA0000, s5  }
0xa: {  	s6 =	sshll.u32 s5, $0x4;
	s11 =	ssub.s32 $0x2, s5;
	s5 =	smul.u32 $0x4E20, s5  }
0xb: {  	s10 =	sshrl.u32 s7, $0x3;
	s6 =	sor.u32 s14, s6;
	s16 =	sshrl.u32 s11, $0x1  }
0xc: {  	s17 =	sadd.s32 s7, s1;
	s14 =	simm.s32 $0x50;
	s0 =	sadd.s32 s10, s0  }
0xd: {  	s6 =	smul.u32 $0x2710, s6;
	s10 =	ssub.s32 s11, s16;
	s7 =	sadd.s32 s7, s13  }
0xe: {  	s22 =	sadd.s32 s5, s8;
	s24 =	sadd.s32 s5, s9;
	s13 =	simm.s32 $0x140  }
0xf: {  	s16 =	simm.s32 $0xA0;
	s0 =	sadd.s32 $0x55E00, s0;
	s21 =	sshrl.u32 s7, $0x3  }
0x10: {  	s23 =	sadd.s32 s20, s22;
	s25 =	smax.u32 s10, $0x1;
	s26 =	sadd.s32 s20, s24  }
0x11: {  	s7 =	sshrl.u32 s17, $0x3;
	s17 =	simm.s32 $0x1E0;
	[dreg:$0x6] =	wrdreg s0  }
0x12: {  	s20 =	simm.s32 $0x9;
	s22 =	simm.s32 $0xA;
	[dreg:$0xb] =	wrdreg s25  }
0x13: {  	s24 =	simm.s32 $0xB;
	s12 =	sshrl.u32 s6, $0x3;
	[dreg:$0x4] =	wrdreg s23  }
0x14: {  	s6 =	sor.u32 $0x1C0D, s18;
	[dreg:$0x5] =	wrdreg s26;
	s18 =	simm.s32 $0xF0  }
0x15: {  	s23 =	simm.s32 $0x1680;
	[dreg:$0xc] =	wrdreg s7;
	s19 =	sadd.s32 $0x4D8, s12  }
0x16: {  	s25 =	simm.s32 $0x2A80;
	[dreg:$0x7] =	wrdreg s6;
	s12 =	sadd.s32 s8, s19  }
0x17: {  	s26 =	simm.s32 $0xC;
	s0 =	sadd.s32 s9, s19;
	[dreg:$0x8] =	wrdreg s12  }
0x18: {  	s19 =	simm.s32 $0x230;
	s9 =	simm.s32 $0x0;
	[dreg:$0x9] =	wrdreg s0  }
0x19: {  	s0 =	sadd.s32 s2, s21;
	s12 =	simm.s32 $0xD;
	s21 =	simm.s32 $0x280  }
0x1a: {  	s2 =	simm.s32 $0x5;
	[dreg:$0xa] =	wrdreg s0;
	s0 =	simm.s32 $0x4  }
.LBB2_1:
0x1b: {  	s5 =	rddreg [dreg:$0x6]  }
0x1c: {  	[spmem:s7], [sflag:s6] =	dma.local [hbm:s5], $0x1400  }
0x1d: {  	_ =	swait.ge [sflag:s12], $0x1400  }
0x1e: {  	[sflag:s12] =	ssyncset.done $0x0  }
0x1f: {  	p0 =	por $0x1, $0x1;
	[sflag:s12] =	ssyncadd.s32 $0xFFFFEC00  }
0x20: {  	s5 =	simm.s32 @!p0 $0x5;
	[bflag:$0x0] =	sbarrier.arrive $0xFFFF  }
0x21: {  	_ =	swait.ge @!p0 [sflag:s5], $0x1400  }
0x22: {  	s10 =	rddreg [dreg:$0x4];
	[sflag:s5] =	ssyncset.done @!p0 $0x0  }
0x23: {  	s6 =	rddreg [dreg:$0x5];
	[sflag:s5] =	ssyncadd.s32 @!p0 $0xFFFFEC00;
	s5 =	sadd.s32 $0x0, s10  }
0x24: {  	[tilespmem:s3], [sflag:$0x9] =	stream.linear.gather [hbm4b:s5+s3], $0x50, $0x38;
	[tilespmem:$0xF280] =	vst v63  }
0x25: {  	s7 =	sadd.s32 $0x0, s6;
	s10 =	simm.s32 @!p0 $0x6  }
0x26: {  	[tilespmem:s13], [sflag:$0x9] =	stream.linear.gather [hbm4b:s7+s3], $0x50, $0x38;
	[tilespmem:$0xF280] =	vst v63  }
0x27: {  	_ =	swait.ge @!p0 [sflag:s10], $0x1400  }
0x28: {  	[sflag:s10] =	ssyncset.done @!p0 $0x0  }
0x29: {  	s8 =	sadd.s32 $0xA, s5;
	[sflag:s10] =	ssyncadd.s32 @!p0 $0xFFFFEC00  }
0x2a: {  	[tilespmem:s14], [sflag:$0xA] =	stream.linear.gather [hbm4b:s8+s3], $0x50, $0x38;
	[tilespmem:$0xF280] =	vst v63  }
0x2b: {  	s11 =	sadd.s32 $0xA, s7;
	s10 =	simm.s32 @!p0 $0x7  }
0x2c: {  	[tilespmem:s15], [sflag:$0xA] =	stream.linear.gather [hbm4b:s11+s3], $0x50, $0x38;
	[tilespmem:$0xF280] =	vst v63  }
0x2d: {  	_ =	swait.ge @!p0 [sflag:s10], $0x1400  }
0x2e: {  	[sflag:s10] =	ssyncset.done @!p0 $0x0  }
0x2f: {  	s6 =	sadd.s32 $0x14, s5;
	[sflag:s10] =	ssyncadd.s32 @!p0 $0xFFFFEC00  }
0x30: {  	[tilespmem:s16], [sflag:$0xB] =	stream.linear.gather [hbm4b:s6+s3], $0x50, $0x38;
	[tilespmem:$0xF280] =	vst v63  }
0x31: {  	s8 =	sadd.s32 $0x14, s7;
	s10 =	simm.s32 @!p0 $0x8  }
0x32: {  	[tilespmem:s17], [sflag:$0xB] =	stream.linear.gather [hbm4b:s8+s3], $0x50, $0x38;
	[tilespmem:$0xF280] =	vst v63  }
0x33: {  	_ =	swait.ge @!p0 [sflag:s10], $0x1400  }
0x34: {  	[sflag:s10] =	ssyncset.done @!p0 $0x0  }
0x35: {  	s5 =	sadd.s32 $0x1E, s5;
	[sflag:s10] =	ssyncadd.s32 @!p0 $0xFFFFEC00  }
0x36: {  	[tilespmem:s18], [sflag:$0xC] =	stream.linear.gather [hbm4b:s5+s3], $0x50, $0x38;
	[tilespmem:$0xF280] =	vst v63  }
0x37: {  	s11 =	sadd.s32 $0x1E, s7  }
0x38: {  	[tilespmem:s19], [sflag:$0xC] =	stream.linear.gather [hbm4b:s11+s3], $0x50, $0x38;
	[tilespmem:$0xF280] =	vst v63  }
0x39: {  	_ =	swait.ge [sflag:s20], $0x50  }
0x3a: {  	[sflag:s20] =	ssyncset.done $0x0  }
0x3b: {  	[sflag:s20] =	ssyncadd.s32 $0xFFFFFFB0  }
0x3c: {  	_ =	swait.ge [sflag:s20], $0x50  }
0x3d: {  	[sflag:s20] =	ssyncset.done $0x0  }
0x3e: {  	[sflag:s20] =	ssyncadd.s32 $0xFFFFFFB0  }
0x3f: {  	[tilespmem:s21], [sflag:$0x1] =	stream.indirect.gather [hbm4b:s4+s14], $0x40, s3, s14, $0xb8;
	[tilespmem:$0xF280] =	vst v63  }
0x40: {  	_ =	swait.ge [sflag:s22], $0x50  }
0x41: {  	[sflag:s22] =	ssyncset.done $0x0  }
0x42: {  	[sflag:s22] =	ssyncadd.s32 $0xFFFFFFB0  }
0x43: {  	_ =	swait.ge [sflag:s22], $0x50  }
0x44: {  	[sflag:s22] =	ssyncset.done $0x0  }
0x45: {  	[sflag:s22] =	ssyncadd.s32 $0xFFFFFFB0  }
0x46: {  	[tilespmem:s23], [sflag:$0x2] =	stream.indirect.gather [hbm4b:s4+s14], $0x40, s14, s14, $0xb8;
	[tilespmem:$0xF280] =	vst v63  }
0x47: {  	_ =	swait.ge [sflag:s24], $0x50  }
0x48: {  	[sflag:s24] =	ssyncset.done $0x0  }
0x49: {  	[sflag:s24] =	ssyncadd.s32 $0xFFFFFFB0  }
0x4a: {  	_ =	swait.ge [sflag:s24], $0x50  }
0x4b: {  	[sflag:s24] =	ssyncset.done $0x0  }
0x4c: {  	[sflag:s24] =	ssyncadd.s32 $0xFFFFFFB0  }
0x4d: {  	[tilespmem:s25], [sflag:$0x3] =	stream.indirect.gather [hbm4b:s4+s14], $0x40, s16, s14, $0xb8;
	[tilespmem:$0xF280] =	vst v63  }
0x4e: {  	_ =	swait.ge [sflag:s26], $0x50  }
0x4f: {  	[sflag:s26] =	ssyncset.done $0x0  }
0x50: {  	[sflag:s26] =	ssyncadd.s32 $0xFFFFFFB0  }
0x51: {  	_ =	swait.ge [sflag:s26], $0x50  }
0x52: {  	[sflag:s26] =	ssyncset.done $0x0  }
0x53: {  	[sflag:s26] =	ssyncadd.s32 $0xFFFFFFB0  }
0x54: {  	[tilespmem:s28], [sflag:$0x4] =	stream.indirect.gather [hbm4b:s4+s14], $0x40, s18, s14, $0xb8;
	[tilespmem:$0xF280] =	vst v63  }
0x55: {  	_ =	swait.ge [sflag:s29], $0x1400  }
0x56: {  	[sflag:s29] =	ssyncset.done $0x0  }
0x57: {  	[sflag:s29] =	ssyncadd.s32 $0xFFFFEC00  }
0x58: {  	[spmem:s1] =	stream.indirect.scatter.add.f32 [tilespmem:s21], [sflag:$0x5], $0x40, s13, s14, $0xb8;
	[tilespmem:$0xF280] =	vst v63  }
0x59: {  	_ =	swait.ge [sflag:s30], $0x1400  }
0x5a: {  	[sflag:s30] =	ssyncset.done $0x0  }
0x5b: {  	[sflag:s30] =	ssyncadd.s32 $0xFFFFEC00  }
0x5c: {  	[spmem:s1] =	stream.indirect.scatter.add.f32 [tilespmem:s23], [sflag:$0x6], $0x40, s15, s14, $0xb8;
	[tilespmem:$0xF280] =	vst v63  }
0x5d: {  	_ =	swait.ge [sflag:s31], $0x1400  }
0x5e: {  	[sflag:s31] =	ssyncset.done $0x0  }
0x5f: {  	[sflag:s31] =	ssyncadd.s32 $0xFFFFEC00  }
0x60: {  	[spmem:s1] =	stream.indirect.scatter.add.f32 [tilespmem:s25], [sflag:$0x7], $0x40, s17, s14, $0xb8;
	[tilespmem:$0xF280] =	vst v63  }
0x61: {  	p1 =	por $0x0, $0x0;
	_ =	swait.ge [sflag:s0], $0x1400  }
0x62: {  	s10 =	simm.s32 $0x28;
	s5 =	simm.s32 $0x50;
	[sflag:s0] =	ssyncset.done $0x0  }
.LBB2_2:
0x63: {  	s7 =	simm.s32 @!p1 $0x5;
	[sflag:s0] =	ssyncadd.s32 $0xFFFFEC00  }
0x64: {  	[spmem:s1] =	stream.indirect.scatter.add.f32 [tilespmem:s28], [sflag:$0x8], $0x40, s19, s14, $0xb8;
	[tilespmem:$0xF280] =	vst v63  }
0x65: {  	_ =	swait.ge @!p1 [sflag:s7], $0x1400  }
0x66: {  	[sflag:s7] =	ssyncset.done @!p1 $0x0;
	s6 =	rddreg [dreg:$0x4]  }
0x67: {  	s11 =	rddreg [dreg:$0x5];
	[sflag:s7] =	ssyncadd.s32 @!p1 $0xFFFFEC00;
	s6 =	sadd.s32 s10, s6  }
0x68: {  	[tilespmem:s3], [sflag:$0x9] =	stream.linear.gather [hbm4b:s6+s3], $0x50, $0x38;
	[tilespmem:$0xF280] =	vst v63  }
0x69: {  	s7 =	sadd.s32 s10, s11;
	s11 =	simm.s32 @!p1 $0x6  }
0x6a: {  	[tilespmem:s13], [sflag:$0x9] =	stream.linear.gather [hbm4b:s7+s3], $0x50, $0x38;
	[tilespmem:$0xF280] =	vst v63  }
0x6b: {  	_ =	swait.ge @!p1 [sflag:s11], $0x1400  }
0x6c: {  	[sflag:s11] =	ssyncset.done @!p1 $0x0  }
0x6d: {  	s8 =	smov.u32 s5;
	[sflag:s11] =	ssyncadd.s32 @!p1 $0xFFFFEC00;
	s11 =	sadd.s32 $0xA, s6  }
0x6e: {  	[tilespmem:s14], [sflag:$0xA] =	stream.linear.gather [hbm4b:s11+s3], $0x50, $0x38;
	[tilespmem:$0xF280] =	vst v63  }
0x6f: {  	s10 =	smov.u32 s8;
	s8 =	sadd.s32 $0xA, s7;
	s11 =	simm.s32 @!p1 $0x7  }
0x70: {  	[tilespmem:s15], [sflag:$0xA] =	stream.linear.gather [hbm4b:s8+s3], $0x50, $0x38;
	[tilespmem:$0xF280] =	vst v63  }
0x71: {  	_ =	swait.ge @!p1 [sflag:s11], $0x1400  }
0x72: {  	[sflag:s11] =	ssyncset.done @!p1 $0x0  }
0x73: {  	[sflag:s11] =	ssyncadd.s32 @!p1 $0xFFFFEC00;
	s11 =	sadd.s32 $0x14, s6  }
0x74: {  	[tilespmem:s16], [sflag:$0xB] =	stream.linear.gather [hbm4b:s11+s3], $0x50, $0x38;
	[tilespmem:$0xF280] =	vst v63  }
0x75: {  	s8 =	sadd.s32 $0x14, s7;
	s11 =	simm.s32 @!p1 $0x8  }
0x76: {  	[tilespmem:s17], [sflag:$0xB] =	stream.linear.gather [hbm4b:s8+s3], $0x50, $0x38;
	[tilespmem:$0xF280] =	vst v63  }
0x77: {  	_ =	swait.ge @!p1 [sflag:s11], $0x1400  }
0x78: {  	[sflag:s11] =	ssyncset.done @!p1 $0x0  }
0x79: {  	s6 =	sadd.s32 $0x1E, s6;
	[sflag:s11] =	ssyncadd.s32 @!p1 $0xFFFFEC00  }
0x7a: {  	[tilespmem:s18], [sflag:$0xC] =	stream.linear.gather [hbm4b:s6+s3], $0x50, $0x38;
	[tilespmem:$0xF280] =	vst v63  }
0x7b: {  	s11 =	sadd.s32 $0x1E, s7  }
0x7c: {  	[tilespmem:s19], [sflag:$0xC] =	stream.linear.gather [hbm4b:s11+s3], $0x50, $0x38;
	[tilespmem:$0xF280] =	vst v63  }
0x7d: {  	_ =	swait.ge [sflag:s20], $0x50  }
0x7e: {  	[sflag:s20] =	ssyncset.done $0x0  }
0x7f: {  	[sflag:s20] =	ssyncadd.s32 $0xFFFFFFB0  }
0x80: {  	_ =	swait.ge [sflag:s20], $0x50  }
0x81: {  	[sflag:s20] =	ssyncset.done $0x0  }
0x82: {  	[sflag:s20] =	ssyncadd.s32 $0xFFFFFFB0  }
0x83: {  	[tilespmem:s21], [sflag:$0x1] =	stream.indirect.gather [hbm4b:s4+s14], $0x40, s3, s14, $0xb8;
	[tilespmem:$0xF280] =	vst v63  }
0x84: {  	_ =	swait.ge [sflag:s22], $0x50  }
0x85: {  	[sflag:s22] =	ssyncset.done $0x0  }
0x86: {  	[sflag:s22] =	ssyncadd.s32 $0xFFFFFFB0  }
0x87: {  	_ =	swait.ge [sflag:s22], $0x50  }
0x88: {  	[sflag:s22] =	ssyncset.done $0x0  }
0x89: {  	[sflag:s22] =	ssyncadd.s32 $0xFFFFFFB0  }
0x8a: {  	[tilespmem:s23], [sflag:$0x2] =	stream.indirect.gather [hbm4b:s4+s14], $0x40, s14, s14, $0xb8;
	[tilespmem:$0xF280] =	vst v63  }
0x8b: {  	_ =	swait.ge [sflag:s24], $0x50  }
0x8c: {  	[sflag:s24] =	ssyncset.done $0x0  }
0x8d: {  	[sflag:s24] =	ssyncadd.s32 $0xFFFFFFB0  }
0x8e: {  	_ =	swait.ge [sflag:s24], $0x50  }
0x8f: {  	[sflag:s24] =	ssyncset.done $0x0  }
0x90: {  	[sflag:s24] =	ssyncadd.s32 $0xFFFFFFB0  }
0x91: {  	[tilespmem:s25], [sflag:$0x3] =	stream.indirect.gather [hbm4b:s4+s14], $0x40, s16, s14, $0xb8;
	[tilespmem:$0xF280] =	vst v63  }
0x92: {  	_ =	swait.ge [sflag:s26], $0x50  }
0x93: {  	[sflag:s26] =	ssyncset.done $0x0  }
0x94: {  	[sflag:s26] =	ssyncadd.s32 $0xFFFFFFB0  }
0x95: {  	_ =	swait.ge [sflag:s26], $0x50  }
0x96: {  	[sflag:s26] =	ssyncset.done $0x0  }
0x97: {  	[sflag:s26] =	ssyncadd.s32 $0xFFFFFFB0  }
0x98: {  	[tilespmem:s28], [sflag:$0x4] =	stream.indirect.gather [hbm4b:s4+s14], $0x40, s18, s14, $0xb8;
	[tilespmem:$0xF280] =	vst v63  }
0x99: {  	_ =	swait.ge [sflag:s29], $0x1400  }
0x9a: {  	[sflag:s29] =	ssyncset.done $0x0  }
0x9b: {  	[sflag:s29] =	ssyncadd.s32 $0xFFFFEC00  }
0x9c: {  	[spmem:s1] =	stream.indirect.scatter.add.f32 [tilespmem:s21], [sflag:$0x5], $0x40, s13, s14, $0xb8;
	[tilespmem:$0xF280] =	vst v63  }
0x9d: {  	_ =	swait.ge [sflag:s30], $0x1400  }
0x9e: {  	[sflag:s30] =	ssyncset.done $0x0  }
0x9f: {  	s5 =	sadd.s32 $0x28, s5;
	[sflag:s30] =	ssyncadd.s32 $0xFFFFEC00  }
0xa0: {  	[spmem:s1] =	stream.indirect.scatter.add.f32 [tilespmem:s23], [sflag:$0x6], $0x40, s15, s14, $0xb8;
	[tilespmem:$0xF280] =	vst v63  }
0xa1: {  	p0 =	sne.s32 s5, $0x4D8;
	_ =	swait.ge [sflag:s31], $0x1400  }
.Ltmp0:
0xa2: {  	[sflag:s31] =	ssyncset.done $0x0;
	(pc) =	sbr.rel @p0 .LBB2_2-.Ltmp0, $4  }
0xa3: {  	[sflag:s31] =	ssyncadd.s32 $0xFFFFEC00  }
0xa4: {  	[spmem:s1] =	stream.indirect.scatter.add.f32 [tilespmem:s25], [sflag:$0x7], $0x40, s17, s14, $0xb8;
	[tilespmem:$0xF280] =	vst v63  }
0xa5: {  	_ =	swait.ge [sflag:s0], $0x1400  }
0xa6: {  	p1 =	seq.s32 s10, $0x0;
	[sflag:s0] =	ssyncset.done $0x0  }
0xa7: {  	s5 =	simm.s32 @!p1 $0x5;
	[sflag:s0] =	ssyncadd.s32 $0xFFFFEC00  }
0xa8: {  	[spmem:s1] =	stream.indirect.scatter.add.f32 [tilespmem:s28], [sflag:$0x8], $0x40, s19, s14, $0xb8;
	[tilespmem:$0xF280] =	vst v63  }
0xa9: {  	_ =	swait.ge @!p1 [sflag:s5], $0x1400  }
0xaa: {  	s6 =	rddreg [dreg:$0x4];
	[sflag:s5] =	ssyncset.done @!p1 $0x0  }
0xab: {  	s7 =	rddreg [dreg:$0x5];
	[sflag:s5] =	ssyncadd.s32 @!p1 $0xFFFFEC00;
	s5 =	sadd.s32 s10, s6  }
0xac: {  	[tilespmem:s3], [sflag:$0x9] =	stream.linear.gather [hbm4b:s5+s3], $0x50, $0x38;
	[tilespmem:$0xF280] =	vst v63  }
0xad: {  	s6 =	sadd.s32 s10, s7;
	s7 =	simm.s32 @!p1 $0x6  }
0xae: {  	[tilespmem:s13], [sflag:$0x9] =	stream.linear.gather [hbm4b:s6+s3], $0x50, $0x38;
	[tilespmem:$0xF280] =	vst v63  }
0xaf: {  	_ =	swait.ge @!p1 [sflag:s7], $0x1400  }
0xb0: {  	[sflag:s7] =	ssyncset.done @!p1 $0x0  }
0xb1: {  	s11 =	sadd.s32 $0xA, s5;
	[sflag:s7] =	ssyncadd.s32 @!p1 $0xFFFFEC00  }
0xb2: {  	[tilespmem:s14], [sflag:$0xA] =	stream.linear.gather [hbm4b:s11+s3], $0x50, $0x38;
	[tilespmem:$0xF280] =	vst v63  }
0xb3: {  	s8 =	sadd.s32 $0xA, s6;
	s7 =	simm.s32 @!p1 $0x7  }
0xb4: {  	[tilespmem:s15], [sflag:$0xA] =	stream.linear.gather [hbm4b:s8+s3], $0x50, $0x38;
	[tilespmem:$0xF280] =	vst v63  }
0xb5: {  	_ =	swait.ge @!p1 [sflag:s7], $0x1400  }
0xb6: {  	[sflag:s7] =	ssyncset.done @!p1 $0x0  }
0xb7: {  	s10 =	sadd.s32 $0x14, s5;
	[sflag:s7] =	ssyncadd.s32 @!p1 $0xFFFFEC00  }
0xb8: {  	[tilespmem:s16], [sflag:$0xB] =	stream.linear.gather [hbm4b:s10+s3], $0x50, $0x38;
	[tilespmem:$0xF280] =	vst v63  }
0xb9: {  	s11 =	sadd.s32 $0x14, s6;
	s7 =	simm.s32 @!p1 $0x8  }
0xba: {  	[tilespmem:s17], [sflag:$0xB] =	stream.linear.gather [hbm4b:s11+s3], $0x50, $0x38;
	[tilespmem:$0xF280] =	vst v63  }
0xbb: {  	_ =	swait.ge @!p1 [sflag:s7], $0x1400  }
0xbc: {  	[sflag:s7] =	ssyncset.done @!p1 $0x0  }
0xbd: {  	s5 =	sadd.s32 $0x1E, s5;
	[sflag:s7] =	ssyncadd.s32 @!p1 $0xFFFFEC00  }
0xbe: {  	[tilespmem:s18], [sflag:$0xC] =	stream.linear.gather [hbm4b:s5+s3], $0x50, $0x38;
	[tilespmem:$0xF280] =	vst v63  }
0xbf: {  	s8 =	sadd.s32 $0x1E, s6  }
0xc0: {  	[tilespmem:s19], [sflag:$0xC] =	stream.linear.gather [hbm4b:s8+s3], $0x50, $0x38;
	[tilespmem:$0xF280] =	vst v63  }
0xc1: {  	_ =	swait.ge [sflag:s20], $0x50  }
0xc2: {  	[sflag:s20] =	ssyncset.done $0x0  }
0xc3: {  	[sflag:s20] =	ssyncadd.s32 $0xFFFFFFB0  }
0xc4: {  	_ =	swait.ge [sflag:s20], $0x50  }
0xc5: {  	[sflag:s20] =	ssyncset.done $0x0  }
0xc6: {  	[sflag:s20] =	ssyncadd.s32 $0xFFFFFFB0  }
0xc7: {  	[tilespmem:s21], [sflag:$0x1] =	stream.indirect.gather [hbm4b:s4+s14], $0x40, s3, s14, $0xb8;
	[tilespmem:$0xF280] =	vst v63  }
0xc8: {  	_ =	swait.ge [sflag:s22], $0x50  }
0xc9: {  	[sflag:s22] =	ssyncset.done $0x0  }
0xca: {  	[sflag:s22] =	ssyncadd.s32 $0xFFFFFFB0  }
0xcb: {  	_ =	swait.ge [sflag:s22], $0x50  }
0xcc: {  	[sflag:s22] =	ssyncset.done $0x0  }
0xcd: {  	[sflag:s22] =	ssyncadd.s32 $0xFFFFFFB0  }
0xce: {  	[tilespmem:s23], [sflag:$0x2] =	stream.indirect.gather [hbm4b:s4+s14], $0x40, s14, s14, $0xb8;
	[tilespmem:$0xF280] =	vst v63  }
0xcf: {  	_ =	swait.ge [sflag:s24], $0x50  }
0xd0: {  	[sflag:s24] =	ssyncset.done $0x0  }
0xd1: {  	[sflag:s24] =	ssyncadd.s32 $0xFFFFFFB0  }
0xd2: {  	_ =	swait.ge [sflag:s24], $0x50  }
0xd3: {  	[sflag:s24] =	ssyncset.done $0x0  }
0xd4: {  	[sflag:s24] =	ssyncadd.s32 $0xFFFFFFB0  }
0xd5: {  	[tilespmem:s25], [sflag:$0x3] =	stream.indirect.gather [hbm4b:s4+s14], $0x40, s16, s14, $0xb8;
	[tilespmem:$0xF280] =	vst v63  }
0xd6: {  	_ =	swait.ge [sflag:s26], $0x50  }
0xd7: {  	[sflag:s26] =	ssyncset.done $0x0  }
0xd8: {  	[sflag:s26] =	ssyncadd.s32 $0xFFFFFFB0  }
0xd9: {  	_ =	swait.ge [sflag:s26], $0x50  }
0xda: {  	[sflag:s26] =	ssyncset.done $0x0  }
0xdb: {  	[sflag:s26] =	ssyncadd.s32 $0xFFFFFFB0  }
0xdc: {  	[tilespmem:s28], [sflag:$0x4] =	stream.indirect.gather [hbm4b:s4+s14], $0x40, s18, s14, $0xb8;
	[tilespmem:$0xF280] =	vst v63  }
0xdd: {  	_ =	swait.ge [sflag:s29], $0x1400  }
0xde: {  	[sflag:s29] =	ssyncset.done $0x0  }
0xdf: {  	[sflag:s29] =	ssyncadd.s32 $0xFFFFEC00  }
0xe0: {  	[spmem:s1] =	stream.indirect.scatter.add.f32 [tilespmem:s21], [sflag:$0x5], $0x40, s13, s14, $0xb8;
	[tilespmem:$0xF280] =	vst v63  }
0xe1: {  	_ =	swait.ge [sflag:s30], $0x1400  }
0xe2: {  	[sflag:s30] =	ssyncset.done $0x0  }
0xe3: {  	[sflag:s30] =	ssyncadd.s32 $0xFFFFEC00  }
0xe4: {  	[spmem:s1] =	stream.indirect.scatter.add.f32 [tilespmem:s23], [sflag:$0x6], $0x40, s15, s14, $0xb8;
	[tilespmem:$0xF280] =	vst v63  }
0xe5: {  	_ =	swait.ge [sflag:s31], $0x1400  }
0xe6: {  	[sflag:s31] =	ssyncset.done $0x0  }
0xe7: {  	[sflag:s31] =	ssyncadd.s32 $0xFFFFEC00  }
0xe8: {  	[spmem:s1] =	stream.indirect.scatter.add.f32 [tilespmem:s25], [sflag:$0x7], $0x40, s17, s14, $0xb8;
	[tilespmem:$0xF280] =	vst v63  }
0xe9: {  	_ =	swait.ge [sflag:s0], $0x1400  }
0xea: {  	[sflag:s0] =	ssyncset.done $0x0  }
0xeb: {  	[sflag:s0] =	ssyncadd.s32 $0xFFFFEC00  }
0xec: {  	[spmem:s1] =	stream.indirect.scatter.add.f32 [tilespmem:s28], [sflag:$0x8], $0x40, s19, s14, $0xb8;
	[tilespmem:$0xF280] =	vst v63  }
0xed: {  	_ =	swait.ge [sflag:s2], $0x1400  }
0xee: {  	[sflag:s2] =	ssyncset.done $0x0  }
0xef: {  	s10 =	rddreg [dreg:$0x8];
	[sflag:s2] =	ssyncadd.s32 $0xFFFFEC00  }
0xf0: {  	[tilespmem:s3], [sflag:$0x9] =	stream.linear.gather [hbm4b:s10+s3], $0x50, $0x38;
	[tilespmem:$0xF280] =	vst v63  }
0xf1: {  	s11 =	rddreg [dreg:$0x9]  }
0xf2: {  	[tilespmem:s13], [sflag:$0x9] =	stream.linear.gather [hbm4b:s11+s3], $0x50, $0x38;
	[tilespmem:$0xF280] =	vst v63  }
0xf3: {  	_ =	swait.ge [sflag:s20], $0x50  }
0xf4: {  	[sflag:s20] =	ssyncset.done $0x0  }
0xf5: {  	[sflag:s20] =	ssyncadd.s32 $0xFFFFFFB0  }
0xf6: {  	_ =	swait.ge [sflag:s20], $0x50  }
0xf7: {  	[sflag:s20] =	ssyncset.done $0x0  }
0xf8: {  	[sflag:s20] =	ssyncadd.s32 $0xFFFFFFB0  }
0xf9: {  	[tilespmem:s21], [sflag:$0x1] =	stream.indirect.gather [hbm4b:s4+s14], $0x40, s3, s14, $0xb8;
	[tilespmem:$0xF280] =	vst v63  }
0xfa: {  	_ =	swait.ge [sflag:s29], $0x1400  }
0xfb: {  	[sflag:s29] =	ssyncset.done $0x0  }
0xfc: {  	[sflag:s29] =	ssyncadd.s32 $0xFFFFEC00  }
0xfd: {  	[spmem:s1] =	stream.indirect.scatter.add.f32 [tilespmem:s21], [sflag:$0x5], $0x40, s13, s14, $0xb8;
	[tilespmem:$0xF280] =	vst v63  }
0xfe: {  	_ =	swait.ge [sflag:s2], $0x1400  }
0xff: {  	[sflag:s2] =	ssyncset.done $0x0  }
0x100: {  	s6 =	simm.s32 $0x6;
	[sflag:s2] =	ssyncadd.s32 $0xFFFFEC00  }
0x101: {  	_ =	swait.ge [sflag:s6], $0x1400  }
0x102: {  	[sflag:s6] =	ssyncset.done $0x0  }
0x103: {  	s7 =	simm.s32 $0x7;
	[sflag:s6] =	ssyncadd.s32 $0xFFFFEC00  }
0x104: {  	_ =	swait.ge [sflag:s7], $0x1400  }
0x105: {  	[sflag:s7] =	ssyncset.done $0x0  }
0x106: {  	s8 =	simm.s32 $0x8;
	[sflag:s7] =	ssyncadd.s32 $0xFFFFEC00  }
0x107: {  	_ =	swait.ge [sflag:s8], $0x1400  }
0x108: {  	[sflag:s8] =	ssyncset.done $0x0  }
0x109: {  	[sflag:s8] =	ssyncadd.s32 $0xFFFFEC00  }
0x10a: {  	[bflag:$0x0] =	sbarrier.arrive $0xFFFF  }
0x10b: {  	s6 =	rddreg [dreg:$0x7]  }
0x10c: {  	s10 =	rddreg [dreg:$0xa]  }
0x10d: {  	s7 =	rddreg [dreg:$0xc]  }
0x10e: {  	[hbm:s10], [sflag:s6] =	dma.local [spmem:s7], $0x1400  }
0x10f: {  	_ =	swait.ge [sflag:s12], $0x1400  }
0x110: {  	s9 =	sadd.s32 $0x1, s9;
	s11 =	rddreg [dreg:$0xb]  }
0x111: {  	p0 =	sne.s32 s9, s11  }
.Ltmp1:
0x112: {  	_ = 	snop;
	(pc) =	sbr.rel @p0 .LBB2_1-.Ltmp1, $3  }
0x113: {  	_ =	sdelay $0x1  }
0x114: {  	[sflag:s12] =	ssyncset.done $0x0  }
0x115: {  	[sflag:s12] =	ssyncadd.s32 $0xFFFFEC00  }
0x116: {  	_ =	sfence.sel $0x180000  }
0x117: {  	[bflag:$0x0] =	sbarrier.arrive $0xFFFF  }
0x118: {  	_ =	strace $0x9000004A  }
0x119: {  	s0 =	stileid.u32;
	[bflag:$0x2] =	sbarrier.arrive $0xFFFF  }
0x11a: {  	p0 =	sne.s32 s0, $0x0;
	s0 =	rddreg [dreg:$0x3]  }
0x11b: {  	s0 =	sadd.s32 @!p0 $0x100000, s0  }
0x11c: {  	[sflag:s0] =	ssyncadd.tile.s32 @!p0 $0x1;
	_ =	shalt  }
.Lfunc_end2:
_tile_overlayer_lowered:
.L_overlay_start_2:
0x11d: {  	(tag) =	ssettag $0x2  }
0x11e: {  	s0 =	rddreg [dreg:$0x0];
	s2 =	stileid.u32  }
0x11f: {  	s1 =	rddreg [dreg:$0x1];
	p0 =	sne.s32 s2, $0x0  }
0x120: {  	s3 =	rddreg [dreg:$0x2];
	[bflag:$0x3] =	sbarrier.arrive $0xFFFF;
	s2 =	simm.s32 @!p0 $0x1C0D  }
0x121: {  	[timem:s3], [sflag:s2] =	dma.local @!p0 [hbm:s0], s1  }
0x122: {  	s0 =	simm.s32 @!p0 $0xD  }
0x123: {  	_ =	swait.ge @!p0 [sflag:s0], s1  }
0x124: {  	s1 =	ssub.s32 @!p0 $0x0, s1;
	[sflag:s0] =	ssyncset.done @!p0 $0x0  }
0x125: {  	[sflag:s0] =	ssyncadd.s32 @!p0 s1  }
0x126: {  	[bflag:$0x3] =	sbarrier.arrive $0xFFFF  }
0x127: {  	_ =	shalt  }

// kernel: kernel.22.cloned.1.call-start
scs
__scs_entry_jumppad:
0x0: {  	(pc) =	sbr.rel $0x88, $3  }
0x1: {  	(tag) =	ssettag $0x0;
	lr =	simm.s32 $0x1  }
0x2: {  	[smem:$0x3F79] =	sst lr;
	_ =	strace $0xD0000000  }
0x3: {  	_ = 	snop  }
0x4: {  	_ = 	snop  }
0x5: {  	_ = 	snop  }
0x6: {  	_ = 	snop  }
0x7: {  	_ = 	snop  }
__scs_overlays_trampoline_lowered:
0x8: {  	[smem:$0x3F88] =	sst s0  }
0x9: {  	[smem:$0x3F89] =	sst s1  }
0xa: {  	[smem:$0x3F8A] =	sst s2  }
0xb: {  	[smem:$0x3F8B] =	sst s3  }
0xc: {  	[smem:$0x3F8C] =	sst s4  }
0xd: {  	[smem:$0x3F8D] =	sst s5  }
0xe: {  	[smem:$0x3F8E] =	sst s6  }
0xf: {  	[smem:$0x3F8F] =	sst s7  }
0x10: {  	[smem:$0x3F90] =	sst s8  }
0x11: {  	[smem:$0x3F91] =	sst s9;
	s0 =	simm.s32 @!p0 $0x0  }
0x12: {  	s1 =	sld [smem:$0x3F77];
	s0 =	simm.s32 @p0 $0x1  }
0x13: {  	[smem:$0x3F92] =	sst s0;
	s0 =	simm.s32 @!p1 $0x0  }
0x14: {  	s2 =	sld [smem:$0x3F76];
	s0 =	simm.s32 @p1 $0x1  }
0x15: {  	[smem:$0x3F93] =	sst s0;
	s0 =	simm.s32 @!p2 $0x0  }
0x16: {  	s3 =	sld [smem:$0x3FDB];
	s0 =	simm.s32 @p2 $0x1  }
0x17: {  	s4 =	simm.s32 $0x1BF5;
	[smem:$0x3F95] =	sst s0  }
0x18: {  	s0 =	sld [smem:$0x3F78];
	_ =	swait.ge [sflag:s4], $0x0  }
0x19: {  	s7 =	sld [smem:$0x3F79]  }
0x1a: {  	s8 =	sadd.s32 $0xFFFFE003, lr  }
0x1b: {  	s9 =	sadd.s32 $0xFFFFFEF7, lr;
	s5 =	simm.s32 $0xFFFFFFFF;
	p2 =	slt.u32 s8, $0xFFFFF086  }
0x1c: {  	p1 =	slt.u32 s9, $0xF7A;
	s5 =	simm.s32 @!p2 $0x0  }
0x1d: {  	s5 =	simm.s32 @p1 $0x1;
	p0 =	seq.s32 s7, s2  }
0x1e: {  	s7 =	smul.u32 @!p0 $0xF7A, s2;
	p2 =	seq.s32 @!p0 s5, $0x0  }
0x1f: {  	s9 =	smul.u32 $0xF7A, s1;
	s8 =	simm.s32 @!p0 $0x1BF5;
	p2 =	por !p2, p0  }
0x20: {  	[sflag:s8] =	ssyncset.s32 @!p0 $0xFFFFF086;
	s6 =	sadd.s32 @!p0 s3, s7;
	s7 =	simm.s32 @!p0 $0x108  }
0x21: {  	s3 =	sadd.s32 s3, s9;
	s6 =	sadd.s32 @!p0 $0x88, s6;
	s7 =	simm.s32 @p2 $0x1082  }
0x22: {  	[simem:s7], [sflag:s8] =	dma.local @!p0 [hbm:s6], $0xF7A  }
0x23: {  	s9 =	sor.u32 $0xD0000000, s2;
	s6 =	simm.s32 $0x108;
	_ =	swait.ge @!p0 [sflag:s8], $0x0  }
0x24: {  	s3 =	sadd.s32 $0x88, s3;
	s6 =	simm.s32 @!p1 $0x1082;
	[sflag:s4] =	ssyncset.s32 $0xFFFFF086  }
0x25: {  	[simem:s6], [sflag:s4] =	dma.local [hbm:s3], $0xF7A  }
0x26: {  	[smem:$0x3F79] =	sst s1;
	(tag) =	ssettag s2;
	_ =	strace s9  }
0x27: {  	s1 =	sld [smem:$0x3F89]  }
0x28: {  	s2 =	sld [smem:$0x3F8A]  }
0x29: {  	s4 =	sld [smem:$0x3F8C]  }
0x2a: {  	p0 =	seq.s32 s5, $0x0;
	s5 =	sld [smem:$0x3F8D]  }
0x2b: {  	s6 =	sld [smem:$0x3F8E]  }
0x2c: {  	s7 =	sld [smem:$0x3F8F]  }
0x2d: {  	s3 =	simm.s32 $0x108;
	s8 =	sld [smem:$0x3F90]  }
0x2e: {  	s3 =	simm.s32 @!p0 $0x1082;
	s9 =	sld [smem:$0x3F91]  }
0x2f: {  	lr =	sadd.s32 s0, s3;
	s0 =	sld [smem:$0x3F88]  }
0x30: {  	s3 =	sld [smem:$0x3F8B]  }
0x31: {  	[smem:$0x3F94] =	sst s10  }
0x32: {  	s10 =	sld [smem:$0x3F92];
	_ =	sdelay $0x3  }
0x33: {  	p0 =	seq.s32 s10, $0x1;
	s10 =	sld [smem:$0x3F94];
	_ =	sdelay $0x3  }
0x34: {  	[smem:$0x3F94] =	sst s10  }
0x35: {  	s10 =	sld [smem:$0x3F93];
	_ =	sdelay $0x3  }
0x36: {  	p1 =	seq.s32 s10, $0x1;
	s10 =	sld [smem:$0x3F94];
	_ =	sdelay $0x3  }
0x37: {  	[smem:$0x3F94] =	sst s10  }
0x38: {  	s10 =	sld [smem:$0x3F95]  }
0x39: {  	_ = 	snop;
	(pc) =	sbr.ind lr, $3  }
0x3a: {  	_ = 	snop  }
0x3b: {  	_ = 	snop  }
0x3c: {  	p2 =	seq.s32 s10, $0x1;
	s10 =	sld [smem:$0x3F94]  }
0x3d: {  	_ =	shalt  }
0x3e: {  	_ =	shalt  }
0x3f: {  	_ =	shalt  }
0x40: {  	_ =	shalt  }
0x41: {  	_ =	shalt  }
0x42: {  	_ =	shalt  }
0x43: {  	_ =	shalt  }
0x44: {  	_ =	shalt  }
0x45: {  	_ =	shalt  }
0x46: {  	_ =	shalt  }
0x47: {  	_ =	shalt  }
0x48: {  	_ =	shalt  }
0x49: {  	_ =	shalt  }
0x4a: {  	_ =	shalt  }
0x4b: {  	_ =	shalt  }
0x4c: {  	_ =	shalt  }
0x4d: {  	_ =	shalt  }
0x4e: {  	_ =	shalt  }
0x4f: {  	_ =	shalt  }
0x50: {  	_ =	shalt  }
0x51: {  	_ =	shalt  }
0x52: {  	_ =	shalt  }
0x53: {  	_ =	shalt  }
0x54: {  	_ =	shalt  }
0x55: {  	_ =	shalt  }
0x56: {  	_ =	shalt  }
0x57: {  	_ =	shalt  }
0x58: {  	_ =	shalt  }
0x59: {  	_ =	shalt  }
0x5a: {  	_ =	shalt  }
0x5b: {  	_ =	shalt  }
0x5c: {  	_ =	shalt  }
0x5d: {  	_ =	shalt  }
0x5e: {  	_ =	shalt  }
0x5f: {  	_ =	shalt  }
0x60: {  	_ =	shalt  }
0x61: {  	_ =	shalt  }
0x62: {  	_ =	shalt  }
0x63: {  	_ =	shalt  }
0x64: {  	_ =	shalt  }
0x65: {  	_ =	shalt  }
0x66: {  	_ =	shalt  }
0x67: {  	_ =	shalt  }
0x68: {  	_ =	shalt  }
0x69: {  	_ =	shalt  }
0x6a: {  	_ =	shalt  }
0x6b: {  	_ =	shalt  }
0x6c: {  	_ =	shalt  }
0x6d: {  	_ =	shalt  }
0x6e: {  	_ =	shalt  }
0x6f: {  	_ =	shalt  }
0x70: {  	_ =	shalt  }
0x71: {  	_ =	shalt  }
0x72: {  	_ =	shalt  }
0x73: {  	_ =	shalt  }
0x74: {  	_ =	shalt  }
0x75: {  	_ =	shalt  }
0x76: {  	_ =	shalt  }
0x77: {  	_ =	shalt  }
0x78: {  	_ =	shalt  }
0x79: {  	_ =	shalt  }
0x7a: {  	_ =	shalt  }
0x7b: {  	_ =	shalt  }
0x7c: {  	_ =	shalt  }
0x7d: {  	_ =	shalt  }
0x7e: {  	_ =	shalt  }
0x7f: {  	_ =	shalt  }
0x80: {  	_ =	shalt  }
0x81: {  	_ =	shalt  }
0x82: {  	_ =	shalt  }
0x83: {  	_ =	shalt  }
0x84: {  	_ =	shalt  }
0x85: {  	_ =	shalt  }
0x86: {  	_ =	shalt  }
0x87: {  	_ =	shalt  }
.Lfunc_end0:
.L_simem_size_0:
called_computation.2_lowered:
.L_overlay_start_0:
0x88: {  	s2 =	sld [smem:$0x3FD9]  }
0x89: {  	s3 =	sld [smem:$0x3FFE];
	_ =	sdelay $0x1  }
0x8a: {  	s1 =	srdreg.scid  }
0x8b: {  	s0 =	sand.u32 $0x1, s1  }
0x8c: {  	s14 =	sshll.u32 s0, $0xA;
	s2 =	sadd.s32 s3, s2  }
0x8d: {  	s2 =	sadd.s32 s2, s14  }
0x8e: {  	[smem:$0x3FA0] =	sst s2  }
0x8f: {  	_ = 	snop  }
0x90: {  	s2 =	sld [smem:$0x3FD0];
	_ =	sdelay $0x2  }
0x91: {  	s15 =	simm.s32 $0xA;
	s4 =	simm.s32 $0x10  }
0x92: {  	[smem:s4], [sflag:s15] =	dma.local [hbm:s2], $0x1  }
0x93: {  	_ =	swait.eq [sflag:s15], $0x1  }
0x94: {  	[sflag:s15] =	ssyncset.done $0x0  }
0x95: {  	[sflag:s15] =	ssyncadd.s32 $0xFFFFFFFF  }
0x96: {  	s16 =	sld [smem:$0x11];
	(tm) =	ssettm $0x1  }
0x97: {  	s17 =	sld [smem:$0x3FFB];
	_ =	sdelay $0x3  }
0x98: {  	_ =	strace s17  }
0x99: {  	s3 =	sld [smem:$0x3FFC];
	_ =	sdelay $0x3  }
0x9a: {  	_ =	strace s3  }
0x9b: {  	s3 =	sld [smem:$0x3FFD];
	_ =	sdelay $0x3  }
0x9c: {  	_ =	strace s3  }
0x9d: {  	_ =	strace $0x8FFFFFFF  }
0x9e: {  	s18 =	sld [smem:$0x3FDB];
	_ =	sdelay $0x1  }
0x9f: {  	s19 =	simm.s32 $_scs_section_size  }
0xa0: {  	s5 =	simm.s32 $_size__tile_overlayer_lowered;
	s6 =	simm.s32 $_tile_overlayer_lowered  }
0xa1: {  	s22 =	simm.s32 $0x1BFF;
	s21 =	sshll.u32 s6, $0x1;
	s3 =	sadd.s32 s19, s18  }
0xa2: {  	s7 =	simm.s32 $0x0;
	s20 =	sshll.u32 s5, $0x1;
	s5 =	sadd.s32 s21, s3  }
0xa3: {  	[timem:s7], [sflag:s22] =	dma.local [hbm:s5], s20  }
0xa4: {  	_ =	swait.ge [sflag:s22], s20  }
0xa5: {  	s4 =	ssub.s32 $0x0, s20;
	[sflag:s22] =	ssyncset.done $0x0  }
0xa6: {  	[sflag:s22] =	ssyncadd.s32 s4;
	_ =	sdelay $0x1  }
0xa7: {  	s23 =	simm.s32 $0x1B8B  }
0xa8: {  	_ =	swait.ge [sflag:s23], $0x1  }
0xa9: {  	[sflag:s23] =	ssyncset.done $0x0  }
0xaa: {  	s25 =	simm.s32 $0x1B8E;
	s24 =	sld [smem:$0x3FFE];
	[sflag:s23] =	ssyncadd.s32 $0xFFFFFFFF  }
0xab: {  	s26 =	simm.s32 $execute0_lowered;
	[smem:$0x3FD2] =	sst s25  }
0xac: {  	s5 =	sshll.u32 s26, $0x1;
	_ =	strace $0x8000004C;
	[dreg:$0x1] =	wrdreg $0xFFFFFFFF  }
0xad: {  	s28 =	simm.s32 $_size_execute0_lowered;
	s3 =	sadd.s32 s3, s5;
	[dreg:$0x0] =	wrdreg $0x0  }
0xae: {  	s5 =	sshll.u32 s28, $0x1;
	[dreg:$0x2] =	wrdreg s3  }
0xaf: {  	[dreg:$0x3] =	wrdreg s5  }
0xb0: {  	[dreg:$0x4] =	wrdreg $0xC0  }
0xb1: {  	_ =	task [dreg:s7], $0x5FFFF  }
0xb2: {  	[dreg:$0x1] =	wrdreg $0xFFFFFFFF  }
0xb3: {  	[dreg:$0x0] =	wrdreg $0x60  }
0xb4: {  	[dreg:$0x2] =	wrdreg s24  }
0xb5: {  	[dreg:$0x3] =	wrdreg s16  }
0xb6: {  	[dreg:$0x4] =	wrdreg $0xA2800  }
0xb7: {  	[dreg:$0x5] =	wrdreg $0x9  }
0xb8: {  	_ =	task.clear_ibuf [dreg:s7], $0x6FFFF;
	_ =	strace $0x9000004C  }
0xb9: {  	s29 =	simm.s32 $0x9;
	_ =	strace $0x8000004E  }
0xba: {  	_ =	swait.ge [sflag:s29], $0x1  }
0xbb: {  	[sflag:s29] =	ssyncadd.s32 $0xFFFFFFFF  }
0xbc: {  	_ =	strace $0x9000004E  }
0xbd: {  	_ =	sfence  }
0xbe: {  	s30 =	sld [smem:$0x0];
	_ =	sdelay $0x2  }
0xbf: {  	s31 =	sshll.u32 s1, $0xD;
	s1 =	sshrl.u32 s1, $0x2  }
0xc0: {  	s3 =	sand.u32 $0x4000, s31;
	s1 =	sadd.s32 s1, s30  }
0xc1: {  	s0 =	sor.u32 s3, s0;
	s1 =	sshll.u32 s1, $0x11  }
0xc2: {  	s0 =	sor.u32 s1, s0  }
0xc3: {  	s0 =	sadd.s32 $0x8F2B, s0  }
0xc4: {  	[sflag:s0] =	ssyncadd.remote.s32 $0x1  }
0xc5: {  	_ =	sfence.sel $0xFFFF  }
0xc6: {  	[dreg:$0x0] =	wrdreg $0xFFFFFFFF;
	(pc) =	sbr.abs _section_cstart, $3  }
0xc7: {  	[dreg:$0x1] =	wrdreg $0xFFFFFFFF  }
0xc8: {  	_ =	task.clear_ibuf [dreg:s7], $0x2FFFF;
	_ =	strace $0x9FFFFFFF  }
0xc9: {  	(tm) =	ssettm $0x7FFFFFFF  }
tec
execute0_lowered:
.L_overlay_start_1:
0x0: {  	(tag) =	ssettag $0x1  }
0x1: {  	s0 =	rddreg [dreg:$0x0]  }
0x2: {  	s2 =	rddreg [dreg:$0x1]  }
0x3: {  	s1 =	rddreg [dreg:$0x2]  }
0x4: {  	s3 =	simm.s32 $0x0;
	s14 =	stileid.u32;
	s5 =	srdreg.scid  }
0x5: {  	s15 =	simm.s32 $0x190;
	s28 =	simm.s32 $0x7A80;
	s29 =	simm.s32 $0x1  }
0x6: {  	s30 =	simm.s32 $0x2;
	s31 =	simm.s32 $0x3;
	[smem:$0x7FF] =	sst s3  }
0x7: {  	s4 =	sadd.s32 $0x42400, s0;
	s7 =	smul.u32 $0x14000, s14;
	s5 =	sand.u32 $0x1, s5  }
0x8: {  	s8 =	sadd.s32 $0x10600, s0;
	s9 =	sadd.s32 $0x6800, s0;
	s20 =	smul.u32 $0x4E2, s14  }
0x9: {  	s18 =	sshll.u32 s14, $0x6;
	_ =	strace $0x8000004D;
	s13 =	smul.u32 $0x140000, s5  }
0xa: {  	s6 =	sshll.u32 s5, $0x4;
	s11 =	ssub.s32 $0x2, s5;
	s5 =	smul.u32 $0x4E20, s5  }
0xb: {  	s10 =	sshrl.u32 s7, $0x3;
	s6 =	sor.u32 s14, s6;
	s16 =	sshrl.u32 s11, $0x1  }
0xc: {  	s17 =	sadd.s32 s7, s1;
	s14 =	simm.s32 $0x50;
	s0 =	sadd.s32 s10, s0  }
0xd: {  	s6 =	smul.u32 $0x2710, s6;
	s10 =	ssub.s32 s11, s16;
	s7 =	sadd.s32 s7, s13  }
0xe: {  	s22 =	sadd.s32 s5, s8;
	s24 =	sadd.s32 s5, s9;
	s13 =	simm.s32 $0x140  }
0xf: {  	s16 =	simm.s32 $0xA0;
	s0 =	sadd.s32 $0x1A400, s0;
	s21 =	sshrl.u32 s7, $0x3  }
0x10: {  	s23 =	sadd.s32 s20, s22;
	s25 =	smax.u32 s10, $0x1;
	s26 =	sadd.s32 s20, s24  }
0x11: {  	s7 =	sshrl.u32 s17, $0x3;
	s17 =	simm.s32 $0x1E0;
	[dreg:$0x6] =	wrdreg s0  }
0x12: {  	s20 =	simm.s32 $0x9;
	s22 =	simm.s32 $0xA;
	[dreg:$0xb] =	wrdreg s25  }
0x13: {  	s24 =	simm.s32 $0xB;
	s12 =	sshrl.u32 s6, $0x3;
	[dreg:$0x4] =	wrdreg s23  }
0x14: {  	s6 =	sor.u32 $0x1C0D, s18;
	[dreg:$0x5] =	wrdreg s26;
	s18 =	simm.s32 $0xF0  }
0x15: {  	s23 =	simm.s32 $0x2A80;
	[dreg:$0xc] =	wrdreg s7;
	s19 =	sadd.s32 $0x4D8, s12  }
0x16: {  	s25 =	simm.s32 $0x5280;
	[dreg:$0x7] =	wrdreg s6;
	s12 =	sadd.s32 s8, s19  }
0x17: {  	s26 =	simm.s32 $0xC;
	s0 =	sadd.s32 s9, s19;
	[dreg:$0x8] =	wrdreg s12  }
0x18: {  	s19 =	simm.s32 $0x230;
	s9 =	simm.s32 $0x0;
	[dreg:$0x9] =	wrdreg s0  }
0x19: {  	s0 =	sadd.s32 s2, s21;
	s12 =	simm.s32 $0xD;
	s21 =	simm.s32 $0x280  }
0x1a: {  	s2 =	simm.s32 $0x5;
	[dreg:$0xa] =	wrdreg s0;
	s0 =	simm.s32 $0x4  }
.LBB2_1:
0x1b: {  	s5 =	rddreg [dreg:$0x6]  }
0x1c: {  	[spmem:s7], [sflag:s6] =	dma.local [hbm:s5], $0x2800  }
0x1d: {  	_ =	swait.ge [sflag:s12], $0x2800  }
0x1e: {  	[sflag:s12] =	ssyncset.done $0x0  }
0x1f: {  	p0 =	por $0x1, $0x1;
	[sflag:s12] =	ssyncadd.s32 $0xFFFFD800  }
0x20: {  	s5 =	simm.s32 @!p0 $0x5;
	[bflag:$0x0] =	sbarrier.arrive $0xFFFF  }
0x21: {  	_ =	swait.ge @!p0 [sflag:s5], $0x2800  }
0x22: {  	s10 =	rddreg [dreg:$0x4];
	[sflag:s5] =	ssyncset.done @!p0 $0x0  }
0x23: {  	s6 =	rddreg [dreg:$0x5];
	[sflag:s5] =	ssyncadd.s32 @!p0 $0xFFFFD800;
	s5 =	sadd.s32 $0x0, s10  }
0x24: {  	[tilespmem:s3], [sflag:$0x9] =	stream.linear.gather [hbm4b:s5+s3], $0x50, $0x38;
	[tilespmem:$0x1E280] =	vst v63  }
0x25: {  	s7 =	sadd.s32 $0x0, s6;
	s10 =	simm.s32 @!p0 $0x6  }
0x26: {  	[tilespmem:s13], [sflag:$0x9] =	stream.linear.gather [hbm4b:s7+s3], $0x50, $0x38;
	[tilespmem:$0x1E280] =	vst v63  }
0x27: {  	_ =	swait.ge @!p0 [sflag:s10], $0x2800  }
0x28: {  	[sflag:s10] =	ssyncset.done @!p0 $0x0  }
0x29: {  	s8 =	sadd.s32 $0xA, s5;
	[sflag:s10] =	ssyncadd.s32 @!p0 $0xFFFFD800  }
0x2a: {  	[tilespmem:s14], [sflag:$0xA] =	stream.linear.gather [hbm4b:s8+s3], $0x50, $0x38;
	[tilespmem:$0x1E280] =	vst v63  }
0x2b: {  	s11 =	sadd.s32 $0xA, s7;
	s10 =	simm.s32 @!p0 $0x7  }
0x2c: {  	[tilespmem:s15], [sflag:$0xA] =	stream.linear.gather [hbm4b:s11+s3], $0x50, $0x38;
	[tilespmem:$0x1E280] =	vst v63  }
0x2d: {  	_ =	swait.ge @!p0 [sflag:s10], $0x2800  }
0x2e: {  	[sflag:s10] =	ssyncset.done @!p0 $0x0  }
0x2f: {  	s6 =	sadd.s32 $0x14, s5;
	[sflag:s10] =	ssyncadd.s32 @!p0 $0xFFFFD800  }
0x30: {  	[tilespmem:s16], [sflag:$0xB] =	stream.linear.gather [hbm4b:s6+s3], $0x50, $0x38;
	[tilespmem:$0x1E280] =	vst v63  }
0x31: {  	s8 =	sadd.s32 $0x14, s7;
	s10 =	simm.s32 @!p0 $0x8  }
0x32: {  	[tilespmem:s17], [sflag:$0xB] =	stream.linear.gather [hbm4b:s8+s3], $0x50, $0x38;
	[tilespmem:$0x1E280] =	vst v63  }
0x33: {  	_ =	swait.ge @!p0 [sflag:s10], $0x2800  }
0x34: {  	[sflag:s10] =	ssyncset.done @!p0 $0x0  }
0x35: {  	s5 =	sadd.s32 $0x1E, s5;
	[sflag:s10] =	ssyncadd.s32 @!p0 $0xFFFFD800  }
0x36: {  	[tilespmem:s18], [sflag:$0xC] =	stream.linear.gather [hbm4b:s5+s3], $0x50, $0x38;
	[tilespmem:$0x1E280] =	vst v63  }
0x37: {  	s11 =	sadd.s32 $0x1E, s7  }
0x38: {  	[tilespmem:s19], [sflag:$0xC] =	stream.linear.gather [hbm4b:s11+s3], $0x50, $0x38;
	[tilespmem:$0x1E280] =	vst v63  }
0x39: {  	_ =	swait.ge [sflag:s20], $0x50  }
0x3a: {  	[sflag:s20] =	ssyncset.done $0x0  }
0x3b: {  	[sflag:s20] =	ssyncadd.s32 $0xFFFFFFB0  }
0x3c: {  	_ =	swait.ge [sflag:s20], $0x50  }
0x3d: {  	[sflag:s20] =	ssyncset.done $0x0  }
0x3e: {  	[sflag:s20] =	ssyncadd.s32 $0xFFFFFFB0  }
0x3f: {  	[tilespmem:s21], [sflag:$0x1] =	stream.indirect.gather [hbm4b:s4+s14], $0x80, s3, s14, $0xb8;
	[tilespmem:$0x1E280] =	vst v63  }
0x40: {  	_ =	swait.ge [sflag:s22], $0x50  }
0x41: {  	[sflag:s22] =	ssyncset.done $0x0  }
0x42: {  	[sflag:s22] =	ssyncadd.s32 $0xFFFFFFB0  }
0x43: {  	_ =	swait.ge [sflag:s22], $0x50  }
0x44: {  	[sflag:s22] =	ssyncset.done $0x0  }
0x45: {  	[sflag:s22] =	ssyncadd.s32 $0xFFFFFFB0  }
0x46: {  	[tilespmem:s23], [sflag:$0x2] =	stream.indirect.gather [hbm4b:s4+s14], $0x80, s14, s14, $0xb8;
	[tilespmem:$0x1E280] =	vst v63  }
0x47: {  	_ =	swait.ge [sflag:s24], $0x50  }
0x48: {  	[sflag:s24] =	ssyncset.done $0x0  }
0x49: {  	[sflag:s24] =	ssyncadd.s32 $0xFFFFFFB0  }
0x4a: {  	_ =	swait.ge [sflag:s24], $0x50  }
0x4b: {  	[sflag:s24] =	ssyncset.done $0x0  }
0x4c: {  	[sflag:s24] =	ssyncadd.s32 $0xFFFFFFB0  }
0x4d: {  	[tilespmem:s25], [sflag:$0x3] =	stream.indirect.gather [hbm4b:s4+s14], $0x80, s16, s14, $0xb8;
	[tilespmem:$0x1E280] =	vst v63  }
0x4e: {  	_ =	swait.ge [sflag:s26], $0x50  }
0x4f: {  	[sflag:s26] =	ssyncset.done $0x0  }
0x50: {  	[sflag:s26] =	ssyncadd.s32 $0xFFFFFFB0  }
0x51: {  	_ =	swait.ge [sflag:s26], $0x50  }
0x52: {  	[sflag:s26] =	ssyncset.done $0x0  }
0x53: {  	[sflag:s26] =	ssyncadd.s32 $0xFFFFFFB0  }
0x54: {  	[tilespmem:s28], [sflag:$0x4] =	stream.indirect.gather [hbm4b:s4+s14], $0x80, s18, s14, $0xb8;
	[tilespmem:$0x1E280] =	vst v63  }
0x55: {  	_ =	swait.ge [sflag:s29], $0x2800  }
0x56: {  	[sflag:s29] =	ssyncset.done $0x0  }
0x57: {  	[sflag:s29] =	ssyncadd.s32 $0xFFFFD800  }
0x58: {  	[spmem:s1] =	stream.indirect.scatter.add.f32 [tilespmem:s21], [sflag:$0x5], $0x80, s13, s14, $0xb8;
	[tilespmem:$0x1E280] =	vst v63  }
0x59: {  	_ =	swait.ge [sflag:s30], $0x2800  }
0x5a: {  	[sflag:s30] =	ssyncset.done $0x0  }
0x5b: {  	[sflag:s30] =	ssyncadd.s32 $0xFFFFD800  }
0x5c: {  	[spmem:s1] =	stream.indirect.scatter.add.f32 [tilespmem:s23], [sflag:$0x6], $0x80, s15, s14, $0xb8;
	[tilespmem:$0x1E280] =	vst v63  }
0x5d: {  	_ =	swait.ge [sflag:s31], $0x2800  }
0x5e: {  	[sflag:s31] =	ssyncset.done $0x0  }
0x5f: {  	[sflag:s31] =	ssyncadd.s32 $0xFFFFD800  }
0x60: {  	[spmem:s1] =	stream.indirect.scatter.add.f32 [tilespmem:s25], [sflag:$0x7], $0x80, s17, s14, $0xb8;
	[tilespmem:$0x1E280] =	vst v63  }
0x61: {  	p1 =	por $0x0, $0x0;
	_ =	swait.ge [sflag:s0], $0x2800  }
0x62: {  	s10 =	simm.s32 $0x28;
	s5 =	simm.s32 $0x50;
	[sflag:s0] =	ssyncset.done $0x0  }
.LBB2_2:
0x63: {  	s7 =	simm.s32 @!p1 $0x5;
	[sflag:s0] =	ssyncadd.s32 $0xFFFFD800  }
0x64: {  	[spmem:s1] =	stream.indirect.scatter.add.f32 [tilespmem:s28], [sflag:$0x8], $0x80, s19, s14, $0xb8;
	[tilespmem:$0x1E280] =	vst v63  }
0x65: {  	_ =	swait.ge @!p1 [sflag:s7], $0x2800  }
0x66: {  	[sflag:s7] =	ssyncset.done @!p1 $0x0;
	s6 =	rddreg [dreg:$0x4]  }
0x67: {  	s11 =	rddreg [dreg:$0x5];
	[sflag:s7] =	ssyncadd.s32 @!p1 $0xFFFFD800;
	s6 =	sadd.s32 s10, s6  }
0x68: {  	[tilespmem:s3], [sflag:$0x9] =	stream.linear.gather [hbm4b:s6+s3], $0x50, $0x38;
	[tilespmem:$0x1E280] =	vst v63  }
0x69: {  	s7 =	sadd.s32 s10, s11;
	s11 =	simm.s32 @!p1 $0x6  }
0x6a: {  	[tilespmem:s13], [sflag:$0x9] =	stream.linear.gather [hbm4b:s7+s3], $0x50, $0x38;
	[tilespmem:$0x1E280] =	vst v63  }
0x6b: {  	_ =	swait.ge @!p1 [sflag:s11], $0x2800  }
0x6c: {  	[sflag:s11] =	ssyncset.done @!p1 $0x0  }
0x6d: {  	s8 =	smov.u32 s5;
	[sflag:s11] =	ssyncadd.s32 @!p1 $0xFFFFD800;
	s11 =	sadd.s32 $0xA, s6  }
0x6e: {  	[tilespmem:s14], [sflag:$0xA] =	stream.linear.gather [hbm4b:s11+s3], $0x50, $0x38;
	[tilespmem:$0x1E280] =	vst v63  }
0x6f: {  	s10 =	smov.u32 s8;
	s8 =	sadd.s32 $0xA, s7;
	s11 =	simm.s32 @!p1 $0x7  }
0x70: {  	[tilespmem:s15], [sflag:$0xA] =	stream.linear.gather [hbm4b:s8+s3], $0x50, $0x38;
	[tilespmem:$0x1E280] =	vst v63  }
0x71: {  	_ =	swait.ge @!p1 [sflag:s11], $0x2800  }
0x72: {  	[sflag:s11] =	ssyncset.done @!p1 $0x0  }
0x73: {  	[sflag:s11] =	ssyncadd.s32 @!p1 $0xFFFFD800;
	s11 =	sadd.s32 $0x14, s6  }
0x74: {  	[tilespmem:s16], [sflag:$0xB] =	stream.linear.gather [hbm4b:s11+s3], $0x50, $0x38;
	[tilespmem:$0x1E280] =	vst v63  }
0x75: {  	s8 =	sadd.s32 $0x14, s7;
	s11 =	simm.s32 @!p1 $0x8  }
0x76: {  	[tilespmem:s17], [sflag:$0xB] =	stream.linear.gather [hbm4b:s8+s3], $0x50, $0x38;
	[tilespmem:$0x1E280] =	vst v63  }
0x77: {  	_ =	swait.ge @!p1 [sflag:s11], $0x2800  }
0x78: {  	[sflag:s11] =	ssyncset.done @!p1 $0x0  }
0x79: {  	s6 =	sadd.s32 $0x1E, s6;
	[sflag:s11] =	ssyncadd.s32 @!p1 $0xFFFFD800  }
0x7a: {  	[tilespmem:s18], [sflag:$0xC] =	stream.linear.gather [hbm4b:s6+s3], $0x50, $0x38;
	[tilespmem:$0x1E280] =	vst v63  }
0x7b: {  	s11 =	sadd.s32 $0x1E, s7  }
0x7c: {  	[tilespmem:s19], [sflag:$0xC] =	stream.linear.gather [hbm4b:s11+s3], $0x50, $0x38;
	[tilespmem:$0x1E280] =	vst v63  }
0x7d: {  	_ =	swait.ge [sflag:s20], $0x50  }
0x7e: {  	[sflag:s20] =	ssyncset.done $0x0  }
0x7f: {  	[sflag:s20] =	ssyncadd.s32 $0xFFFFFFB0  }
0x80: {  	_ =	swait.ge [sflag:s20], $0x50  }
0x81: {  	[sflag:s20] =	ssyncset.done $0x0  }
0x82: {  	[sflag:s20] =	ssyncadd.s32 $0xFFFFFFB0  }
0x83: {  	[tilespmem:s21], [sflag:$0x1] =	stream.indirect.gather [hbm4b:s4+s14], $0x80, s3, s14, $0xb8;
	[tilespmem:$0x1E280] =	vst v63  }
0x84: {  	_ =	swait.ge [sflag:s22], $0x50  }
0x85: {  	[sflag:s22] =	ssyncset.done $0x0  }
0x86: {  	[sflag:s22] =	ssyncadd.s32 $0xFFFFFFB0  }
0x87: {  	_ =	swait.ge [sflag:s22], $0x50  }
0x88: {  	[sflag:s22] =	ssyncset.done $0x0  }
0x89: {  	[sflag:s22] =	ssyncadd.s32 $0xFFFFFFB0  }
0x8a: {  	[tilespmem:s23], [sflag:$0x2] =	stream.indirect.gather [hbm4b:s4+s14], $0x80, s14, s14, $0xb8;
	[tilespmem:$0x1E280] =	vst v63  }
0x8b: {  	_ =	swait.ge [sflag:s24], $0x50  }
0x8c: {  	[sflag:s24] =	ssyncset.done $0x0  }
0x8d: {  	[sflag:s24] =	ssyncadd.s32 $0xFFFFFFB0  }
0x8e: {  	_ =	swait.ge [sflag:s24], $0x50  }
0x8f: {  	[sflag:s24] =	ssyncset.done $0x0  }
0x90: {  	[sflag:s24] =	ssyncadd.s32 $0xFFFFFFB0  }
0x91: {  	[tilespmem:s25], [sflag:$0x3] =	stream.indirect.gather [hbm4b:s4+s14], $0x80, s16, s14, $0xb8;
	[tilespmem:$0x1E280] =	vst v63  }
0x92: {  	_ =	swait.ge [sflag:s26], $0x50  }
0x93: {  	[sflag:s26] =	ssyncset.done $0x0  }
0x94: {  	[sflag:s26] =	ssyncadd.s32 $0xFFFFFFB0  }
0x95: {  	_ =	swait.ge [sflag:s26], $0x50  }
0x96: {  	[sflag:s26] =	ssyncset.done $0x0  }
0x97: {  	[sflag:s26] =	ssyncadd.s32 $0xFFFFFFB0  }
0x98: {  	[tilespmem:s28], [sflag:$0x4] =	stream.indirect.gather [hbm4b:s4+s14], $0x80, s18, s14, $0xb8;
	[tilespmem:$0x1E280] =	vst v63  }
0x99: {  	_ =	swait.ge [sflag:s29], $0x2800  }
0x9a: {  	[sflag:s29] =	ssyncset.done $0x0  }
0x9b: {  	[sflag:s29] =	ssyncadd.s32 $0xFFFFD800  }
0x9c: {  	[spmem:s1] =	stream.indirect.scatter.add.f32 [tilespmem:s21], [sflag:$0x5], $0x80, s13, s14, $0xb8;
	[tilespmem:$0x1E280] =	vst v63  }
0x9d: {  	_ =	swait.ge [sflag:s30], $0x2800  }
0x9e: {  	[sflag:s30] =	ssyncset.done $0x0  }
0x9f: {  	s5 =	sadd.s32 $0x28, s5;
	[sflag:s30] =	ssyncadd.s32 $0xFFFFD800  }
0xa0: {  	[spmem:s1] =	stream.indirect.scatter.add.f32 [tilespmem:s23], [sflag:$0x6], $0x80, s15, s14, $0xb8;
	[tilespmem:$0x1E280] =	vst v63  }
0xa1: {  	p0 =	sne.s32 s5, $0x4D8;
	_ =	swait.ge [sflag:s31], $0x2800  }
.Ltmp0:
0xa2: {  	[sflag:s31] =	ssyncset.done $0x0;
	(pc) =	sbr.rel @p0 .LBB2_2-.Ltmp0, $4  }
0xa3: {  	[sflag:s31] =	ssyncadd.s32 $0xFFFFD800  }
0xa4: {  	[spmem:s1] =	stream.indirect.scatter.add.f32 [tilespmem:s25], [sflag:$0x7], $0x80, s17, s14, $0xb8;
	[tilespmem:$0x1E280] =	vst v63  }
0xa5: {  	_ =	swait.ge [sflag:s0], $0x2800  }
0xa6: {  	p1 =	seq.s32 s10, $0x0;
	[sflag:s0] =	ssyncset.done $0x0  }
0xa7: {  	s5 =	simm.s32 @!p1 $0x5;
	[sflag:s0] =	ssyncadd.s32 $0xFFFFD800  }
0xa8: {  	[spmem:s1] =	stream.indirect.scatter.add.f32 [tilespmem:s28], [sflag:$0x8], $0x80, s19, s14, $0xb8;
	[tilespmem:$0x1E280] =	vst v63  }
0xa9: {  	_ =	swait.ge @!p1 [sflag:s5], $0x2800  }
0xaa: {  	s6 =	rddreg [dreg:$0x4];
	[sflag:s5] =	ssyncset.done @!p1 $0x0  }
0xab: {  	s7 =	rddreg [dreg:$0x5];
	[sflag:s5] =	ssyncadd.s32 @!p1 $0xFFFFD800;
	s5 =	sadd.s32 s10, s6  }
0xac: {  	[tilespmem:s3], [sflag:$0x9] =	stream.linear.gather [hbm4b:s5+s3], $0x50, $0x38;
	[tilespmem:$0x1E280] =	vst v63  }
0xad: {  	s6 =	sadd.s32 s10, s7;
	s7 =	simm.s32 @!p1 $0x6  }
0xae: {  	[tilespmem:s13], [sflag:$0x9] =	stream.linear.gather [hbm4b:s6+s3], $0x50, $0x38;
	[tilespmem:$0x1E280] =	vst v63  }
0xaf: {  	_ =	swait.ge @!p1 [sflag:s7], $0x2800  }
0xb0: {  	[sflag:s7] =	ssyncset.done @!p1 $0x0  }
0xb1: {  	s11 =	sadd.s32 $0xA, s5;
	[sflag:s7] =	ssyncadd.s32 @!p1 $0xFFFFD800  }
0xb2: {  	[tilespmem:s14], [sflag:$0xA] =	stream.linear.gather [hbm4b:s11+s3], $0x50, $0x38;
	[tilespmem:$0x1E280] =	vst v63  }
0xb3: {  	s8 =	sadd.s32 $0xA, s6;
	s7 =	simm.s32 @!p1 $0x7  }
0xb4: {  	[tilespmem:s15], [sflag:$0xA] =	stream.linear.gather [hbm4b:s8+s3], $0x50, $0x38;
	[tilespmem:$0x1E280] =	vst v63  }
0xb5: {  	_ =	swait.ge @!p1 [sflag:s7], $0x2800  }
0xb6: {  	[sflag:s7] =	ssyncset.done @!p1 $0x0  }
0xb7: {  	s10 =	sadd.s32 $0x14, s5;
	[sflag:s7] =	ssyncadd.s32 @!p1 $0xFFFFD800  }
0xb8: {  	[tilespmem:s16], [sflag:$0xB] =	stream.linear.gather [hbm4b:s10+s3], $0x50, $0x38;
	[tilespmem:$0x1E280] =	vst v63  }
0xb9: {  	s11 =	sadd.s32 $0x14, s6;
	s7 =	simm.s32 @!p1 $0x8  }
0xba: {  	[tilespmem:s17], [sflag:$0xB] =	stream.linear.gather [hbm4b:s11+s3], $0x50, $0x38;
	[tilespmem:$0x1E280] =	vst v63  }
0xbb: {  	_ =	swait.ge @!p1 [sflag:s7], $0x2800  }
0xbc: {  	[sflag:s7] =	ssyncset.done @!p1 $0x0  }
0xbd: {  	s5 =	sadd.s32 $0x1E, s5;
	[sflag:s7] =	ssyncadd.s32 @!p1 $0xFFFFD800  }
0xbe: {  	[tilespmem:s18], [sflag:$0xC] =	stream.linear.gather [hbm4b:s5+s3], $0x50, $0x38;
	[tilespmem:$0x1E280] =	vst v63  }
0xbf: {  	s8 =	sadd.s32 $0x1E, s6  }
0xc0: {  	[tilespmem:s19], [sflag:$0xC] =	stream.linear.gather [hbm4b:s8+s3], $0x50, $0x38;
	[tilespmem:$0x1E280] =	vst v63  }
0xc1: {  	_ =	swait.ge [sflag:s20], $0x50  }
0xc2: {  	[sflag:s20] =	ssyncset.done $0x0  }
0xc3: {  	[sflag:s20] =	ssyncadd.s32 $0xFFFFFFB0  }
0xc4: {  	_ =	swait.ge [sflag:s20], $0x50  }
0xc5: {  	[sflag:s20] =	ssyncset.done $0x0  }
0xc6: {  	[sflag:s20] =	ssyncadd.s32 $0xFFFFFFB0  }
0xc7: {  	[tilespmem:s21], [sflag:$0x1] =	stream.indirect.gather [hbm4b:s4+s14], $0x80, s3, s14, $0xb8;
	[tilespmem:$0x1E280] =	vst v63  }
0xc8: {  	_ =	swait.ge [sflag:s22], $0x50  }
0xc9: {  	[sflag:s22] =	ssyncset.done $0x0  }
0xca: {  	[sflag:s22] =	ssyncadd.s32 $0xFFFFFFB0  }
0xcb: {  	_ =	swait.ge [sflag:s22], $0x50  }
0xcc: {  	[sflag:s22] =	ssyncset.done $0x0  }
0xcd: {  	[sflag:s22] =	ssyncadd.s32 $0xFFFFFFB0  }
0xce: {  	[tilespmem:s23], [sflag:$0x2] =	stream.indirect.gather [hbm4b:s4+s14], $0x80, s14, s14, $0xb8;
	[tilespmem:$0x1E280] =	vst v63  }
0xcf: {  	_ =	swait.ge [sflag:s24], $0x50  }
0xd0: {  	[sflag:s24] =	ssyncset.done $0x0  }
0xd1: {  	[sflag:s24] =	ssyncadd.s32 $0xFFFFFFB0  }
0xd2: {  	_ =	swait.ge [sflag:s24], $0x50  }
0xd3: {  	[sflag:s24] =	ssyncset.done $0x0  }
0xd4: {  	[sflag:s24] =	ssyncadd.s32 $0xFFFFFFB0  }
0xd5: {  	[tilespmem:s25], [sflag:$0x3] =	stream.indirect.gather [hbm4b:s4+s14], $0x80, s16, s14, $0xb8;
	[tilespmem:$0x1E280] =	vst v63  }
0xd6: {  	_ =	swait.ge [sflag:s26], $0x50  }
0xd7: {  	[sflag:s26] =	ssyncset.done $0x0  }
0xd8: {  	[sflag:s26] =	ssyncadd.s32 $0xFFFFFFB0  }
0xd9: {  	_ =	swait.ge [sflag:s26], $0x50  }
0xda: {  	[sflag:s26] =	ssyncset.done $0x0  }
0xdb: {  	[sflag:s26] =	ssyncadd.s32 $0xFFFFFFB0  }
0xdc: {  	[tilespmem:s28], [sflag:$0x4] =	stream.indirect.gather [hbm4b:s4+s14], $0x80, s18, s14, $0xb8;
	[tilespmem:$0x1E280] =	vst v63  }
0xdd: {  	_ =	swait.ge [sflag:s29], $0x2800  }
0xde: {  	[sflag:s29] =	ssyncset.done $0x0  }
0xdf: {  	[sflag:s29] =	ssyncadd.s32 $0xFFFFD800  }
0xe0: {  	[spmem:s1] =	stream.indirect.scatter.add.f32 [tilespmem:s21], [sflag:$0x5], $0x80, s13, s14, $0xb8;
	[tilespmem:$0x1E280] =	vst v63  }
0xe1: {  	_ =	swait.ge [sflag:s30], $0x2800  }
0xe2: {  	[sflag:s30] =	ssyncset.done $0x0  }
0xe3: {  	[sflag:s30] =	ssyncadd.s32 $0xFFFFD800  }
0xe4: {  	[spmem:s1] =	stream.indirect.scatter.add.f32 [tilespmem:s23], [sflag:$0x6], $0x80, s15, s14, $0xb8;
	[tilespmem:$0x1E280] =	vst v63  }
0xe5: {  	_ =	swait.ge [sflag:s31], $0x2800  }
0xe6: {  	[sflag:s31] =	ssyncset.done $0x0  }
0xe7: {  	[sflag:s31] =	ssyncadd.s32 $0xFFFFD800  }
0xe8: {  	[spmem:s1] =	stream.indirect.scatter.add.f32 [tilespmem:s25], [sflag:$0x7], $0x80, s17, s14, $0xb8;
	[tilespmem:$0x1E280] =	vst v63  }
0xe9: {  	_ =	swait.ge [sflag:s0], $0x2800  }
0xea: {  	[sflag:s0] =	ssyncset.done $0x0  }
0xeb: {  	[sflag:s0] =	ssyncadd.s32 $0xFFFFD800  }
0xec: {  	[spmem:s1] =	stream.indirect.scatter.add.f32 [tilespmem:s28], [sflag:$0x8], $0x80, s19, s14, $0xb8;
	[tilespmem:$0x1E280] =	vst v63  }
0xed: {  	_ =	swait.ge [sflag:s2], $0x2800  }
0xee: {  	[sflag:s2] =	ssyncset.done $0x0  }
0xef: {  	s10 =	rddreg [dreg:$0x8];
	[sflag:s2] =	ssyncadd.s32 $0xFFFFD800  }
0xf0: {  	[tilespmem:s3], [sflag:$0x9] =	stream.linear.gather [hbm4b:s10+s3], $0x50, $0x38;
	[tilespmem:$0x1E280] =	vst v63  }
0xf1: {  	s11 =	rddreg [dreg:$0x9]  }
0xf2: {  	[tilespmem:s13], [sflag:$0x9] =	stream.linear.gather [hbm4b:s11+s3], $0x50, $0x38;
	[tilespmem:$0x1E280] =	vst v63  }
0xf3: {  	_ =	swait.ge [sflag:s20], $0x50  }
0xf4: {  	[sflag:s20] =	ssyncset.done $0x0  }
0xf5: {  	[sflag:s20] =	ssyncadd.s32 $0xFFFFFFB0  }
0xf6: {  	_ =	swait.ge [sflag:s20], $0x50  }
0xf7: {  	[sflag:s20] =	ssyncset.done $0x0  }
0xf8: {  	[sflag:s20] =	ssyncadd.s32 $0xFFFFFFB0  }
0xf9: {  	[tilespmem:s21], [sflag:$0x1] =	stream.indirect.gather [hbm4b:s4+s14], $0x80, s3, s14, $0xb8;
	[tilespmem:$0x1E280] =	vst v63  }
0xfa: {  	_ =	swait.ge [sflag:s29], $0x2800  }
0xfb: {  	[sflag:s29] =	ssyncset.done $0x0  }
0xfc: {  	[sflag:s29] =	ssyncadd.s32 $0xFFFFD800  }
0xfd: {  	[spmem:s1] =	stream.indirect.scatter.add.f32 [tilespmem:s21], [sflag:$0x5], $0x80, s13, s14, $0xb8;
	[tilespmem:$0x1E280] =	vst v63  }
0xfe: {  	_ =	swait.ge [sflag:s2], $0x2800  }
0xff: {  	[sflag:s2] =	ssyncset.done $0x0  }
0x100: {  	s6 =	simm.s32 $0x6;
	[sflag:s2] =	ssyncadd.s32 $0xFFFFD800  }
0x101: {  	_ =	swait.ge [sflag:s6], $0x2800  }
0x102: {  	[sflag:s6] =	ssyncset.done $0x0  }
0x103: {  	s7 =	simm.s32 $0x7;
	[sflag:s6] =	ssyncadd.s32 $0xFFFFD800  }
0x104: {  	_ =	swait.ge [sflag:s7], $0x2800  }
0x105: {  	[sflag:s7] =	ssyncset.done $0x0  }
0x106: {  	s8 =	simm.s32 $0x8;
	[sflag:s7] =	ssyncadd.s32 $0xFFFFD800  }
0x107: {  	_ =	swait.ge [sflag:s8], $0x2800  }
0x108: {  	[sflag:s8] =	ssyncset.done $0x0  }
0x109: {  	[sflag:s8] =	ssyncadd.s32 $0xFFFFD800  }
0x10a: {  	[bflag:$0x0] =	sbarrier.arrive $0xFFFF  }
0x10b: {  	s6 =	rddreg [dreg:$0x7]  }
0x10c: {  	s10 =	rddreg [dreg:$0xa]  }
0x10d: {  	s7 =	rddreg [dreg:$0xc]  }
0x10e: {  	[hbm:s10], [sflag:s6] =	dma.local [spmem:s7], $0x2800  }
0x10f: {  	_ =	swait.ge [sflag:s12], $0x2800  }
0x110: {  	s9 =	sadd.s32 $0x1, s9;
	s11 =	rddreg [dreg:$0xb]  }
0x111: {  	p0 =	sne.s32 s9, s11  }
.Ltmp1:
0x112: {  	_ = 	snop;
	(pc) =	sbr.rel @p0 .LBB2_1-.Ltmp1, $3  }
0x113: {  	_ =	sdelay $0x1  }
0x114: {  	[sflag:s12] =	ssyncset.done $0x0  }
0x115: {  	[sflag:s12] =	ssyncadd.s32 $0xFFFFD800  }
0x116: {  	_ =	sfence.sel $0x180000  }
0x117: {  	[bflag:$0x0] =	sbarrier.arrive $0xFFFF  }
0x118: {  	_ =	strace $0x9000004D  }
0x119: {  	s0 =	stileid.u32;
	[bflag:$0x2] =	sbarrier.arrive $0xFFFF  }
0x11a: {  	p0 =	sne.s32 s0, $0x0;
	s0 =	rddreg [dreg:$0x3]  }
0x11b: {  	s0 =	sadd.s32 @!p0 $0x100000, s0  }
0x11c: {  	[sflag:s0] =	ssyncadd.tile.s32 @!p0 $0x1;
	_ =	shalt  }
.Lfunc_end2:
_tile_overlayer_lowered:
.L_overlay_start_2:
0x11d: {  	(tag) =	ssettag $0x2  }
0x11e: {  	s0 =	rddreg [dreg:$0x0];
	s2 =	stileid.u32  }
0x11f: {  	s1 =	rddreg [dreg:$0x1];
	p0 =	sne.s32 s2, $0x0  }
0x120: {  	s3 =	rddreg [dreg:$0x2];
	[bflag:$0x3] =	sbarrier.arrive $0xFFFF;
	s2 =	simm.s32 @!p0 $0x1C0D  }
0x121: {  	[timem:s3], [sflag:s2] =	dma.local @!p0 [hbm:s0], s1  }
0x122: {  	s0 =	simm.s32 @!p0 $0xD  }
0x123: {  	_ =	swait.ge @!p0 [sflag:s0], s1  }
0x124: {  	s1 =	ssub.s32 @!p0 $0x0, s1;
	[sflag:s0] =	ssyncset.done @!p0 $0x0  }
0x125: {  	[sflag:s0] =	ssyncadd.s32 @!p0 s1  }
0x126: {  	[bflag:$0x3] =	sbarrier.arrive $0xFFFF  }
0x127: {  	_ =	shalt  }

// kernel: kernel.25.cloned.1.call-start
scs
__scs_entry_jumppad:
0x0: {  	(pc) =	sbr.rel $0x88, $3  }
0x1: {  	(tag) =	ssettag $0x0;
	lr =	simm.s32 $0x1  }
0x2: {  	[smem:$0x3F79] =	sst lr;
	_ =	strace $0xD0000000  }
0x3: {  	_ = 	snop  }
0x4: {  	_ = 	snop  }
0x5: {  	_ = 	snop  }
0x6: {  	_ = 	snop  }
0x7: {  	_ = 	snop  }
__scs_overlays_trampoline_lowered:
0x8: {  	[smem:$0x3F88] =	sst s0  }
0x9: {  	[smem:$0x3F89] =	sst s1  }
0xa: {  	[smem:$0x3F8A] =	sst s2  }
0xb: {  	[smem:$0x3F8B] =	sst s3  }
0xc: {  	[smem:$0x3F8C] =	sst s4  }
0xd: {  	[smem:$0x3F8D] =	sst s5  }
0xe: {  	[smem:$0x3F8E] =	sst s6  }
0xf: {  	[smem:$0x3F8F] =	sst s7  }
0x10: {  	[smem:$0x3F90] =	sst s8  }
0x11: {  	[smem:$0x3F91] =	sst s9;
	s0 =	simm.s32 @!p0 $0x0  }
0x12: {  	s1 =	sld [smem:$0x3F77];
	s0 =	simm.s32 @p0 $0x1  }
0x13: {  	[smem:$0x3F92] =	sst s0;
	s0 =	simm.s32 @!p1 $0x0  }
0x14: {  	s2 =	sld [smem:$0x3F76];
	s0 =	simm.s32 @p1 $0x1  }
0x15: {  	[smem:$0x3F93] =	sst s0;
	s0 =	simm.s32 @!p2 $0x0  }
0x16: {  	s3 =	sld [smem:$0x3FDB];
	s0 =	simm.s32 @p2 $0x1  }
0x17: {  	s4 =	simm.s32 $0x1BF5;
	[smem:$0x3F95] =	sst s0  }
0x18: {  	s0 =	sld [smem:$0x3F78];
	_ =	swait.ge [sflag:s4], $0x0  }
0x19: {  	s7 =	sld [smem:$0x3F79]  }
0x1a: {  	s8 =	sadd.s32 $0xFFFFE003, lr  }
0x1b: {  	s9 =	sadd.s32 $0xFFFFFEF7, lr;
	s5 =	simm.s32 $0xFFFFFFFF;
	p2 =	slt.u32 s8, $0xFFFFF086  }
0x1c: {  	p1 =	slt.u32 s9, $0xF7A;
	s5 =	simm.s32 @!p2 $0x0  }
0x1d: {  	s5 =	simm.s32 @p1 $0x1;
	p0 =	seq.s32 s7, s2  }
0x1e: {  	s7 =	smul.u32 @!p0 $0xF7A, s2;
	p2 =	seq.s32 @!p0 s5, $0x0  }
0x1f: {  	s9 =	smul.u32 $0xF7A, s1;
	s8 =	simm.s32 @!p0 $0x1BF5;
	p2 =	por !p2, p0  }
0x20: {  	[sflag:s8] =	ssyncset.s32 @!p0 $0xFFFFF086;
	s6 =	sadd.s32 @!p0 s3, s7;
	s7 =	simm.s32 @!p0 $0x108  }
0x21: {  	s3 =	sadd.s32 s3, s9;
	s6 =	sadd.s32 @!p0 $0x88, s6;
	s7 =	simm.s32 @p2 $0x1082  }
0x22: {  	[simem:s7], [sflag:s8] =	dma.local @!p0 [hbm:s6], $0xF7A  }
0x23: {  	s9 =	sor.u32 $0xD0000000, s2;
	s6 =	simm.s32 $0x108;
	_ =	swait.ge @!p0 [sflag:s8], $0x0  }
0x24: {  	s3 =	sadd.s32 $0x88, s3;
	s6 =	simm.s32 @!p1 $0x1082;
	[sflag:s4] =	ssyncset.s32 $0xFFFFF086  }
0x25: {  	[simem:s6], [sflag:s4] =	dma.local [hbm:s3], $0xF7A  }
0x26: {  	[smem:$0x3F79] =	sst s1;
	(tag) =	ssettag s2;
	_ =	strace s9  }
0x27: {  	s1 =	sld [smem:$0x3F89]  }
0x28: {  	s2 =	sld [smem:$0x3F8A]  }
0x29: {  	s4 =	sld [smem:$0x3F8C]  }
0x2a: {  	p0 =	seq.s32 s5, $0x0;
	s5 =	sld [smem:$0x3F8D]  }
0x2b: {  	s6 =	sld [smem:$0x3F8E]  }
0x2c: {  	s7 =	sld [smem:$0x3F8F]  }
0x2d: {  	s3 =	simm.s32 $0x108;
	s8 =	sld [smem:$0x3F90]  }
0x2e: {  	s3 =	simm.s32 @!p0 $0x1082;
	s9 =	sld [smem:$0x3F91]  }
0x2f: {  	lr =	sadd.s32 s0, s3;
	s0 =	sld [smem:$0x3F88]  }
0x30: {  	s3 =	sld [smem:$0x3F8B]  }
0x31: {  	[smem:$0x3F94] =	sst s10  }
0x32: {  	s10 =	sld [smem:$0x3F92];
	_ =	sdelay $0x3  }
0x33: {  	p0 =	seq.s32 s10, $0x1;
	s10 =	sld [smem:$0x3F94];
	_ =	sdelay $0x3  }
0x34: {  	[smem:$0x3F94] =	sst s10  }
0x35: {  	s10 =	sld [smem:$0x3F93];
	_ =	sdelay $0x3  }
0x36: {  	p1 =	seq.s32 s10, $0x1;
	s10 =	sld [smem:$0x3F94];
	_ =	sdelay $0x3  }
0x37: {  	[smem:$0x3F94] =	sst s10  }
0x38: {  	s10 =	sld [smem:$0x3F95]  }
0x39: {  	_ = 	snop;
	(pc) =	sbr.ind lr, $3  }
0x3a: {  	_ = 	snop  }
0x3b: {  	_ = 	snop  }
0x3c: {  	p2 =	seq.s32 s10, $0x1;
	s10 =	sld [smem:$0x3F94]  }
0x3d: {  	_ =	shalt  }
0x3e: {  	_ =	shalt  }
0x3f: {  	_ =	shalt  }
0x40: {  	_ =	shalt  }
0x41: {  	_ =	shalt  }
0x42: {  	_ =	shalt  }
0x43: {  	_ =	shalt  }
0x44: {  	_ =	shalt  }
0x45: {  	_ =	shalt  }
0x46: {  	_ =	shalt  }
0x47: {  	_ =	shalt  }
0x48: {  	_ =	shalt  }
0x49: {  	_ =	shalt  }
0x4a: {  	_ =	shalt  }
0x4b: {  	_ =	shalt  }
0x4c: {  	_ =	shalt  }
0x4d: {  	_ =	shalt  }
0x4e: {  	_ =	shalt  }
0x4f: {  	_ =	shalt  }
0x50: {  	_ =	shalt  }
0x51: {  	_ =	shalt  }
0x52: {  	_ =	shalt  }
0x53: {  	_ =	shalt  }
0x54: {  	_ =	shalt  }
0x55: {  	_ =	shalt  }
0x56: {  	_ =	shalt  }
0x57: {  	_ =	shalt  }
0x58: {  	_ =	shalt  }
0x59: {  	_ =	shalt  }
0x5a: {  	_ =	shalt  }
0x5b: {  	_ =	shalt  }
0x5c: {  	_ =	shalt  }
0x5d: {  	_ =	shalt  }
0x5e: {  	_ =	shalt  }
0x5f: {  	_ =	shalt  }
0x60: {  	_ =	shalt  }
0x61: {  	_ =	shalt  }
0x62: {  	_ =	shalt  }
0x63: {  	_ =	shalt  }
0x64: {  	_ =	shalt  }
0x65: {  	_ =	shalt  }
0x66: {  	_ =	shalt  }
0x67: {  	_ =	shalt  }
0x68: {  	_ =	shalt  }
0x69: {  	_ =	shalt  }
0x6a: {  	_ =	shalt  }
0x6b: {  	_ =	shalt  }
0x6c: {  	_ =	shalt  }
0x6d: {  	_ =	shalt  }
0x6e: {  	_ =	shalt  }
0x6f: {  	_ =	shalt  }
0x70: {  	_ =	shalt  }
0x71: {  	_ =	shalt  }
0x72: {  	_ =	shalt  }
0x73: {  	_ =	shalt  }
0x74: {  	_ =	shalt  }
0x75: {  	_ =	shalt  }
0x76: {  	_ =	shalt  }
0x77: {  	_ =	shalt  }
0x78: {  	_ =	shalt  }
0x79: {  	_ =	shalt  }
0x7a: {  	_ =	shalt  }
0x7b: {  	_ =	shalt  }
0x7c: {  	_ =	shalt  }
0x7d: {  	_ =	shalt  }
0x7e: {  	_ =	shalt  }
0x7f: {  	_ =	shalt  }
0x80: {  	_ =	shalt  }
0x81: {  	_ =	shalt  }
0x82: {  	_ =	shalt  }
0x83: {  	_ =	shalt  }
0x84: {  	_ =	shalt  }
0x85: {  	_ =	shalt  }
0x86: {  	_ =	shalt  }
0x87: {  	_ =	shalt  }
.Lfunc_end0:
.L_simem_size_0:
called_computation.3_lowered:
.L_overlay_start_0:
0x88: {  	s2 =	sld [smem:$0x3FD9]  }
0x89: {  	s3 =	sld [smem:$0x3FFE];
	_ =	sdelay $0x1  }
0x8a: {  	s1 =	srdreg.scid  }
0x8b: {  	s0 =	sand.u32 $0x1, s1  }
0x8c: {  	s16 =	sshll.u32 s0, $0xA;
	s2 =	sadd.s32 s3, s2  }
0x8d: {  	s2 =	sadd.s32 s2, s16  }
0x8e: {  	[smem:$0x3FA0] =	sst s2  }
0x8f: {  	_ = 	snop  }
0x90: {  	(tm) =	ssettm $0x1  }
0x91: {  	s17 =	sld [smem:$0x3FFB];
	_ =	sdelay $0x3  }
0x92: {  	_ =	strace s17  }
0x93: {  	s2 =	sld [smem:$0x3FFC];
	_ =	sdelay $0x3  }
0x94: {  	_ =	strace s2  }
0x95: {  	s2 =	sld [smem:$0x3FFD];
	_ =	sdelay $0x3  }
0x96: {  	_ =	strace s2  }
0x97: {  	_ =	strace $0x8FFFFFFF  }
0x98: {  	s18 =	sld [smem:$0x3FDB];
	_ =	sdelay $0x1  }
0x99: {  	s19 =	simm.s32 $_scs_section_size  }
0x9a: {  	s4 =	simm.s32 $_size__tile_overlayer_lowered;
	s5 =	simm.s32 $_tile_overlayer_lowered  }
0x9b: {  	s22 =	simm.s32 $0x1BFF;
	s21 =	sshll.u32 s5, $0x1;
	s2 =	sadd.s32 s19, s18  }
0x9c: {  	s6 =	simm.s32 $0x0;
	s20 =	sshll.u32 s4, $0x1;
	s4 =	sadd.s32 s21, s2  }
0x9d: {  	[timem:s6], [sflag:s22] =	dma.local [hbm:s4], s20  }
0x9e: {  	_ =	swait.ge [sflag:s22], s20  }
0x9f: {  	s3 =	ssub.s32 $0x0, s20;
	[sflag:s22] =	ssyncset.done $0x0  }
0xa0: {  	[sflag:s22] =	ssyncadd.s32 s3;
	_ =	sdelay $0x1  }
0xa1: {  	s23 =	simm.s32 $0x1B8B  }
0xa2: {  	_ =	swait.ge [sflag:s23], $0x1  }
0xa3: {  	[sflag:s23] =	ssyncset.done $0x0  }
0xa4: {  	s25 =	simm.s32 $0x1B8E;
	s24 =	sld [smem:$0x3FFE];
	[sflag:s23] =	ssyncadd.s32 $0xFFFFFFFF  }
0xa5: {  	s26 =	simm.s32 $execute0_lowered;
	[smem:$0x3FD2] =	sst s25  }
0xa6: {  	s4 =	sshll.u32 s26, $0x1;
	_ =	strace $0x8000004F;
	[dreg:$0x1] =	wrdreg $0xFFFFFFFF  }
0xa7: {  	s28 =	simm.s32 $_size_execute0_lowered;
	s2 =	sadd.s32 s2, s4;
	[dreg:$0x0] =	wrdreg $0x0  }
0xa8: {  	s4 =	sshll.u32 s28, $0x1;
	[dreg:$0x2] =	wrdreg s2  }
0xa9: {  	[dreg:$0x3] =	wrdreg s4  }
0xaa: {  	[dreg:$0x4] =	wrdreg $0xC0  }
0xab: {  	_ =	task [dreg:s6], $0x5FFFF  }
0xac: {  	[dreg:$0x1] =	wrdreg $0xFFFFFFFF  }
0xad: {  	[dreg:$0x0] =	wrdreg $0x60  }
0xae: {  	[dreg:$0x2] =	wrdreg s24  }
0xaf: {  	[dreg:$0x3] =	wrdreg $0x65400  }
0xb0: {  	[dreg:$0x4] =	wrdreg $0x9  }
0xb1: {  	_ =	task.clear_ibuf [dreg:s6], $0x5FFFF;
	_ =	strace $0x9000004F  }
0xb2: {  	s29 =	simm.s32 $0x9;
	_ =	strace $0x80000051  }
0xb3: {  	_ =	swait.ge [sflag:s29], $0x1  }
0xb4: {  	[sflag:s29] =	ssyncadd.s32 $0xFFFFFFFF  }
0xb5: {  	_ =	strace $0x90000051  }
0xb6: {  	_ =	sfence  }
0xb7: {  	s30 =	sld [smem:$0x0];
	_ =	sdelay $0x2  }
0xb8: {  	s31 =	sshll.u32 s1, $0xD;
	s1 =	sshrl.u32 s1, $0x2  }
0xb9: {  	s3 =	sand.u32 $0x4000, s31;
	s1 =	sadd.s32 s1, s30  }
0xba: {  	s0 =	sor.u32 s3, s0;
	s1 =	sshll.u32 s1, $0x11  }
0xbb: {  	s0 =	sor.u32 s1, s0  }
0xbc: {  	s0 =	sadd.s32 $0x8F2B, s0  }
0xbd: {  	[sflag:s0] =	ssyncadd.remote.s32 $0x1  }
0xbe: {  	_ =	sfence.sel $0xFFFF  }
0xbf: {  	[dreg:$0x0] =	wrdreg $0xFFFFFFFF;
	(pc) =	sbr.abs _section_cstart, $3  }
0xc0: {  	[dreg:$0x1] =	wrdreg $0xFFFFFFFF  }
0xc1: {  	_ =	task.clear_ibuf [dreg:s6], $0x2FFFF;
	_ =	strace $0x9FFFFFFF  }
0xc2: {  	(tm) =	ssettm $0x7FFFFFFF  }
0xc3: {  	_ =	shalt  }
tec
execute0_lowered:
.L_overlay_start_1:
0x0: {  	(tag) =	ssettag $0x1  }
0x1: {  	s5 =	rddreg [dreg:$0x0]  }
0x2: {  	s2 =	rddreg [dreg:$0x1]  }
0x3: {  	s0 =	rddreg [dreg:$0x2]  }
0x4: {  	s1 =	stileid.u32;
	s4 =	srdreg.scid;
	s3 =	simm.s32 $0x0  }
0x5: {  	s14 =	simm.s32 $0x50;
	s15 =	simm.s32 $0xF0;
	s16 =	simm.s32 $0x5  }
0x6: {  	s17 =	simm.s32 $0x140;
	s18 =	simm.s32 $0x6;
	s19 =	simm.s32 $0x3340  }
0x7: {  	s20 =	simm.s32 $0x1;
	s21 =	simm.s32 $0x2;
	s6 =	smul.u32 $0x9C4, s1  }
0x8: {  	s23 =	simm.s32 $0x4;
	s24 =	simm.s32 $0x0;
	s7 =	smul.u32 $0x19000, s1  }
0x9: {  	s8 =	sand.u32 $0x1, s4;
	[smem:$0x7FF] =	sst s3;
	s4 =	sadd.s32 $0xB6800, s5  }
0xa: {  	s31 =	sshll.u32 s1, $0x6;
	s9 =	smul.u32 $0x190000, s8;
	_ =	strace $0x80000050  }
0xb: {  	s11 =	ssub.s32 $0x2, s8;
	s22 =	smul.u32 $0x2710, s8;
	s10 =	sadd.s32 s6, s5  }
0xc: {  	s29 =	sshrl.u32 s7, $0x3;
	s30 =	sshrl.u32 s11, $0x1;
	s13 =	sadd.s32 s7, s2  }
0xd: {  	s28 =	sadd.s32 s7, s9;
	s9 =	sadd.s32 s29, s5;
	s11 =	ssub.s32 s11, s30  }
0xe: {  	v0 =	vmov s22;
	s22 =	simm.s32 $0x3;
	s6 =	sshrl.u32 s28, $0x3;
	s8 =	smax.u32 s11, $0x1  }
0xf: {  	s11 =	sshrl.u32 s13, $0x3;
	s13 =	simm.s32 $0xA0;
	s12 =	sadd.s32 s6, s5  }
0x10: {  	s5 =	sadd.s32 $0x118400, s9;
	s6 =	sor.u32 $0x1C07, s31;
	s9 =	sadd.s32 $0x10600, s10  }
0x11: {  	s10 =	sadd.s32 $0x6800, s10;
	s7 =	sadd.s32 $0x14A400, s12;
	s12 =	simm.s32 $0x7  }
.LBB2_1:
0x12: {  	[spmem:s11], [sflag:s6] =	dma.local [hbm:s5], $0x3200  }
0x13: {  	_ =	swait.ge [sflag:s12], $0x3200  }
0x14: {  	[sflag:s12] =	ssyncset.done $0x0  }
0x15: {  	p0 =	por $0x1, $0x1;
	[sflag:s12] =	ssyncadd.s32 $0xFFFFCE00  }
0x16: {  	s25 =	simm.s32 @!p0 $0x3;
	[bflag:$0x0] =	sbarrier.arrive $0xFFFF  }
0x17: {  	_ =	swait.ge @!p0 [sflag:s25], $0x3200  }
0x18: {  	[sflag:s25] =	ssyncset.done @!p0 $0x0  }
0x19: {  	s30 =	sadd.s32 $0x0, s9;
	[sflag:s25] =	ssyncadd.s32 @!p0 $0xFFFFCE00  }
0x1a: {  	[tilespmem:s3], [sflag:$0x5] =	stream.linear.gather [hbm4b:s30+s3], $0x50, $0x38;
	[tilespmem:$0x1F540] =	vst v63  }
0x1b: {  	s26 =	sadd.s32 $0x0, s10;
	s28 =	simm.s32 @!p0 $0x4  }
0x1c: {  	[tilespmem:s13], [sflag:$0x5] =	stream.linear.gather [hbm4b:s26+s3], $0x50, $0x38;
	[tilespmem:$0x1F540] =	vst v63  }
0x1d: {  	_ =	swait.ge @!p0 [sflag:s28], $0x3200  }
0x1e: {  	[sflag:s28] =	ssyncset.done @!p0 $0x0  }
0x1f: {  	s25 =	sadd.s32 $0xA, s30;
	[sflag:s28] =	ssyncadd.s32 @!p0 $0xFFFFCE00  }
0x20: {  	[tilespmem:s14], [sflag:$0x6] =	stream.linear.gather [hbm4b:s25+s3], $0x50, $0x38;
	[tilespmem:$0x1F540] =	vst v63  }
0x21: {  	s31 =	sadd.s32 $0xA, s26  }
0x22: {  	[tilespmem:s15], [sflag:$0x6] =	stream.linear.gather [hbm4b:s31+s3], $0x50, $0x38;
	[tilespmem:$0x1F540] =	vst v63  }
0x23: {  	_ =	swait.ge [sflag:s16], $0x50  }
0x24: {  	[sflag:s16] =	ssyncset.done $0x0  }
0x25: {  	[sflag:s16] =	ssyncadd.s32 $0xFFFFFFB0  }
0x26: {  	_ =	swait.ge [sflag:s16], $0x50  }
0x27: {  	[sflag:s16] =	ssyncset.done $0x0  }
0x28: {  	[sflag:s16] =	ssyncadd.s32 $0xFFFFFFB0  }
0x29: {  	v1 =	vld [tilespmem:$0x40]  }
0x2a: {  	v2 =	vld [tilespmem:$0x20]  }
0x2b: {  	v3 =	vld [tilespmem:$0x10]  }
0x2c: {  	v4 =	vld [tilespmem:$0x0]  }
0x2d: {  	v5 =	vld [tilespmem:$0x30]  }
0x2e: {  	v1 =	vadd.s32 v0, v1  }
0x2f: {  	v2 =	vadd.s32 v0, v2;
	[tilespmem:$0x40] =	vst v1  }
0x30: {  	v1 =	vadd.s32 v0, v3;
	[tilespmem:$0x20] =	vst v2  }
0x31: {  	v2 =	vadd.s32 v0, v4;
	[tilespmem:$0x10] =	vst v1  }
0x32: {  	[tilespmem:$0x0] =	vst v2;
	v1 =	vadd.s32 v0, v5  }
0x33: {  	[tilespmem:$0x30] =	vst v1  }
0x34: {  	[tilespmem:s17], [sflag:$0x1] =	stream.indirect.gather [hbm4b:s4+s14], $0xA0, s3, s14, $0xb8;
	[tilespmem:$0x1F540] =	vst v63  }
0x35: {  	_ =	swait.ge [sflag:s18], $0x50  }
0x36: {  	[sflag:s18] =	ssyncset.done $0x0  }
0x37: {  	[sflag:s18] =	ssyncadd.s32 $0xFFFFFFB0  }
0x38: {  	_ =	swait.ge [sflag:s18], $0x50  }
0x39: {  	[sflag:s18] =	ssyncset.done $0x0  }
0x3a: {  	[sflag:s18] =	ssyncadd.s32 $0xFFFFFFB0  }
0x3b: {  	v1 =	vld [tilespmem:$0x90]  }
0x3c: {  	v2 =	vld [tilespmem:$0x50]  }
0x3d: {  	v3 =	vld [tilespmem:$0x80]  }
0x3e: {  	v62 =	vld [tilespmem:$0x60]  }
0x3f: {  	v63 =	vld [tilespmem:$0x70]  }
0x40: {  	v1 =	vadd.s32 v0, v1  }
0x41: {  	v2 =	vadd.s32 v0, v2;
	[tilespmem:$0x90] =	vst v1  }
0x42: {  	[tilespmem:$0x50] =	vst v2;
	v1 =	vadd.s32 v0, v3  }
0x43: {  	v2 =	vadd.s32 v0, v62;
	[tilespmem:$0x80] =	vst v1  }
0x44: {  	[tilespmem:$0x60] =	vst v2;
	v1 =	vadd.s32 v0, v63  }
0x45: {  	s25 =	simm.s32 $0x14;
	[tilespmem:$0x70] =	vst v1  }
.LBB2_2:
0x46: {  	[tilespmem:s19], [sflag:$0x2] =	stream.indirect.gather [hbm4b:s4+s14], $0xA0, s14, s14, $0xb8;
	[tilespmem:$0x1F540] =	vst v63  }
0x47: {  	s26 =	smov.u32 s25;
	s25 =	sadd.s32 $0x14, s25;
	_ =	swait.ge [sflag:s20], $0x3200  }
0x48: {  	p0 =	sne.s32 s25, $0x9C4;
	[sflag:s20] =	ssyncset.done $0x0  }
0x49: {  	[sflag:s20] =	ssyncadd.s32 $0xFFFFCE00  }
0x4a: {  	[spmem:s2] =	stream.indirect.scatter.add.f32 [tilespmem:s17], [sflag:$0x3], $0xA0, s13, s14, $0xb8;
	[tilespmem:$0x1F540] =	vst v63  }
0x4b: {  	_ =	swait.ge [sflag:s21], $0x3200  }
0x4c: {  	[sflag:s21] =	ssyncset.done $0x0  }
0x4d: {  	p1 =	seq.s32 s26, $0x0;
	[sflag:s21] =	ssyncadd.s32 $0xFFFFCE00  }
0x4e: {  	[spmem:s2] =	stream.indirect.scatter.add.f32 [tilespmem:s19], [sflag:$0x4], $0xA0, s15, s14, $0xb8;
	[tilespmem:$0x1F540] =	vst v63  }
0x4f: {  	s28 =	simm.s32 @!p1 $0x3  }
0x50: {  	_ =	swait.ge @!p1 [sflag:s28], $0x3200  }
0x51: {  	[sflag:s28] =	ssyncset.done @!p1 $0x0  }
0x52: {  	[sflag:s28] =	ssyncadd.s32 @!p1 $0xFFFFCE00;
	s28 =	sadd.s32 s26, s9  }
0x53: {  	[tilespmem:s3], [sflag:$0x5] =	stream.linear.gather [hbm4b:s28+s3], $0x50, $0x38;
	[tilespmem:$0x1F540] =	vst v63  }
0x54: {  	s29 =	simm.s32 @!p1 $0x4;
	s26 =	sadd.s32 s26, s10  }
0x55: {  	[tilespmem:s13], [sflag:$0x5] =	stream.linear.gather [hbm4b:s26+s3], $0x50, $0x38;
	[tilespmem:$0x1F540] =	vst v63  }
0x56: {  	_ =	swait.ge @!p1 [sflag:s29], $0x3200  }
0x57: {  	[sflag:s29] =	ssyncset.done @!p1 $0x0  }
0x58: {  	s28 =	sadd.s32 $0xA, s28;
	[sflag:s29] =	ssyncadd.s32 @!p1 $0xFFFFCE00  }
0x59: {  	[tilespmem:s14], [sflag:$0x6] =	stream.linear.gather [hbm4b:s28+s3], $0x50, $0x38;
	[tilespmem:$0x1F540] =	vst v63  }
0x5a: {  	s26 =	sadd.s32 $0xA, s26  }
0x5b: {  	[tilespmem:s15], [sflag:$0x6] =	stream.linear.gather [hbm4b:s26+s3], $0x50, $0x38;
	[tilespmem:$0x1F540] =	vst v63  }
0x5c: {  	_ =	swait.ge [sflag:s16], $0x50  }
0x5d: {  	[sflag:s16] =	ssyncset.done $0x0  }
0x5e: {  	[sflag:s16] =	ssyncadd.s32 $0xFFFFFFB0  }
0x5f: {  	_ =	swait.ge [sflag:s16], $0x50  }
0x60: {  	[sflag:s16] =	ssyncset.done $0x0  }
0x61: {  	[sflag:s16] =	ssyncadd.s32 $0xFFFFFFB0  }
0x62: {  	v1 =	vld [tilespmem:$0x40]  }
0x63: {  	v2 =	vld [tilespmem:$0x20]  }
0x64: {  	v3 =	vld [tilespmem:$0x10]  }
0x65: {  	v4 =	vld [tilespmem:$0x0]  }
0x66: {  	v5 =	vld [tilespmem:$0x30]  }
0x67: {  	v1 =	vadd.s32 v0, v1  }
0x68: {  	v2 =	vadd.s32 v0, v2;
	[tilespmem:$0x40] =	vst v1  }
0x69: {  	v1 =	vadd.s32 v0, v3;
	[tilespmem:$0x20] =	vst v2  }
0x6a: {  	v2 =	vadd.s32 v0, v4;
	[tilespmem:$0x10] =	vst v1  }
0x6b: {  	[tilespmem:$0x0] =	vst v2;
	v1 =	vadd.s32 v0, v5  }
0x6c: {  	[tilespmem:$0x30] =	vst v1  }
0x6d: {  	[tilespmem:s17], [sflag:$0x1] =	stream.indirect.gather [hbm4b:s4+s14], $0xA0, s3, s14, $0xb8;
	[tilespmem:$0x1F540] =	vst v63  }
0x6e: {  	_ =	swait.ge [sflag:s18], $0x50  }
0x6f: {  	[sflag:s18] =	ssyncset.done $0x0  }
0x70: {  	[sflag:s18] =	ssyncadd.s32 $0xFFFFFFB0  }
0x71: {  	_ =	swait.ge [sflag:s18], $0x50  }
0x72: {  	[sflag:s18] =	ssyncset.done $0x0  }
0x73: {  	[sflag:s18] =	ssyncadd.s32 $0xFFFFFFB0  }
0x74: {  	v1 =	vld [tilespmem:$0x90]  }
0x75: {  	v2 =	vld [tilespmem:$0x50]  }
0x76: {  	v3 =	vld [tilespmem:$0x80]  }
0x77: {  	v4 =	vld [tilespmem:$0x60]  }
0x78: {  	v5 =	vld [tilespmem:$0x70]  }
0x79: {  	v1 =	vadd.s32 v0, v1  }
.Ltmp0:
0x7a: {  	v2 =	vadd.s32 v0, v2;
	[tilespmem:$0x90] =	vst v1;
	(pc) =	sbr.rel @p0 .LBB2_2-.Ltmp0, $4  }
0x7b: {  	[tilespmem:$0x50] =	vst v2;
	v1 =	vadd.s32 v0, v3  }
0x7c: {  	v2 =	vadd.s32 v0, v4;
	[tilespmem:$0x80] =	vst v1  }
0x7d: {  	[tilespmem:$0x60] =	vst v2;
	v1 =	vadd.s32 v0, v5  }
0x7e: {  	[tilespmem:$0x70] =	vst v1  }
0x7f: {  	[tilespmem:s19], [sflag:$0x2] =	stream.indirect.gather [hbm4b:s4+s14], $0xA0, s14, s14, $0xb8;
	[tilespmem:$0x1F540] =	vst v63  }
0x80: {  	_ =	swait.ge [sflag:s20], $0x3200  }
0x81: {  	[sflag:s20] =	ssyncset.done $0x0  }
0x82: {  	[sflag:s20] =	ssyncadd.s32 $0xFFFFCE00  }
0x83: {  	[spmem:s2] =	stream.indirect.scatter.add.f32 [tilespmem:s17], [sflag:$0x3], $0xA0, s13, s14, $0xb8;
	[tilespmem:$0x1F540] =	vst v63  }
0x84: {  	_ =	swait.ge [sflag:s21], $0x3200  }
0x85: {  	[sflag:s21] =	ssyncset.done $0x0  }
0x86: {  	[sflag:s21] =	ssyncadd.s32 $0xFFFFCE00  }
0x87: {  	[spmem:s2] =	stream.indirect.scatter.add.f32 [tilespmem:s19], [sflag:$0x4], $0xA0, s15, s14, $0xb8;
	[tilespmem:$0x1F540] =	vst v63  }
0x88: {  	_ =	swait.ge [sflag:s22], $0x3200  }
0x89: {  	[sflag:s22] =	ssyncset.done $0x0  }
0x8a: {  	[sflag:s22] =	ssyncadd.s32 $0xFFFFCE00  }
0x8b: {  	_ =	swait.ge [sflag:s23], $0x3200  }
0x8c: {  	s24 =	sadd.s32 $0x1, s24;
	[sflag:s23] =	ssyncset.done $0x0  }
0x8d: {  	p0 =	sne.s32 s24, s8;
	[sflag:s23] =	ssyncadd.s32 $0xFFFFCE00  }
.Ltmp1:
0x8e: {  	[bflag:$0x0] =	sbarrier.arrive $0xFFFF;
	(pc) =	sbr.rel @p0 .LBB2_1-.Ltmp1, $4  }
0x8f: {  	[hbm:s7], [sflag:s6] =	dma.local [spmem:s11], $0x3200  }
0x90: {  	_ =	swait.ge [sflag:s12], $0x3200  }
0x91: {  	[sflag:s12] =	ssyncset.done $0x0  }
0x92: {  	[sflag:s12] =	ssyncadd.s32 $0xFFFFCE00  }
0x93: {  	_ =	sfence.sel $0x180000  }
0x94: {  	[bflag:$0x0] =	sbarrier.arrive $0xFFFF  }
0x95: {  	p0 =	sne.s32 s1, $0x0;
	_ =	strace $0x90000050  }
0x96: {  	s0 =	sadd.s32 @!p0 $0x100000, s0;
	[bflag:$0x2] =	sbarrier.arrive $0xFFFF  }
0x97: {  	[sflag:s0] =	ssyncadd.tile.s32 @!p0 $0x1;
	_ =	shalt  }
.Lfunc_end2:
_tile_overlayer_lowered:
.L_overlay_start_2:
0x98: {  	(tag) =	ssettag $0x2  }
0x99: {  	s0 =	rddreg [dreg:$0x0];
	s2 =	stileid.u32  }
0x9a: {  	s1 =	rddreg [dreg:$0x1];
	p0 =	sne.s32 s2, $0x0  }
0x9b: {  	s3 =	rddreg [dreg:$0x2];
	[bflag:$0x3] =	sbarrier.arrive $0xFFFF;
	s2 =	simm.s32 @!p0 $0x1C07  }
0x9c: {  	[timem:s3], [sflag:s2] =	dma.local @!p0 [hbm:s0], s1  }
0x9d: {  	s0 =	simm.s32 @!p0 $0x7  }
0x9e: {  	_ =	swait.ge @!p0 [sflag:s0], s1  }
0x9f: {  	s1 =	ssub.s32 @!p0 $0x0, s1;
	[sflag:s0] =	ssyncset.done @!p0 $0x0  }
0xa0: {  	[sflag:s0] =	ssyncadd.s32 @!p0 s1  }
0xa1: {  	[bflag:$0x3] =	sbarrier.arrive $0xFFFF  }
0xa2: {  	_ =	shalt  }

</sc_bundles>
